<compile_context>
chip_gen: v7x
topology: tpu7x:2x2x1
jax: 0.10.2.dev20260603
libtpu: 0.0.44.dev20260713+nightly
codegen_flags: <defaults>
</compile_context>

<pallas_src>
import functools

import jax
import jax.numpy as jnp
from jax import lax
from jax.experimental import pallas as pl
from jax.experimental.pallas import tpu as pltpu
from jax.experimental.pallas import tpu_sc as plsc

NC, NS, L = 2, 16, 16
NW = NC * NS
NBUF = 4


@functools.partial(jax.jit, static_argnums=(3,))
def _lookup(table, idx_t, pos, bsz):
    t_len, d = pos.shape
    spw = bsz // NW

    mesh = plsc.VectorSubcoreMesh(core_axis_name="c", subcore_axis_name="s")

    @functools.partial(
        pl.kernel,
        mesh=mesh,
        out_type=jax.ShapeDtypeStruct((t_len, bsz, d), jnp.float32),
        scratch_types=[
            pltpu.VMEM((t_len, spw), jnp.int32),
        ]
        + [pltpu.VMEM((spw, d), jnp.float32) for _ in range(NBUF)]
        + [pltpu.VMEM((1, d), jnp.float32) for _ in range(NBUF)]
        + [pltpu.SemaphoreType.DMA for _ in range(3 * NBUF)],
    )
    def body(table_hbm, idx_hbm, pos_hbm, out_hbm, idx_v, *rest):
        bufs = rest[:NBUF]
        pbufs = rest[NBUF:2 * NBUF]
        sin = rest[2 * NBUF:3 * NBUF]
        sout = rest[3 * NBUF:4 * NBUF]
        spos = rest[4 * NBUF:]

        wid = lax.axis_index("s") * NC + lax.axis_index("c")
        pltpu.sync_copy(idx_hbm.at[wid], idx_v)
        seq0 = wid * spw

        def gather_start(k, b):
            pltpu.async_copy(table_hbm.at[idx_v.at[k]], bufs[b], sin[b])
            pltpu.async_copy(pos_hbm.at[pl.ds(k, 1)], pbufs[b], spos[b])

        def gather_wait(k, b):
            pltpu.make_async_copy(table_hbm.at[idx_v.at[k]], bufs[b], sin[b]).wait()
            pltpu.make_async_copy(pos_hbm.at[pl.ds(k, 1)], pbufs[b], spos[b]).wait()

        def scatter_start(k, b):
            pltpu.async_copy(bufs[b], out_hbm.at[k, pl.ds(seq0, spw)], sout[b])

        def scatter_wait(k, b):
            pltpu.make_async_copy(
                bufs[b], out_hbm.at[k, pl.ds(seq0, spw)], sout[b]
            ).wait()

        def compute(b):
            buf = bufs[b]
            pbuf = pbufs[b]

            def jbody(j, carry):
                col = j * L
                pvec = pbuf[0, pl.ds(col, L)]
                for r in range(spw):
                    plsc.addupdate(buf.at[r, pl.ds(col, L)], pvec)
                return carry

            lax.fori_loop(0, d // L, jbody, 0, unroll=2)

        gather_start(0, 0)
        gather_start(1, 1)

        def kbody(k, carry):
            bsel = lax.rem(k, NBUF)
            for b in range(NBUF):
                bp = (b + 2) % NBUF

                @pl.when(bsel == b)
                def _():
                    @pl.when(k + 2 < t_len)
                    def _():
                        @pl.when(k >= 2)
                        def _():
                            scatter_wait(k - 2, bp)

                        gather_start(k + 2, bp)

                    gather_wait(k, b)
                    compute(b)
                    scatter_start(k, b)
            return carry

        lax.fori_loop(0, t_len, kbody, 0)

        for k in range(t_len - NBUF, t_len):
            scatter_wait(k, k % NBUF)

    return body(table, idx_t, pos)


def kernel(tokens, token_embedding, position_embedding):
    bsz, t_len = tokens.shape
    _, d = token_embedding.shape
    spw = bsz // NW
    idx_t = jnp.transpose(
        tokens.astype(jnp.int32).reshape(NW, spw, t_len), (0, 2, 1)
    )
    out_t = _lookup(token_embedding, idx_t, position_embedding, bsz)
    return out_t.transpose(1, 0, 2)

# --- scband reference (transcript-rebuilt; emitter-appended) ---
"""Pipeline reference for scband-clipembedding-19696720019542 (READ-ONLY COPY).

The authoritative reference and input builder live on the scoring server;
editing this copy changes nothing except your own understanding.
"""

import jax, jax.numpy as jnp
import numpy as np


def setup_inputs(seed: int = 0) -> dict:
    key = jax.random.key(seed)
    k_tok, k_tab, k_pos = jax.random.split(key, 3)
    n_vocab, n_embd, n_token = 49408, 768, 77
    batch = 1024
    tokens = jax.random.randint(k_tok, (batch, n_token), 0, n_vocab, dtype=jnp.int64)
    token_embedding = jax.random.normal(k_tab, (n_vocab, n_embd), dtype=jnp.float32) * 0.02
    position_embedding = jax.random.normal(k_pos, (n_token, n_embd), dtype=jnp.float32) * 0.02
    return {"tokens": tokens, "token_embedding": token_embedding, "position_embedding": position_embedding}


def reference(tokens, token_embedding, position_embedding):
    # x = self.token_embedding(tokens)  -> gather rows from the embedding table
    x = jnp.take(token_embedding, tokens, axis=0)  # [B, n_token, n_embd]
    # x += self.position_embedding  (broadcast over batch)
    x = x + position_embedding
    return x

if __name__ == "__main__":
    import jax
    _d = setup_inputs()
    print(jax.jit(kernel)(*tuple(_d.values())))

</pallas_src>

<mosaic_0001>
#map = affine_map<(d0, d1) -> (0, 0)>
#map1 = affine_map<(d0, d1) -> (0, 0, 0)>
module attributes {stable_mosaic.version = 14 : i64} {
  func.func @body(%arg0: i32, %arg1: i32, %arg2: memref<49408x768xf32, #tpu.memory_space<hbm>>, %arg3: memref<32x77x32xi32, #tpu.memory_space<hbm>>, %arg4: memref<77x768xf32, #tpu.memory_space<hbm>>, %arg5: memref<77x1024x768xf32, #tpu.memory_space<hbm>>, %arg6: memref<77x32xi32, #tpu.memory_space<vmem>>, %arg7: memref<32x768xf32, #tpu.memory_space<vmem>>, %arg8: memref<32x768xf32, #tpu.memory_space<vmem>>, %arg9: memref<32x768xf32, #tpu.memory_space<vmem>>, %arg10: memref<32x768xf32, #tpu.memory_space<vmem>>, %arg11: memref<1x768xf32, #tpu.memory_space<vmem>>, %arg12: memref<1x768xf32, #tpu.memory_space<vmem>>, %arg13: memref<1x768xf32, #tpu.memory_space<vmem>>, %arg14: memref<1x768xf32, #tpu.memory_space<vmem>>, %arg15: memref<!tpu.dma_semaphore, #tpu.memory_space<semaphore_mem>>, %arg16: memref<!tpu.dma_semaphore, #tpu.memory_space<semaphore_mem>>, %arg17: memref<!tpu.dma_semaphore, #tpu.memory_space<semaphore_mem>>, %arg18: memref<!tpu.dma_semaphore, #tpu.memory_space<semaphore_mem>>, %arg19: memref<!tpu.dma_semaphore, #tpu.memory_space<semaphore_mem>>, %arg20: memref<!tpu.dma_semaphore, #tpu.memory_space<semaphore_mem>>, %arg21: memref<!tpu.dma_semaphore, #tpu.memory_space<semaphore_mem>>, %arg22: memref<!tpu.dma_semaphore, #tpu.memory_space<semaphore_mem>>, %arg23: memref<!tpu.dma_semaphore, #tpu.memory_space<semaphore_mem>>, %arg24: memref<!tpu.dma_semaphore, #tpu.memory_space<semaphore_mem>>, %arg25: memref<!tpu.dma_semaphore, #tpu.memory_space<semaphore_mem>>, %arg26: memref<!tpu.dma_semaphore, #tpu.memory_space<semaphore_mem>>) attributes {dimension_semantics = [#tpu.dimension_semantics<core_parallel>, #tpu.dimension_semantics<subcore_parallel>], iteration_bounds = array<i64: 2, 16>, scalar_prefetch = 0 : i64, scratch_operands = 21 : i64, tpu.core_type = #tpu.core_type<sc_vector_subcore>, window_params = [{transform_indices = #map}, {transform_indices = #map1}, {transform_indices = #map}, {transform_indices = #map1}]} {
    %mul3A = arith.constant 2 : i32
    %mul3A_0 = arith.muli %arg1, %mul3A : i32
    %add3A = arith.addi %mul3A_0, %arg0 : i32
    "tpu.region"() ({
      %run_scoped3A = tpu.sem_alloc : memref<!tpu.dma_semaphore, #tpu.memory_space<semaphore_mem>>
      %dma_start3A_60 = arith.constant 0 : i32
      %dma_start3A_61 = arith.constant 0 : i32
      %dma_start3A_62 = tpu.memref_slice %arg3[%add3A, %dma_start3A_60, %dma_start3A_61] : memref<32x77x32xi32, #tpu.memory_space<hbm>> -> memref<1x77x32xi32, #tpu.memory_space<hbm>>
      %dma_start3A_63 = tpu.memref_squeeze %dma_start3A_62 : memref<1x77x32xi32, #tpu.memory_space<hbm>> -> memref<77x32xi32, #tpu.memory_space<hbm>>
      %dma_start3A_64 = arith.constant 0 : i32
      %dma_start3A_65 = arith.constant 0 : i32
      %dma_start3A_66 = tpu.memref_slice %arg3[%add3A, %dma_start3A_64, %dma_start3A_65] : memref<32x77x32xi32, #tpu.memory_space<hbm>> -> memref<1x77x32xi32, #tpu.memory_space<hbm>>
      %dma_start3A_67 = tpu.memref_squeeze %dma_start3A_66 : memref<1x77x32xi32, #tpu.memory_space<hbm>> -> memref<77x32xi32, #tpu.memory_space<hbm>>
      tpu.enqueue_dma source(%dma_start3A_67 : memref<77x32xi32, #tpu.memory_space<hbm>>) target(%arg6 : memref<77x32xi32, #tpu.memory_space<vmem>>) target_semaphore(%run_scoped3A : memref<!tpu.dma_semaphore, #tpu.memory_space<semaphore_mem>>)
      %dma_wait3A_68 = arith.constant 0 : i32
      %dma_wait3A_69 = arith.constant 0 : i32
      %dma_wait3A_70 = tpu.memref_slice %arg3[%add3A, %dma_wait3A_68, %dma_wait3A_69] : memref<32x77x32xi32, #tpu.memory_space<hbm>> -> memref<1x77x32xi32, #tpu.memory_space<hbm>>
      %dma_wait3A_71 = tpu.memref_squeeze %dma_wait3A_70 : memref<1x77x32xi32, #tpu.memory_space<hbm>> -> memref<77x32xi32, #tpu.memory_space<hbm>>
      %dma_wait3A_72 = arith.constant 0 : i32
      %dma_wait3A_73 = arith.constant 0 : i32
      %dma_wait3A_74 = tpu.memref_slice %arg3[%add3A, %dma_wait3A_72, %dma_wait3A_73] : memref<32x77x32xi32, #tpu.memory_space<hbm>> -> memref<1x77x32xi32, #tpu.memory_space<hbm>>
      %dma_wait3A_75 = tpu.memref_squeeze %dma_wait3A_74 : memref<1x77x32xi32, #tpu.memory_space<hbm>> -> memref<77x32xi32, #tpu.memory_space<hbm>>
      tpu.wait_dma2 semaphore(%run_scoped3A : memref<!tpu.dma_semaphore, #tpu.memory_space<semaphore_mem>>) src(%dma_wait3A_75 : memref<77x32xi32, #tpu.memory_space<hbm>>) dst(%arg6 : memref<77x32xi32, #tpu.memory_space<vmem>>)
      tpu.yield
    }) : () -> ()
    %mul3A_1 = arith.constant 32 : i32
    %mul3A_2 = arith.muli %add3A, %mul3A_1 : i32
    %dma_start3A = arith.constant 0 : i32
    %dma_start3A_3 = arith.constant 0 : i32
    %dma_start3A_4 = tpu.memref_slice %arg6[%dma_start3A, %dma_start3A_3] : memref<77x32xi32, #tpu.memory_space<vmem>> -> memref<1x32xi32, #tpu.memory_space<vmem>>
    %dma_start3A_5 = tpu.memref_squeeze %dma_start3A_4 : memref<1x32xi32, #tpu.memory_space<vmem>> -> memref<32xi32, #tpu.memory_space<vmem>>
    %dma_start3A_6 = arith.constant 0 : i32
    %dma_start3A_7 = arith.constant 0 : i32
    %dma_start3A_8 = tpu.memref_slice %arg2[%dma_start3A_6, %dma_start3A_7] : memref<49408x768xf32, #tpu.memory_space<hbm>> -> memref<49408x768xf32, #tpu.memory_space<hbm>>
    tpu.enqueue_indirect_dma source(%dma_start3A_8 : memref<49408x768xf32, #tpu.memory_space<hbm>>) target(%arg7 : memref<32x768xf32, #tpu.memory_space<vmem>>) offsets(%dma_start3A_5 : memref<32xi32, #tpu.memory_space<vmem>>) semaphore(%arg15 : memref<!tpu.dma_semaphore, #tpu.memory_space<semaphore_mem>>)
    %dma_start3A_9 = arith.constant 0 : i32
    %dma_start3A_10 = arith.constant 0 : i32
    %dma_start3A_11 = tpu.memref_slice %arg4[%dma_start3A_9, %dma_start3A_10] : memref<77x768xf32, #tpu.memory_space<hbm>> -> memref<1x768xf32, #tpu.memory_space<hbm>>
    %dma_start3A_12 = arith.constant 0 : i32
    %dma_start3A_13 = arith.constant 0 : i32
    %dma_start3A_14 = tpu.memref_slice %arg4[%dma_start3A_12, %dma_start3A_13] : memref<77x768xf32, #tpu.memory_space<hbm>> -> memref<1x768xf32, #tpu.memory_space<hbm>>
    tpu.enqueue_dma source(%dma_start3A_14 : memref<1x768xf32, #tpu.memory_space<hbm>>) target(%arg11 : memref<1x768xf32, #tpu.memory_space<vmem>>) target_semaphore(%arg23 : memref<!tpu.dma_semaphore, #tpu.memory_space<semaphore_mem>>)
    %dma_start3A_15 = arith.constant 1 : i32
    %dma_start3A_16 = arith.constant 0 : i32
    %dma_start3A_17 = tpu.memref_slice %arg6[%dma_start3A_15, %dma_start3A_16] : memref<77x32xi32, #tpu.memory_space<vmem>> -> memref<1x32xi32, #tpu.memory_space<vmem>>
    %dma_start3A_18 = tpu.memref_squeeze %dma_start3A_17 : memref<1x32xi32, #tpu.memory_space<vmem>> -> memref<32xi32, #tpu.memory_space<vmem>>
    %dma_start3A_19 = arith.constant 0 : i32
    %dma_start3A_20 = arith.constant 0 : i32
    %dma_start3A_21 = tpu.memref_slice %arg2[%dma_start3A_19, %dma_start3A_20] : memref<49408x768xf32, #tpu.memory_space<hbm>> -> memref<49408x768xf32, #tpu.memory_space<hbm>>
    tpu.enqueue_indirect_dma source(%dma_start3A_21 : memref<49408x768xf32, #tpu.memory_space<hbm>>) target(%arg8 : memref<32x768xf32, #tpu.memory_space<vmem>>) offsets(%dma_start3A_18 : memref<32xi32, #tpu.memory_space<vmem>>) semaphore(%arg16 : memref<!tpu.dma_semaphore, #tpu.memory_space<semaphore_mem>>)
    %dma_start3A_22 = arith.constant 1 : i32
    %dma_start3A_23 = arith.constant 0 : i32
    %dma_start3A_24 = tpu.memref_slice %arg4[%dma_start3A_22, %dma_start3A_23] : memref<77x768xf32, #tpu.memory_space<hbm>> -> memref<1x768xf32, #tpu.memory_space<hbm>>
    %dma_start3A_25 = arith.constant 1 : i32
    %dma_start3A_26 = arith.constant 0 : i32
    %dma_start3A_27 = tpu.memref_slice %arg4[%dma_start3A_25, %dma_start3A_26] : memref<77x768xf32, #tpu.memory_space<hbm>> -> memref<1x768xf32, #tpu.memory_space<hbm>>
    tpu.enqueue_dma source(%dma_start3A_27 : memref<1x768xf32, #tpu.memory_space<hbm>>) target(%arg12 : memref<1x768xf32, #tpu.memory_space<vmem>>) target_semaphore(%arg24 : memref<!tpu.dma_semaphore, #tpu.memory_space<semaphore_mem>>)
    %scan3A = arith.constant 0 : i32
    %scan3A_28 = arith.constant 0 : i32
    %scan3A_29 = arith.constant 77 : i32
    %scan3A_30 = arith.addi %scan3A_28, %scan3A_29 : i32
    %scan3A_31 = arith.constant 1 : i32
    scf.for %scan3A_60 = %scan3A_28 to %scan3A_30 step %scan3A_31  : i32 {
      %rem3A = arith.constant 4 : i32
      %rem3A_61 = arith.remsi %scan3A_60, %rem3A : i32
      %eq3A = arith.constant 0 : i32
      %eq3A_62 = arith.cmpi eq, %rem3A_61, %eq3A : i32
      %convert_element_type3A = arith.extui %eq3A_62 : i1 to i32
      %cond3A = arith.constant 0 : i32
      %cond3A_63 = arith.cmpi ne, %convert_element_type3A, %cond3A : i32
      scf.if %cond3A_63 {
        %add3A_79 = arith.constant 2 : i32
        %add3A_80 = arith.addi %scan3A_60, %add3A_79 : i32
        %lt3A = arith.constant 77 : i32
        %lt3A_81 = arith.cmpi slt, %add3A_80, %lt3A : i32
        %convert_element_type3A_82 = arith.extui %lt3A_81 : i1 to i32
        %cond3A_83 = arith.constant 0 : i32
        %cond3A_84 = arith.cmpi ne, %convert_element_type3A_82, %cond3A_83 : i32
        scf.if %cond3A_84 {
          %ge3A = arith.constant 2 : i32
          %ge3A_107 = arith.cmpi sge, %scan3A_60, %ge3A : i32
          %convert_element_type3A_108 = arith.extui %ge3A_107 : i1 to i32
          %cond3A_109 = arith.constant 0 : i32
          %cond3A_110 = arith.cmpi ne, %convert_element_type3A_108, %cond3A_109 : i32
          scf.if %cond3A_110 {
            %sub3A = arith.constant 2 : i32
            %sub3A_123 = arith.subi %scan3A_60, %sub3A : i32
            %dma_wait3A_124 = arith.constant 0 : i32
            %dma_wait3A_125 = tpu.memref_slice %arg5[%sub3A_123, %mul3A_2, %dma_wait3A_124] : memref<77x1024x768xf32, #tpu.memory_space<hbm>> -> memref<1x32x768xf32, #tpu.memory_space<hbm>>
            %dma_wait3A_126 = tpu.memref_squeeze %dma_wait3A_125 : memref<1x32x768xf32, #tpu.memory_space<hbm>> -> memref<32x768xf32, #tpu.memory_space<hbm>>
            %dma_wait3A_127 = arith.constant 0 : i32
            %dma_wait3A_128 = tpu.memref_slice %arg5[%sub3A_123, %mul3A_2, %dma_wait3A_127] : memref<77x1024x768xf32, #tpu.memory_space<hbm>> -> memref<1x32x768xf32, #tpu.memory_space<hbm>>
            %dma_wait3A_129 = tpu.memref_squeeze %dma_wait3A_128 : memref<1x32x768xf32, #tpu.memory_space<hbm>> -> memref<32x768xf32, #tpu.memory_space<hbm>>
            tpu.wait_dma2 semaphore(%arg21 : memref<!tpu.dma_semaphore, #tpu.memory_space<semaphore_mem>>) src(%arg9 : memref<32x768xf32, #tpu.memory_space<vmem>>) dst(%dma_wait3A_129 : memref<32x768xf32, #tpu.memory_space<hbm>>)
          } else {
          }
          %add3A_111 = arith.constant 2 : i32
          %add3A_112 = arith.addi %scan3A_60, %add3A_111 : i32
          %dma_start3A_113 = arith.constant 0 : i32
          %dma_start3A_114 = tpu.memref_slice %arg6[%add3A_112, %dma_start3A_113] : memref<77x32xi32, #tpu.memory_space<vmem>> -> memref<1x32xi32, #tpu.memory_space<vmem>>
          %dma_start3A_115 = tpu.memref_squeeze %dma_start3A_114 : memref<1x32xi32, #tpu.memory_space<vmem>> -> memref<32xi32, #tpu.memory_space<vmem>>
          %dma_start3A_116 = arith.constant 0 : i32
          %dma_start3A_117 = arith.constant 0 : i32
          %dma_start3A_118 = tpu.memref_slice %arg2[%dma_start3A_116, %dma_start3A_117] : memref<49408x768xf32, #tpu.memory_space<hbm>> -> memref<49408x768xf32, #tpu.memory_space<hbm>>
          tpu.enqueue_indirect_dma source(%dma_start3A_118 : memref<49408x768xf32, #tpu.memory_space<hbm>>) target(%arg9 : memref<32x768xf32, #tpu.memory_space<vmem>>) offsets(%dma_start3A_115 : memref<32xi32, #tpu.memory_space<vmem>>) semaphore(%arg17 : memref<!tpu.dma_semaphore, #tpu.memory_space<semaphore_mem>>)
          %dma_start3A_119 = arith.constant 0 : i32
          %dma_start3A_120 = tpu.memref_slice %arg4[%add3A_112, %dma_start3A_119] : memref<77x768xf32, #tpu.memory_space<hbm>> -> memref<1x768xf32, #tpu.memory_space<hbm>>
          %dma_start3A_121 = arith.constant 0 : i32
          %dma_start3A_122 = tpu.memref_slice %arg4[%add3A_112, %dma_start3A_121] : memref<77x768xf32, #tpu.memory_space<hbm>> -> memref<1x768xf32, #tpu.memory_space<hbm>>
          tpu.enqueue_dma source(%dma_start3A_122 : memref<1x768xf32, #tpu.memory_space<hbm>>) target(%arg13 : memref<1x768xf32, #tpu.memory_space<vmem>>) target_semaphore(%arg25 : memref<!tpu.dma_semaphore, #tpu.memory_space<semaphore_mem>>)
        } else {
        }
        %dma_wait3A_85 = arith.constant 0 : i32
        %dma_wait3A_86 = tpu.memref_slice %arg6[%scan3A_60, %dma_wait3A_85] : memref<77x32xi32, #tpu.memory_space<vmem>> -> memref<1x32xi32, #tpu.memory_space<vmem>>
        %dma_wait3A_87 = tpu.memref_squeeze %dma_wait3A_86 : memref<1x32xi32, #tpu.memory_space<vmem>> -> memref<32xi32, #tpu.memory_space<vmem>>
        %dma_wait3A_88 = arith.constant 0 : i32
        %dma_wait3A_89 = arith.constant 0 : i32
        %dma_wait3A_90 = tpu.memref_slice %arg2[%dma_wait3A_88, %dma_wait3A_89] : memref<49408x768xf32, #tpu.memory_space<hbm>> -> memref<49408x768xf32, #tpu.memory_space<hbm>>
        tpu.wait_indirect_dma semaphore(%arg15 : memref<!tpu.dma_semaphore, #tpu.memory_space<semaphore_mem>>) src(%dma_wait3A_90 : memref<49408x768xf32, #tpu.memory_space<hbm>>) dst(%arg7 : memref<32x768xf32, #tpu.memory_space<vmem>>)
        %dma_wait3A_91 = arith.constant 0 : i32
        %dma_wait3A_92 = tpu.memref_slice %arg4[%scan3A_60, %dma_wait3A_91] : memref<77x768xf32, #tpu.memory_space<hbm>> -> memref<1x768xf32, #tpu.memory_space<hbm>>
        %dma_wait3A_93 = arith.constant 0 : i32
        %dma_wait3A_94 = tpu.memref_slice %arg4[%scan3A_60, %dma_wait3A_93] : memref<77x768xf32, #tpu.memory_space<hbm>> -> memref<1x768xf32, #tpu.memory_space<hbm>>
        tpu.wait_dma2 semaphore(%arg23 : memref<!tpu.dma_semaphore, #tpu.memory_space<semaphore_mem>>) src(%dma_wait3A_94 : memref<1x768xf32, #tpu.memory_space<hbm>>) dst(%arg11 : memref<1x768xf32, #tpu.memory_space<vmem>>)
        %scan3A_95 = arith.constant 0 : i32
        %scan3A_96 = arith.constant 0 : i32
        %scan3A_97 = arith.constant 48 : i32
        %scan3A_98 = arith.addi %scan3A_96, %scan3A_97 : i32
        %scan3A_99 = arith.constant 2 : i32
        scf.for %scan3A_107 = %scan3A_96 to %scan3A_98 step %scan3A_99  : i32 {
          %mul3A_108 = arith.constant 16 : i32
          %mul3A_109 = arith.muli %scan3A_107, %mul3A_108 : i32
          %get3A = arith.constant 0 : i32
          %get3A_110 = arith.index_cast %get3A : i32 to index
          %get3A_111 = arith.index_cast %mul3A_109 : i32 to index
          %get3A_112 = tpu.vector_load %arg11[%get3A_110, %get3A_111] {strides = array<i32>} : memref<1x768xf32, #tpu.memory_space<vmem>>, vector<1x16xf32>,
          %get3A_113 = vector.shape_cast %get3A_112 : vector<1x16xf32> to vector<16xf32>
          %swap3A = arith.constant 0 : i32
          %swap3A_114 = arith.index_cast %swap3A : i32 to index
          %swap3A_115 = arith.index_cast %mul3A_109 : i32 to index
          %swap3A_116 = tpu.vector_load %arg7[%swap3A_114, %swap3A_115] {strides = array<i32>} : memref<32x768xf32, #tpu.memory_space<vmem>>, vector<1x16xf32>,
          %swap3A_117 = vector.shape_cast %swap3A_116 : vector<1x16xf32> to vector<16xf32>
          %swap3A_118 = vector.shape_cast %get3A_113 : vector<16xf32> to vector<1x16xf32>
          tpu.vector_store %arg7[%swap3A_114, %swap3A_115], %swap3A_118 {add = true, strides = array<i32>} : memref<32x768xf32, #tpu.memory_space<vmem>>, vector<1x16xf32>,
          %swap3A_119 = arith.constant 1 : i32
          %swap3A_120 = arith.index_cast %swap3A_119 : i32 to index
          %swap3A_121 = arith.index_cast %mul3A_109 : i32 to index
          %swap3A_122 = tpu.vector_load %arg7[%swap3A_120, %swap3A_121] {strides = array<i32>} : memref<32x768xf32, #tpu.memory_space<vmem>>, vector<1x16xf32>,
          %swap3A_123 = vector.shape_cast %swap3A_122 : vector<1x16xf32> to vector<16xf32>
          %swap3A_124 = vector.shape_cast %get3A_113 : vector<16xf32> to vector<1x16xf32>
          tpu.vector_store %arg7[%swap3A_120, %swap3A_121], %swap3A_124 {add = true, strides = array<i32>} : memref<32x768xf32, #tpu.memory_space<vmem>>, vector<1x16xf32>,
          %swap3A_125 = arith.constant 2 : i32
          %swap3A_126 = arith.index_cast %swap3A_125 : i32 to index
          %swap3A_127 = arith.index_cast %mul3A_109 : i32 to index
          %swap3A_128 = tpu.vector_load %arg7[%swap3A_126, %swap3A_127] {strides = array<i32>} : memref<32x768xf32, #tpu.memory_space<vmem>>, vector<1x16xf32>,
          %swap3A_129 = vector.shape_cast %swap3A_128 : vector<1x16xf32> to vector<16xf32>
          %swap3A_130 = vector.shape_cast %get3A_113 : vector<16xf32> to vector<1x16xf32>
          tpu.vector_store %arg7[%swap3A_126, %swap3A_127], %swap3A_130 {add = true, strides = array<i32>} : memref<32x768xf32, #tpu.memory_space<vmem>>, vector<1x16xf32>,
          %swap3A_131 = arith.constant 3 : i32
          %swap3A_132 = arith.index_cast %swap3A_131 : i32 to index
          %swap3A_133 = arith.index_cast %mul3A_109 : i32 to index
          %swap3A_134 = tpu.vector_load %arg7[%swap3A_132, %swap3A_133] {strides = array<i32>} : memref<32x768xf32, #tpu.memory_space<vmem>>, vector<1x16xf32>,
          %swap3A_135 = vector.shape_cast %swap3A_134 : vector<1x16xf32> to vector<16xf32>
          %swap3A_136 = vector.shape_cast %get3A_113 : vector<16xf32> to vector<1x16xf32>
          tpu.vector_store %arg7[%swap3A_132, %swap3A_133], %swap3A_136 {add = true, strides = array<i32>} : memref<32x768xf32, #tpu.memory_space<vmem>>, vector<1x16xf32>,
          %swap3A_137 = arith.constant 4 : i32
          %swap3A_138 = arith.index_cast %swap3A_137 : i32 to index
          %swap3A_139 = arith.index_cast %mul3A_109 : i32 to index
          %swap3A_140 = tpu.vector_load %arg7[%swap3A_138, %swap3A_139] {strides = array<i32>} : memref<32x768xf32, #tpu.memory_space<vmem>>, vector<1x16xf32>,
          %swap3A_141 = vector.shape_cast %swap3A_140 : vector<1x16xf32> to vector<16xf32>
          %swap3A_142 = vector.shape_cast %get3A_113 : vector<16xf32> to vector<1x16xf32>
          tpu.vector_store %arg7[%swap3A_138, %swap3A_139], %swap3A_142 {add = true, strides = array<i32>} : memref<32x768xf32, #tpu.memory_space<vmem>>, vector<1x16xf32>,
          %swap3A_143 = arith.constant 5 : i32
          %swap3A_144 = arith.index_cast %swap3A_143 : i32 to index
          %swap3A_145 = arith.index_cast %mul3A_109 : i32 to index
          %swap3A_146 = tpu.vector_load %arg7[%swap3A_144, %swap3A_145] {strides = array<i32>} : memref<32x768xf32, #tpu.memory_space<vmem>>, vector<1x16xf32>,
          %swap3A_147 = vector.shape_cast %swap3A_146 : vector<1x16xf32> to vector<16xf32>
          %swap3A_148 = vector.shape_cast %get3A_113 : vector<16xf32> to vector<1x16xf32>
          tpu.vector_store %arg7[%swap3A_144, %swap3A_145], %swap3A_148 {add = true, strides = array<i32>} : memref<32x768xf32, #tpu.memory_space<vmem>>, vector<1x16xf32>,
          %swap3A_149 = arith.constant 6 : i32
          %swap3A_150 = arith.index_cast %swap3A_149 : i32 to index
          %swap3A_151 = arith.index_cast %mul3A_109 : i32 to index
          %swap3A_152 = tpu.vector_load %arg7[%swap3A_150, %swap3A_151] {strides = array<i32>} : memref<32x768xf32, #tpu.memory_space<vmem>>, vector<1x16xf32>,
          %swap3A_153 = vector.shape_cast %swap3A_152 : vector<1x16xf32> to vector<16xf32>
          %swap3A_154 = vector.shape_cast %get3A_113 : vector<16xf32> to vector<1x16xf32>
          tpu.vector_store %arg7[%swap3A_150, %swap3A_151], %swap3A_154 {add = true, strides = array<i32>} : memref<32x768xf32, #tpu.memory_space<vmem>>, vector<1x16xf32>,
          %swap3A_155 = arith.constant 7 : i32
          %swap3A_156 = arith.index_cast %swap3A_155 : i32 to index
          %swap3A_157 = arith.index_cast %mul3A_109 : i32 to index
          %swap3A_158 = tpu.vector_load %arg7[%swap3A_156, %swap3A_157] {strides = array<i32>} : memref<32x768xf32, #tpu.memory_space<vmem>>, vector<1x16xf32>,
          %swap3A_159 = vector.shape_cast %swap3A_158 : vector<1x16xf32> to vector<16xf32>
          %swap3A_160 = vector.shape_cast %get3A_113 : vector<16xf32> to vector<1x16xf32>
          tpu.vector_store %arg7[%swap3A_156, %swap3A_157], %swap3A_160 {add = true, strides = array<i32>} : memref<32x768xf32, #tpu.memory_space<vmem>>, vector<1x16xf32>,
          %swap3A_161 = arith.constant 8 : i32
          %swap3A_162 = arith.index_cast %swap3A_161 : i32 to index
          %swap3A_163 = arith.index_cast %mul3A_109 : i32 to index
          %swap3A_164 = tpu.vector_load %arg7[%swap3A_162, %swap3A_163] {strides = array<i32>} : memref<32x768xf32, #tpu.memory_space<vmem>>, vector<1x16xf32>,
          %swap3A_165 = vector.shape_cast %swap3A_164 : vector<1x16xf32> to vector<16xf32>
          %swap3A_166 = vector.shape_cast %get3A_113 : vector<16xf32> to vector<1x16xf32>
          tpu.vector_store %arg7[%swap3A_162, %swap3A_163], %swap3A_166 {add = true, strides = array<i32>} : memref<32x768xf32, #tpu.memory_space<vmem>>, vector<1x16xf32>,
          %swap3A_167 = arith.constant 9 : i32
          %swap3A_168 = arith.index_cast %swap3A_167 : i32 to index
          %swap3A_169 = arith.index_cast %mul3A_109 : i32 to index
          %swap3A_170 = tpu.vector_load %arg7[%swap3A_168, %swap3A_169] {strides = array<i32>} : memref<32x768xf32, #tpu.memory_space<vmem>>, vector<1x16xf32>,
          %swap3A_171 = vector.shape_cast %swap3A_170 : vector<1x16xf32> to vector<16xf32>
          %swap3A_172 = vector.shape_cast %get3A_113 : vector<16xf32> to vector<1x16xf32>
          tpu.vector_store %arg7[%swap3A_168, %swap3A_169], %swap3A_172 {add = true, strides = array<i32>} : memref<32x768xf32, #tpu.memory_space<vmem>>, vector<1x16xf32>,
          %swap3A_173 = arith.constant 10 : i32
          %swap3A_174 = arith.index_cast %swap3A_173 : i32 to index
          %swap3A_175 = arith.index_cast %mul3A_109 : i32 to index
          %swap3A_176 = tpu.vector_load %arg7[%swap3A_174, %swap3A_175] {strides = array<i32>} : memref<32x768xf32, #tpu.memory_space<vmem>>, vector<1x16xf32>,
          %swap3A_177 = vector.shape_cast %swap3A_176 : vector<1x16xf32> to vector<16xf32>
          %swap3A_178 = vector.shape_cast %get3A_113 : vector<16xf32> to vector<1x16xf32>
          tpu.vector_store %arg7[%swap3A_174, %swap3A_175], %swap3A_178 {add = true, strides = array<i32>} : memref<32x768xf32, #tpu.memory_space<vmem>>, vector<1x16xf32>,
          %swap3A_179 = arith.constant 11 : i32
          %swap3A_180 = arith.index_cast %swap3A_179 : i32 to index
          %swap3A_181 = arith.index_cast %mul3A_109 : i32 to index
          %swap3A_182 = tpu.vector_load %arg7[%swap3A_180, %swap3A_181] {strides = array<i32>} : memref<32x768xf32, #tpu.memory_space<vmem>>, vector<1x16xf32>,
          %swap3A_183 = vector.shape_cast %swap3A_182 : vector<1x16xf32> to vector<16xf32>
          %swap3A_184 = vector.shape_cast %get3A_113 : vector<16xf32> to vector<1x16xf32>
          tpu.vector_store %arg7[%swap3A_180, %swap3A_181], %swap3A_184 {add = true, strides = array<i32>} : memref<32x768xf32, #tpu.memory_space<vmem>>, vector<1x16xf32>,
          %swap3A_185 = arith.constant 12 : i32
          %swap3A_186 = arith.index_cast %swap3A_185 : i32 to index
          %swap3A_187 = arith.index_cast %mul3A_109 : i32 to index
          %swap3A_188 = tpu.vector_load %arg7[%swap3A_186, %swap3A_187] {strides = array<i32>} : memref<32x768xf32, #tpu.memory_space<vmem>>, vector<1x16xf32>,
          %swap3A_189 = vector.shape_cast %swap3A_188 : vector<1x16xf32> to vector<16xf32>
          %swap3A_190 = vector.shape_cast %get3A_113 : vector<16xf32> to vector<1x16xf32>
          tpu.vector_store %arg7[%swap3A_186, %swap3A_187], %swap3A_190 {add = true, strides = array<i32>} : memref<32x768xf32, #tpu.memory_space<vmem>>, vector<1x16xf32>,
          %swap3A_191 = arith.constant 13 : i32
          %swap3A_192 = arith.index_cast %swap3A_191 : i32 to index
          %swap3A_193 = arith.index_cast %mul3A_109 : i32 to index
          %swap3A_194 = tpu.vector_load %arg7[%swap3A_192, %swap3A_193] {strides = array<i32>} : memref<32x768xf32, #tpu.memory_space<vmem>>, vector<1x16xf32>,
          %swap3A_195 = vector.shape_cast %swap3A_194 : vector<1x16xf32> to vector<16xf32>
          %swap3A_196 = vector.shape_cast %get3A_113 : vector<16xf32> to vector<1x16xf32>
          tpu.vector_store %arg7[%swap3A_192, %swap3A_193], %swap3A_196 {add = true, strides = array<i32>} : memref<32x768xf32, #tpu.memory_space<vmem>>, vector<1x16xf32>,
          %swap3A_197 = arith.constant 14 : i32
          %swap3A_198 = arith.index_cast %swap3A_197 : i32 to index
          %swap3A_199 = arith.index_cast %mul3A_109 : i32 to index
          %swap3A_200 = tpu.vector_load %arg7[%swap3A_198, %swap3A_199] {strides = array<i32>} : memref<32x768xf32, #tpu.memory_space<vmem>>, vector<1x16xf32>,
          %swap3A_201 = vector.shape_cast %swap3A_200 : vector<1x16xf32> to vector<16xf32>
          %swap3A_202 = vector.shape_cast %get3A_113 : vector<16xf32> to vector<1x16xf32>
          tpu.vector_store %arg7[%swap3A_198, %swap3A_199], %swap3A_202 {add = true, strides = array<i32>} : memref<32x768xf32, #tpu.memory_space<vmem>>, vector<1x16xf32>,
          %swap3A_203 = arith.constant 15 : i32
          %swap3A_204 = arith.index_cast %swap3A_203 : i32 to index
          %swap3A_205 = arith.index_cast %mul3A_109 : i32 to index
          %swap3A_206 = tpu.vector_load %arg7[%swap3A_204, %swap3A_205] {strides = array<i32>} : memref<32x768xf32, #tpu.memory_space<vmem>>, vector<1x16xf32>,
          %swap3A_207 = vector.shape_cast %swap3A_206 : vector<1x16xf32> to vector<16xf32>
          %swap3A_208 = vector.shape_cast %get3A_113 : vector<16xf32> to vector<1x16xf32>
          tpu.vector_store %arg7[%swap3A_204, %swap3A_205], %swap3A_208 {add = true, strides = array<i32>} : memref<32x768xf32, #tpu.memory_space<vmem>>, vector<1x16xf32>,
          %swap3A_209 = arith.constant 16 : i32
          %swap3A_210 = arith.index_cast %swap3A_209 : i32 to index
          %swap3A_211 = arith.index_cast %mul3A_109 : i32 to index
          %swap3A_212 = tpu.vector_load %arg7[%swap3A_210, %swap3A_211] {strides = array<i32>} : memref<32x768xf32, #tpu.memory_space<vmem>>, vector<1x16xf32>,
          %swap3A_213 = vector.shape_cast %swap3A_212 : vector<1x16xf32> to vector<16xf32>
          %swap3A_214 = vector.shape_cast %get3A_113 : vector<16xf32> to vector<1x16xf32>
          tpu.vector_store %arg7[%swap3A_210, %swap3A_211], %swap3A_214 {add = true, strides = array<i32>} : memref<32x768xf32, #tpu.memory_space<vmem>>, vector<1x16xf32>,
          %swap3A_215 = arith.constant 17 : i32
          %swap3A_216 = arith.index_cast %swap3A_215 : i32 to index
          %swap3A_217 = arith.index_cast %mul3A_109 : i32 to index
          %swap3A_218 = tpu.vector_load %arg7[%swap3A_216, %swap3A_217] {strides = array<i32>} : memref<32x768xf32, #tpu.memory_space<vmem>>, vector<1x16xf32>,
          %swap3A_219 = vector.shape_cast %swap3A_218 : vector<1x16xf32> to vector<16xf32>
          %swap3A_220 = vector.shape_cast %get3A_113 : vector<16xf32> to vector<1x16xf32>
          tpu.vector_store %arg7[%swap3A_216, %swap3A_217], %swap3A_220 {add = true, strides = array<i32>} : memref<32x768xf32, #tpu.memory_space<vmem>>, vector<1x16xf32>,
          %swap3A_221 = arith.constant 18 : i32
          %swap3A_222 = arith.index_cast %swap3A_221 : i32 to index
          %swap3A_223 = arith.index_cast %mul3A_109 : i32 to index
          %swap3A_224 = tpu.vector_load %arg7[%swap3A_222, %swap3A_223] {strides = array<i32>} : memref<32x768xf32, #tpu.memory_space<vmem>>, vector<1x16xf32>,
          %swap3A_225 = vector.shape_cast %swap3A_224 : vector<1x16xf32> to vector<16xf32>
          %swap3A_226 = vector.shape_cast %get3A_113 : vector<16xf32> to vector<1x16xf32>
          tpu.vector_store %arg7[%swap3A_222, %swap3A_223], %swap3A_226 {add = true, strides = array<i32>} : memref<32x768xf32, #tpu.memory_space<vmem>>, vector<1x16xf32>,
          %swap3A_227 = arith.constant 19 : i32
          %swap3A_228 = arith.index_cast %swap3A_227 : i32 to index
          %swap3A_229 = arith.index_cast %mul3A_109 : i32 to index
          %swap3A_230 = tpu.vector_load %arg7[%swap3A_228, %swap3A_229] {strides = array<i32>} : memref<32x768xf32, #tpu.memory_space<vmem>>, vector<1x16xf32>,
          %swap3A_231 = vector.shape_cast %swap3A_230 : vector<1x16xf32> to vector<16xf32>
          %swap3A_232 = vector.shape_cast %get3A_113 : vector<16xf32> to vector<1x16xf32>
          tpu.vector_store %arg7[%swap3A_228, %swap3A_229], %swap3A_232 {add = true, strides = array<i32>} : memref<32x768xf32, #tpu.memory_space<vmem>>, vector<1x16xf32>,
          %swap3A_233 = arith.constant 20 : i32
          %swap3A_234 = arith.index_cast %swap3A_233 : i32 to index
          %swap3A_235 = arith.index_cast %mul3A_109 : i32 to index
          %swap3A_236 = tpu.vector_load %arg7[%swap3A_234, %swap3A_235] {strides = array<i32>} : memref<32x768xf32, #tpu.memory_space<vmem>>, vector<1x16xf32>,
          %swap3A_237 = vector.shape_cast %swap3A_236 : vector<1x16xf32> to vector<16xf32>
          %swap3A_238 = vector.shape_cast %get3A_113 : vector<16xf32> to vector<1x16xf32>
          tpu.vector_store %arg7[%swap3A_234, %swap3A_235], %swap3A_238 {add = true, strides = array<i32>} : memref<32x768xf32, #tpu.memory_space<vmem>>, vector<1x16xf32>,
          %swap3A_239 = arith.constant 21 : i32
          %swap3A_240 = arith.index_cast %swap3A_239 : i32 to index
          %swap3A_241 = arith.index_cast %mul3A_109 : i32 to index
          %swap3A_242 = tpu.vector_load %arg7[%swap3A_240, %swap3A_241] {strides = array<i32>} : memref<32x768xf32, #tpu.memory_space<vmem>>, vector<1x16xf32>,
          %swap3A_243 = vector.shape_cast %swap3A_242 : vector<1x16xf32> to vector<16xf32>
          %swap3A_244 = vector.shape_cast %get3A_113 : vector<16xf32> to vector<1x16xf32>
          tpu.vector_store %arg7[%swap3A_240, %swap3A_241], %swap3A_244 {add = true, strides = array<i32>} : memref<32x768xf32, #tpu.memory_space<vmem>>, vector<1x16xf32>,
          %swap3A_245 = arith.constant 22 : i32
          %swap3A_246 = arith.index_cast %swap3A_245 : i32 to index
          %swap3A_247 = arith.index_cast %mul3A_109 : i32 to index
          %swap3A_248 = tpu.vector_load %arg7[%swap3A_246, %swap3A_247] {strides = array<i32>} : memref<32x768xf32, #tpu.memory_space<vmem>>, vector<1x16xf32>,
          %swap3A_249 = vector.shape_cast %swap3A_248 : vector<1x16xf32> to vector<16xf32>
          %swap3A_250 = vector.shape_cast %get3A_113 : vector<16xf32> to vector<1x16xf32>
          tpu.vector_store %arg7[%swap3A_246, %swap3A_247], %swap3A_250 {add = true, strides = array<i32>} : memref<32x768xf32, #tpu.memory_space<vmem>>, vector<1x16xf32>,
          %swap3A_251 = arith.constant 23 : i32
          %swap3A_252 = arith.index_cast %swap3A_251 : i32 to index
          %swap3A_253 = arith.index_cast %mul3A_109 : i32 to index
          %swap3A_254 = tpu.vector_load %arg7[%swap3A_252, %swap3A_253] {strides = array<i32>} : memref<32x768xf32, #tpu.memory_space<vmem>>, vector<1x16xf32>,
          %swap3A_255 = vector.shape_cast %swap3A_254 : vector<1x16xf32> to vector<16xf32>
          %swap3A_256 = vector.shape_cast %get3A_113 : vector<16xf32> to vector<1x16xf32>
          tpu.vector_store %arg7[%swap3A_252, %swap3A_253], %swap3A_256 {add = true, strides = array<i32>} : memref<32x768xf32, #tpu.memory_space<vmem>>, vector<1x16xf32>,
          %swap3A_257 = arith.constant 24 : i32
          %swap3A_258 = arith.index_cast %swap3A_257 : i32 to index
          %swap3A_259 = arith.index_cast %mul3A_109 : i32 to index
          %swap3A_260 = tpu.vector_load %arg7[%swap3A_258, %swap3A_259] {strides = array<i32>} : memref<32x768xf32, #tpu.memory_space<vmem>>, vector<1x16xf32>,
          %swap3A_261 = vector.shape_cast %swap3A_260 : vector<1x16xf32> to vector<16xf32>
          %swap3A_262 = vector.shape_cast %get3A_113 : vector<16xf32> to vector<1x16xf32>
          tpu.vector_store %arg7[%swap3A_258, %swap3A_259], %swap3A_262 {add = true, strides = array<i32>} : memref<32x768xf32, #tpu.memory_space<vmem>>, vector<1x16xf32>,
          %swap3A_263 = arith.constant 25 : i32
          %swap3A_264 = arith.index_cast %swap3A_263 : i32 to index
          %swap3A_265 = arith.index_cast %mul3A_109 : i32 to index
          %swap3A_266 = tpu.vector_load %arg7[%swap3A_264, %swap3A_265] {strides = array<i32>} : memref<32x768xf32, #tpu.memory_space<vmem>>, vector<1x16xf32>,
          %swap3A_267 = vector.shape_cast %swap3A_266 : vector<1x16xf32> to vector<16xf32>
          %swap3A_268 = vector.shape_cast %get3A_113 : vector<16xf32> to vector<1x16xf32>
          tpu.vector_store %arg7[%swap3A_264, %swap3A_265], %swap3A_268 {add = true, strides = array<i32>} : memref<32x768xf32, #tpu.memory_space<vmem>>, vector<1x16xf32>,
          %swap3A_269 = arith.constant 26 : i32
          %swap3A_270 = arith.index_cast %swap3A_269 : i32 to index
          %swap3A_271 = arith.index_cast %mul3A_109 : i32 to index
          %swap3A_272 = tpu.vector_load %arg7[%swap3A_270, %swap3A_271] {strides = array<i32>} : memref<32x768xf32, #tpu.memory_space<vmem>>, vector<1x16xf32>,
          %swap3A_273 = vector.shape_cast %swap3A_272 : vector<1x16xf32> to vector<16xf32>
          %swap3A_274 = vector.shape_cast %get3A_113 : vector<16xf32> to vector<1x16xf32>
          tpu.vector_store %arg7[%swap3A_270, %swap3A_271], %swap3A_274 {add = true, strides = array<i32>} : memref<32x768xf32, #tpu.memory_space<vmem>>, vector<1x16xf32>,
          %swap3A_275 = arith.constant 27 : i32
          %swap3A_276 = arith.index_cast %swap3A_275 : i32 to index
          %swap3A_277 = arith.index_cast %mul3A_109 : i32 to index
          %swap3A_278 = tpu.vector_load %arg7[%swap3A_276, %swap3A_277] {strides = array<i32>} : memref<32x768xf32, #tpu.memory_space<vmem>>, vector<1x16xf32>,
          %swap3A_279 = vector.shape_cast %swap3A_278 : vector<1x16xf32> to vector<16xf32>
          %swap3A_280 = vector.shape_cast %get3A_113 : vector<16xf32> to vector<1x16xf32>
          tpu.vector_store %arg7[%swap3A_276, %swap3A_277], %swap3A_280 {add = true, strides = array<i32>} : memref<32x768xf32, #tpu.memory_space<vmem>>, vector<1x16xf32>,
          %swap3A_281 = arith.constant 28 : i32
          %swap3A_282 = arith.index_cast %swap3A_281 : i32 to index
          %swap3A_283 = arith.index_cast %mul3A_109 : i32 to index
          %swap3A_284 = tpu.vector_load %arg7[%swap3A_282, %swap3A_283] {strides = array<i32>} : memref<32x768xf32, #tpu.memory_space<vmem>>, vector<1x16xf32>,
          %swap3A_285 = vector.shape_cast %swap3A_284 : vector<1x16xf32> to vector<16xf32>
          %swap3A_286 = vector.shape_cast %get3A_113 : vector<16xf32> to vector<1x16xf32>
          tpu.vector_store %arg7[%swap3A_282, %swap3A_283], %swap3A_286 {add = true, strides = array<i32>} : memref<32x768xf32, #tpu.memory_space<vmem>>, vector<1x16xf32>,
          %swap3A_287 = arith.constant 29 : i32
          %swap3A_288 = arith.index_cast %swap3A_287 : i32 to index
          %swap3A_289 = arith.index_cast %mul3A_109 : i32 to index
          %swap3A_290 = tpu.vector_load %arg7[%swap3A_288, %swap3A_289] {strides = array<i32>} : memref<32x768xf32, #tpu.memory_space<vmem>>, vector<1x16xf32>,
          %swap3A_291 = vector.shape_cast %swap3A_290 : vector<1x16xf32> to vector<16xf32>
          %swap3A_292 = vector.shape_cast %get3A_113 : vector<16xf32> to vector<1x16xf32>
          tpu.vector_store %arg7[%swap3A_288, %swap3A_289], %swap3A_292 {add = true, strides = array<i32>} : memref<32x768xf32, #tpu.memory_space<vmem>>, vector<1x16xf32>,
          %swap3A_293 = arith.constant 30 : i32
          %swap3A_294 = arith.index_cast %swap3A_293 : i32 to index
          %swap3A_295 = arith.index_cast %mul3A_109 : i32 to index
          %swap3A_296 = tpu.vector_load %arg7[%swap3A_294, %swap3A_295] {strides = array<i32>} : memref<32x768xf32, #tpu.memory_space<vmem>>, vector<1x16xf32>,
          %swap3A_297 = vector.shape_cast %swap3A_296 : vector<1x16xf32> to vector<16xf32>
          %swap3A_298 = vector.shape_cast %get3A_113 : vector<16xf32> to vector<1x16xf32>
          tpu.vector_store %arg7[%swap3A_294, %swap3A_295], %swap3A_298 {add = true, strides = array<i32>} : memref<32x768xf32, #tpu.memory_space<vmem>>, vector<1x16xf32>,
          %swap3A_299 = arith.constant 31 : i32
          %swap3A_300 = arith.index_cast %swap3A_299 : i32 to index
          %swap3A_301 = arith.index_cast %mul3A_109 : i32 to index
          %swap3A_302 = tpu.vector_load %arg7[%swap3A_300, %swap3A_301] {strides = array<i32>} : memref<32x768xf32, #tpu.memory_space<vmem>>, vector<1x16xf32>,
          %swap3A_303 = vector.shape_cast %swap3A_302 : vector<1x16xf32> to vector<16xf32>
          %swap3A_304 = vector.shape_cast %get3A_113 : vector<16xf32> to vector<1x16xf32>
          tpu.vector_store %arg7[%swap3A_300, %swap3A_301], %swap3A_304 {add = true, strides = array<i32>} : memref<32x768xf32, #tpu.memory_space<vmem>>, vector<1x16xf32>,
          %scan3A_305 = arith.constant 1 : i32
          %scan3A_306 = arith.addi %scan3A_107, %scan3A_305 : i32
          %mul3A_307 = arith.constant 16 : i32
          %mul3A_308 = arith.muli %scan3A_306, %mul3A_307 : i32
          %get3A_309 = arith.constant 0 : i32
          %get3A_310 = arith.index_cast %get3A_309 : i32 to index
          %get3A_311 = arith.index_cast %mul3A_308 : i32 to index
          %get3A_312 = tpu.vector_load %arg11[%get3A_310, %get3A_311] {strides = array<i32>} : memref<1x768xf32, #tpu.memory_space<vmem>>, vector<1x16xf32>,
          %get3A_313 = vector.shape_cast %get3A_312 : vector<1x16xf32> to vector<16xf32>
          %swap3A_314 = arith.constant 0 : i32
          %swap3A_315 = arith.index_cast %swap3A_314 : i32 to index
          %swap3A_316 = arith.index_cast %mul3A_308 : i32 to index
          %swap3A_317 = tpu.vector_load %arg7[%swap3A_315, %swap3A_316] {strides = array<i32>} : memref<32x768xf32, #tpu.memory_space<vmem>>, vector<1x16xf32>,
          %swap3A_318 = vector.shape_cast %swap3A_317 : vector<1x16xf32> to vector<16xf32>
          %swap3A_319 = vector.shape_cast %get3A_313 : vector<16xf32> to vector<1x16xf32>
          tpu.vector_store %arg7[%swap3A_315, %swap3A_316], %swap3A_319 {add = true, strides = array<i32>} : memref<32x768xf32, #tpu.memory_space<vmem>>, vector<1x16xf32>,
          %swap3A_320 = arith.constant 1 : i32
          %swap3A_321 = arith.index_cast %swap3A_320 : i32 to index
          %swap3A_322 = arith.index_cast %mul3A_308 : i32 to index
          %swap3A_323 = tpu.vector_load %arg7[%swap3A_321, %swap3A_322] {strides = array<i32>} : memref<32x768xf32, #tpu.memory_space<vmem>>, vector<1x16xf32>,
          %swap3A_324 = vector.shape_cast %swap3A_323 : vector<1x16xf32> to vector<16xf32>
          %swap3A_325 = vector.shape_cast %get3A_313 : vector<16xf32> to vector<1x16xf32>
          tpu.vector_store %arg7[%swap3A_321, %swap3A_322], %swap3A_325 {add = true, strides = array<i32>} : memref<32x768xf32, #tpu.memory_space<vmem>>, vector<1x16xf32>,
          %swap3A_326 = arith.constant 2 : i32
          %swap3A_327 = arith.index_cast %swap3A_326 : i32 to index
          %swap3A_328 = arith.index_cast %mul3A_308 : i32 to index
          %swap3A_329 = tpu.vector_load %arg7[%swap3A_327, %swap3A_328] {strides = array<i32>} : memref<32x768xf32, #tpu.memory_space<vmem>>, vector<1x16xf32>,
          %swap3A_330 = vector.shape_cast %swap3A_329 : vector<1x16xf32> to vector<16xf32>
          %swap3A_331 = vector.shape_cast %get3A_313 : vector<16xf32> to vector<1x16xf32>
          tpu.vector_store %arg7[%swap3A_327, %swap3A_328], %swap3A_331 {add = true, strides = array<i32>} : memref<32x768xf32, #tpu.memory_space<vmem>>, vector<1x16xf32>,
          %swap3A_332 = arith.constant 3 : i32
          %swap3A_333 = arith.index_cast %swap3A_332 : i32 to index
          %swap3A_334 = arith.index_cast %mul3A_308 : i32 to index
          %swap3A_335 = tpu.vector_load %arg7[%swap3A_333, %swap3A_334] {strides = array<i32>} : memref<32x768xf32, #tpu.memory_space<vmem>>, vector<1x16xf32>,
          %swap3A_336 = vector.shape_cast %swap3A_335 : vector<1x16xf32> to vector<16xf32>
          %swap3A_337 = vector.shape_cast %get3A_313 : vector<16xf32> to vector<1x16xf32>
          tpu.vector_store %arg7[%swap3A_333, %swap3A_334], %swap3A_337 {add = true, strides = array<i32>} : memref<32x768xf32, #tpu.memory_space<vmem>>, vector<1x16xf32>,
          %swap3A_338 = arith.constant 4 : i32
          %swap3A_339 = arith.index_cast %swap3A_338 : i32 to index
          %swap3A_340 = arith.index_cast %mul3A_308 : i32 to index
          %swap3A_341 = tpu.vector_load %arg7[%swap3A_339, %swap3A_340] {strides = array<i32>} : memref<32x768xf32, #tpu.memory_space<vmem>>, vector<1x16xf32>,
          %swap3A_342 = vector.shape_cast %swap3A_341 : vector<1x16xf32> to vector<16xf32>
          %swap3A_343 = vector.shape_cast %get3A_313 : vector<16xf32> to vector<1x16xf32>
          tpu.vector_store %arg7[%swap3A_339, %swap3A_340], %swap3A_343 {add = true, strides = array<i32>} : memref<32x768xf32, #tpu.memory_space<vmem>>, vector<1x16xf32>,
          %swap3A_344 = arith.constant 5 : i32
          %swap3A_345 = arith.index_cast %swap3A_344 : i32 to index
          %swap3A_346 = arith.index_cast %mul3A_308 : i32 to index
          %swap3A_347 = tpu.vector_load %arg7[%swap3A_345, %swap3A_346] {strides = array<i32>} : memref<32x768xf32, #tpu.memory_space<vmem>>, vector<1x16xf32>,
          %swap3A_348 = vector.shape_cast %swap3A_347 : vector<1x16xf32> to vector<16xf32>
          %swap3A_349 = vector.shape_cast %get3A_313 : vector<16xf32> to vector<1x16xf32>
          tpu.vector_store %arg7[%swap3A_345, %swap3A_346], %swap3A_349 {add = true, strides = array<i32>} : memref<32x768xf32, #tpu.memory_space<vmem>>, vector<1x16xf32>,
          %swap3A_350 = arith.constant 6 : i32
          %swap3A_351 = arith.index_cast %swap3A_350 : i32 to index
          %swap3A_352 = arith.index_cast %mul3A_308 : i32 to index
          %swap3A_353 = tpu.vector_load %arg7[%swap3A_351, %swap3A_352] {strides = array<i32>} : memref<32x768xf32, #tpu.memory_space<vmem>>, vector<1x16xf32>,
          %swap3A_354 = vector.shape_cast %swap3A_353 : vector<1x16xf32> to vector<16xf32>
          %swap3A_355 = vector.shape_cast %get3A_313 : vector<16xf32> to vector<1x16xf32>
          tpu.vector_store %arg7[%swap3A_351, %swap3A_352], %swap3A_355 {add = true, strides = array<i32>} : memref<32x768xf32, #tpu.memory_space<vmem>>, vector<1x16xf32>,
          %swap3A_356 = arith.constant 7 : i32
          %swap3A_357 = arith.index_cast %swap3A_356 : i32 to index
          %swap3A_358 = arith.index_cast %mul3A_308 : i32 to index
          %swap3A_359 = tpu.vector_load %arg7[%swap3A_357, %swap3A_358] {strides = array<i32>} : memref<32x768xf32, #tpu.memory_space<vmem>>, vector<1x16xf32>,
          %swap3A_360 = vector.shape_cast %swap3A_359 : vector<1x16xf32> to vector<16xf32>
          %swap3A_361 = vector.shape_cast %get3A_313 : vector<16xf32> to vector<1x16xf32>
          tpu.vector_store %arg7[%swap3A_357, %swap3A_358], %swap3A_361 {add = true, strides = array<i32>} : memref<32x768xf32, #tpu.memory_space<vmem>>, vector<1x16xf32>,
          %swap3A_362 = arith.constant 8 : i32
          %swap3A_363 = arith.index_cast %swap3A_362 : i32 to index
          %swap3A_364 = arith.index_cast %mul3A_308 : i32 to index
          %swap3A_365 = tpu.vector_load %arg7[%swap3A_363, %swap3A_364] {strides = array<i32>} : memref<32x768xf32, #tpu.memory_space<vmem>>, vector<1x16xf32>,
          %swap3A_366 = vector.shape_cast %swap3A_365 : vector<1x16xf32> to vector<16xf32>
          %swap3A_367 = vector.shape_cast %get3A_313 : vector<16xf32> to vector<1x16xf32>
          tpu.vector_store %arg7[%swap3A_363, %swap3A_364], %swap3A_367 {add = true, strides = array<i32>} : memref<32x768xf32, #tpu.memory_space<vmem>>, vector<1x16xf32>,
          %swap3A_368 = arith.constant 9 : i32
          %swap3A_369 = arith.index_cast %swap3A_368 : i32 to index
          %swap3A_370 = arith.index_cast %mul3A_308 : i32 to index
          %swap3A_371 = tpu.vector_load %arg7[%swap3A_369, %swap3A_370] {strides = array<i32>} : memref<32x768xf32, #tpu.memory_space<vmem>>, vector<1x16xf32>,
          %swap3A_372 = vector.shape_cast %swap3A_371 : vector<1x16xf32> to vector<16xf32>
          %swap3A_373 = vector.shape_cast %get3A_313 : vector<16xf32> to vector<1x16xf32>
          tpu.vector_store %arg7[%swap3A_369, %swap3A_370], %swap3A_373 {add = true, strides = array<i32>} : memref<32x768xf32, #tpu.memory_space<vmem>>, vector<1x16xf32>,
          %swap3A_374 = arith.constant 10 : i32
          %swap3A_375 = arith.index_cast %swap3A_374 : i32 to index
          %swap3A_376 = arith.index_cast %mul3A_308 : i32 to index
          %swap3A_377 = tpu.vector_load %arg7[%swap3A_375, %swap3A_376] {strides = array<i32>} : memref<32x768xf32, #tpu.memory_space<vmem>>, vector<1x16xf32>,
          %swap3A_378 = vector.shape_cast %swap3A_377 : vector<1x16xf32> to vector<16xf32>
          %swap3A_379 = vector.shape_cast %get3A_313 : vector<16xf32> to vector<1x16xf32>
          tpu.vector_store %arg7[%swap3A_375, %swap3A_376], %swap3A_379 {add = true, strides = array<i32>} : memref<32x768xf32, #tpu.memory_space<vmem>>, vector<1x16xf32>,
          %swap3A_380 = arith.constant 11 : i32
          %swap3A_381 = arith.index_cast %swap3A_380 : i32 to index
          %swap3A_382 = arith.index_cast %mul3A_308 : i32 to index
          %swap3A_383 = tpu.vector_load %arg7[%swap3A_381, %swap3A_382] {strides = array<i32>} : memref<32x768xf32, #tpu.memory_space<vmem>>, vector<1x16xf32>,
          %swap3A_384 = vector.shape_cast %swap3A_383 : vector<1x16xf32> to vector<16xf32>
          %swap3A_385 = vector.shape_cast %get3A_313 : vector<16xf32> to vector<1x16xf32>
          tpu.vector_store %arg7[%swap3A_381, %swap3A_382], %swap3A_385 {add = true, strides = array<i32>} : memref<32x768xf32, #tpu.memory_space<vmem>>, vector<1x16xf32>,
          %swap3A_386 = arith.constant 12 : i32
          %swap3A_387 = arith.index_cast %swap3A_386 : i32 to index
          %swap3A_388 = arith.index_cast %mul3A_308 : i32 to index
          %swap3A_389 = tpu.vector_load %arg7[%swap3A_387, %swap3A_388] {strides = array<i32>} : memref<32x768xf32, #tpu.memory_space<vmem>>, vector<1x16xf32>,
          %swap3A_390 = vector.shape_cast %swap3A_389 : vector<1x16xf32> to vector<16xf32>
          %swap3A_391 = vector.shape_cast %get3A_313 : vector<16xf32> to vector<1x16xf32>
          tpu.vector_store %arg7[%swap3A_387, %swap3A_388], %swap3A_391 {add = true, strides = array<i32>} : memref<32x768xf32, #tpu.memory_space<vmem>>, vector<1x16xf32>,
          %swap3A_392 = arith.constant 13 : i32
          %swap3A_393 = arith.index_cast %swap3A_392 : i32 to index
          %swap3A_394 = arith.index_cast %mul3A_308 : i32 to index
          %swap3A_395 = tpu.vector_load %arg7[%swap3A_393, %swap3A_394] {strides = array<i32>} : memref<32x768xf32, #tpu.memory_space<vmem>>, vector<1x16xf32>,
          %swap3A_396 = vector.shape_cast %swap3A_395 : vector<1x16xf32> to vector<16xf32>
          %swap3A_397 = vector.shape_cast %get3A_313 : vector<16xf32> to vector<1x16xf32>
          tpu.vector_store %arg7[%swap3A_393, %swap3A_394], %swap3A_397 {add = true, strides = array<i32>} : memref<32x768xf32, #tpu.memory_space<vmem>>, vector<1x16xf32>,
          %swap3A_398 = arith.constant 14 : i32
          %swap3A_399 = arith.index_cast %swap3A_398 : i32 to index
          %swap3A_400 = arith.index_cast %mul3A_308 : i32 to index
          %swap3A_401 = tpu.vector_load %arg7[%swap3A_399, %swap3A_400] {strides = array<i32>} : memref<32x768xf32, #tpu.memory_space<vmem>>, vector<1x16xf32>,
          %swap3A_402 = vector.shape_cast %swap3A_401 : vector<1x16xf32> to vector<16xf32>
          %swap3A_403 = vector.shape_cast %get3A_313 : vector<16xf32> to vector<1x16xf32>
          tpu.vector_store %arg7[%swap3A_399, %swap3A_400], %swap3A_403 {add = true, strides = array<i32>} : memref<32x768xf32, #tpu.memory_space<vmem>>, vector<1x16xf32>,
          %swap3A_404 = arith.constant 15 : i32
          %swap3A_405 = arith.index_cast %swap3A_404 : i32 to index
          %swap3A_406 = arith.index_cast %mul3A_308 : i32 to index
          %swap3A_407 = tpu.vector_load %arg7[%swap3A_405, %swap3A_406] {strides = array<i32>} : memref<32x768xf32, #tpu.memory_space<vmem>>, vector<1x16xf32>,
          %swap3A_408 = vector.shape_cast %swap3A_407 : vector<1x16xf32> to vector<16xf32>
          %swap3A_409 = vector.shape_cast %get3A_313 : vector<16xf32> to vector<1x16xf32>
          tpu.vector_store %arg7[%swap3A_405, %swap3A_406], %swap3A_409 {add = true, strides = array<i32>} : memref<32x768xf32, #tpu.memory_space<vmem>>, vector<1x16xf32>,
          %swap3A_410 = arith.constant 16 : i32
          %swap3A_411 = arith.index_cast %swap3A_410 : i32 to index
          %swap3A_412 = arith.index_cast %mul3A_308 : i32 to index
          %swap3A_413 = tpu.vector_load %arg7[%swap3A_411, %swap3A_412] {strides = array<i32>} : memref<32x768xf32, #tpu.memory_space<vmem>>, vector<1x16xf32>,
          %swap3A_414 = vector.shape_cast %swap3A_413 : vector<1x16xf32> to vector<16xf32>
          %swap3A_415 = vector.shape_cast %get3A_313 : vector<16xf32> to vector<1x16xf32>
          tpu.vector_store %arg7[%swap3A_411, %swap3A_412], %swap3A_415 {add = true, strides = array<i32>} : memref<32x768xf32, #tpu.memory_space<vmem>>, vector<1x16xf32>,
          %swap3A_416 = arith.constant 17 : i32
          %swap3A_417 = arith.index_cast %swap3A_416 : i32 to index
          %swap3A_418 = arith.index_cast %mul3A_308 : i32 to index
          %swap3A_419 = tpu.vector_load %arg7[%swap3A_417, %swap3A_418] {strides = array<i32>} : memref<32x768xf32, #tpu.memory_space<vmem>>, vector<1x16xf32>,
          %swap3A_420 = vector.shape_cast %swap3A_419 : vector<1x16xf32> to vector<16xf32>
          %swap3A_421 = vector.shape_cast %get3A_313 : vector<16xf32> to vector<1x16xf32>
          tpu.vector_store %arg7[%swap3A_417, %swap3A_418], %swap3A_421 {add = true, strides = array<i32>} : memref<32x768xf32, #tpu.memory_space<vmem>>, vector<1x16xf32>,
          %swap3A_422 = arith.constant 18 : i32
          %swap3A_423 = arith.index_cast %swap3A_422 : i32 to index
          %swap3A_424 = arith.index_cast %mul3A_308 : i32 to index
          %swap3A_425 = tpu.vector_load %arg7[%swap3A_423, %swap3A_424] {strides = array<i32>} : memref<32x768xf32, #tpu.memory_space<vmem>>, vector<1x16xf32>,
          %swap3A_426 = vector.shape_cast %swap3A_425 : vector<1x16xf32> to vector<16xf32>
          %swap3A_427 = vector.shape_cast %get3A_313 : vector<16xf32> to vector<1x16xf32>
          tpu.vector_store %arg7[%swap3A_423, %swap3A_424], %swap3A_427 {add = true, strides = array<i32>} : memref<32x768xf32, #tpu.memory_space<vmem>>, vector<1x16xf32>,
          %swap3A_428 = arith.constant 19 : i32
          %swap3A_429 = arith.index_cast %swap3A_428 : i32 to index
          %swap3A_430 = arith.index_cast %mul3A_308 : i32 to index
          %swap3A_431 = tpu.vector_load %arg7[%swap3A_429, %swap3A_430] {strides = array<i32>} : memref<32x768xf32, #tpu.memory_space<vmem>>, vector<1x16xf32>,
          %swap3A_432 = vector.shape_cast %swap3A_431 : vector<1x16xf32> to vector<16xf32>
          %swap3A_433 = vector.shape_cast %get3A_313 : vector<16xf32> to vector<1x16xf32>
          tpu.vector_store %arg7[%swap3A_429, %swap3A_430], %swap3A_433 {add = true, strides = array<i32>} : memref<32x768xf32, #tpu.memory_space<vmem>>, vector<1x16xf32>,
          %swap3A_434 = arith.constant 20 : i32
          %swap3A_435 = arith.index_cast %swap3A_434 : i32 to index
          %swap3A_436 = arith.index_cast %mul3A_308 : i32 to index
          %swap3A_437 = tpu.vector_load %arg7[%swap3A_435, %swap3A_436] {strides = array<i32>} : memref<32x768xf32, #tpu.memory_space<vmem>>, vector<1x16xf32>,
          %swap3A_438 = vector.shape_cast %swap3A_437 : vector<1x16xf32> to vector<16xf32>
          %swap3A_439 = vector.shape_cast %get3A_313 : vector<16xf32> to vector<1x16xf32>
          tpu.vector_store %arg7[%swap3A_435, %swap3A_436], %swap3A_439 {add = true, strides = array<i32>} : memref<32x768xf32, #tpu.memory_space<vmem>>, vector<1x16xf32>,
          %swap3A_440 = arith.constant 21 : i32
          %swap3A_441 = arith.index_cast %swap3A_440 : i32 to index
          %swap3A_442 = arith.index_cast %mul3A_308 : i32 to index
          %swap3A_443 = tpu.vector_load %arg7[%swap3A_441, %swap3A_442] {strides = array<i32>} : memref<32x768xf32, #tpu.memory_space<vmem>>, vector<1x16xf32>,
          %swap3A_444 = vector.shape_cast %swap3A_443 : vector<1x16xf32> to vector<16xf32>
          %swap3A_445 = vector.shape_cast %get3A_313 : vector<16xf32> to vector<1x16xf32>
          tpu.vector_store %arg7[%swap3A_441, %swap3A_442], %swap3A_445 {add = true, strides = array<i32>} : memref<32x768xf32, #tpu.memory_space<vmem>>, vector<1x16xf32>,
          %swap3A_446 = arith.constant 22 : i32
          %swap3A_447 = arith.index_cast %swap3A_446 : i32 to index
          %swap3A_448 = arith.index_cast %mul3A_308 : i32 to index
          %swap3A_449 = tpu.vector_load %arg7[%swap3A_447, %swap3A_448] {strides = array<i32>} : memref<32x768xf32, #tpu.memory_space<vmem>>, vector<1x16xf32>,
          %swap3A_450 = vector.shape_cast %swap3A_449 : vector<1x16xf32> to vector<16xf32>
          %swap3A_451 = vector.shape_cast %get3A_313 : vector<16xf32> to vector<1x16xf32>
          tpu.vector_store %arg7[%swap3A_447, %swap3A_448], %swap3A_451 {add = true, strides = array<i32>} : memref<32x768xf32, #tpu.memory_space<vmem>>, vector<1x16xf32>,
          %swap3A_452 = arith.constant 23 : i32
          %swap3A_453 = arith.index_cast %swap3A_452 : i32 to index
          %swap3A_454 = arith.index_cast %mul3A_308 : i32 to index
          %swap3A_455 = tpu.vector_load %arg7[%swap3A_453, %swap3A_454] {strides = array<i32>} : memref<32x768xf32, #tpu.memory_space<vmem>>, vector<1x16xf32>,
          %swap3A_456 = vector.shape_cast %swap3A_455 : vector<1x16xf32> to vector<16xf32>
          %swap3A_457 = vector.shape_cast %get3A_313 : vector<16xf32> to vector<1x16xf32>
          tpu.vector_store %arg7[%swap3A_453, %swap3A_454], %swap3A_457 {add = true, strides = array<i32>} : memref<32x768xf32, #tpu.memory_space<vmem>>, vector<1x16xf32>,
          %swap3A_458 = arith.constant 24 : i32
          %swap3A_459 = arith.index_cast %swap3A_458 : i32 to index
          %swap3A_460 = arith.index_cast %mul3A_308 : i32 to index
          %swap3A_461 = tpu.vector_load %arg7[%swap3A_459, %swap3A_460] {strides = array<i32>} : memref<32x768xf32, #tpu.memory_space<vmem>>, vector<1x16xf32>,
          %swap3A_462 = vector.shape_cast %swap3A_461 : vector<1x16xf32> to vector<16xf32>
          %swap3A_463 = vector.shape_cast %get3A_313 : vector<16xf32> to vector<1x16xf32>
          tpu.vector_store %arg7[%swap3A_459, %swap3A_460], %swap3A_463 {add = true, strides = array<i32>} : memref<32x768xf32, #tpu.memory_space<vmem>>, vector<1x16xf32>,
          %swap3A_464 = arith.constant 25 : i32
          %swap3A_465 = arith.index_cast %swap3A_464 : i32 to index
          %swap3A_466 = arith.index_cast %mul3A_308 : i32 to index
          %swap3A_467 = tpu.vector_load %arg7[%swap3A_465, %swap3A_466] {strides = array<i32>} : memref<32x768xf32, #tpu.memory_space<vmem>>, vector<1x16xf32>,
          %swap3A_468 = vector.shape_cast %swap3A_467 : vector<1x16xf32> to vector<16xf32>
          %swap3A_469 = vector.shape_cast %get3A_313 : vector<16xf32> to vector<1x16xf32>
          tpu.vector_store %arg7[%swap3A_465, %swap3A_466], %swap3A_469 {add = true, strides = array<i32>} : memref<32x768xf32, #tpu.memory_space<vmem>>, vector<1x16xf32>,
          %swap3A_470 = arith.constant 26 : i32
          %swap3A_471 = arith.index_cast %swap3A_470 : i32 to index
          %swap3A_472 = arith.index_cast %mul3A_308 : i32 to index
          %swap3A_473 = tpu.vector_load %arg7[%swap3A_471, %swap3A_472] {strides = array<i32>} : memref<32x768xf32, #tpu.memory_space<vmem>>, vector<1x16xf32>,
          %swap3A_474 = vector.shape_cast %swap3A_473 : vector<1x16xf32> to vector<16xf32>
          %swap3A_475 = vector.shape_cast %get3A_313 : vector<16xf32> to vector<1x16xf32>
          tpu.vector_store %arg7[%swap3A_471, %swap3A_472], %swap3A_475 {add = true, strides = array<i32>} : memref<32x768xf32, #tpu.memory_space<vmem>>, vector<1x16xf32>,
          %swap3A_476 = arith.constant 27 : i32
          %swap3A_477 = arith.index_cast %swap3A_476 : i32 to index
          %swap3A_478 = arith.index_cast %mul3A_308 : i32 to index
          %swap3A_479 = tpu.vector_load %arg7[%swap3A_477, %swap3A_478] {strides = array<i32>} : memref<32x768xf32, #tpu.memory_space<vmem>>, vector<1x16xf32>,
          %swap3A_480 = vector.shape_cast %swap3A_479 : vector<1x16xf32> to vector<16xf32>
          %swap3A_481 = vector.shape_cast %get3A_313 : vector<16xf32> to vector<1x16xf32>
          tpu.vector_store %arg7[%swap3A_477, %swap3A_478], %swap3A_481 {add = true, strides = array<i32>} : memref<32x768xf32, #tpu.memory_space<vmem>>, vector<1x16xf32>,
          %swap3A_482 = arith.constant 28 : i32
          %swap3A_483 = arith.index_cast %swap3A_482 : i32 to index
          %swap3A_484 = arith.index_cast %mul3A_308 : i32 to index
          %swap3A_485 = tpu.vector_load %arg7[%swap3A_483, %swap3A_484] {strides = array<i32>} : memref<32x768xf32, #tpu.memory_space<vmem>>, vector<1x16xf32>,
          %swap3A_486 = vector.shape_cast %swap3A_485 : vector<1x16xf32> to vector<16xf32>
          %swap3A_487 = vector.shape_cast %get3A_313 : vector<16xf32> to vector<1x16xf32>
          tpu.vector_store %arg7[%swap3A_483, %swap3A_484], %swap3A_487 {add = true, strides = array<i32>} : memref<32x768xf32, #tpu.memory_space<vmem>>, vector<1x16xf32>,
          %swap3A_488 = arith.constant 29 : i32
          %swap3A_489 = arith.index_cast %swap3A_488 : i32 to index
          %swap3A_490 = arith.index_cast %mul3A_308 : i32 to index
          %swap3A_491 = tpu.vector_load %arg7[%swap3A_489, %swap3A_490] {strides = array<i32>} : memref<32x768xf32, #tpu.memory_space<vmem>>, vector<1x16xf32>,
          %swap3A_492 = vector.shape_cast %swap3A_491 : vector<1x16xf32> to vector<16xf32>
          %swap3A_493 = vector.shape_cast %get3A_313 : vector<16xf32> to vector<1x16xf32>
          tpu.vector_store %arg7[%swap3A_489, %swap3A_490], %swap3A_493 {add = true, strides = array<i32>} : memref<32x768xf32, #tpu.memory_space<vmem>>, vector<1x16xf32>,
          %swap3A_494 = arith.constant 30 : i32
          %swap3A_495 = arith.index_cast %swap3A_494 : i32 to index
          %swap3A_496 = arith.index_cast %mul3A_308 : i32 to index
          %swap3A_497 = tpu.vector_load %arg7[%swap3A_495, %swap3A_496] {strides = array<i32>} : memref<32x768xf32, #tpu.memory_space<vmem>>, vector<1x16xf32>,
          %swap3A_498 = vector.shape_cast %swap3A_497 : vector<1x16xf32> to vector<16xf32>
          %swap3A_499 = vector.shape_cast %get3A_313 : vector<16xf32> to vector<1x16xf32>
          tpu.vector_store %arg7[%swap3A_495, %swap3A_496], %swap3A_499 {add = true, strides = array<i32>} : memref<32x768xf32, #tpu.memory_space<vmem>>, vector<1x16xf32>,
          %swap3A_500 = arith.constant 31 : i32
          %swap3A_501 = arith.index_cast %swap3A_500 : i32 to index
          %swap3A_502 = arith.index_cast %mul3A_308 : i32 to index
          %swap3A_503 = tpu.vector_load %arg7[%swap3A_501, %swap3A_502] {strides = array<i32>} : memref<32x768xf32, #tpu.memory_space<vmem>>, vector<1x16xf32>,
          %swap3A_504 = vector.shape_cast %swap3A_503 : vector<1x16xf32> to vector<16xf32>
          %swap3A_505 = vector.shape_cast %get3A_313 : vector<16xf32> to vector<1x16xf32>
          tpu.vector_store %arg7[%swap3A_501, %swap3A_502], %swap3A_505 {add = true, strides = array<i32>} : memref<32x768xf32, #tpu.memory_space<vmem>>, vector<1x16xf32>,
        }
        %scan3A_100 = arith.constant 48 : i32
        %dma_start3A_101 = arith.constant 0 : i32
        %dma_start3A_102 = tpu.memref_slice %arg5[%scan3A_60, %mul3A_2, %dma_start3A_101] : memref<77x1024x768xf32, #tpu.memory_space<hbm>> -> memref<1x32x768xf32, #tpu.memory_space<hbm>>
        %dma_start3A_103 = tpu.memref_squeeze %dma_start3A_102 : memref<1x32x768xf32, #tpu.memory_space<hbm>> -> memref<32x768xf32, #tpu.memory_space<hbm>>
        %dma_start3A_104 = arith.constant 0 : i32
        %dma_start3A_105 = tpu.memref_slice %arg5[%scan3A_60, %mul3A_2, %dma_start3A_104] : memref<77x1024x768xf32, #tpu.memory_space<hbm>> -> memref<1x32x768xf32, #tpu.memory_space<hbm>>
        %dma_start3A_106 = tpu.memref_squeeze %dma_start3A_105 : memref<1x32x768xf32, #tpu.memory_space<hbm>> -> memref<32x768xf32, #tpu.memory_space<hbm>>
        tpu.enqueue_dma source(%arg7 : memref<32x768xf32, #tpu.memory_space<vmem>>) target(%dma_start3A_106 : memref<32x768xf32, #tpu.memory_space<hbm>>) target_semaphore(%arg19 : memref<!tpu.dma_semaphore, #tpu.memory_space<semaphore_mem>>)
      } else {
      }
      %eq3A_64 = arith.constant 1 : i32
      %eq3A_65 = arith.cmpi eq, %rem3A_61, %eq3A_64 : i32
      %convert_element_type3A_66 = arith.extui %eq3A_65 : i1 to i32
      %cond3A_67 = arith.constant 0 : i32
      %cond3A_68 = arith.cmpi ne, %convert_element_type3A_66, %cond3A_67 : i32
      scf.if %cond3A_68 {
        %add3A_79 = arith.constant 2 : i32
        %add3A_80 = arith.addi %scan3A_60, %add3A_79 : i32
        %lt3A = arith.constant 77 : i32
        %lt3A_81 = arith.cmpi slt, %add3A_80, %lt3A : i32
        %convert_element_type3A_82 = arith.extui %lt3A_81 : i1 to i32
        %cond3A_83 = arith.constant 0 : i32
        %cond3A_84 = arith.cmpi ne, %convert_element_type3A_82, %cond3A_83 : i32
        scf.if %cond3A_84 {
          %ge3A = arith.constant 2 : i32
          %ge3A_107 = arith.cmpi sge, %scan3A_60, %ge3A : i32
          %convert_element_type3A_108 = arith.extui %ge3A_107 : i1 to i32
          %cond3A_109 = arith.constant 0 : i32
          %cond3A_110 = arith.cmpi ne, %convert_element_type3A_108, %cond3A_109 : i32
          scf.if %cond3A_110 {
            %sub3A = arith.constant 2 : i32
            %sub3A_123 = arith.subi %scan3A_60, %sub3A : i32
            %dma_wait3A_124 = arith.constant 0 : i32
            %dma_wait3A_125 = tpu.memref_slice %arg5[%sub3A_123, %mul3A_2, %dma_wait3A_124] : memref<77x1024x768xf32, #tpu.memory_space<hbm>> -> memref<1x32x768xf32, #tpu.memory_space<hbm>>
            %dma_wait3A_126 = tpu.memref_squeeze %dma_wait3A_125 : memref<1x32x768xf32, #tpu.memory_space<hbm>> -> memref<32x768xf32, #tpu.memory_space<hbm>>
            %dma_wait3A_127 = arith.constant 0 : i32
            %dma_wait3A_128 = tpu.memref_slice %arg5[%sub3A_123, %mul3A_2, %dma_wait3A_127] : memref<77x1024x768xf32, #tpu.memory_space<hbm>> -> memref<1x32x768xf32, #tpu.memory_space<hbm>>
            %dma_wait3A_129 = tpu.memref_squeeze %dma_wait3A_128 : memref<1x32x768xf32, #tpu.memory_space<hbm>> -> memref<32x768xf32, #tpu.memory_space<hbm>>
            tpu.wait_dma2 semaphore(%arg22 : memref<!tpu.dma_semaphore, #tpu.memory_space<semaphore_mem>>) src(%arg10 : memref<32x768xf32, #tpu.memory_space<vmem>>) dst(%dma_wait3A_129 : memref<32x768xf32, #tpu.memory_space<hbm>>)
          } else {
          }
          %add3A_111 = arith.constant 2 : i32
          %add3A_112 = arith.addi %scan3A_60, %add3A_111 : i32
          %dma_start3A_113 = arith.constant 0 : i32
          %dma_start3A_114 = tpu.memref_slice %arg6[%add3A_112, %dma_start3A_113] : memref<77x32xi32, #tpu.memory_space<vmem>> -> memref<1x32xi32, #tpu.memory_space<vmem>>
          %dma_start3A_115 = tpu.memref_squeeze %dma_start3A_114 : memref<1x32xi32, #tpu.memory_space<vmem>> -> memref<32xi32, #tpu.memory_space<vmem>>
          %dma_start3A_116 = arith.constant 0 : i32
          %dma_start3A_117 = arith.constant 0 : i32
          %dma_start3A_118 = tpu.memref_slice %arg2[%dma_start3A_116, %dma_start3A_117] : memref<49408x768xf32, #tpu.memory_space<hbm>> -> memref<49408x768xf32, #tpu.memory_space<hbm>>
          tpu.enqueue_indirect_dma source(%dma_start3A_118 : memref<49408x768xf32, #tpu.memory_space<hbm>>) target(%arg10 : memref<32x768xf32, #tpu.memory_space<vmem>>) offsets(%dma_start3A_115 : memref<32xi32, #tpu.memory_space<vmem>>) semaphore(%arg18 : memref<!tpu.dma_semaphore, #tpu.memory_space<semaphore_mem>>)
          %dma_start3A_119 = arith.constant 0 : i32
          %dma_start3A_120 = tpu.memref_slice %arg4[%add3A_112, %dma_start3A_119] : memref<77x768xf32, #tpu.memory_space<hbm>> -> memref<1x768xf32, #tpu.memory_space<hbm>>
          %dma_start3A_121 = arith.constant 0 : i32
          %dma_start3A_122 = tpu.memref_slice %arg4[%add3A_112, %dma_start3A_121] : memref<77x768xf32, #tpu.memory_space<hbm>> -> memref<1x768xf32, #tpu.memory_space<hbm>>
          tpu.enqueue_dma source(%dma_start3A_122 : memref<1x768xf32, #tpu.memory_space<hbm>>) target(%arg14 : memref<1x768xf32, #tpu.memory_space<vmem>>) target_semaphore(%arg26 : memref<!tpu.dma_semaphore, #tpu.memory_space<semaphore_mem>>)
        } else {
        }
        %dma_wait3A_85 = arith.constant 0 : i32
        %dma_wait3A_86 = tpu.memref_slice %arg6[%scan3A_60, %dma_wait3A_85] : memref<77x32xi32, #tpu.memory_space<vmem>> -> memref<1x32xi32, #tpu.memory_space<vmem>>
        %dma_wait3A_87 = tpu.memref_squeeze %dma_wait3A_86 : memref<1x32xi32, #tpu.memory_space<vmem>> -> memref<32xi32, #tpu.memory_space<vmem>>
        %dma_wait3A_88 = arith.constant 0 : i32
        %dma_wait3A_89 = arith.constant 0 : i32
        %dma_wait3A_90 = tpu.memref_slice %arg2[%dma_wait3A_88, %dma_wait3A_89] : memref<49408x768xf32, #tpu.memory_space<hbm>> -> memref<49408x768xf32, #tpu.memory_space<hbm>>
        tpu.wait_indirect_dma semaphore(%arg16 : memref<!tpu.dma_semaphore, #tpu.memory_space<semaphore_mem>>) src(%dma_wait3A_90 : memref<49408x768xf32, #tpu.memory_space<hbm>>) dst(%arg8 : memref<32x768xf32, #tpu.memory_space<vmem>>)
        %dma_wait3A_91 = arith.constant 0 : i32
        %dma_wait3A_92 = tpu.memref_slice %arg4[%scan3A_60, %dma_wait3A_91] : memref<77x768xf32, #tpu.memory_space<hbm>> -> memref<1x768xf32, #tpu.memory_space<hbm>>
        %dma_wait3A_93 = arith.constant 0 : i32
        %dma_wait3A_94 = tpu.memref_slice %arg4[%scan3A_60, %dma_wait3A_93] : memref<77x768xf32, #tpu.memory_space<hbm>> -> memref<1x768xf32, #tpu.memory_space<hbm>>
        tpu.wait_dma2 semaphore(%arg24 : memref<!tpu.dma_semaphore, #tpu.memory_space<semaphore_mem>>) src(%dma_wait3A_94 : memref<1x768xf32, #tpu.memory_space<hbm>>) dst(%arg12 : memref<1x768xf32, #tpu.memory_space<vmem>>)
        %scan3A_95 = arith.constant 0 : i32
        %scan3A_96 = arith.constant 0 : i32
        %scan3A_97 = arith.constant 48 : i32
        %scan3A_98 = arith.addi %scan3A_96, %scan3A_97 : i32
        %scan3A_99 = arith.constant 2 : i32
        scf.for %scan3A_107 = %scan3A_96 to %scan3A_98 step %scan3A_99  : i32 {
          %mul3A_108 = arith.constant 16 : i32
          %mul3A_109 = arith.muli %scan3A_107, %mul3A_108 : i32
          %get3A = arith.constant 0 : i32
          %get3A_110 = arith.index_cast %get3A : i32 to index
          %get3A_111 = arith.index_cast %mul3A_109 : i32 to index
          %get3A_112 = tpu.vector_load %arg12[%get3A_110, %get3A_111] {strides = array<i32>} : memref<1x768xf32, #tpu.memory_space<vmem>>, vector<1x16xf32>,
          %get3A_113 = vector.shape_cast %get3A_112 : vector<1x16xf32> to vector<16xf32>
          %swap3A = arith.constant 0 : i32
          %swap3A_114 = arith.index_cast %swap3A : i32 to index
          %swap3A_115 = arith.index_cast %mul3A_109 : i32 to index
          %swap3A_116 = tpu.vector_load %arg8[%swap3A_114, %swap3A_115] {strides = array<i32>} : memref<32x768xf32, #tpu.memory_space<vmem>>, vector<1x16xf32>,
          %swap3A_117 = vector.shape_cast %swap3A_116 : vector<1x16xf32> to vector<16xf32>
          %swap3A_118 = vector.shape_cast %get3A_113 : vector<16xf32> to vector<1x16xf32>
          tpu.vector_store %arg8[%swap3A_114, %swap3A_115], %swap3A_118 {add = true, strides = array<i32>} : memref<32x768xf32, #tpu.memory_space<vmem>>, vector<1x16xf32>,
          %swap3A_119 = arith.constant 1 : i32
          %swap3A_120 = arith.index_cast %swap3A_119 : i32 to index
          %swap3A_121 = arith.index_cast %mul3A_109 : i32 to index
          %swap3A_122 = tpu.vector_load %arg8[%swap3A_120, %swap3A_121] {strides = array<i32>} : memref<32x768xf32, #tpu.memory_space<vmem>>, vector<1x16xf32>,
          %swap3A_123 = vector.shape_cast %swap3A_122 : vector<1x16xf32> to vector<16xf32>
          %swap3A_124 = vector.shape_cast %get3A_113 : vector<16xf32> to vector<1x16xf32>
          tpu.vector_store %arg8[%swap3A_120, %swap3A_121], %swap3A_124 {add = true, strides = array<i32>} : memref<32x768xf32, #tpu.memory_space<vmem>>, vector<1x16xf32>,
          %swap3A_125 = arith.constant 2 : i32
          %swap3A_126 = arith.index_cast %swap3A_125 : i32 to index
          %swap3A_127 = arith.index_cast %mul3A_109 : i32 to index
          %swap3A_128 = tpu.vector_load %arg8[%swap3A_126, %swap3A_127] {strides = array<i32>} : memref<32x768xf32, #tpu.memory_space<vmem>>, vector<1x16xf32>,
          %swap3A_129 = vector.shape_cast %swap3A_128 : vector<1x16xf32> to vector<16xf32>
          %swap3A_130 = vector.shape_cast %get3A_113 : vector<16xf32> to vector<1x16xf32>
          tpu.vector_store %arg8[%swap3A_126, %swap3A_127], %swap3A_130 {add = true, strides = array<i32>} : memref<32x768xf32, #tpu.memory_space<vmem>>, vector<1x16xf32>,
          %swap3A_131 = arith.constant 3 : i32
          %swap3A_132 = arith.index_cast %swap3A_131 : i32 to index
          %swap3A_133 = arith.index_cast %mul3A_109 : i32 to index
          %swap3A_134 = tpu.vector_load %arg8[%swap3A_132, %swap3A_133] {strides = array<i32>} : memref<32x768xf32, #tpu.memory_space<vmem>>, vector<1x16xf32>,
          %swap3A_135 = vector.shape_cast %swap3A_134 : vector<1x16xf32> to vector<16xf32>
          %swap3A_136 = vector.shape_cast %get3A_113 : vector<16xf32> to vector<1x16xf32>
          tpu.vector_store %arg8[%swap3A_132, %swap3A_133], %swap3A_136 {add = true, strides = array<i32>} : memref<32x768xf32, #tpu.memory_space<vmem>>, vector<1x16xf32>,
          %swap3A_137 = arith.constant 4 : i32
          %swap3A_138 = arith.index_cast %swap3A_137 : i32 to index
          %swap3A_139 = arith.index_cast %mul3A_109 : i32 to index
          %swap3A_140 = tpu.vector_load %arg8[%swap3A_138, %swap3A_139] {strides = array<i32>} : memref<32x768xf32, #tpu.memory_space<vmem>>, vector<1x16xf32>,
          %swap3A_141 = vector.shape_cast %swap3A_140 : vector<1x16xf32> to vector<16xf32>
          %swap3A_142 = vector.shape_cast %get3A_113 : vector<16xf32> to vector<1x16xf32>
          tpu.vector_store %arg8[%swap3A_138, %swap3A_139], %swap3A_142 {add = true, strides = array<i32>} : memref<32x768xf32, #tpu.memory_space<vmem>>, vector<1x16xf32>,
          %swap3A_143 = arith.constant 5 : i32
          %swap3A_144 = arith.index_cast %swap3A_143 : i32 to index
          %swap3A_145 = arith.index_cast %mul3A_109 : i32 to index
          %swap3A_146 = tpu.vector_load %arg8[%swap3A_144, %swap3A_145] {strides = array<i32>} : memref<32x768xf32, #tpu.memory_space<vmem>>, vector<1x16xf32>,
          %swap3A_147 = vector.shape_cast %swap3A_146 : vector<1x16xf32> to vector<16xf32>
          %swap3A_148 = vector.shape_cast %get3A_113 : vector<16xf32> to vector<1x16xf32>
          tpu.vector_store %arg8[%swap3A_144, %swap3A_145], %swap3A_148 {add = true, strides = array<i32>} : memref<32x768xf32, #tpu.memory_space<vmem>>, vector<1x16xf32>,
          %swap3A_149 = arith.constant 6 : i32
          %swap3A_150 = arith.index_cast %swap3A_149 : i32 to index
          %swap3A_151 = arith.index_cast %mul3A_109 : i32 to index
          %swap3A_152 = tpu.vector_load %arg8[%swap3A_150, %swap3A_151] {strides = array<i32>} : memref<32x768xf32, #tpu.memory_space<vmem>>, vector<1x16xf32>,
          %swap3A_153 = vector.shape_cast %swap3A_152 : vector<1x16xf32> to vector<16xf32>
          %swap3A_154 = vector.shape_cast %get3A_113 : vector<16xf32> to vector<1x16xf32>
          tpu.vector_store %arg8[%swap3A_150, %swap3A_151], %swap3A_154 {add = true, strides = array<i32>} : memref<32x768xf32, #tpu.memory_space<vmem>>, vector<1x16xf32>,
          %swap3A_155 = arith.constant 7 : i32
          %swap3A_156 = arith.index_cast %swap3A_155 : i32 to index
          %swap3A_157 = arith.index_cast %mul3A_109 : i32 to index
          %swap3A_158 = tpu.vector_load %arg8[%swap3A_156, %swap3A_157] {strides = array<i32>} : memref<32x768xf32, #tpu.memory_space<vmem>>, vector<1x16xf32>,
          %swap3A_159 = vector.shape_cast %swap3A_158 : vector<1x16xf32> to vector<16xf32>
          %swap3A_160 = vector.shape_cast %get3A_113 : vector<16xf32> to vector<1x16xf32>
          tpu.vector_store %arg8[%swap3A_156, %swap3A_157], %swap3A_160 {add = true, strides = array<i32>} : memref<32x768xf32, #tpu.memory_space<vmem>>, vector<1x16xf32>,
          %swap3A_161 = arith.constant 8 : i32
          %swap3A_162 = arith.index_cast %swap3A_161 : i32 to index
          %swap3A_163 = arith.index_cast %mul3A_109 : i32 to index
          %swap3A_164 = tpu.vector_load %arg8[%swap3A_162, %swap3A_163] {strides = array<i32>} : memref<32x768xf32, #tpu.memory_space<vmem>>, vector<1x16xf32>,
          %swap3A_165 = vector.shape_cast %swap3A_164 : vector<1x16xf32> to vector<16xf32>
          %swap3A_166 = vector.shape_cast %get3A_113 : vector<16xf32> to vector<1x16xf32>
          tpu.vector_store %arg8[%swap3A_162, %swap3A_163], %swap3A_166 {add = true, strides = array<i32>} : memref<32x768xf32, #tpu.memory_space<vmem>>, vector<1x16xf32>,
          %swap3A_167 = arith.constant 9 : i32
          %swap3A_168 = arith.index_cast %swap3A_167 : i32 to index
          %swap3A_169 = arith.index_cast %mul3A_109 : i32 to index
          %swap3A_170 = tpu.vector_load %arg8[%swap3A_168, %swap3A_169] {strides = array<i32>} : memref<32x768xf32, #tpu.memory_space<vmem>>, vector<1x16xf32>,
          %swap3A_171 = vector.shape_cast %swap3A_170 : vector<1x16xf32> to vector<16xf32>
          %swap3A_172 = vector.shape_cast %get3A_113 : vector<16xf32> to vector<1x16xf32>
          tpu.vector_store %arg8[%swap3A_168, %swap3A_169], %swap3A_172 {add = true, strides = array<i32>} : memref<32x768xf32, #tpu.memory_space<vmem>>, vector<1x16xf32>,
          %swap3A_173 = arith.constant 10 : i32
          %swap3A_174 = arith.index_cast %swap3A_173 : i32 to index
          %swap3A_175 = arith.index_cast %mul3A_109 : i32 to index
          %swap3A_176 = tpu.vector_load %arg8[%swap3A_174, %swap3A_175] {strides = array<i32>} : memref<32x768xf32, #tpu.memory_space<vmem>>, vector<1x16xf32>,
          %swap3A_177 = vector.shape_cast %swap3A_176 : vector<1x16xf32> to vector<16xf32>
          %swap3A_178 = vector.shape_cast %get3A_113 : vector<16xf32> to vector<1x16xf32>
          tpu.vector_store %arg8[%swap3A_174, %swap3A_175], %swap3A_178 {add = true, strides = array<i32>} : memref<32x768xf32, #tpu.memory_space<vmem>>, vector<1x16xf32>,
          %swap3A_179 = arith.constant 11 : i32
          %swap3A_180 = arith.index_cast %swap3A_179 : i32 to index
          %swap3A_181 = arith.index_cast %mul3A_109 : i32 to index
          %swap3A_182 = tpu.vector_load %arg8[%swap3A_180, %swap3A_181] {strides = array<i32>} : memref<32x768xf32, #tpu.memory_space<vmem>>, vector<1x16xf32>,
          %swap3A_183 = vector.shape_cast %swap3A_182 : vector<1x16xf32> to vector<16xf32>
          %swap3A_184 = vector.shape_cast %get3A_113 : vector<16xf32> to vector<1x16xf32>
          tpu.vector_store %arg8[%swap3A_180, %swap3A_181], %swap3A_184 {add = true, strides = array<i32>} : memref<32x768xf32, #tpu.memory_space<vmem>>, vector<1x16xf32>,
          %swap3A_185 = arith.constant 12 : i32
          %swap3A_186 = arith.index_cast %swap3A_185 : i32 to index
          %swap3A_187 = arith.index_cast %mul3A_109 : i32 to index
          %swap3A_188 = tpu.vector_load %arg8[%swap3A_186, %swap3A_187] {strides = array<i32>} : memref<32x768xf32, #tpu.memory_space<vmem>>, vector<1x16xf32>,
          %swap3A_189 = vector.shape_cast %swap3A_188 : vector<1x16xf32> to vector<16xf32>
          %swap3A_190 = vector.shape_cast %get3A_113 : vector<16xf32> to vector<1x16xf32>
          tpu.vector_store %arg8[%swap3A_186, %swap3A_187], %swap3A_190 {add = true, strides = array<i32>} : memref<32x768xf32, #tpu.memory_space<vmem>>, vector<1x16xf32>,
          %swap3A_191 = arith.constant 13 : i32
          %swap3A_192 = arith.index_cast %swap3A_191 : i32 to index
          %swap3A_193 = arith.index_cast %mul3A_109 : i32 to index
          %swap3A_194 = tpu.vector_load %arg8[%swap3A_192, %swap3A_193] {strides = array<i32>} : memref<32x768xf32, #tpu.memory_space<vmem>>, vector<1x16xf32>,
          %swap3A_195 = vector.shape_cast %swap3A_194 : vector<1x16xf32> to vector<16xf32>
          %swap3A_196 = vector.shape_cast %get3A_113 : vector<16xf32> to vector<1x16xf32>
          tpu.vector_store %arg8[%swap3A_192, %swap3A_193], %swap3A_196 {add = true, strides = array<i32>} : memref<32x768xf32, #tpu.memory_space<vmem>>, vector<1x16xf32>,
          %swap3A_197 = arith.constant 14 : i32
          %swap3A_198 = arith.index_cast %swap3A_197 : i32 to index
          %swap3A_199 = arith.index_cast %mul3A_109 : i32 to index
          %swap3A_200 = tpu.vector_load %arg8[%swap3A_198, %swap3A_199] {strides = array<i32>} : memref<32x768xf32, #tpu.memory_space<vmem>>, vector<1x16xf32>,
          %swap3A_201 = vector.shape_cast %swap3A_200 : vector<1x16xf32> to vector<16xf32>
          %swap3A_202 = vector.shape_cast %get3A_113 : vector<16xf32> to vector<1x16xf32>
          tpu.vector_store %arg8[%swap3A_198, %swap3A_199], %swap3A_202 {add = true, strides = array<i32>} : memref<32x768xf32, #tpu.memory_space<vmem>>, vector<1x16xf32>,
          %swap3A_203 = arith.constant 15 : i32
          %swap3A_204 = arith.index_cast %swap3A_203 : i32 to index
          %swap3A_205 = arith.index_cast %mul3A_109 : i32 to index
          %swap3A_206 = tpu.vector_load %arg8[%swap3A_204, %swap3A_205] {strides = array<i32>} : memref<32x768xf32, #tpu.memory_space<vmem>>, vector<1x16xf32>,
          %swap3A_207 = vector.shape_cast %swap3A_206 : vector<1x16xf32> to vector<16xf32>
          %swap3A_208 = vector.shape_cast %get3A_113 : vector<16xf32> to vector<1x16xf32>
          tpu.vector_store %arg8[%swap3A_204, %swap3A_205], %swap3A_208 {add = true, strides = array<i32>} : memref<32x768xf32, #tpu.memory_space<vmem>>, vector<1x16xf32>,
          %swap3A_209 = arith.constant 16 : i32
          %swap3A_210 = arith.index_cast %swap3A_209 : i32 to index
          %swap3A_211 = arith.index_cast %mul3A_109 : i32 to index
          %swap3A_212 = tpu.vector_load %arg8[%swap3A_210, %swap3A_211] {strides = array<i32>} : memref<32x768xf32, #tpu.memory_space<vmem>>, vector<1x16xf32>,
          %swap3A_213 = vector.shape_cast %swap3A_212 : vector<1x16xf32> to vector<16xf32>
          %swap3A_214 = vector.shape_cast %get3A_113 : vector<16xf32> to vector<1x16xf32>
          tpu.vector_store %arg8[%swap3A_210, %swap3A_211], %swap3A_214 {add = true, strides = array<i32>} : memref<32x768xf32, #tpu.memory_space<vmem>>, vector<1x16xf32>,
          %swap3A_215 = arith.constant 17 : i32
          %swap3A_216 = arith.index_cast %swap3A_215 : i32 to index
          %swap3A_217 = arith.index_cast %mul3A_109 : i32 to index
          %swap3A_218 = tpu.vector_load %arg8[%swap3A_216, %swap3A_217] {strides = array<i32>} : memref<32x768xf32, #tpu.memory_space<vmem>>, vector<1x16xf32>,
          %swap3A_219 = vector.shape_cast %swap3A_218 : vector<1x16xf32> to vector<16xf32>
          %swap3A_220 = vector.shape_cast %get3A_113 : vector<16xf32> to vector<1x16xf32>
          tpu.vector_store %arg8[%swap3A_216, %swap3A_217], %swap3A_220 {add = true, strides = array<i32>} : memref<32x768xf32, #tpu.memory_space<vmem>>, vector<1x16xf32>,
          %swap3A_221 = arith.constant 18 : i32
          %swap3A_222 = arith.index_cast %swap3A_221 : i32 to index
          %swap3A_223 = arith.index_cast %mul3A_109 : i32 to index
          %swap3A_224 = tpu.vector_load %arg8[%swap3A_222, %swap3A_223] {strides = array<i32>} : memref<32x768xf32, #tpu.memory_space<vmem>>, vector<1x16xf32>,
          %swap3A_225 = vector.shape_cast %swap3A_224 : vector<1x16xf32> to vector<16xf32>
          %swap3A_226 = vector.shape_cast %get3A_113 : vector<16xf32> to vector<1x16xf32>
          tpu.vector_store %arg8[%swap3A_222, %swap3A_223], %swap3A_226 {add = true, strides = array<i32>} : memref<32x768xf32, #tpu.memory_space<vmem>>, vector<1x16xf32>,
          %swap3A_227 = arith.constant 19 : i32
          %swap3A_228 = arith.index_cast %swap3A_227 : i32 to index
          %swap3A_229 = arith.index_cast %mul3A_109 : i32 to index
          %swap3A_230 = tpu.vector_load %arg8[%swap3A_228, %swap3A_229] {strides = array<i32>} : memref<32x768xf32, #tpu.memory_space<vmem>>, vector<1x16xf32>,
          %swap3A_231 = vector.shape_cast %swap3A_230 : vector<1x16xf32> to vector<16xf32>
          %swap3A_232 = vector.shape_cast %get3A_113 : vector<16xf32> to vector<1x16xf32>
          tpu.vector_store %arg8[%swap3A_228, %swap3A_229], %swap3A_232 {add = true, strides = array<i32>} : memref<32x768xf32, #tpu.memory_space<vmem>>, vector<1x16xf32>,
          %swap3A_233 = arith.constant 20 : i32
          %swap3A_234 = arith.index_cast %swap3A_233 : i32 to index
          %swap3A_235 = arith.index_cast %mul3A_109 : i32 to index
          %swap3A_236 = tpu.vector_load %arg8[%swap3A_234, %swap3A_235] {strides = array<i32>} : memref<32x768xf32, #tpu.memory_space<vmem>>, vector<1x16xf32>,
          %swap3A_237 = vector.shape_cast %swap3A_236 : vector<1x16xf32> to vector<16xf32>
          %swap3A_238 = vector.shape_cast %get3A_113 : vector<16xf32> to vector<1x16xf32>
          tpu.vector_store %arg8[%swap3A_234, %swap3A_235], %swap3A_238 {add = true, strides = array<i32>} : memref<32x768xf32, #tpu.memory_space<vmem>>, vector<1x16xf32>,
          %swap3A_239 = arith.constant 21 : i32
          %swap3A_240 = arith.index_cast %swap3A_239 : i32 to index
          %swap3A_241 = arith.index_cast %mul3A_109 : i32 to index
          %swap3A_242 = tpu.vector_load %arg8[%swap3A_240, %swap3A_241] {strides = array<i32>} : memref<32x768xf32, #tpu.memory_space<vmem>>, vector<1x16xf32>,
          %swap3A_243 = vector.shape_cast %swap3A_242 : vector<1x16xf32> to vector<16xf32>
          %swap3A_244 = vector.shape_cast %get3A_113 : vector<16xf32> to vector<1x16xf32>
          tpu.vector_store %arg8[%swap3A_240, %swap3A_241], %swap3A_244 {add = true, strides = array<i32>} : memref<32x768xf32, #tpu.memory_space<vmem>>, vector<1x16xf32>,
          %swap3A_245 = arith.constant 22 : i32
          %swap3A_246 = arith.index_cast %swap3A_245 : i32 to index
          %swap3A_247 = arith.index_cast %mul3A_109 : i32 to index
          %swap3A_248 = tpu.vector_load %arg8[%swap3A_246, %swap3A_247] {strides = array<i32>} : memref<32x768xf32, #tpu.memory_space<vmem>>, vector<1x16xf32>,
          %swap3A_249 = vector.shape_cast %swap3A_248 : vector<1x16xf32> to vector<16xf32>
          %swap3A_250 = vector.shape_cast %get3A_113 : vector<16xf32> to vector<1x16xf32>
          tpu.vector_store %arg8[%swap3A_246, %swap3A_247], %swap3A_250 {add = true, strides = array<i32>} : memref<32x768xf32, #tpu.memory_space<vmem>>, vector<1x16xf32>,
          %swap3A_251 = arith.constant 23 : i32
          %swap3A_252 = arith.index_cast %swap3A_251 : i32 to index
          %swap3A_253 = arith.index_cast %mul3A_109 : i32 to index
          %swap3A_254 = tpu.vector_load %arg8[%swap3A_252, %swap3A_253] {strides = array<i32>} : memref<32x768xf32, #tpu.memory_space<vmem>>, vector<1x16xf32>,
          %swap3A_255 = vector.shape_cast %swap3A_254 : vector<1x16xf32> to vector<16xf32>
          %swap3A_256 = vector.shape_cast %get3A_113 : vector<16xf32> to vector<1x16xf32>
          tpu.vector_store %arg8[%swap3A_252, %swap3A_253], %swap3A_256 {add = true, strides = array<i32>} : memref<32x768xf32, #tpu.memory_space<vmem>>, vector<1x16xf32>,
          %swap3A_257 = arith.constant 24 : i32
          %swap3A_258 = arith.index_cast %swap3A_257 : i32 to index
          %swap3A_259 = arith.index_cast %mul3A_109 : i32 to index
          %swap3A_260 = tpu.vector_load %arg8[%swap3A_258, %swap3A_259] {strides = array<i32>} : memref<32x768xf32, #tpu.memory_space<vmem>>, vector<1x16xf32>,
          %swap3A_261 = vector.shape_cast %swap3A_260 : vector<1x16xf32> to vector<16xf32>
          %swap3A_262 = vector.shape_cast %get3A_113 : vector<16xf32> to vector<1x16xf32>
          tpu.vector_store %arg8[%swap3A_258, %swap3A_259], %swap3A_262 {add = true, strides = array<i32>} : memref<32x768xf32, #tpu.memory_space<vmem>>, vector<1x16xf32>,
          %swap3A_263 = arith.constant 25 : i32
          %swap3A_264 = arith.index_cast %swap3A_263 : i32 to index
          %swap3A_265 = arith.index_cast %mul3A_109 : i32 to index
          %swap3A_266 = tpu.vector_load %arg8[%swap3A_264, %swap3A_265] {strides = array<i32>} : memref<32x768xf32, #tpu.memory_space<vmem>>, vector<1x16xf32>,
          %swap3A_267 = vector.shape_cast %swap3A_266 : vector<1x16xf32> to vector<16xf32>
          %swap3A_268 = vector.shape_cast %get3A_113 : vector<16xf32> to vector<1x16xf32>
          tpu.vector_store %arg8[%swap3A_264, %swap3A_265], %swap3A_268 {add = true, strides = array<i32>} : memref<32x768xf32, #tpu.memory_space<vmem>>, vector<1x16xf32>,
          %swap3A_269 = arith.constant 26 : i32
          %swap3A_270 = arith.index_cast %swap3A_269 : i32 to index
          %swap3A_271 = arith.index_cast %mul3A_109 : i32 to index
          %swap3A_272 = tpu.vector_load %arg8[%swap3A_270, %swap3A_271] {strides = array<i32>} : memref<32x768xf32, #tpu.memory_space<vmem>>, vector<1x16xf32>,
          %swap3A_273 = vector.shape_cast %swap3A_272 : vector<1x16xf32> to vector<16xf32>
          %swap3A_274 = vector.shape_cast %get3A_113 : vector<16xf32> to vector<1x16xf32>
          tpu.vector_store %arg8[%swap3A_270, %swap3A_271], %swap3A_274 {add = true, strides = array<i32>} : memref<32x768xf32, #tpu.memory_space<vmem>>, vector<1x16xf32>,
          %swap3A_275 = arith.constant 27 : i32
          %swap3A_276 = arith.index_cast %swap3A_275 : i32 to index
          %swap3A_277 = arith.index_cast %mul3A_109 : i32 to index
          %swap3A_278 = tpu.vector_load %arg8[%swap3A_276, %swap3A_277] {strides = array<i32>} : memref<32x768xf32, #tpu.memory_space<vmem>>, vector<1x16xf32>,
          %swap3A_279 = vector.shape_cast %swap3A_278 : vector<1x16xf32> to vector<16xf32>
          %swap3A_280 = vector.shape_cast %get3A_113 : vector<16xf32> to vector<1x16xf32>
          tpu.vector_store %arg8[%swap3A_276, %swap3A_277], %swap3A_280 {add = true, strides = array<i32>} : memref<32x768xf32, #tpu.memory_space<vmem>>, vector<1x16xf32>,
          %swap3A_281 = arith.constant 28 : i32
          %swap3A_282 = arith.index_cast %swap3A_281 : i32 to index
          %swap3A_283 = arith.index_cast %mul3A_109 : i32 to index
          %swap3A_284 = tpu.vector_load %arg8[%swap3A_282, %swap3A_283] {strides = array<i32>} : memref<32x768xf32, #tpu.memory_space<vmem>>, vector<1x16xf32>,
          %swap3A_285 = vector.shape_cast %swap3A_284 : vector<1x16xf32> to vector<16xf32>
          %swap3A_286 = vector.shape_cast %get3A_113 : vector<16xf32> to vector<1x16xf32>
          tpu.vector_store %arg8[%swap3A_282, %swap3A_283], %swap3A_286 {add = true, strides = array<i32>} : memref<32x768xf32, #tpu.memory_space<vmem>>, vector<1x16xf32>,
          %swap3A_287 = arith.constant 29 : i32
          %swap3A_288 = arith.index_cast %swap3A_287 : i32 to index
          %swap3A_289 = arith.index_cast %mul3A_109 : i32 to index
          %swap3A_290 = tpu.vector_load %arg8[%swap3A_288, %swap3A_289] {strides = array<i32>} : memref<32x768xf32, #tpu.memory_space<vmem>>, vector<1x16xf32>,
          %swap3A_291 = vector.shape_cast %swap3A_290 : vector<1x16xf32> to vector<16xf32>
          %swap3A_292 = vector.shape_cast %get3A_113 : vector<16xf32> to vector<1x16xf32>
          tpu.vector_store %arg8[%swap3A_288, %swap3A_289], %swap3A_292 {add = true, strides = array<i32>} : memref<32x768xf32, #tpu.memory_space<vmem>>, vector<1x16xf32>,
          %swap3A_293 = arith.constant 30 : i32
          %swap3A_294 = arith.index_cast %swap3A_293 : i32 to index
          %swap3A_295 = arith.index_cast %mul3A_109 : i32 to index
          %swap3A_296 = tpu.vector_load %arg8[%swap3A_294, %swap3A_295] {strides = array<i32>} : memref<32x768xf32, #tpu.memory_space<vmem>>, vector<1x16xf32>,
          %swap3A_297 = vector.shape_cast %swap3A_296 : vector<1x16xf32> to vector<16xf32>
          %swap3A_298 = vector.shape_cast %get3A_113 : vector<16xf32> to vector<1x16xf32>
          tpu.vector_store %arg8[%swap3A_294, %swap3A_295], %swap3A_298 {add = true, strides = array<i32>} : memref<32x768xf32, #tpu.memory_space<vmem>>, vector<1x16xf32>,
          %swap3A_299 = arith.constant 31 : i32
          %swap3A_300 = arith.index_cast %swap3A_299 : i32 to index
          %swap3A_301 = arith.index_cast %mul3A_109 : i32 to index
          %swap3A_302 = tpu.vector_load %arg8[%swap3A_300, %swap3A_301] {strides = array<i32>} : memref<32x768xf32, #tpu.memory_space<vmem>>, vector<1x16xf32>,
          %swap3A_303 = vector.shape_cast %swap3A_302 : vector<1x16xf32> to vector<16xf32>
          %swap3A_304 = vector.shape_cast %get3A_113 : vector<16xf32> to vector<1x16xf32>
          tpu.vector_store %arg8[%swap3A_300, %swap3A_301], %swap3A_304 {add = true, strides = array<i32>} : memref<32x768xf32, #tpu.memory_space<vmem>>, vector<1x16xf32>,
          %scan3A_305 = arith.constant 1 : i32
          %scan3A_306 = arith.addi %scan3A_107, %scan3A_305 : i32
          %mul3A_307 = arith.constant 16 : i32
          %mul3A_308 = arith.muli %scan3A_306, %mul3A_307 : i32
          %get3A_309 = arith.constant 0 : i32
          %get3A_310 = arith.index_cast %get3A_309 : i32 to index
          %get3A_311 = arith.index_cast %mul3A_308 : i32 to index
          %get3A_312 = tpu.vector_load %arg12[%get3A_310, %get3A_311] {strides = array<i32>} : memref<1x768xf32, #tpu.memory_space<vmem>>, vector<1x16xf32>,
          %get3A_313 = vector.shape_cast %get3A_312 : vector<1x16xf32> to vector<16xf32>
          %swap3A_314 = arith.constant 0 : i32
          %swap3A_315 = arith.index_cast %swap3A_314 : i32 to index
          %swap3A_316 = arith.index_cast %mul3A_308 : i32 to index
          %swap3A_317 = tpu.vector_load %arg8[%swap3A_315, %swap3A_316] {strides = array<i32>} : memref<32x768xf32, #tpu.memory_space<vmem>>, vector<1x16xf32>,
          %swap3A_318 = vector.shape_cast %swap3A_317 : vector<1x16xf32> to vector<16xf32>
          %swap3A_319 = vector.shape_cast %get3A_313 : vector<16xf32> to vector<1x16xf32>
          tpu.vector_store %arg8[%swap3A_315, %swap3A_316], %swap3A_319 {add = true, strides = array<i32>} : memref<32x768xf32, #tpu.memory_space<vmem>>, vector<1x16xf32>,
          %swap3A_320 = arith.constant 1 : i32
          %swap3A_321 = arith.index_cast %swap3A_320 : i32 to index
          %swap3A_322 = arith.index_cast %mul3A_308 : i32 to index
          %swap3A_323 = tpu.vector_load %arg8[%swap3A_321, %swap3A_322] {strides = array<i32>} : memref<32x768xf32, #tpu.memory_space<vmem>>, vector<1x16xf32>,
          %swap3A_324 = vector.shape_cast %swap3A_323 : vector<1x16xf32> to vector<16xf32>
          %swap3A_325 = vector.shape_cast %get3A_313 : vector<16xf32> to vector<1x16xf32>
          tpu.vector_store %arg8[%swap3A_321, %swap3A_322], %swap3A_325 {add = true, strides = array<i32>} : memref<32x768xf32, #tpu.memory_space<vmem>>, vector<1x16xf32>,
          %swap3A_326 = arith.constant 2 : i32
          %swap3A_327 = arith.index_cast %swap3A_326 : i32 to index
          %swap3A_328 = arith.index_cast %mul3A_308 : i32 to index
          %swap3A_329 = tpu.vector_load %arg8[%swap3A_327, %swap3A_328] {strides = array<i32>} : memref<32x768xf32, #tpu.memory_space<vmem>>, vector<1x16xf32>,
          %swap3A_330 = vector.shape_cast %swap3A_329 : vector<1x16xf32> to vector<16xf32>
          %swap3A_331 = vector.shape_cast %get3A_313 : vector<16xf32> to vector<1x16xf32>
          tpu.vector_store %arg8[%swap3A_327, %swap3A_328], %swap3A_331 {add = true, strides = array<i32>} : memref<32x768xf32, #tpu.memory_space<vmem>>, vector<1x16xf32>,
          %swap3A_332 = arith.constant 3 : i32
          %swap3A_333 = arith.index_cast %swap3A_332 : i32 to index
          %swap3A_334 = arith.index_cast %mul3A_308 : i32 to index
          %swap3A_335 = tpu.vector_load %arg8[%swap3A_333, %swap3A_334] {strides = array<i32>} : memref<32x768xf32, #tpu.memory_space<vmem>>, vector<1x16xf32>,
          %swap3A_336 = vector.shape_cast %swap3A_335 : vector<1x16xf32> to vector<16xf32>
          %swap3A_337 = vector.shape_cast %get3A_313 : vector<16xf32> to vector<1x16xf32>
          tpu.vector_store %arg8[%swap3A_333, %swap3A_334], %swap3A_337 {add = true, strides = array<i32>} : memref<32x768xf32, #tpu.memory_space<vmem>>, vector<1x16xf32>,
          %swap3A_338 = arith.constant 4 : i32
          %swap3A_339 = arith.index_cast %swap3A_338 : i32 to index
          %swap3A_340 = arith.index_cast %mul3A_308 : i32 to index
          %swap3A_341 = tpu.vector_load %arg8[%swap3A_339, %swap3A_340] {strides = array<i32>} : memref<32x768xf32, #tpu.memory_space<vmem>>, vector<1x16xf32>,
          %swap3A_342 = vector.shape_cast %swap3A_341 : vector<1x16xf32> to vector<16xf32>
          %swap3A_343 = vector.shape_cast %get3A_313 : vector<16xf32> to vector<1x16xf32>
          tpu.vector_store %arg8[%swap3A_339, %swap3A_340], %swap3A_343 {add = true, strides = array<i32>} : memref<32x768xf32, #tpu.memory_space<vmem>>, vector<1x16xf32>,
          %swap3A_344 = arith.constant 5 : i32
          %swap3A_345 = arith.index_cast %swap3A_344 : i32 to index
          %swap3A_346 = arith.index_cast %mul3A_308 : i32 to index
          %swap3A_347 = tpu.vector_load %arg8[%swap3A_345, %swap3A_346] {strides = array<i32>} : memref<32x768xf32, #tpu.memory_space<vmem>>, vector<1x16xf32>,
          %swap3A_348 = vector.shape_cast %swap3A_347 : vector<1x16xf32> to vector<16xf32>
          %swap3A_349 = vector.shape_cast %get3A_313 : vector<16xf32> to vector<1x16xf32>
          tpu.vector_store %arg8[%swap3A_345, %swap3A_346], %swap3A_349 {add = true, strides = array<i32>} : memref<32x768xf32, #tpu.memory_space<vmem>>, vector<1x16xf32>,
          %swap3A_350 = arith.constant 6 : i32
          %swap3A_351 = arith.index_cast %swap3A_350 : i32 to index
          %swap3A_352 = arith.index_cast %mul3A_308 : i32 to index
          %swap3A_353 = tpu.vector_load %arg8[%swap3A_351, %swap3A_352] {strides = array<i32>} : memref<32x768xf32, #tpu.memory_space<vmem>>, vector<1x16xf32>,
          %swap3A_354 = vector.shape_cast %swap3A_353 : vector<1x16xf32> to vector<16xf32>
          %swap3A_355 = vector.shape_cast %get3A_313 : vector<16xf32> to vector<1x16xf32>
          tpu.vector_store %arg8[%swap3A_351, %swap3A_352], %swap3A_355 {add = true, strides = array<i32>} : memref<32x768xf32, #tpu.memory_space<vmem>>, vector<1x16xf32>,
          %swap3A_356 = arith.constant 7 : i32
          %swap3A_357 = arith.index_cast %swap3A_356 : i32 to index
          %swap3A_358 = arith.index_cast %mul3A_308 : i32 to index
          %swap3A_359 = tpu.vector_load %arg8[%swap3A_357, %swap3A_358] {strides = array<i32>} : memref<32x768xf32, #tpu.memory_space<vmem>>, vector<1x16xf32>,
          %swap3A_360 = vector.shape_cast %swap3A_359 : vector<1x16xf32> to vector<16xf32>
          %swap3A_361 = vector.shape_cast %get3A_313 : vector<16xf32> to vector<1x16xf32>
          tpu.vector_store %arg8[%swap3A_357, %swap3A_358], %swap3A_361 {add = true, strides = array<i32>} : memref<32x768xf32, #tpu.memory_space<vmem>>, vector<1x16xf32>,
          %swap3A_362 = arith.constant 8 : i32
          %swap3A_363 = arith.index_cast %swap3A_362 : i32 to index
          %swap3A_364 = arith.index_cast %mul3A_308 : i32 to index
          %swap3A_365 = tpu.vector_load %arg8[%swap3A_363, %swap3A_364] {strides = array<i32>} : memref<32x768xf32, #tpu.memory_space<vmem>>, vector<1x16xf32>,
          %swap3A_366 = vector.shape_cast %swap3A_365 : vector<1x16xf32> to vector<16xf32>
          %swap3A_367 = vector.shape_cast %get3A_313 : vector<16xf32> to vector<1x16xf32>
          tpu.vector_store %arg8[%swap3A_363, %swap3A_364], %swap3A_367 {add = true, strides = array<i32>} : memref<32x768xf32, #tpu.memory_space<vmem>>, vector<1x16xf32>,
          %swap3A_368 = arith.constant 9 : i32
          %swap3A_369 = arith.index_cast %swap3A_368 : i32 to index
          %swap3A_370 = arith.index_cast %mul3A_308 : i32 to index
          %swap3A_371 = tpu.vector_load %arg8[%swap3A_369, %swap3A_370] {strides = array<i32>} : memref<32x768xf32, #tpu.memory_space<vmem>>, vector<1x16xf32>,
          %swap3A_372 = vector.shape_cast %swap3A_371 : vector<1x16xf32> to vector<16xf32>
          %swap3A_373 = vector.shape_cast %get3A_313 : vector<16xf32> to vector<1x16xf32>
          tpu.vector_store %arg8[%swap3A_369, %swap3A_370], %swap3A_373 {add = true, strides = array<i32>} : memref<32x768xf32, #tpu.memory_space<vmem>>, vector<1x16xf32>,
          %swap3A_374 = arith.constant 10 : i32
          %swap3A_375 = arith.index_cast %swap3A_374 : i32 to index
          %swap3A_376 = arith.index_cast %mul3A_308 : i32 to index
          %swap3A_377 = tpu.vector_load %arg8[%swap3A_375, %swap3A_376] {strides = array<i32>} : memref<32x768xf32, #tpu.memory_space<vmem>>, vector<1x16xf32>,
          %swap3A_378 = vector.shape_cast %swap3A_377 : vector<1x16xf32> to vector<16xf32>
          %swap3A_379 = vector.shape_cast %get3A_313 : vector<16xf32> to vector<1x16xf32>
          tpu.vector_store %arg8[%swap3A_375, %swap3A_376], %swap3A_379 {add = true, strides = array<i32>} : memref<32x768xf32, #tpu.memory_space<vmem>>, vector<1x16xf32>,
          %swap3A_380 = arith.constant 11 : i32
          %swap3A_381 = arith.index_cast %swap3A_380 : i32 to index
          %swap3A_382 = arith.index_cast %mul3A_308 : i32 to index
          %swap3A_383 = tpu.vector_load %arg8[%swap3A_381, %swap3A_382] {strides = array<i32>} : memref<32x768xf32, #tpu.memory_space<vmem>>, vector<1x16xf32>,
          %swap3A_384 = vector.shape_cast %swap3A_383 : vector<1x16xf32> to vector<16xf32>
          %swap3A_385 = vector.shape_cast %get3A_313 : vector<16xf32> to vector<1x16xf32>
          tpu.vector_store %arg8[%swap3A_381, %swap3A_382], %swap3A_385 {add = true, strides = array<i32>} : memref<32x768xf32, #tpu.memory_space<vmem>>, vector<1x16xf32>,
          %swap3A_386 = arith.constant 12 : i32
          %swap3A_387 = arith.index_cast %swap3A_386 : i32 to index
          %swap3A_388 = arith.index_cast %mul3A_308 : i32 to index
          %swap3A_389 = tpu.vector_load %arg8[%swap3A_387, %swap3A_388] {strides = array<i32>} : memref<32x768xf32, #tpu.memory_space<vmem>>, vector<1x16xf32>,
          %swap3A_390 = vector.shape_cast %swap3A_389 : vector<1x16xf32> to vector<16xf32>
          %swap3A_391 = vector.shape_cast %get3A_313 : vector<16xf32> to vector<1x16xf32>
          tpu.vector_store %arg8[%swap3A_387, %swap3A_388], %swap3A_391 {add = true, strides = array<i32>} : memref<32x768xf32, #tpu.memory_space<vmem>>, vector<1x16xf32>,
          %swap3A_392 = arith.constant 13 : i32
          %swap3A_393 = arith.index_cast %swap3A_392 : i32 to index
          %swap3A_394 = arith.index_cast %mul3A_308 : i32 to index
          %swap3A_395 = tpu.vector_load %arg8[%swap3A_393, %swap3A_394] {strides = array<i32>} : memref<32x768xf32, #tpu.memory_space<vmem>>, vector<1x16xf32>,
          %swap3A_396 = vector.shape_cast %swap3A_395 : vector<1x16xf32> to vector<16xf32>
          %swap3A_397 = vector.shape_cast %get3A_313 : vector<16xf32> to vector<1x16xf32>
          tpu.vector_store %arg8[%swap3A_393, %swap3A_394], %swap3A_397 {add = true, strides = array<i32>} : memref<32x768xf32, #tpu.memory_space<vmem>>, vector<1x16xf32>,
          %swap3A_398 = arith.constant 14 : i32
          %swap3A_399 = arith.index_cast %swap3A_398 : i32 to index
          %swap3A_400 = arith.index_cast %mul3A_308 : i32 to index
          %swap3A_401 = tpu.vector_load %arg8[%swap3A_399, %swap3A_400] {strides = array<i32>} : memref<32x768xf32, #tpu.memory_space<vmem>>, vector<1x16xf32>,
          %swap3A_402 = vector.shape_cast %swap3A_401 : vector<1x16xf32> to vector<16xf32>
          %swap3A_403 = vector.shape_cast %get3A_313 : vector<16xf32> to vector<1x16xf32>
          tpu.vector_store %arg8[%swap3A_399, %swap3A_400], %swap3A_403 {add = true, strides = array<i32>} : memref<32x768xf32, #tpu.memory_space<vmem>>, vector<1x16xf32>,
          %swap3A_404 = arith.constant 15 : i32
          %swap3A_405 = arith.index_cast %swap3A_404 : i32 to index
          %swap3A_406 = arith.index_cast %mul3A_308 : i32 to index
          %swap3A_407 = tpu.vector_load %arg8[%swap3A_405, %swap3A_406] {strides = array<i32>} : memref<32x768xf32, #tpu.memory_space<vmem>>, vector<1x16xf32>,
          %swap3A_408 = vector.shape_cast %swap3A_407 : vector<1x16xf32> to vector<16xf32>
          %swap3A_409 = vector.shape_cast %get3A_313 : vector<16xf32> to vector<1x16xf32>
          tpu.vector_store %arg8[%swap3A_405, %swap3A_406], %swap3A_409 {add = true, strides = array<i32>} : memref<32x768xf32, #tpu.memory_space<vmem>>, vector<1x16xf32>,
          %swap3A_410 = arith.constant 16 : i32
          %swap3A_411 = arith.index_cast %swap3A_410 : i32 to index
          %swap3A_412 = arith.index_cast %mul3A_308 : i32 to index
          %swap3A_413 = tpu.vector_load %arg8[%swap3A_411, %swap3A_412] {strides = array<i32>} : memref<32x768xf32, #tpu.memory_space<vmem>>, vector<1x16xf32>,
          %swap3A_414 = vector.shape_cast %swap3A_413 : vector<1x16xf32> to vector<16xf32>
          %swap3A_415 = vector.shape_cast %get3A_313 : vector<16xf32> to vector<1x16xf32>
          tpu.vector_store %arg8[%swap3A_411, %swap3A_412], %swap3A_415 {add = true, strides = array<i32>} : memref<32x768xf32, #tpu.memory_space<vmem>>, vector<1x16xf32>,
          %swap3A_416 = arith.constant 17 : i32
          %swap3A_417 = arith.index_cast %swap3A_416 : i32 to index
          %swap3A_418 = arith.index_cast %mul3A_308 : i32 to index
          %swap3A_419 = tpu.vector_load %arg8[%swap3A_417, %swap3A_418] {strides = array<i32>} : memref<32x768xf32, #tpu.memory_space<vmem>>, vector<1x16xf32>,
          %swap3A_420 = vector.shape_cast %swap3A_419 : vector<1x16xf32> to vector<16xf32>
          %swap3A_421 = vector.shape_cast %get3A_313 : vector<16xf32> to vector<1x16xf32>
          tpu.vector_store %arg8[%swap3A_417, %swap3A_418], %swap3A_421 {add = true, strides = array<i32>} : memref<32x768xf32, #tpu.memory_space<vmem>>, vector<1x16xf32>,
          %swap3A_422 = arith.constant 18 : i32
          %swap3A_423 = arith.index_cast %swap3A_422 : i32 to index
          %swap3A_424 = arith.index_cast %mul3A_308 : i32 to index
          %swap3A_425 = tpu.vector_load %arg8[%swap3A_423, %swap3A_424] {strides = array<i32>} : memref<32x768xf32, #tpu.memory_space<vmem>>, vector<1x16xf32>,
          %swap3A_426 = vector.shape_cast %swap3A_425 : vector<1x16xf32> to vector<16xf32>
          %swap3A_427 = vector.shape_cast %get3A_313 : vector<16xf32> to vector<1x16xf32>
          tpu.vector_store %arg8[%swap3A_423, %swap3A_424], %swap3A_427 {add = true, strides = array<i32>} : memref<32x768xf32, #tpu.memory_space<vmem>>, vector<1x16xf32>,
          %swap3A_428 = arith.constant 19 : i32
          %swap3A_429 = arith.index_cast %swap3A_428 : i32 to index
          %swap3A_430 = arith.index_cast %mul3A_308 : i32 to index
          %swap3A_431 = tpu.vector_load %arg8[%swap3A_429, %swap3A_430] {strides = array<i32>} : memref<32x768xf32, #tpu.memory_space<vmem>>, vector<1x16xf32>,
          %swap3A_432 = vector.shape_cast %swap3A_431 : vector<1x16xf32> to vector<16xf32>
          %swap3A_433 = vector.shape_cast %get3A_313 : vector<16xf32> to vector<1x16xf32>
          tpu.vector_store %arg8[%swap3A_429, %swap3A_430], %swap3A_433 {add = true, strides = array<i32>} : memref<32x768xf32, #tpu.memory_space<vmem>>, vector<1x16xf32>,
          %swap3A_434 = arith.constant 20 : i32
          %swap3A_435 = arith.index_cast %swap3A_434 : i32 to index
          %swap3A_436 = arith.index_cast %mul3A_308 : i32 to index
          %swap3A_437 = tpu.vector_load %arg8[%swap3A_435, %swap3A_436] {strides = array<i32>} : memref<32x768xf32, #tpu.memory_space<vmem>>, vector<1x16xf32>,
          %swap3A_438 = vector.shape_cast %swap3A_437 : vector<1x16xf32> to vector<16xf32>
          %swap3A_439 = vector.shape_cast %get3A_313 : vector<16xf32> to vector<1x16xf32>
          tpu.vector_store %arg8[%swap3A_435, %swap3A_436], %swap3A_439 {add = true, strides = array<i32>} : memref<32x768xf32, #tpu.memory_space<vmem>>, vector<1x16xf32>,
          %swap3A_440 = arith.constant 21 : i32
          %swap3A_441 = arith.index_cast %swap3A_440 : i32 to index
          %swap3A_442 = arith.index_cast %mul3A_308 : i32 to index
          %swap3A_443 = tpu.vector_load %arg8[%swap3A_441, %swap3A_442] {strides = array<i32>} : memref<32x768xf32, #tpu.memory_space<vmem>>, vector<1x16xf32>,
          %swap3A_444 = vector.shape_cast %swap3A_443 : vector<1x16xf32> to vector<16xf32>
          %swap3A_445 = vector.shape_cast %get3A_313 : vector<16xf32> to vector<1x16xf32>
          tpu.vector_store %arg8[%swap3A_441, %swap3A_442], %swap3A_445 {add = true, strides = array<i32>} : memref<32x768xf32, #tpu.memory_space<vmem>>, vector<1x16xf32>,
          %swap3A_446 = arith.constant 22 : i32
          %swap3A_447 = arith.index_cast %swap3A_446 : i32 to index
          %swap3A_448 = arith.index_cast %mul3A_308 : i32 to index
          %swap3A_449 = tpu.vector_load %arg8[%swap3A_447, %swap3A_448] {strides = array<i32>} : memref<32x768xf32, #tpu.memory_space<vmem>>, vector<1x16xf32>,
          %swap3A_450 = vector.shape_cast %swap3A_449 : vector<1x16xf32> to vector<16xf32>
          %swap3A_451 = vector.shape_cast %get3A_313 : vector<16xf32> to vector<1x16xf32>
          tpu.vector_store %arg8[%swap3A_447, %swap3A_448], %swap3A_451 {add = true, strides = array<i32>} : memref<32x768xf32, #tpu.memory_space<vmem>>, vector<1x16xf32>,
          %swap3A_452 = arith.constant 23 : i32
          %swap3A_453 = arith.index_cast %swap3A_452 : i32 to index
          %swap3A_454 = arith.index_cast %mul3A_308 : i32 to index
          %swap3A_455 = tpu.vector_load %arg8[%swap3A_453, %swap3A_454] {strides = array<i32>} : memref<32x768xf32, #tpu.memory_space<vmem>>, vector<1x16xf32>,
          %swap3A_456 = vector.shape_cast %swap3A_455 : vector<1x16xf32> to vector<16xf32>
          %swap3A_457 = vector.shape_cast %get3A_313 : vector<16xf32> to vector<1x16xf32>
          tpu.vector_store %arg8[%swap3A_453, %swap3A_454], %swap3A_457 {add = true, strides = array<i32>} : memref<32x768xf32, #tpu.memory_space<vmem>>, vector<1x16xf32>,
          %swap3A_458 = arith.constant 24 : i32
          %swap3A_459 = arith.index_cast %swap3A_458 : i32 to index
          %swap3A_460 = arith.index_cast %mul3A_308 : i32 to index
          %swap3A_461 = tpu.vector_load %arg8[%swap3A_459, %swap3A_460] {strides = array<i32>} : memref<32x768xf32, #tpu.memory_space<vmem>>, vector<1x16xf32>,
          %swap3A_462 = vector.shape_cast %swap3A_461 : vector<1x16xf32> to vector<16xf32>
          %swap3A_463 = vector.shape_cast %get3A_313 : vector<16xf32> to vector<1x16xf32>
          tpu.vector_store %arg8[%swap3A_459, %swap3A_460], %swap3A_463 {add = true, strides = array<i32>} : memref<32x768xf32, #tpu.memory_space<vmem>>, vector<1x16xf32>,
          %swap3A_464 = arith.constant 25 : i32
          %swap3A_465 = arith.index_cast %swap3A_464 : i32 to index
          %swap3A_466 = arith.index_cast %mul3A_308 : i32 to index
          %swap3A_467 = tpu.vector_load %arg8[%swap3A_465, %swap3A_466] {strides = array<i32>} : memref<32x768xf32, #tpu.memory_space<vmem>>, vector<1x16xf32>,
          %swap3A_468 = vector.shape_cast %swap3A_467 : vector<1x16xf32> to vector<16xf32>
          %swap3A_469 = vector.shape_cast %get3A_313 : vector<16xf32> to vector<1x16xf32>
          tpu.vector_store %arg8[%swap3A_465, %swap3A_466], %swap3A_469 {add = true, strides = array<i32>} : memref<32x768xf32, #tpu.memory_space<vmem>>, vector<1x16xf32>,
          %swap3A_470 = arith.constant 26 : i32
          %swap3A_471 = arith.index_cast %swap3A_470 : i32 to index
          %swap3A_472 = arith.index_cast %mul3A_308 : i32 to index
          %swap3A_473 = tpu.vector_load %arg8[%swap3A_471, %swap3A_472] {strides = array<i32>} : memref<32x768xf32, #tpu.memory_space<vmem>>, vector<1x16xf32>,
          %swap3A_474 = vector.shape_cast %swap3A_473 : vector<1x16xf32> to vector<16xf32>
          %swap3A_475 = vector.shape_cast %get3A_313 : vector<16xf32> to vector<1x16xf32>
          tpu.vector_store %arg8[%swap3A_471, %swap3A_472], %swap3A_475 {add = true, strides = array<i32>} : memref<32x768xf32, #tpu.memory_space<vmem>>, vector<1x16xf32>,
          %swap3A_476 = arith.constant 27 : i32
          %swap3A_477 = arith.index_cast %swap3A_476 : i32 to index
          %swap3A_478 = arith.index_cast %mul3A_308 : i32 to index
          %swap3A_479 = tpu.vector_load %arg8[%swap3A_477, %swap3A_478] {strides = array<i32>} : memref<32x768xf32, #tpu.memory_space<vmem>>, vector<1x16xf32>,
          %swap3A_480 = vector.shape_cast %swap3A_479 : vector<1x16xf32> to vector<16xf32>
          %swap3A_481 = vector.shape_cast %get3A_313 : vector<16xf32> to vector<1x16xf32>
          tpu.vector_store %arg8[%swap3A_477, %swap3A_478], %swap3A_481 {add = true, strides = array<i32>} : memref<32x768xf32, #tpu.memory_space<vmem>>, vector<1x16xf32>,
          %swap3A_482 = arith.constant 28 : i32
          %swap3A_483 = arith.index_cast %swap3A_482 : i32 to index
          %swap3A_484 = arith.index_cast %mul3A_308 : i32 to index
          %swap3A_485 = tpu.vector_load %arg8[%swap3A_483, %swap3A_484] {strides = array<i32>} : memref<32x768xf32, #tpu.memory_space<vmem>>, vector<1x16xf32>,
          %swap3A_486 = vector.shape_cast %swap3A_485 : vector<1x16xf32> to vector<16xf32>
          %swap3A_487 = vector.shape_cast %get3A_313 : vector<16xf32> to vector<1x16xf32>
          tpu.vector_store %arg8[%swap3A_483, %swap3A_484], %swap3A_487 {add = true, strides = array<i32>} : memref<32x768xf32, #tpu.memory_space<vmem>>, vector<1x16xf32>,
          %swap3A_488 = arith.constant 29 : i32
          %swap3A_489 = arith.index_cast %swap3A_488 : i32 to index
          %swap3A_490 = arith.index_cast %mul3A_308 : i32 to index
          %swap3A_491 = tpu.vector_load %arg8[%swap3A_489, %swap3A_490] {strides = array<i32>} : memref<32x768xf32, #tpu.memory_space<vmem>>, vector<1x16xf32>,
          %swap3A_492 = vector.shape_cast %swap3A_491 : vector<1x16xf32> to vector<16xf32>
          %swap3A_493 = vector.shape_cast %get3A_313 : vector<16xf32> to vector<1x16xf32>
          tpu.vector_store %arg8[%swap3A_489, %swap3A_490], %swap3A_493 {add = true, strides = array<i32>} : memref<32x768xf32, #tpu.memory_space<vmem>>, vector<1x16xf32>,
          %swap3A_494 = arith.constant 30 : i32
          %swap3A_495 = arith.index_cast %swap3A_494 : i32 to index
          %swap3A_496 = arith.index_cast %mul3A_308 : i32 to index
          %swap3A_497 = tpu.vector_load %arg8[%swap3A_495, %swap3A_496] {strides = array<i32>} : memref<32x768xf32, #tpu.memory_space<vmem>>, vector<1x16xf32>,
          %swap3A_498 = vector.shape_cast %swap3A_497 : vector<1x16xf32> to vector<16xf32>
          %swap3A_499 = vector.shape_cast %get3A_313 : vector<16xf32> to vector<1x16xf32>
          tpu.vector_store %arg8[%swap3A_495, %swap3A_496], %swap3A_499 {add = true, strides = array<i32>} : memref<32x768xf32, #tpu.memory_space<vmem>>, vector<1x16xf32>,
          %swap3A_500 = arith.constant 31 : i32
          %swap3A_501 = arith.index_cast %swap3A_500 : i32 to index
          %swap3A_502 = arith.index_cast %mul3A_308 : i32 to index
          %swap3A_503 = tpu.vector_load %arg8[%swap3A_501, %swap3A_502] {strides = array<i32>} : memref<32x768xf32, #tpu.memory_space<vmem>>, vector<1x16xf32>,
          %swap3A_504 = vector.shape_cast %swap3A_503 : vector<1x16xf32> to vector<16xf32>
          %swap3A_505 = vector.shape_cast %get3A_313 : vector<16xf32> to vector<1x16xf32>
          tpu.vector_store %arg8[%swap3A_501, %swap3A_502], %swap3A_505 {add = true, strides = array<i32>} : memref<32x768xf32, #tpu.memory_space<vmem>>, vector<1x16xf32>,
        }
        %scan3A_100 = arith.constant 48 : i32
        %dma_start3A_101 = arith.constant 0 : i32
        %dma_start3A_102 = tpu.memref_slice %arg5[%scan3A_60, %mul3A_2, %dma_start3A_101] : memref<77x1024x768xf32, #tpu.memory_space<hbm>> -> memref<1x32x768xf32, #tpu.memory_space<hbm>>
        %dma_start3A_103 = tpu.memref_squeeze %dma_start3A_102 : memref<1x32x768xf32, #tpu.memory_space<hbm>> -> memref<32x768xf32, #tpu.memory_space<hbm>>
        %dma_start3A_104 = arith.constant 0 : i32
        %dma_start3A_105 = tpu.memref_slice %arg5[%scan3A_60, %mul3A_2, %dma_start3A_104] : memref<77x1024x768xf32, #tpu.memory_space<hbm>> -> memref<1x32x768xf32, #tpu.memory_space<hbm>>
        %dma_start3A_106 = tpu.memref_squeeze %dma_start3A_105 : memref<1x32x768xf32, #tpu.memory_space<hbm>> -> memref<32x768xf32, #tpu.memory_space<hbm>>
        tpu.enqueue_dma source(%arg8 : memref<32x768xf32, #tpu.memory_space<vmem>>) target(%dma_start3A_106 : memref<32x768xf32, #tpu.memory_space<hbm>>) target_semaphore(%arg20 : memref<!tpu.dma_semaphore, #tpu.memory_space<semaphore_mem>>)
      } else {
      }
      %eq3A_69 = arith.constant 2 : i32
      %eq3A_70 = arith.cmpi eq, %rem3A_61, %eq3A_69 : i32
      %convert_element_type3A_71 = arith.extui %eq3A_70 : i1 to i32
      %cond3A_72 = arith.constant 0 : i32
      %cond3A_73 = arith.cmpi ne, %convert_element_type3A_71, %cond3A_72 : i32
      scf.if %cond3A_73 {
        %add3A_79 = arith.constant 2 : i32
        %add3A_80 = arith.addi %scan3A_60, %add3A_79 : i32
        %lt3A = arith.constant 77 : i32
        %lt3A_81 = arith.cmpi slt, %add3A_80, %lt3A : i32
        %convert_element_type3A_82 = arith.extui %lt3A_81 : i1 to i32
        %cond3A_83 = arith.constant 0 : i32
        %cond3A_84 = arith.cmpi ne, %convert_element_type3A_82, %cond3A_83 : i32
        scf.if %cond3A_84 {
          %ge3A = arith.constant 2 : i32
          %ge3A_107 = arith.cmpi sge, %scan3A_60, %ge3A : i32
          %convert_element_type3A_108 = arith.extui %ge3A_107 : i1 to i32
          %cond3A_109 = arith.constant 0 : i32
          %cond3A_110 = arith.cmpi ne, %convert_element_type3A_108, %cond3A_109 : i32
          scf.if %cond3A_110 {
            %sub3A = arith.constant 2 : i32
            %sub3A_123 = arith.subi %scan3A_60, %sub3A : i32
            %dma_wait3A_124 = arith.constant 0 : i32
            %dma_wait3A_125 = tpu.memref_slice %arg5[%sub3A_123, %mul3A_2, %dma_wait3A_124] : memref<77x1024x768xf32, #tpu.memory_space<hbm>> -> memref<1x32x768xf32, #tpu.memory_space<hbm>>
            %dma_wait3A_126 = tpu.memref_squeeze %dma_wait3A_125 : memref<1x32x768xf32, #tpu.memory_space<hbm>> -> memref<32x768xf32, #tpu.memory_space<hbm>>
            %dma_wait3A_127 = arith.constant 0 : i32
            %dma_wait3A_128 = tpu.memref_slice %arg5[%sub3A_123, %mul3A_2, %dma_wait3A_127] : memref<77x1024x768xf32, #tpu.memory_space<hbm>> -> memref<1x32x768xf32, #tpu.memory_space<hbm>>
            %dma_wait3A_129 = tpu.memref_squeeze %dma_wait3A_128 : memref<1x32x768xf32, #tpu.memory_space<hbm>> -> memref<32x768xf32, #tpu.memory_space<hbm>>
            tpu.wait_dma2 semaphore(%arg19 : memref<!tpu.dma_semaphore, #tpu.memory_space<semaphore_mem>>) src(%arg7 : memref<32x768xf32, #tpu.memory_space<vmem>>) dst(%dma_wait3A_129 : memref<32x768xf32, #tpu.memory_space<hbm>>)
          } else {
          }
          %add3A_111 = arith.constant 2 : i32
          %add3A_112 = arith.addi %scan3A_60, %add3A_111 : i32
          %dma_start3A_113 = arith.constant 0 : i32
          %dma_start3A_114 = tpu.memref_slice %arg6[%add3A_112, %dma_start3A_113] : memref<77x32xi32, #tpu.memory_space<vmem>> -> memref<1x32xi32, #tpu.memory_space<vmem>>
          %dma_start3A_115 = tpu.memref_squeeze %dma_start3A_114 : memref<1x32xi32, #tpu.memory_space<vmem>> -> memref<32xi32, #tpu.memory_space<vmem>>
          %dma_start3A_116 = arith.constant 0 : i32
          %dma_start3A_117 = arith.constant 0 : i32
          %dma_start3A_118 = tpu.memref_slice %arg2[%dma_start3A_116, %dma_start3A_117] : memref<49408x768xf32, #tpu.memory_space<hbm>> -> memref<49408x768xf32, #tpu.memory_space<hbm>>
          tpu.enqueue_indirect_dma source(%dma_start3A_118 : memref<49408x768xf32, #tpu.memory_space<hbm>>) target(%arg7 : memref<32x768xf32, #tpu.memory_space<vmem>>) offsets(%dma_start3A_115 : memref<32xi32, #tpu.memory_space<vmem>>) semaphore(%arg15 : memref<!tpu.dma_semaphore, #tpu.memory_space<semaphore_mem>>)
          %dma_start3A_119 = arith.constant 0 : i32
          %dma_start3A_120 = tpu.memref_slice %arg4[%add3A_112, %dma_start3A_119] : memref<77x768xf32, #tpu.memory_space<hbm>> -> memref<1x768xf32, #tpu.memory_space<hbm>>
          %dma_start3A_121 = arith.constant 0 : i32
          %dma_start3A_122 = tpu.memref_slice %arg4[%add3A_112, %dma_start3A_121] : memref<77x768xf32, #tpu.memory_space<hbm>> -> memref<1x768xf32, #tpu.memory_space<hbm>>
          tpu.enqueue_dma source(%dma_start3A_122 : memref<1x768xf32, #tpu.memory_space<hbm>>) target(%arg11 : memref<1x768xf32, #tpu.memory_space<vmem>>) target_semaphore(%arg23 : memref<!tpu.dma_semaphore, #tpu.memory_space<semaphore_mem>>)
        } else {
        }
        %dma_wait3A_85 = arith.constant 0 : i32
        %dma_wait3A_86 = tpu.memref_slice %arg6[%scan3A_60, %dma_wait3A_85] : memref<77x32xi32, #tpu.memory_space<vmem>> -> memref<1x32xi32, #tpu.memory_space<vmem>>
        %dma_wait3A_87 = tpu.memref_squeeze %dma_wait3A_86 : memref<1x32xi32, #tpu.memory_space<vmem>> -> memref<32xi32, #tpu.memory_space<vmem>>
        %dma_wait3A_88 = arith.constant 0 : i32
        %dma_wait3A_89 = arith.constant 0 : i32
        %dma_wait3A_90 = tpu.memref_slice %arg2[%dma_wait3A_88, %dma_wait3A_89] : memref<49408x768xf32, #tpu.memory_space<hbm>> -> memref<49408x768xf32, #tpu.memory_space<hbm>>
        tpu.wait_indirect_dma semaphore(%arg17 : memref<!tpu.dma_semaphore, #tpu.memory_space<semaphore_mem>>) src(%dma_wait3A_90 : memref<49408x768xf32, #tpu.memory_space<hbm>>) dst(%arg9 : memref<32x768xf32, #tpu.memory_space<vmem>>)
        %dma_wait3A_91 = arith.constant 0 : i32
        %dma_wait3A_92 = tpu.memref_slice %arg4[%scan3A_60, %dma_wait3A_91] : memref<77x768xf32, #tpu.memory_space<hbm>> -> memref<1x768xf32, #tpu.memory_space<hbm>>
        %dma_wait3A_93 = arith.constant 0 : i32
        %dma_wait3A_94 = tpu.memref_slice %arg4[%scan3A_60, %dma_wait3A_93] : memref<77x768xf32, #tpu.memory_space<hbm>> -> memref<1x768xf32, #tpu.memory_space<hbm>>
        tpu.wait_dma2 semaphore(%arg25 : memref<!tpu.dma_semaphore, #tpu.memory_space<semaphore_mem>>) src(%dma_wait3A_94 : memref<1x768xf32, #tpu.memory_space<hbm>>) dst(%arg13 : memref<1x768xf32, #tpu.memory_space<vmem>>)
        %scan3A_95 = arith.constant 0 : i32
        %scan3A_96 = arith.constant 0 : i32
        %scan3A_97 = arith.constant 48 : i32
        %scan3A_98 = arith.addi %scan3A_96, %scan3A_97 : i32
        %scan3A_99 = arith.constant 2 : i32
        scf.for %scan3A_107 = %scan3A_96 to %scan3A_98 step %scan3A_99  : i32 {
          %mul3A_108 = arith.constant 16 : i32
          %mul3A_109 = arith.muli %scan3A_107, %mul3A_108 : i32
          %get3A = arith.constant 0 : i32
          %get3A_110 = arith.index_cast %get3A : i32 to index
          %get3A_111 = arith.index_cast %mul3A_109 : i32 to index
          %get3A_112 = tpu.vector_load %arg13[%get3A_110, %get3A_111] {strides = array<i32>} : memref<1x768xf32, #tpu.memory_space<vmem>>, vector<1x16xf32>,
          %get3A_113 = vector.shape_cast %get3A_112 : vector<1x16xf32> to vector<16xf32>
          %swap3A = arith.constant 0 : i32
          %swap3A_114 = arith.index_cast %swap3A : i32 to index
          %swap3A_115 = arith.index_cast %mul3A_109 : i32 to index
          %swap3A_116 = tpu.vector_load %arg9[%swap3A_114, %swap3A_115] {strides = array<i32>} : memref<32x768xf32, #tpu.memory_space<vmem>>, vector<1x16xf32>,
          %swap3A_117 = vector.shape_cast %swap3A_116 : vector<1x16xf32> to vector<16xf32>
          %swap3A_118 = vector.shape_cast %get3A_113 : vector<16xf32> to vector<1x16xf32>
          tpu.vector_store %arg9[%swap3A_114, %swap3A_115], %swap3A_118 {add = true, strides = array<i32>} : memref<32x768xf32, #tpu.memory_space<vmem>>, vector<1x16xf32>,
          %swap3A_119 = arith.constant 1 : i32
          %swap3A_120 = arith.index_cast %swap3A_119 : i32 to index
          %swap3A_121 = arith.index_cast %mul3A_109 : i32 to index
          %swap3A_122 = tpu.vector_load %arg9[%swap3A_120, %swap3A_121] {strides = array<i32>} : memref<32x768xf32, #tpu.memory_space<vmem>>, vector<1x16xf32>,
          %swap3A_123 = vector.shape_cast %swap3A_122 : vector<1x16xf32> to vector<16xf32>
          %swap3A_124 = vector.shape_cast %get3A_113 : vector<16xf32> to vector<1x16xf32>
          tpu.vector_store %arg9[%swap3A_120, %swap3A_121], %swap3A_124 {add = true, strides = array<i32>} : memref<32x768xf32, #tpu.memory_space<vmem>>, vector<1x16xf32>,
          %swap3A_125 = arith.constant 2 : i32
          %swap3A_126 = arith.index_cast %swap3A_125 : i32 to index
          %swap3A_127 = arith.index_cast %mul3A_109 : i32 to index
          %swap3A_128 = tpu.vector_load %arg9[%swap3A_126, %swap3A_127] {strides = array<i32>} : memref<32x768xf32, #tpu.memory_space<vmem>>, vector<1x16xf32>,
          %swap3A_129 = vector.shape_cast %swap3A_128 : vector<1x16xf32> to vector<16xf32>
          %swap3A_130 = vector.shape_cast %get3A_113 : vector<16xf32> to vector<1x16xf32>
          tpu.vector_store %arg9[%swap3A_126, %swap3A_127], %swap3A_130 {add = true, strides = array<i32>} : memref<32x768xf32, #tpu.memory_space<vmem>>, vector<1x16xf32>,
          %swap3A_131 = arith.constant 3 : i32
          %swap3A_132 = arith.index_cast %swap3A_131 : i32 to index
          %swap3A_133 = arith.index_cast %mul3A_109 : i32 to index
          %swap3A_134 = tpu.vector_load %arg9[%swap3A_132, %swap3A_133] {strides = array<i32>} : memref<32x768xf32, #tpu.memory_space<vmem>>, vector<1x16xf32>,
          %swap3A_135 = vector.shape_cast %swap3A_134 : vector<1x16xf32> to vector<16xf32>
          %swap3A_136 = vector.shape_cast %get3A_113 : vector<16xf32> to vector<1x16xf32>
          tpu.vector_store %arg9[%swap3A_132, %swap3A_133], %swap3A_136 {add = true, strides = array<i32>} : memref<32x768xf32, #tpu.memory_space<vmem>>, vector<1x16xf32>,
          %swap3A_137 = arith.constant 4 : i32
          %swap3A_138 = arith.index_cast %swap3A_137 : i32 to index
          %swap3A_139 = arith.index_cast %mul3A_109 : i32 to index
          %swap3A_140 = tpu.vector_load %arg9[%swap3A_138, %swap3A_139] {strides = array<i32>} : memref<32x768xf32, #tpu.memory_space<vmem>>, vector<1x16xf32>,
          %swap3A_141 = vector.shape_cast %swap3A_140 : vector<1x16xf32> to vector<16xf32>
          %swap3A_142 = vector.shape_cast %get3A_113 : vector<16xf32> to vector<1x16xf32>
          tpu.vector_store %arg9[%swap3A_138, %swap3A_139], %swap3A_142 {add = true, strides = array<i32>} : memref<32x768xf32, #tpu.memory_space<vmem>>, vector<1x16xf32>,
          %swap3A_143 = arith.constant 5 : i32
          %swap3A_144 = arith.index_cast %swap3A_143 : i32 to index
          %swap3A_145 = arith.index_cast %mul3A_109 : i32 to index
          %swap3A_146 = tpu.vector_load %arg9[%swap3A_144, %swap3A_145] {strides = array<i32>} : memref<32x768xf32, #tpu.memory_space<vmem>>, vector<1x16xf32>,
          %swap3A_147 = vector.shape_cast %swap3A_146 : vector<1x16xf32> to vector<16xf32>
          %swap3A_148 = vector.shape_cast %get3A_113 : vector<16xf32> to vector<1x16xf32>
          tpu.vector_store %arg9[%swap3A_144, %swap3A_145], %swap3A_148 {add = true, strides = array<i32>} : memref<32x768xf32, #tpu.memory_space<vmem>>, vector<1x16xf32>,
          %swap3A_149 = arith.constant 6 : i32
          %swap3A_150 = arith.index_cast %swap3A_149 : i32 to index
          %swap3A_151 = arith.index_cast %mul3A_109 : i32 to index
          %swap3A_152 = tpu.vector_load %arg9[%swap3A_150, %swap3A_151] {strides = array<i32>} : memref<32x768xf32, #tpu.memory_space<vmem>>, vector<1x16xf32>,
          %swap3A_153 = vector.shape_cast %swap3A_152 : vector<1x16xf32> to vector<16xf32>
          %swap3A_154 = vector.shape_cast %get3A_113 : vector<16xf32> to vector<1x16xf32>
          tpu.vector_store %arg9[%swap3A_150, %swap3A_151], %swap3A_154 {add = true, strides = array<i32>} : memref<32x768xf32, #tpu.memory_space<vmem>>, vector<1x16xf32>,
          %swap3A_155 = arith.constant 7 : i32
          %swap3A_156 = arith.index_cast %swap3A_155 : i32 to index
          %swap3A_157 = arith.index_cast %mul3A_109 : i32 to index
          %swap3A_158 = tpu.vector_load %arg9[%swap3A_156, %swap3A_157] {strides = array<i32>} : memref<32x768xf32, #tpu.memory_space<vmem>>, vector<1x16xf32>,
          %swap3A_159 = vector.shape_cast %swap3A_158 : vector<1x16xf32> to vector<16xf32>
          %swap3A_160 = vector.shape_cast %get3A_113 : vector<16xf32> to vector<1x16xf32>
          tpu.vector_store %arg9[%swap3A_156, %swap3A_157], %swap3A_160 {add = true, strides = array<i32>} : memref<32x768xf32, #tpu.memory_space<vmem>>, vector<1x16xf32>,
          %swap3A_161 = arith.constant 8 : i32
          %swap3A_162 = arith.index_cast %swap3A_161 : i32 to index
          %swap3A_163 = arith.index_cast %mul3A_109 : i32 to index
          %swap3A_164 = tpu.vector_load %arg9[%swap3A_162, %swap3A_163] {strides = array<i32>} : memref<32x768xf32, #tpu.memory_space<vmem>>, vector<1x16xf32>,
          %swap3A_165 = vector.shape_cast %swap3A_164 : vector<1x16xf32> to vector<16xf32>
          %swap3A_166 = vector.shape_cast %get3A_113 : vector<16xf32> to vector<1x16xf32>
          tpu.vector_store %arg9[%swap3A_162, %swap3A_163], %swap3A_166 {add = true, strides = array<i32>} : memref<32x768xf32, #tpu.memory_space<vmem>>, vector<1x16xf32>,
          %swap3A_167 = arith.constant 9 : i32
          %swap3A_168 = arith.index_cast %swap3A_167 : i32 to index
          %swap3A_169 = arith.index_cast %mul3A_109 : i32 to index
          %swap3A_170 = tpu.vector_load %arg9[%swap3A_168, %swap3A_169] {strides = array<i32>} : memref<32x768xf32, #tpu.memory_space<vmem>>, vector<1x16xf32>,
          %swap3A_171 = vector.shape_cast %swap3A_170 : vector<1x16xf32> to vector<16xf32>
          %swap3A_172 = vector.shape_cast %get3A_113 : vector<16xf32> to vector<1x16xf32>
          tpu.vector_store %arg9[%swap3A_168, %swap3A_169], %swap3A_172 {add = true, strides = array<i32>} : memref<32x768xf32, #tpu.memory_space<vmem>>, vector<1x16xf32>,
          %swap3A_173 = arith.constant 10 : i32
          %swap3A_174 = arith.index_cast %swap3A_173 : i32 to index
          %swap3A_175 = arith.index_cast %mul3A_109 : i32 to index
          %swap3A_176 = tpu.vector_load %arg9[%swap3A_174, %swap3A_175] {strides = array<i32>} : memref<32x768xf32, #tpu.memory_space<vmem>>, vector<1x16xf32>,
          %swap3A_177 = vector.shape_cast %swap3A_176 : vector<1x16xf32> to vector<16xf32>
          %swap3A_178 = vector.shape_cast %get3A_113 : vector<16xf32> to vector<1x16xf32>
          tpu.vector_store %arg9[%swap3A_174, %swap3A_175], %swap3A_178 {add = true, strides = array<i32>} : memref<32x768xf32, #tpu.memory_space<vmem>>, vector<1x16xf32>,
          %swap3A_179 = arith.constant 11 : i32
          %swap3A_180 = arith.index_cast %swap3A_179 : i32 to index
          %swap3A_181 = arith.index_cast %mul3A_109 : i32 to index
          %swap3A_182 = tpu.vector_load %arg9[%swap3A_180, %swap3A_181] {strides = array<i32>} : memref<32x768xf32, #tpu.memory_space<vmem>>, vector<1x16xf32>,
          %swap3A_183 = vector.shape_cast %swap3A_182 : vector<1x16xf32> to vector<16xf32>
          %swap3A_184 = vector.shape_cast %get3A_113 : vector<16xf32> to vector<1x16xf32>
          tpu.vector_store %arg9[%swap3A_180, %swap3A_181], %swap3A_184 {add = true, strides = array<i32>} : memref<32x768xf32, #tpu.memory_space<vmem>>, vector<1x16xf32>,
          %swap3A_185 = arith.constant 12 : i32
          %swap3A_186 = arith.index_cast %swap3A_185 : i32 to index
          %swap3A_187 = arith.index_cast %mul3A_109 : i32 to index
          %swap3A_188 = tpu.vector_load %arg9[%swap3A_186, %swap3A_187] {strides = array<i32>} : memref<32x768xf32, #tpu.memory_space<vmem>>, vector<1x16xf32>,
          %swap3A_189 = vector.shape_cast %swap3A_188 : vector<1x16xf32> to vector<16xf32>
          %swap3A_190 = vector.shape_cast %get3A_113 : vector<16xf32> to vector<1x16xf32>
          tpu.vector_store %arg9[%swap3A_186, %swap3A_187], %swap3A_190 {add = true, strides = array<i32>} : memref<32x768xf32, #tpu.memory_space<vmem>>, vector<1x16xf32>,
          %swap3A_191 = arith.constant 13 : i32
          %swap3A_192 = arith.index_cast %swap3A_191 : i32 to index
          %swap3A_193 = arith.index_cast %mul3A_109 : i32 to index
          %swap3A_194 = tpu.vector_load %arg9[%swap3A_192, %swap3A_193] {strides = array<i32>} : memref<32x768xf32, #tpu.memory_space<vmem>>, vector<1x16xf32>,
          %swap3A_195 = vector.shape_cast %swap3A_194 : vector<1x16xf32> to vector<16xf32>
          %swap3A_196 = vector.shape_cast %get3A_113 : vector<16xf32> to vector<1x16xf32>
          tpu.vector_store %arg9[%swap3A_192, %swap3A_193], %swap3A_196 {add = true, strides = array<i32>} : memref<32x768xf32, #tpu.memory_space<vmem>>, vector<1x16xf32>,
          %swap3A_197 = arith.constant 14 : i32
          %swap3A_198 = arith.index_cast %swap3A_197 : i32 to index
          %swap3A_199 = arith.index_cast %mul3A_109 : i32 to index
          %swap3A_200 = tpu.vector_load %arg9[%swap3A_198, %swap3A_199] {strides = array<i32>} : memref<32x768xf32, #tpu.memory_space<vmem>>, vector<1x16xf32>,
          %swap3A_201 = vector.shape_cast %swap3A_200 : vector<1x16xf32> to vector<16xf32>
          %swap3A_202 = vector.shape_cast %get3A_113 : vector<16xf32> to vector<1x16xf32>
          tpu.vector_store %arg9[%swap3A_198, %swap3A_199], %swap3A_202 {add = true, strides = array<i32>} : memref<32x768xf32, #tpu.memory_space<vmem>>, vector<1x16xf32>,
          %swap3A_203 = arith.constant 15 : i32
          %swap3A_204 = arith.index_cast %swap3A_203 : i32 to index
          %swap3A_205 = arith.index_cast %mul3A_109 : i32 to index
          %swap3A_206 = tpu.vector_load %arg9[%swap3A_204, %swap3A_205] {strides = array<i32>} : memref<32x768xf32, #tpu.memory_space<vmem>>, vector<1x16xf32>,
          %swap3A_207 = vector.shape_cast %swap3A_206 : vector<1x16xf32> to vector<16xf32>
          %swap3A_208 = vector.shape_cast %get3A_113 : vector<16xf32> to vector<1x16xf32>
          tpu.vector_store %arg9[%swap3A_204, %swap3A_205], %swap3A_208 {add = true, strides = array<i32>} : memref<32x768xf32, #tpu.memory_space<vmem>>, vector<1x16xf32>,
          %swap3A_209 = arith.constant 16 : i32
          %swap3A_210 = arith.index_cast %swap3A_209 : i32 to index
          %swap3A_211 = arith.index_cast %mul3A_109 : i32 to index
          %swap3A_212 = tpu.vector_load %arg9[%swap3A_210, %swap3A_211] {strides = array<i32>} : memref<32x768xf32, #tpu.memory_space<vmem>>, vector<1x16xf32>,
          %swap3A_213 = vector.shape_cast %swap3A_212 : vector<1x16xf32> to vector<16xf32>
          %swap3A_214 = vector.shape_cast %get3A_113 : vector<16xf32> to vector<1x16xf32>
          tpu.vector_store %arg9[%swap3A_210, %swap3A_211], %swap3A_214 {add = true, strides = array<i32>} : memref<32x768xf32, #tpu.memory_space<vmem>>, vector<1x16xf32>,
          %swap3A_215 = arith.constant 17 : i32
          %swap3A_216 = arith.index_cast %swap3A_215 : i32 to index
          %swap3A_217 = arith.index_cast %mul3A_109 : i32 to index
          %swap3A_218 = tpu.vector_load %arg9[%swap3A_216, %swap3A_217] {strides = array<i32>} : memref<32x768xf32, #tpu.memory_space<vmem>>, vector<1x16xf32>,
          %swap3A_219 = vector.shape_cast %swap3A_218 : vector<1x16xf32> to vector<16xf32>
          %swap3A_220 = vector.shape_cast %get3A_113 : vector<16xf32> to vector<1x16xf32>
          tpu.vector_store %arg9[%swap3A_216, %swap3A_217], %swap3A_220 {add = true, strides = array<i32>} : memref<32x768xf32, #tpu.memory_space<vmem>>, vector<1x16xf32>,
          %swap3A_221 = arith.constant 18 : i32
          %swap3A_222 = arith.index_cast %swap3A_221 : i32 to index
          %swap3A_223 = arith.index_cast %mul3A_109 : i32 to index
          %swap3A_224 = tpu.vector_load %arg9[%swap3A_222, %swap3A_223] {strides = array<i32>} : memref<32x768xf32, #tpu.memory_space<vmem>>, vector<1x16xf32>,
          %swap3A_225 = vector.shape_cast %swap3A_224 : vector<1x16xf32> to vector<16xf32>
          %swap3A_226 = vector.shape_cast %get3A_113 : vector<16xf32> to vector<1x16xf32>
          tpu.vector_store %arg9[%swap3A_222, %swap3A_223], %swap3A_226 {add = true, strides = array<i32>} : memref<32x768xf32, #tpu.memory_space<vmem>>, vector<1x16xf32>,
          %swap3A_227 = arith.constant 19 : i32
          %swap3A_228 = arith.index_cast %swap3A_227 : i32 to index
          %swap3A_229 = arith.index_cast %mul3A_109 : i32 to index
          %swap3A_230 = tpu.vector_load %arg9[%swap3A_228, %swap3A_229] {strides = array<i32>} : memref<32x768xf32, #tpu.memory_space<vmem>>, vector<1x16xf32>,
          %swap3A_231 = vector.shape_cast %swap3A_230 : vector<1x16xf32> to vector<16xf32>
          %swap3A_232 = vector.shape_cast %get3A_113 : vector<16xf32> to vector<1x16xf32>
          tpu.vector_store %arg9[%swap3A_228, %swap3A_229], %swap3A_232 {add = true, strides = array<i32>} : memref<32x768xf32, #tpu.memory_space<vmem>>, vector<1x16xf32>,
          %swap3A_233 = arith.constant 20 : i32
          %swap3A_234 = arith.index_cast %swap3A_233 : i32 to index
          %swap3A_235 = arith.index_cast %mul3A_109 : i32 to index
          %swap3A_236 = tpu.vector_load %arg9[%swap3A_234, %swap3A_235] {strides = array<i32>} : memref<32x768xf32, #tpu.memory_space<vmem>>, vector<1x16xf32>,
          %swap3A_237 = vector.shape_cast %swap3A_236 : vector<1x16xf32> to vector<16xf32>
          %swap3A_238 = vector.shape_cast %get3A_113 : vector<16xf32> to vector<1x16xf32>
          tpu.vector_store %arg9[%swap3A_234, %swap3A_235], %swap3A_238 {add = true, strides = array<i32>} : memref<32x768xf32, #tpu.memory_space<vmem>>, vector<1x16xf32>,
          %swap3A_239 = arith.constant 21 : i32
          %swap3A_240 = arith.index_cast %swap3A_239 : i32 to index
          %swap3A_241 = arith.index_cast %mul3A_109 : i32 to index
          %swap3A_242 = tpu.vector_load %arg9[%swap3A_240, %swap3A_241] {strides = array<i32>} : memref<32x768xf32, #tpu.memory_space<vmem>>, vector<1x16xf32>,
          %swap3A_243 = vector.shape_cast %swap3A_242 : vector<1x16xf32> to vector<16xf32>
          %swap3A_244 = vector.shape_cast %get3A_113 : vector<16xf32> to vector<1x16xf32>
          tpu.vector_store %arg9[%swap3A_240, %swap3A_241], %swap3A_244 {add = true, strides = array<i32>} : memref<32x768xf32, #tpu.memory_space<vmem>>, vector<1x16xf32>,
          %swap3A_245 = arith.constant 22 : i32
          %swap3A_246 = arith.index_cast %swap3A_245 : i32 to index
          %swap3A_247 = arith.index_cast %mul3A_109 : i32 to index
          %swap3A_248 = tpu.vector_load %arg9[%swap3A_246, %swap3A_247] {strides = array<i32>} : memref<32x768xf32, #tpu.memory_space<vmem>>, vector<1x16xf32>,
          %swap3A_249 = vector.shape_cast %swap3A_248 : vector<1x16xf32> to vector<16xf32>
          %swap3A_250 = vector.shape_cast %get3A_113 : vector<16xf32> to vector<1x16xf32>
          tpu.vector_store %arg9[%swap3A_246, %swap3A_247], %swap3A_250 {add = true, strides = array<i32>} : memref<32x768xf32, #tpu.memory_space<vmem>>, vector<1x16xf32>,
          %swap3A_251 = arith.constant 23 : i32
          %swap3A_252 = arith.index_cast %swap3A_251 : i32 to index
          %swap3A_253 = arith.index_cast %mul3A_109 : i32 to index
          %swap3A_254 = tpu.vector_load %arg9[%swap3A_252, %swap3A_253] {strides = array<i32>} : memref<32x768xf32, #tpu.memory_space<vmem>>, vector<1x16xf32>,
          %swap3A_255 = vector.shape_cast %swap3A_254 : vector<1x16xf32> to vector<16xf32>
          %swap3A_256 = vector.shape_cast %get3A_113 : vector<16xf32> to vector<1x16xf32>
          tpu.vector_store %arg9[%swap3A_252, %swap3A_253], %swap3A_256 {add = true, strides = array<i32>} : memref<32x768xf32, #tpu.memory_space<vmem>>, vector<1x16xf32>,
          %swap3A_257 = arith.constant 24 : i32
          %swap3A_258 = arith.index_cast %swap3A_257 : i32 to index
          %swap3A_259 = arith.index_cast %mul3A_109 : i32 to index
          %swap3A_260 = tpu.vector_load %arg9[%swap3A_258, %swap3A_259] {strides = array<i32>} : memref<32x768xf32, #tpu.memory_space<vmem>>, vector<1x16xf32>,
          %swap3A_261 = vector.shape_cast %swap3A_260 : vector<1x16xf32> to vector<16xf32>
          %swap3A_262 = vector.shape_cast %get3A_113 : vector<16xf32> to vector<1x16xf32>
          tpu.vector_store %arg9[%swap3A_258, %swap3A_259], %swap3A_262 {add = true, strides = array<i32>} : memref<32x768xf32, #tpu.memory_space<vmem>>, vector<1x16xf32>,
          %swap3A_263 = arith.constant 25 : i32
          %swap3A_264 = arith.index_cast %swap3A_263 : i32 to index
          %swap3A_265 = arith.index_cast %mul3A_109 : i32 to index
          %swap3A_266 = tpu.vector_load %arg9[%swap3A_264, %swap3A_265] {strides = array<i32>} : memref<32x768xf32, #tpu.memory_space<vmem>>, vector<1x16xf32>,
          %swap3A_267 = vector.shape_cast %swap3A_266 : vector<1x16xf32> to vector<16xf32>
          %swap3A_268 = vector.shape_cast %get3A_113 : vector<16xf32> to vector<1x16xf32>
          tpu.vector_store %arg9[%swap3A_264, %swap3A_265], %swap3A_268 {add = true, strides = array<i32>} : memref<32x768xf32, #tpu.memory_space<vmem>>, vector<1x16xf32>,
          %swap3A_269 = arith.constant 26 : i32
          %swap3A_270 = arith.index_cast %swap3A_269 : i32 to index
          %swap3A_271 = arith.index_cast %mul3A_109 : i32 to index
          %swap3A_272 = tpu.vector_load %arg9[%swap3A_270, %swap3A_271] {strides = array<i32>} : memref<32x768xf32, #tpu.memory_space<vmem>>, vector<1x16xf32>,
          %swap3A_273 = vector.shape_cast %swap3A_272 : vector<1x16xf32> to vector<16xf32>
          %swap3A_274 = vector.shape_cast %get3A_113 : vector<16xf32> to vector<1x16xf32>
          tpu.vector_store %arg9[%swap3A_270, %swap3A_271], %swap3A_274 {add = true, strides = array<i32>} : memref<32x768xf32, #tpu.memory_space<vmem>>, vector<1x16xf32>,
          %swap3A_275 = arith.constant 27 : i32
          %swap3A_276 = arith.index_cast %swap3A_275 : i32 to index
          %swap3A_277 = arith.index_cast %mul3A_109 : i32 to index
          %swap3A_278 = tpu.vector_load %arg9[%swap3A_276, %swap3A_277] {strides = array<i32>} : memref<32x768xf32, #tpu.memory_space<vmem>>, vector<1x16xf32>,
          %swap3A_279 = vector.shape_cast %swap3A_278 : vector<1x16xf32> to vector<16xf32>
          %swap3A_280 = vector.shape_cast %get3A_113 : vector<16xf32> to vector<1x16xf32>
          tpu.vector_store %arg9[%swap3A_276, %swap3A_277], %swap3A_280 {add = true, strides = array<i32>} : memref<32x768xf32, #tpu.memory_space<vmem>>, vector<1x16xf32>,
          %swap3A_281 = arith.constant 28 : i32
          %swap3A_282 = arith.index_cast %swap3A_281 : i32 to index
          %swap3A_283 = arith.index_cast %mul3A_109 : i32 to index
          %swap3A_284 = tpu.vector_load %arg9[%swap3A_282, %swap3A_283] {strides = array<i32>} : memref<32x768xf32, #tpu.memory_space<vmem>>, vector<1x16xf32>,
          %swap3A_285 = vector.shape_cast %swap3A_284 : vector<1x16xf32> to vector<16xf32>
          %swap3A_286 = vector.shape_cast %get3A_113 : vector<16xf32> to vector<1x16xf32>
          tpu.vector_store %arg9[%swap3A_282, %swap3A_283], %swap3A_286 {add = true, strides = array<i32>} : memref<32x768xf32, #tpu.memory_space<vmem>>, vector<1x16xf32>,
          %swap3A_287 = arith.constant 29 : i32
          %swap3A_288 = arith.index_cast %swap3A_287 : i32 to index
          %swap3A_289 = arith.index_cast %mul3A_109 : i32 to index
          %swap3A_290 = tpu.vector_load %arg9[%swap3A_288, %swap3A_289] {strides = array<i32>} : memref<32x768xf32, #tpu.memory_space<vmem>>, vector<1x16xf32>,
          %swap3A_291 = vector.shape_cast %swap3A_290 : vector<1x16xf32> to vector<16xf32>
          %swap3A_292 = vector.shape_cast %get3A_113 : vector<16xf32> to vector<1x16xf32>
          tpu.vector_store %arg9[%swap3A_288, %swap3A_289], %swap3A_292 {add = true, strides = array<i32>} : memref<32x768xf32, #tpu.memory_space<vmem>>, vector<1x16xf32>,
          %swap3A_293 = arith.constant 30 : i32
          %swap3A_294 = arith.index_cast %swap3A_293 : i32 to index
          %swap3A_295 = arith.index_cast %mul3A_109 : i32 to index
          %swap3A_296 = tpu.vector_load %arg9[%swap3A_294, %swap3A_295] {strides = array<i32>} : memref<32x768xf32, #tpu.memory_space<vmem>>, vector<1x16xf32>,
          %swap3A_297 = vector.shape_cast %swap3A_296 : vector<1x16xf32> to vector<16xf32>
          %swap3A_298 = vector.shape_cast %get3A_113 : vector<16xf32> to vector<1x16xf32>
          tpu.vector_store %arg9[%swap3A_294, %swap3A_295], %swap3A_298 {add = true, strides = array<i32>} : memref<32x768xf32, #tpu.memory_space<vmem>>, vector<1x16xf32>,
          %swap3A_299 = arith.constant 31 : i32
          %swap3A_300 = arith.index_cast %swap3A_299 : i32 to index
          %swap3A_301 = arith.index_cast %mul3A_109 : i32 to index
          %swap3A_302 = tpu.vector_load %arg9[%swap3A_300, %swap3A_301] {strides = array<i32>} : memref<32x768xf32, #tpu.memory_space<vmem>>, vector<1x16xf32>,
          %swap3A_303 = vector.shape_cast %swap3A_302 : vector<1x16xf32> to vector<16xf32>
          %swap3A_304 = vector.shape_cast %get3A_113 : vector<16xf32> to vector<1x16xf32>
          tpu.vector_store %arg9[%swap3A_300, %swap3A_301], %swap3A_304 {add = true, strides = array<i32>} : memref<32x768xf32, #tpu.memory_space<vmem>>, vector<1x16xf32>,
          %scan3A_305 = arith.constant 1 : i32
          %scan3A_306 = arith.addi %scan3A_107, %scan3A_305 : i32
          %mul3A_307 = arith.constant 16 : i32
          %mul3A_308 = arith.muli %scan3A_306, %mul3A_307 : i32
          %get3A_309 = arith.constant 0 : i32
          %get3A_310 = arith.index_cast %get3A_309 : i32 to index
          %get3A_311 = arith.index_cast %mul3A_308 : i32 to index
          %get3A_312 = tpu.vector_load %arg13[%get3A_310, %get3A_311] {strides = array<i32>} : memref<1x768xf32, #tpu.memory_space<vmem>>, vector<1x16xf32>,
          %get3A_313 = vector.shape_cast %get3A_312 : vector<1x16xf32> to vector<16xf32>
          %swap3A_314 = arith.constant 0 : i32
          %swap3A_315 = arith.index_cast %swap3A_314 : i32 to index
          %swap3A_316 = arith.index_cast %mul3A_308 : i32 to index
          %swap3A_317 = tpu.vector_load %arg9[%swap3A_315, %swap3A_316] {strides = array<i32>} : memref<32x768xf32, #tpu.memory_space<vmem>>, vector<1x16xf32>,
          %swap3A_318 = vector.shape_cast %swap3A_317 : vector<1x16xf32> to vector<16xf32>
          %swap3A_319 = vector.shape_cast %get3A_313 : vector<16xf32> to vector<1x16xf32>
          tpu.vector_store %arg9[%swap3A_315, %swap3A_316], %swap3A_319 {add = true, strides = array<i32>} : memref<32x768xf32, #tpu.memory_space<vmem>>, vector<1x16xf32>,
          %swap3A_320 = arith.constant 1 : i32
          %swap3A_321 = arith.index_cast %swap3A_320 : i32 to index
          %swap3A_322 = arith.index_cast %mul3A_308 : i32 to index
          %swap3A_323 = tpu.vector_load %arg9[%swap3A_321, %swap3A_322] {strides = array<i32>} : memref<32x768xf32, #tpu.memory_space<vmem>>, vector<1x16xf32>,
          %swap3A_324 = vector.shape_cast %swap3A_323 : vector<1x16xf32> to vector<16xf32>
          %swap3A_325 = vector.shape_cast %get3A_313 : vector<16xf32> to vector<1x16xf32>
          tpu.vector_store %arg9[%swap3A_321, %swap3A_322], %swap3A_325 {add = true, strides = array<i32>} : memref<32x768xf32, #tpu.memory_space<vmem>>, vector<1x16xf32>,
          %swap3A_326 = arith.constant 2 : i32
          %swap3A_327 = arith.index_cast %swap3A_326 : i32 to index
          %swap3A_328 = arith.index_cast %mul3A_308 : i32 to index
          %swap3A_329 = tpu.vector_load %arg9[%swap3A_327, %swap3A_328] {strides = array<i32>} : memref<32x768xf32, #tpu.memory_space<vmem>>, vector<1x16xf32>,
          %swap3A_330 = vector.shape_cast %swap3A_329 : vector<1x16xf32> to vector<16xf32>
          %swap3A_331 = vector.shape_cast %get3A_313 : vector<16xf32> to vector<1x16xf32>
          tpu.vector_store %arg9[%swap3A_327, %swap3A_328], %swap3A_331 {add = true, strides = array<i32>} : memref<32x768xf32, #tpu.memory_space<vmem>>, vector<1x16xf32>,
          %swap3A_332 = arith.constant 3 : i32
          %swap3A_333 = arith.index_cast %swap3A_332 : i32 to index
          %swap3A_334 = arith.index_cast %mul3A_308 : i32 to index
          %swap3A_335 = tpu.vector_load %arg9[%swap3A_333, %swap3A_334] {strides = array<i32>} : memref<32x768xf32, #tpu.memory_space<vmem>>, vector<1x16xf32>,
          %swap3A_336 = vector.shape_cast %swap3A_335 : vector<1x16xf32> to vector<16xf32>
          %swap3A_337 = vector.shape_cast %get3A_313 : vector<16xf32> to vector<1x16xf32>
          tpu.vector_store %arg9[%swap3A_333, %swap3A_334], %swap3A_337 {add = true, strides = array<i32>} : memref<32x768xf32, #tpu.memory_space<vmem>>, vector<1x16xf32>,
          %swap3A_338 = arith.constant 4 : i32
          %swap3A_339 = arith.index_cast %swap3A_338 : i32 to index
          %swap3A_340 = arith.index_cast %mul3A_308 : i32 to index
          %swap3A_341 = tpu.vector_load %arg9[%swap3A_339, %swap3A_340] {strides = array<i32>} : memref<32x768xf32, #tpu.memory_space<vmem>>, vector<1x16xf32>,
          %swap3A_342 = vector.shape_cast %swap3A_341 : vector<1x16xf32> to vector<16xf32>
          %swap3A_343 = vector.shape_cast %get3A_313 : vector<16xf32> to vector<1x16xf32>
          tpu.vector_store %arg9[%swap3A_339, %swap3A_340], %swap3A_343 {add = true, strides = array<i32>} : memref<32x768xf32, #tpu.memory_space<vmem>>, vector<1x16xf32>,
          %swap3A_344 = arith.constant 5 : i32
          %swap3A_345 = arith.index_cast %swap3A_344 : i32 to index
          %swap3A_346 = arith.index_cast %mul3A_308 : i32 to index
          %swap3A_347 = tpu.vector_load %arg9[%swap3A_345, %swap3A_346] {strides = array<i32>} : memref<32x768xf32, #tpu.memory_space<vmem>>, vector<1x16xf32>,
          %swap3A_348 = vector.shape_cast %swap3A_347 : vector<1x16xf32> to vector<16xf32>
          %swap3A_349 = vector.shape_cast %get3A_313 : vector<16xf32> to vector<1x16xf32>
          tpu.vector_store %arg9[%swap3A_345, %swap3A_346], %swap3A_349 {add = true, strides = array<i32>} : memref<32x768xf32, #tpu.memory_space<vmem>>, vector<1x16xf32>,
          %swap3A_350 = arith.constant 6 : i32
          %swap3A_351 = arith.index_cast %swap3A_350 : i32 to index
          %swap3A_352 = arith.index_cast %mul3A_308 : i32 to index
          %swap3A_353 = tpu.vector_load %arg9[%swap3A_351, %swap3A_352] {strides = array<i32>} : memref<32x768xf32, #tpu.memory_space<vmem>>, vector<1x16xf32>,
          %swap3A_354 = vector.shape_cast %swap3A_353 : vector<1x16xf32> to vector<16xf32>
          %swap3A_355 = vector.shape_cast %get3A_313 : vector<16xf32> to vector<1x16xf32>
          tpu.vector_store %arg9[%swap3A_351, %swap3A_352], %swap3A_355 {add = true, strides = array<i32>} : memref<32x768xf32, #tpu.memory_space<vmem>>, vector<1x16xf32>,
          %swap3A_356 = arith.constant 7 : i32
          %swap3A_357 = arith.index_cast %swap3A_356 : i32 to index
          %swap3A_358 = arith.index_cast %mul3A_308 : i32 to index
          %swap3A_359 = tpu.vector_load %arg9[%swap3A_357, %swap3A_358] {strides = array<i32>} : memref<32x768xf32, #tpu.memory_space<vmem>>, vector<1x16xf32>,
          %swap3A_360 = vector.shape_cast %swap3A_359 : vector<1x16xf32> to vector<16xf32>
          %swap3A_361 = vector.shape_cast %get3A_313 : vector<16xf32> to vector<1x16xf32>
          tpu.vector_store %arg9[%swap3A_357, %swap3A_358], %swap3A_361 {add = true, strides = array<i32>} : memref<32x768xf32, #tpu.memory_space<vmem>>, vector<1x16xf32>,
          %swap3A_362 = arith.constant 8 : i32
          %swap3A_363 = arith.index_cast %swap3A_362 : i32 to index
          %swap3A_364 = arith.index_cast %mul3A_308 : i32 to index
          %swap3A_365 = tpu.vector_load %arg9[%swap3A_363, %swap3A_364] {strides = array<i32>} : memref<32x768xf32, #tpu.memory_space<vmem>>, vector<1x16xf32>,
          %swap3A_366 = vector.shape_cast %swap3A_365 : vector<1x16xf32> to vector<16xf32>
          %swap3A_367 = vector.shape_cast %get3A_313 : vector<16xf32> to vector<1x16xf32>
          tpu.vector_store %arg9[%swap3A_363, %swap3A_364], %swap3A_367 {add = true, strides = array<i32>} : memref<32x768xf32, #tpu.memory_space<vmem>>, vector<1x16xf32>,
          %swap3A_368 = arith.constant 9 : i32
          %swap3A_369 = arith.index_cast %swap3A_368 : i32 to index
          %swap3A_370 = arith.index_cast %mul3A_308 : i32 to index
          %swap3A_371 = tpu.vector_load %arg9[%swap3A_369, %swap3A_370] {strides = array<i32>} : memref<32x768xf32, #tpu.memory_space<vmem>>, vector<1x16xf32>,
          %swap3A_372 = vector.shape_cast %swap3A_371 : vector<1x16xf32> to vector<16xf32>
          %swap3A_373 = vector.shape_cast %get3A_313 : vector<16xf32> to vector<1x16xf32>
          tpu.vector_store %arg9[%swap3A_369, %swap3A_370], %swap3A_373 {add = true, strides = array<i32>} : memref<32x768xf32, #tpu.memory_space<vmem>>, vector<1x16xf32>,
          %swap3A_374 = arith.constant 10 : i32
          %swap3A_375 = arith.index_cast %swap3A_374 : i32 to index
          %swap3A_376 = arith.index_cast %mul3A_308 : i32 to index
          %swap3A_377 = tpu.vector_load %arg9[%swap3A_375, %swap3A_376] {strides = array<i32>} : memref<32x768xf32, #tpu.memory_space<vmem>>, vector<1x16xf32>,
          %swap3A_378 = vector.shape_cast %swap3A_377 : vector<1x16xf32> to vector<16xf32>
          %swap3A_379 = vector.shape_cast %get3A_313 : vector<16xf32> to vector<1x16xf32>
          tpu.vector_store %arg9[%swap3A_375, %swap3A_376], %swap3A_379 {add = true, strides = array<i32>} : memref<32x768xf32, #tpu.memory_space<vmem>>, vector<1x16xf32>,
          %swap3A_380 = arith.constant 11 : i32
          %swap3A_381 = arith.index_cast %swap3A_380 : i32 to index
          %swap3A_382 = arith.index_cast %mul3A_308 : i32 to index
          %swap3A_383 = tpu.vector_load %arg9[%swap3A_381, %swap3A_382] {strides = array<i32>} : memref<32x768xf32, #tpu.memory_space<vmem>>, vector<1x16xf32>,
          %swap3A_384 = vector.shape_cast %swap3A_383 : vector<1x16xf32> to vector<16xf32>
          %swap3A_385 = vector.shape_cast %get3A_313 : vector<16xf32> to vector<1x16xf32>
          tpu.vector_store %arg9[%swap3A_381, %swap3A_382], %swap3A_385 {add = true, strides = array<i32>} : memref<32x768xf32, #tpu.memory_space<vmem>>, vector<1x16xf32>,
          %swap3A_386 = arith.constant 12 : i32
          %swap3A_387 = arith.index_cast %swap3A_386 : i32 to index
          %swap3A_388 = arith.index_cast %mul3A_308 : i32 to index
          %swap3A_389 = tpu.vector_load %arg9[%swap3A_387, %swap3A_388] {strides = array<i32>} : memref<32x768xf32, #tpu.memory_space<vmem>>, vector<1x16xf32>,
          %swap3A_390 = vector.shape_cast %swap3A_389 : vector<1x16xf32> to vector<16xf32>
          %swap3A_391 = vector.shape_cast %get3A_313 : vector<16xf32> to vector<1x16xf32>
          tpu.vector_store %arg9[%swap3A_387, %swap3A_388], %swap3A_391 {add = true, strides = array<i32>} : memref<32x768xf32, #tpu.memory_space<vmem>>, vector<1x16xf32>,
          %swap3A_392 = arith.constant 13 : i32
          %swap3A_393 = arith.index_cast %swap3A_392 : i32 to index
          %swap3A_394 = arith.index_cast %mul3A_308 : i32 to index
          %swap3A_395 = tpu.vector_load %arg9[%swap3A_393, %swap3A_394] {strides = array<i32>} : memref<32x768xf32, #tpu.memory_space<vmem>>, vector<1x16xf32>,
          %swap3A_396 = vector.shape_cast %swap3A_395 : vector<1x16xf32> to vector<16xf32>
          %swap3A_397 = vector.shape_cast %get3A_313 : vector<16xf32> to vector<1x16xf32>
          tpu.vector_store %arg9[%swap3A_393, %swap3A_394], %swap3A_397 {add = true, strides = array<i32>} : memref<32x768xf32, #tpu.memory_space<vmem>>, vector<1x16xf32>,
          %swap3A_398 = arith.constant 14 : i32
          %swap3A_399 = arith.index_cast %swap3A_398 : i32 to index
          %swap3A_400 = arith.index_cast %mul3A_308 : i32 to index
          %swap3A_401 = tpu.vector_load %arg9[%swap3A_399, %swap3A_400] {strides = array<i32>} : memref<32x768xf32, #tpu.memory_space<vmem>>, vector<1x16xf32>,
          %swap3A_402 = vector.shape_cast %swap3A_401 : vector<1x16xf32> to vector<16xf32>
          %swap3A_403 = vector.shape_cast %get3A_313 : vector<16xf32> to vector<1x16xf32>
          tpu.vector_store %arg9[%swap3A_399, %swap3A_400], %swap3A_403 {add = true, strides = array<i32>} : memref<32x768xf32, #tpu.memory_space<vmem>>, vector<1x16xf32>,
          %swap3A_404 = arith.constant 15 : i32
          %swap3A_405 = arith.index_cast %swap3A_404 : i32 to index
          %swap3A_406 = arith.index_cast %mul3A_308 : i32 to index
          %swap3A_407 = tpu.vector_load %arg9[%swap3A_405, %swap3A_406] {strides = array<i32>} : memref<32x768xf32, #tpu.memory_space<vmem>>, vector<1x16xf32>,
          %swap3A_408 = vector.shape_cast %swap3A_407 : vector<1x16xf32> to vector<16xf32>
          %swap3A_409 = vector.shape_cast %get3A_313 : vector<16xf32> to vector<1x16xf32>
          tpu.vector_store %arg9[%swap3A_405, %swap3A_406], %swap3A_409 {add = true, strides = array<i32>} : memref<32x768xf32, #tpu.memory_space<vmem>>, vector<1x16xf32>,
          %swap3A_410 = arith.constant 16 : i32
          %swap3A_411 = arith.index_cast %swap3A_410 : i32 to index
          %swap3A_412 = arith.index_cast %mul3A_308 : i32 to index
          %swap3A_413 = tpu.vector_load %arg9[%swap3A_411, %swap3A_412] {strides = array<i32>} : memref<32x768xf32, #tpu.memory_space<vmem>>, vector<1x16xf32>,
          %swap3A_414 = vector.shape_cast %swap3A_413 : vector<1x16xf32> to vector<16xf32>
          %swap3A_415 = vector.shape_cast %get3A_313 : vector<16xf32> to vector<1x16xf32>
          tpu.vector_store %arg9[%swap3A_411, %swap3A_412], %swap3A_415 {add = true, strides = array<i32>} : memref<32x768xf32, #tpu.memory_space<vmem>>, vector<1x16xf32>,
          %swap3A_416 = arith.constant 17 : i32
          %swap3A_417 = arith.index_cast %swap3A_416 : i32 to index
          %swap3A_418 = arith.index_cast %mul3A_308 : i32 to index
          %swap3A_419 = tpu.vector_load %arg9[%swap3A_417, %swap3A_418] {strides = array<i32>} : memref<32x768xf32, #tpu.memory_space<vmem>>, vector<1x16xf32>,
          %swap3A_420 = vector.shape_cast %swap3A_419 : vector<1x16xf32> to vector<16xf32>
          %swap3A_421 = vector.shape_cast %get3A_313 : vector<16xf32> to vector<1x16xf32>
          tpu.vector_store %arg9[%swap3A_417, %swap3A_418], %swap3A_421 {add = true, strides = array<i32>} : memref<32x768xf32, #tpu.memory_space<vmem>>, vector<1x16xf32>,
          %swap3A_422 = arith.constant 18 : i32
          %swap3A_423 = arith.index_cast %swap3A_422 : i32 to index
          %swap3A_424 = arith.index_cast %mul3A_308 : i32 to index
          %swap3A_425 = tpu.vector_load %arg9[%swap3A_423, %swap3A_424] {strides = array<i32>} : memref<32x768xf32, #tpu.memory_space<vmem>>, vector<1x16xf32>,
          %swap3A_426 = vector.shape_cast %swap3A_425 : vector<1x16xf32> to vector<16xf32>
          %swap3A_427 = vector.shape_cast %get3A_313 : vector<16xf32> to vector<1x16xf32>
          tpu.vector_store %arg9[%swap3A_423, %swap3A_424], %swap3A_427 {add = true, strides = array<i32>} : memref<32x768xf32, #tpu.memory_space<vmem>>, vector<1x16xf32>,
          %swap3A_428 = arith.constant 19 : i32
          %swap3A_429 = arith.index_cast %swap3A_428 : i32 to index
          %swap3A_430 = arith.index_cast %mul3A_308 : i32 to index
          %swap3A_431 = tpu.vector_load %arg9[%swap3A_429, %swap3A_430] {strides = array<i32>} : memref<32x768xf32, #tpu.memory_space<vmem>>, vector<1x16xf32>,
          %swap3A_432 = vector.shape_cast %swap3A_431 : vector<1x16xf32> to vector<16xf32>
          %swap3A_433 = vector.shape_cast %get3A_313 : vector<16xf32> to vector<1x16xf32>
          tpu.vector_store %arg9[%swap3A_429, %swap3A_430], %swap3A_433 {add = true, strides = array<i32>} : memref<32x768xf32, #tpu.memory_space<vmem>>, vector<1x16xf32>,
          %swap3A_434 = arith.constant 20 : i32
          %swap3A_435 = arith.index_cast %swap3A_434 : i32 to index
          %swap3A_436 = arith.index_cast %mul3A_308 : i32 to index
          %swap3A_437 = tpu.vector_load %arg9[%swap3A_435, %swap3A_436] {strides = array<i32>} : memref<32x768xf32, #tpu.memory_space<vmem>>, vector<1x16xf32>,
          %swap3A_438 = vector.shape_cast %swap3A_437 : vector<1x16xf32> to vector<16xf32>
          %swap3A_439 = vector.shape_cast %get3A_313 : vector<16xf32> to vector<1x16xf32>
          tpu.vector_store %arg9[%swap3A_435, %swap3A_436], %swap3A_439 {add = true, strides = array<i32>} : memref<32x768xf32, #tpu.memory_space<vmem>>, vector<1x16xf32>,
          %swap3A_440 = arith.constant 21 : i32
          %swap3A_441 = arith.index_cast %swap3A_440 : i32 to index
          %swap3A_442 = arith.index_cast %mul3A_308 : i32 to index
          %swap3A_443 = tpu.vector_load %arg9[%swap3A_441, %swap3A_442] {strides = array<i32>} : memref<32x768xf32, #tpu.memory_space<vmem>>, vector<1x16xf32>,
          %swap3A_444 = vector.shape_cast %swap3A_443 : vector<1x16xf32> to vector<16xf32>
          %swap3A_445 = vector.shape_cast %get3A_313 : vector<16xf32> to vector<1x16xf32>
          tpu.vector_store %arg9[%swap3A_441, %swap3A_442], %swap3A_445 {add = true, strides = array<i32>} : memref<32x768xf32, #tpu.memory_space<vmem>>, vector<1x16xf32>,
          %swap3A_446 = arith.constant 22 : i32
          %swap3A_447 = arith.index_cast %swap3A_446 : i32 to index
          %swap3A_448 = arith.index_cast %mul3A_308 : i32 to index
          %swap3A_449 = tpu.vector_load %arg9[%swap3A_447, %swap3A_448] {strides = array<i32>} : memref<32x768xf32, #tpu.memory_space<vmem>>, vector<1x16xf32>,
          %swap3A_450 = vector.shape_cast %swap3A_449 : vector<1x16xf32> to vector<16xf32>
          %swap3A_451 = vector.shape_cast %get3A_313 : vector<16xf32> to vector<1x16xf32>
          tpu.vector_store %arg9[%swap3A_447, %swap3A_448], %swap3A_451 {add = true, strides = array<i32>} : memref<32x768xf32, #tpu.memory_space<vmem>>, vector<1x16xf32>,
          %swap3A_452 = arith.constant 23 : i32
          %swap3A_453 = arith.index_cast %swap3A_452 : i32 to index
          %swap3A_454 = arith.index_cast %mul3A_308 : i32 to index
          %swap3A_455 = tpu.vector_load %arg9[%swap3A_453, %swap3A_454] {strides = array<i32>} : memref<32x768xf32, #tpu.memory_space<vmem>>, vector<1x16xf32>,
          %swap3A_456 = vector.shape_cast %swap3A_455 : vector<1x16xf32> to vector<16xf32>
          %swap3A_457 = vector.shape_cast %get3A_313 : vector<16xf32> to vector<1x16xf32>
          tpu.vector_store %arg9[%swap3A_453, %swap3A_454], %swap3A_457 {add = true, strides = array<i32>} : memref<32x768xf32, #tpu.memory_space<vmem>>, vector<1x16xf32>,
          %swap3A_458 = arith.constant 24 : i32
          %swap3A_459 = arith.index_cast %swap3A_458 : i32 to index
          %swap3A_460 = arith.index_cast %mul3A_308 : i32 to index
          %swap3A_461 = tpu.vector_load %arg9[%swap3A_459, %swap3A_460] {strides = array<i32>} : memref<32x768xf32, #tpu.memory_space<vmem>>, vector<1x16xf32>,
          %swap3A_462 = vector.shape_cast %swap3A_461 : vector<1x16xf32> to vector<16xf32>
          %swap3A_463 = vector.shape_cast %get3A_313 : vector<16xf32> to vector<1x16xf32>
          tpu.vector_store %arg9[%swap3A_459, %swap3A_460], %swap3A_463 {add = true, strides = array<i32>} : memref<32x768xf32, #tpu.memory_space<vmem>>, vector<1x16xf32>,
          %swap3A_464 = arith.constant 25 : i32
          %swap3A_465 = arith.index_cast %swap3A_464 : i32 to index
          %swap3A_466 = arith.index_cast %mul3A_308 : i32 to index
          %swap3A_467 = tpu.vector_load %arg9[%swap3A_465, %swap3A_466] {strides = array<i32>} : memref<32x768xf32, #tpu.memory_space<vmem>>, vector<1x16xf32>,
          %swap3A_468 = vector.shape_cast %swap3A_467 : vector<1x16xf32> to vector<16xf32>
          %swap3A_469 = vector.shape_cast %get3A_313 : vector<16xf32> to vector<1x16xf32>
          tpu.vector_store %arg9[%swap3A_465, %swap3A_466], %swap3A_469 {add = true, strides = array<i32>} : memref<32x768xf32, #tpu.memory_space<vmem>>, vector<1x16xf32>,
          %swap3A_470 = arith.constant 26 : i32
          %swap3A_471 = arith.index_cast %swap3A_470 : i32 to index
          %swap3A_472 = arith.index_cast %mul3A_308 : i32 to index
          %swap3A_473 = tpu.vector_load %arg9[%swap3A_471, %swap3A_472] {strides = array<i32>} : memref<32x768xf32, #tpu.memory_space<vmem>>, vector<1x16xf32>,
          %swap3A_474 = vector.shape_cast %swap3A_473 : vector<1x16xf32> to vector<16xf32>
          %swap3A_475 = vector.shape_cast %get3A_313 : vector<16xf32> to vector<1x16xf32>
          tpu.vector_store %arg9[%swap3A_471, %swap3A_472], %swap3A_475 {add = true, strides = array<i32>} : memref<32x768xf32, #tpu.memory_space<vmem>>, vector<1x16xf32>,
          %swap3A_476 = arith.constant 27 : i32
          %swap3A_477 = arith.index_cast %swap3A_476 : i32 to index
          %swap3A_478 = arith.index_cast %mul3A_308 : i32 to index
          %swap3A_479 = tpu.vector_load %arg9[%swap3A_477, %swap3A_478] {strides = array<i32>} : memref<32x768xf32, #tpu.memory_space<vmem>>, vector<1x16xf32>,
          %swap3A_480 = vector.shape_cast %swap3A_479 : vector<1x16xf32> to vector<16xf32>
          %swap3A_481 = vector.shape_cast %get3A_313 : vector<16xf32> to vector<1x16xf32>
          tpu.vector_store %arg9[%swap3A_477, %swap3A_478], %swap3A_481 {add = true, strides = array<i32>} : memref<32x768xf32, #tpu.memory_space<vmem>>, vector<1x16xf32>,
          %swap3A_482 = arith.constant 28 : i32
          %swap3A_483 = arith.index_cast %swap3A_482 : i32 to index
          %swap3A_484 = arith.index_cast %mul3A_308 : i32 to index
          %swap3A_485 = tpu.vector_load %arg9[%swap3A_483, %swap3A_484] {strides = array<i32>} : memref<32x768xf32, #tpu.memory_space<vmem>>, vector<1x16xf32>,
          %swap3A_486 = vector.shape_cast %swap3A_485 : vector<1x16xf32> to vector<16xf32>
          %swap3A_487 = vector.shape_cast %get3A_313 : vector<16xf32> to vector<1x16xf32>
          tpu.vector_store %arg9[%swap3A_483, %swap3A_484], %swap3A_487 {add = true, strides = array<i32>} : memref<32x768xf32, #tpu.memory_space<vmem>>, vector<1x16xf32>,
          %swap3A_488 = arith.constant 29 : i32
          %swap3A_489 = arith.index_cast %swap3A_488 : i32 to index
          %swap3A_490 = arith.index_cast %mul3A_308 : i32 to index
          %swap3A_491 = tpu.vector_load %arg9[%swap3A_489, %swap3A_490] {strides = array<i32>} : memref<32x768xf32, #tpu.memory_space<vmem>>, vector<1x16xf32>,
          %swap3A_492 = vector.shape_cast %swap3A_491 : vector<1x16xf32> to vector<16xf32>
          %swap3A_493 = vector.shape_cast %get3A_313 : vector<16xf32> to vector<1x16xf32>
          tpu.vector_store %arg9[%swap3A_489, %swap3A_490], %swap3A_493 {add = true, strides = array<i32>} : memref<32x768xf32, #tpu.memory_space<vmem>>, vector<1x16xf32>,
          %swap3A_494 = arith.constant 30 : i32
          %swap3A_495 = arith.index_cast %swap3A_494 : i32 to index
          %swap3A_496 = arith.index_cast %mul3A_308 : i32 to index
          %swap3A_497 = tpu.vector_load %arg9[%swap3A_495, %swap3A_496] {strides = array<i32>} : memref<32x768xf32, #tpu.memory_space<vmem>>, vector<1x16xf32>,
          %swap3A_498 = vector.shape_cast %swap3A_497 : vector<1x16xf32> to vector<16xf32>
          %swap3A_499 = vector.shape_cast %get3A_313 : vector<16xf32> to vector<1x16xf32>
          tpu.vector_store %arg9[%swap3A_495, %swap3A_496], %swap3A_499 {add = true, strides = array<i32>} : memref<32x768xf32, #tpu.memory_space<vmem>>, vector<1x16xf32>,
          %swap3A_500 = arith.constant 31 : i32
          %swap3A_501 = arith.index_cast %swap3A_500 : i32 to index
          %swap3A_502 = arith.index_cast %mul3A_308 : i32 to index
          %swap3A_503 = tpu.vector_load %arg9[%swap3A_501, %swap3A_502] {strides = array<i32>} : memref<32x768xf32, #tpu.memory_space<vmem>>, vector<1x16xf32>,
          %swap3A_504 = vector.shape_cast %swap3A_503 : vector<1x16xf32> to vector<16xf32>
          %swap3A_505 = vector.shape_cast %get3A_313 : vector<16xf32> to vector<1x16xf32>
          tpu.vector_store %arg9[%swap3A_501, %swap3A_502], %swap3A_505 {add = true, strides = array<i32>} : memref<32x768xf32, #tpu.memory_space<vmem>>, vector<1x16xf32>,
        }
        %scan3A_100 = arith.constant 48 : i32
        %dma_start3A_101 = arith.constant 0 : i32
        %dma_start3A_102 = tpu.memref_slice %arg5[%scan3A_60, %mul3A_2, %dma_start3A_101] : memref<77x1024x768xf32, #tpu.memory_space<hbm>> -> memref<1x32x768xf32, #tpu.memory_space<hbm>>
        %dma_start3A_103 = tpu.memref_squeeze %dma_start3A_102 : memref<1x32x768xf32, #tpu.memory_space<hbm>> -> memref<32x768xf32, #tpu.memory_space<hbm>>
        %dma_start3A_104 = arith.constant 0 : i32
        %dma_start3A_105 = tpu.memref_slice %arg5[%scan3A_60, %mul3A_2, %dma_start3A_104] : memref<77x1024x768xf32, #tpu.memory_space<hbm>> -> memref<1x32x768xf32, #tpu.memory_space<hbm>>
        %dma_start3A_106 = tpu.memref_squeeze %dma_start3A_105 : memref<1x32x768xf32, #tpu.memory_space<hbm>> -> memref<32x768xf32, #tpu.memory_space<hbm>>
        tpu.enqueue_dma source(%arg9 : memref<32x768xf32, #tpu.memory_space<vmem>>) target(%dma_start3A_106 : memref<32x768xf32, #tpu.memory_space<hbm>>) target_semaphore(%arg21 : memref<!tpu.dma_semaphore, #tpu.memory_space<semaphore_mem>>)
      } else {
      }
      %eq3A_74 = arith.constant 3 : i32
      %eq3A_75 = arith.cmpi eq, %rem3A_61, %eq3A_74 : i32
      %convert_element_type3A_76 = arith.extui %eq3A_75 : i1 to i32
      %cond3A_77 = arith.constant 0 : i32
      %cond3A_78 = arith.cmpi ne, %convert_element_type3A_76, %cond3A_77 : i32
      scf.if %cond3A_78 {
        %add3A_79 = arith.constant 2 : i32
        %add3A_80 = arith.addi %scan3A_60, %add3A_79 : i32
        %lt3A = arith.constant 77 : i32
        %lt3A_81 = arith.cmpi slt, %add3A_80, %lt3A : i32
        %convert_element_type3A_82 = arith.extui %lt3A_81 : i1 to i32
        %cond3A_83 = arith.constant 0 : i32
        %cond3A_84 = arith.cmpi ne, %convert_element_type3A_82, %cond3A_83 : i32
        scf.if %cond3A_84 {
          %ge3A = arith.constant 2 : i32
          %ge3A_107 = arith.cmpi sge, %scan3A_60, %ge3A : i32
          %convert_element_type3A_108 = arith.extui %ge3A_107 : i1 to i32
          %cond3A_109 = arith.constant 0 : i32
          %cond3A_110 = arith.cmpi ne, %convert_element_type3A_108, %cond3A_109 : i32
          scf.if %cond3A_110 {
            %sub3A = arith.constant 2 : i32
            %sub3A_123 = arith.subi %scan3A_60, %sub3A : i32
            %dma_wait3A_124 = arith.constant 0 : i32
            %dma_wait3A_125 = tpu.memref_slice %arg5[%sub3A_123, %mul3A_2, %dma_wait3A_124] : memref<77x1024x768xf32, #tpu.memory_space<hbm>> -> memref<1x32x768xf32, #tpu.memory_space<hbm>>
            %dma_wait3A_126 = tpu.memref_squeeze %dma_wait3A_125 : memref<1x32x768xf32, #tpu.memory_space<hbm>> -> memref<32x768xf32, #tpu.memory_space<hbm>>
            %dma_wait3A_127 = arith.constant 0 : i32
            %dma_wait3A_128 = tpu.memref_slice %arg5[%sub3A_123, %mul3A_2, %dma_wait3A_127] : memref<77x1024x768xf32, #tpu.memory_space<hbm>> -> memref<1x32x768xf32, #tpu.memory_space<hbm>>
            %dma_wait3A_129 = tpu.memref_squeeze %dma_wait3A_128 : memref<1x32x768xf32, #tpu.memory_space<hbm>> -> memref<32x768xf32, #tpu.memory_space<hbm>>
            tpu.wait_dma2 semaphore(%arg20 : memref<!tpu.dma_semaphore, #tpu.memory_space<semaphore_mem>>) src(%arg8 : memref<32x768xf32, #tpu.memory_space<vmem>>) dst(%dma_wait3A_129 : memref<32x768xf32, #tpu.memory_space<hbm>>)
          } else {
          }
          %add3A_111 = arith.constant 2 : i32
          %add3A_112 = arith.addi %scan3A_60, %add3A_111 : i32
          %dma_start3A_113 = arith.constant 0 : i32
          %dma_start3A_114 = tpu.memref_slice %arg6[%add3A_112, %dma_start3A_113] : memref<77x32xi32, #tpu.memory_space<vmem>> -> memref<1x32xi32, #tpu.memory_space<vmem>>
          %dma_start3A_115 = tpu.memref_squeeze %dma_start3A_114 : memref<1x32xi32, #tpu.memory_space<vmem>> -> memref<32xi32, #tpu.memory_space<vmem>>
          %dma_start3A_116 = arith.constant 0 : i32
          %dma_start3A_117 = arith.constant 0 : i32
          %dma_start3A_118 = tpu.memref_slice %arg2[%dma_start3A_116, %dma_start3A_117] : memref<49408x768xf32, #tpu.memory_space<hbm>> -> memref<49408x768xf32, #tpu.memory_space<hbm>>
          tpu.enqueue_indirect_dma source(%dma_start3A_118 : memref<49408x768xf32, #tpu.memory_space<hbm>>) target(%arg8 : memref<32x768xf32, #tpu.memory_space<vmem>>) offsets(%dma_start3A_115 : memref<32xi32, #tpu.memory_space<vmem>>) semaphore(%arg16 : memref<!tpu.dma_semaphore, #tpu.memory_space<semaphore_mem>>)
          %dma_start3A_119 = arith.constant 0 : i32
          %dma_start3A_120 = tpu.memref_slice %arg4[%add3A_112, %dma_start3A_119] : memref<77x768xf32, #tpu.memory_space<hbm>> -> memref<1x768xf32, #tpu.memory_space<hbm>>
          %dma_start3A_121 = arith.constant 0 : i32
          %dma_start3A_122 = tpu.memref_slice %arg4[%add3A_112, %dma_start3A_121] : memref<77x768xf32, #tpu.memory_space<hbm>> -> memref<1x768xf32, #tpu.memory_space<hbm>>
          tpu.enqueue_dma source(%dma_start3A_122 : memref<1x768xf32, #tpu.memory_space<hbm>>) target(%arg12 : memref<1x768xf32, #tpu.memory_space<vmem>>) target_semaphore(%arg24 : memref<!tpu.dma_semaphore, #tpu.memory_space<semaphore_mem>>)
        } else {
        }
        %dma_wait3A_85 = arith.constant 0 : i32
        %dma_wait3A_86 = tpu.memref_slice %arg6[%scan3A_60, %dma_wait3A_85] : memref<77x32xi32, #tpu.memory_space<vmem>> -> memref<1x32xi32, #tpu.memory_space<vmem>>
        %dma_wait3A_87 = tpu.memref_squeeze %dma_wait3A_86 : memref<1x32xi32, #tpu.memory_space<vmem>> -> memref<32xi32, #tpu.memory_space<vmem>>
        %dma_wait3A_88 = arith.constant 0 : i32
        %dma_wait3A_89 = arith.constant 0 : i32
        %dma_wait3A_90 = tpu.memref_slice %arg2[%dma_wait3A_88, %dma_wait3A_89] : memref<49408x768xf32, #tpu.memory_space<hbm>> -> memref<49408x768xf32, #tpu.memory_space<hbm>>
        tpu.wait_indirect_dma semaphore(%arg18 : memref<!tpu.dma_semaphore, #tpu.memory_space<semaphore_mem>>) src(%dma_wait3A_90 : memref<49408x768xf32, #tpu.memory_space<hbm>>) dst(%arg10 : memref<32x768xf32, #tpu.memory_space<vmem>>)
        %dma_wait3A_91 = arith.constant 0 : i32
        %dma_wait3A_92 = tpu.memref_slice %arg4[%scan3A_60, %dma_wait3A_91] : memref<77x768xf32, #tpu.memory_space<hbm>> -> memref<1x768xf32, #tpu.memory_space<hbm>>
        %dma_wait3A_93 = arith.constant 0 : i32
        %dma_wait3A_94 = tpu.memref_slice %arg4[%scan3A_60, %dma_wait3A_93] : memref<77x768xf32, #tpu.memory_space<hbm>> -> memref<1x768xf32, #tpu.memory_space<hbm>>
        tpu.wait_dma2 semaphore(%arg26 : memref<!tpu.dma_semaphore, #tpu.memory_space<semaphore_mem>>) src(%dma_wait3A_94 : memref<1x768xf32, #tpu.memory_space<hbm>>) dst(%arg14 : memref<1x768xf32, #tpu.memory_space<vmem>>)
        %scan3A_95 = arith.constant 0 : i32
        %scan3A_96 = arith.constant 0 : i32
        %scan3A_97 = arith.constant 48 : i32
        %scan3A_98 = arith.addi %scan3A_96, %scan3A_97 : i32
        %scan3A_99 = arith.constant 2 : i32
        scf.for %scan3A_107 = %scan3A_96 to %scan3A_98 step %scan3A_99  : i32 {
          %mul3A_108 = arith.constant 16 : i32
          %mul3A_109 = arith.muli %scan3A_107, %mul3A_108 : i32
          %get3A = arith.constant 0 : i32
          %get3A_110 = arith.index_cast %get3A : i32 to index
          %get3A_111 = arith.index_cast %mul3A_109 : i32 to index
          %get3A_112 = tpu.vector_load %arg14[%get3A_110, %get3A_111] {strides = array<i32>} : memref<1x768xf32, #tpu.memory_space<vmem>>, vector<1x16xf32>,
          %get3A_113 = vector.shape_cast %get3A_112 : vector<1x16xf32> to vector<16xf32>
          %swap3A = arith.constant 0 : i32
          %swap3A_114 = arith.index_cast %swap3A : i32 to index
          %swap3A_115 = arith.index_cast %mul3A_109 : i32 to index
          %swap3A_116 = tpu.vector_load %arg10[%swap3A_114, %swap3A_115] {strides = array<i32>} : memref<32x768xf32, #tpu.memory_space<vmem>>, vector<1x16xf32>,
          %swap3A_117 = vector.shape_cast %swap3A_116 : vector<1x16xf32> to vector<16xf32>
          %swap3A_118 = vector.shape_cast %get3A_113 : vector<16xf32> to vector<1x16xf32>
          tpu.vector_store %arg10[%swap3A_114, %swap3A_115], %swap3A_118 {add = true, strides = array<i32>} : memref<32x768xf32, #tpu.memory_space<vmem>>, vector<1x16xf32>,
          %swap3A_119 = arith.constant 1 : i32
          %swap3A_120 = arith.index_cast %swap3A_119 : i32 to index
          %swap3A_121 = arith.index_cast %mul3A_109 : i32 to index
          %swap3A_122 = tpu.vector_load %arg10[%swap3A_120, %swap3A_121] {strides = array<i32>} : memref<32x768xf32, #tpu.memory_space<vmem>>, vector<1x16xf32>,
          %swap3A_123 = vector.shape_cast %swap3A_122 : vector<1x16xf32> to vector<16xf32>
          %swap3A_124 = vector.shape_cast %get3A_113 : vector<16xf32> to vector<1x16xf32>
          tpu.vector_store %arg10[%swap3A_120, %swap3A_121], %swap3A_124 {add = true, strides = array<i32>} : memref<32x768xf32, #tpu.memory_space<vmem>>, vector<1x16xf32>,
          %swap3A_125 = arith.constant 2 : i32
          %swap3A_126 = arith.index_cast %swap3A_125 : i32 to index
          %swap3A_127 = arith.index_cast %mul3A_109 : i32 to index
          %swap3A_128 = tpu.vector_load %arg10[%swap3A_126, %swap3A_127] {strides = array<i32>} : memref<32x768xf32, #tpu.memory_space<vmem>>, vector<1x16xf32>,
          %swap3A_129 = vector.shape_cast %swap3A_128 : vector<1x16xf32> to vector<16xf32>
          %swap3A_130 = vector.shape_cast %get3A_113 : vector<16xf32> to vector<1x16xf32>
          tpu.vector_store %arg10[%swap3A_126, %swap3A_127], %swap3A_130 {add = true, strides = array<i32>} : memref<32x768xf32, #tpu.memory_space<vmem>>, vector<1x16xf32>,
          %swap3A_131 = arith.constant 3 : i32
          %swap3A_132 = arith.index_cast %swap3A_131 : i32 to index
          %swap3A_133 = arith.index_cast %mul3A_109 : i32 to index
          %swap3A_134 = tpu.vector_load %arg10[%swap3A_132, %swap3A_133] {strides = array<i32>} : memref<32x768xf32, #tpu.memory_space<vmem>>, vector<1x16xf32>,
          %swap3A_135 = vector.shape_cast %swap3A_134 : vector<1x16xf32> to vector<16xf32>
          %swap3A_136 = vector.shape_cast %get3A_113 : vector<16xf32> to vector<1x16xf32>
          tpu.vector_store %arg10[%swap3A_132, %swap3A_133], %swap3A_136 {add = true, strides = array<i32>} : memref<32x768xf32, #tpu.memory_space<vmem>>, vector<1x16xf32>,
          %swap3A_137 = arith.constant 4 : i32
          %swap3A_138 = arith.index_cast %swap3A_137 : i32 to index
          %swap3A_139 = arith.index_cast %mul3A_109 : i32 to index
          %swap3A_140 = tpu.vector_load %arg10[%swap3A_138, %swap3A_139] {strides = array<i32>} : memref<32x768xf32, #tpu.memory_space<vmem>>, vector<1x16xf32>,
          %swap3A_141 = vector.shape_cast %swap3A_140 : vector<1x16xf32> to vector<16xf32>
          %swap3A_142 = vector.shape_cast %get3A_113 : vector<16xf32> to vector<1x16xf32>
          tpu.vector_store %arg10[%swap3A_138, %swap3A_139], %swap3A_142 {add = true, strides = array<i32>} : memref<32x768xf32, #tpu.memory_space<vmem>>, vector<1x16xf32>,
          %swap3A_143 = arith.constant 5 : i32
          %swap3A_144 = arith.index_cast %swap3A_143 : i32 to index
          %swap3A_145 = arith.index_cast %mul3A_109 : i32 to index
          %swap3A_146 = tpu.vector_load %arg10[%swap3A_144, %swap3A_145] {strides = array<i32>} : memref<32x768xf32, #tpu.memory_space<vmem>>, vector<1x16xf32>,
          %swap3A_147 = vector.shape_cast %swap3A_146 : vector<1x16xf32> to vector<16xf32>
          %swap3A_148 = vector.shape_cast %get3A_113 : vector<16xf32> to vector<1x16xf32>
          tpu.vector_store %arg10[%swap3A_144, %swap3A_145], %swap3A_148 {add = true, strides = array<i32>} : memref<32x768xf32, #tpu.memory_space<vmem>>, vector<1x16xf32>,
          %swap3A_149 = arith.constant 6 : i32
          %swap3A_150 = arith.index_cast %swap3A_149 : i32 to index
          %swap3A_151 = arith.index_cast %mul3A_109 : i32 to index
          %swap3A_152 = tpu.vector_load %arg10[%swap3A_150, %swap3A_151] {strides = array<i32>} : memref<32x768xf32, #tpu.memory_space<vmem>>, vector<1x16xf32>,
          %swap3A_153 = vector.shape_cast %swap3A_152 : vector<1x16xf32> to vector<16xf32>
          %swap3A_154 = vector.shape_cast %get3A_113 : vector<16xf32> to vector<1x16xf32>
          tpu.vector_store %arg10[%swap3A_150, %swap3A_151], %swap3A_154 {add = true, strides = array<i32>} : memref<32x768xf32, #tpu.memory_space<vmem>>, vector<1x16xf32>,
          %swap3A_155 = arith.constant 7 : i32
          %swap3A_156 = arith.index_cast %swap3A_155 : i32 to index
          %swap3A_157 = arith.index_cast %mul3A_109 : i32 to index
          %swap3A_158 = tpu.vector_load %arg10[%swap3A_156, %swap3A_157] {strides = array<i32>} : memref<32x768xf32, #tpu.memory_space<vmem>>, vector<1x16xf32>,
          %swap3A_159 = vector.shape_cast %swap3A_158 : vector<1x16xf32> to vector<16xf32>
          %swap3A_160 = vector.shape_cast %get3A_113 : vector<16xf32> to vector<1x16xf32>
          tpu.vector_store %arg10[%swap3A_156, %swap3A_157], %swap3A_160 {add = true, strides = array<i32>} : memref<32x768xf32, #tpu.memory_space<vmem>>, vector<1x16xf32>,
          %swap3A_161 = arith.constant 8 : i32
          %swap3A_162 = arith.index_cast %swap3A_161 : i32 to index
          %swap3A_163 = arith.index_cast %mul3A_109 : i32 to index
          %swap3A_164 = tpu.vector_load %arg10[%swap3A_162, %swap3A_163] {strides = array<i32>} : memref<32x768xf32, #tpu.memory_space<vmem>>, vector<1x16xf32>,
          %swap3A_165 = vector.shape_cast %swap3A_164 : vector<1x16xf32> to vector<16xf32>
          %swap3A_166 = vector.shape_cast %get3A_113 : vector<16xf32> to vector<1x16xf32>
          tpu.vector_store %arg10[%swap3A_162, %swap3A_163], %swap3A_166 {add = true, strides = array<i32>} : memref<32x768xf32, #tpu.memory_space<vmem>>, vector<1x16xf32>,
          %swap3A_167 = arith.constant 9 : i32
          %swap3A_168 = arith.index_cast %swap3A_167 : i32 to index
          %swap3A_169 = arith.index_cast %mul3A_109 : i32 to index
          %swap3A_170 = tpu.vector_load %arg10[%swap3A_168, %swap3A_169] {strides = array<i32>} : memref<32x768xf32, #tpu.memory_space<vmem>>, vector<1x16xf32>,
          %swap3A_171 = vector.shape_cast %swap3A_170 : vector<1x16xf32> to vector<16xf32>
          %swap3A_172 = vector.shape_cast %get3A_113 : vector<16xf32> to vector<1x16xf32>
          tpu.vector_store %arg10[%swap3A_168, %swap3A_169], %swap3A_172 {add = true, strides = array<i32>} : memref<32x768xf32, #tpu.memory_space<vmem>>, vector<1x16xf32>,
          %swap3A_173 = arith.constant 10 : i32
          %swap3A_174 = arith.index_cast %swap3A_173 : i32 to index
          %swap3A_175 = arith.index_cast %mul3A_109 : i32 to index
          %swap3A_176 = tpu.vector_load %arg10[%swap3A_174, %swap3A_175] {strides = array<i32>} : memref<32x768xf32, #tpu.memory_space<vmem>>, vector<1x16xf32>,
          %swap3A_177 = vector.shape_cast %swap3A_176 : vector<1x16xf32> to vector<16xf32>
          %swap3A_178 = vector.shape_cast %get3A_113 : vector<16xf32> to vector<1x16xf32>
          tpu.vector_store %arg10[%swap3A_174, %swap3A_175], %swap3A_178 {add = true, strides = array<i32>} : memref<32x768xf32, #tpu.memory_space<vmem>>, vector<1x16xf32>,
          %swap3A_179 = arith.constant 11 : i32
          %swap3A_180 = arith.index_cast %swap3A_179 : i32 to index
          %swap3A_181 = arith.index_cast %mul3A_109 : i32 to index
          %swap3A_182 = tpu.vector_load %arg10[%swap3A_180, %swap3A_181] {strides = array<i32>} : memref<32x768xf32, #tpu.memory_space<vmem>>, vector<1x16xf32>,
          %swap3A_183 = vector.shape_cast %swap3A_182 : vector<1x16xf32> to vector<16xf32>
          %swap3A_184 = vector.shape_cast %get3A_113 : vector<16xf32> to vector<1x16xf32>
          tpu.vector_store %arg10[%swap3A_180, %swap3A_181], %swap3A_184 {add = true, strides = array<i32>} : memref<32x768xf32, #tpu.memory_space<vmem>>, vector<1x16xf32>,
          %swap3A_185 = arith.constant 12 : i32
          %swap3A_186 = arith.index_cast %swap3A_185 : i32 to index
          %swap3A_187 = arith.index_cast %mul3A_109 : i32 to index
          %swap3A_188 = tpu.vector_load %arg10[%swap3A_186, %swap3A_187] {strides = array<i32>} : memref<32x768xf32, #tpu.memory_space<vmem>>, vector<1x16xf32>,
          %swap3A_189 = vector.shape_cast %swap3A_188 : vector<1x16xf32> to vector<16xf32>
          %swap3A_190 = vector.shape_cast %get3A_113 : vector<16xf32> to vector<1x16xf32>
          tpu.vector_store %arg10[%swap3A_186, %swap3A_187], %swap3A_190 {add = true, strides = array<i32>} : memref<32x768xf32, #tpu.memory_space<vmem>>, vector<1x16xf32>,
          %swap3A_191 = arith.constant 13 : i32
          %swap3A_192 = arith.index_cast %swap3A_191 : i32 to index
          %swap3A_193 = arith.index_cast %mul3A_109 : i32 to index
          %swap3A_194 = tpu.vector_load %arg10[%swap3A_192, %swap3A_193] {strides = array<i32>} : memref<32x768xf32, #tpu.memory_space<vmem>>, vector<1x16xf32>,
          %swap3A_195 = vector.shape_cast %swap3A_194 : vector<1x16xf32> to vector<16xf32>
          %swap3A_196 = vector.shape_cast %get3A_113 : vector<16xf32> to vector<1x16xf32>
          tpu.vector_store %arg10[%swap3A_192, %swap3A_193], %swap3A_196 {add = true, strides = array<i32>} : memref<32x768xf32, #tpu.memory_space<vmem>>, vector<1x16xf32>,
          %swap3A_197 = arith.constant 14 : i32
          %swap3A_198 = arith.index_cast %swap3A_197 : i32 to index
          %swap3A_199 = arith.index_cast %mul3A_109 : i32 to index
          %swap3A_200 = tpu.vector_load %arg10[%swap3A_198, %swap3A_199] {strides = array<i32>} : memref<32x768xf32, #tpu.memory_space<vmem>>, vector<1x16xf32>,
          %swap3A_201 = vector.shape_cast %swap3A_200 : vector<1x16xf32> to vector<16xf32>
          %swap3A_202 = vector.shape_cast %get3A_113 : vector<16xf32> to vector<1x16xf32>
          tpu.vector_store %arg10[%swap3A_198, %swap3A_199], %swap3A_202 {add = true, strides = array<i32>} : memref<32x768xf32, #tpu.memory_space<vmem>>, vector<1x16xf32>,
          %swap3A_203 = arith.constant 15 : i32
          %swap3A_204 = arith.index_cast %swap3A_203 : i32 to index
          %swap3A_205 = arith.index_cast %mul3A_109 : i32 to index
          %swap3A_206 = tpu.vector_load %arg10[%swap3A_204, %swap3A_205] {strides = array<i32>} : memref<32x768xf32, #tpu.memory_space<vmem>>, vector<1x16xf32>,
          %swap3A_207 = vector.shape_cast %swap3A_206 : vector<1x16xf32> to vector<16xf32>
          %swap3A_208 = vector.shape_cast %get3A_113 : vector<16xf32> to vector<1x16xf32>
          tpu.vector_store %arg10[%swap3A_204, %swap3A_205], %swap3A_208 {add = true, strides = array<i32>} : memref<32x768xf32, #tpu.memory_space<vmem>>, vector<1x16xf32>,
          %swap3A_209 = arith.constant 16 : i32
          %swap3A_210 = arith.index_cast %swap3A_209 : i32 to index
          %swap3A_211 = arith.index_cast %mul3A_109 : i32 to index
          %swap3A_212 = tpu.vector_load %arg10[%swap3A_210, %swap3A_211] {strides = array<i32>} : memref<32x768xf32, #tpu.memory_space<vmem>>, vector<1x16xf32>,
          %swap3A_213 = vector.shape_cast %swap3A_212 : vector<1x16xf32> to vector<16xf32>
          %swap3A_214 = vector.shape_cast %get3A_113 : vector<16xf32> to vector<1x16xf32>
          tpu.vector_store %arg10[%swap3A_210, %swap3A_211], %swap3A_214 {add = true, strides = array<i32>} : memref<32x768xf32, #tpu.memory_space<vmem>>, vector<1x16xf32>,
          %swap3A_215 = arith.constant 17 : i32
          %swap3A_216 = arith.index_cast %swap3A_215 : i32 to index
          %swap3A_217 = arith.index_cast %mul3A_109 : i32 to index
          %swap3A_218 = tpu.vector_load %arg10[%swap3A_216, %swap3A_217] {strides = array<i32>} : memref<32x768xf32, #tpu.memory_space<vmem>>, vector<1x16xf32>,
          %swap3A_219 = vector.shape_cast %swap3A_218 : vector<1x16xf32> to vector<16xf32>
          %swap3A_220 = vector.shape_cast %get3A_113 : vector<16xf32> to vector<1x16xf32>
          tpu.vector_store %arg10[%swap3A_216, %swap3A_217], %swap3A_220 {add = true, strides = array<i32>} : memref<32x768xf32, #tpu.memory_space<vmem>>, vector<1x16xf32>,
          %swap3A_221 = arith.constant 18 : i32
          %swap3A_222 = arith.index_cast %swap3A_221 : i32 to index
          %swap3A_223 = arith.index_cast %mul3A_109 : i32 to index
          %swap3A_224 = tpu.vector_load %arg10[%swap3A_222, %swap3A_223] {strides = array<i32>} : memref<32x768xf32, #tpu.memory_space<vmem>>, vector<1x16xf32>,
          %swap3A_225 = vector.shape_cast %swap3A_224 : vector<1x16xf32> to vector<16xf32>
          %swap3A_226 = vector.shape_cast %get3A_113 : vector<16xf32> to vector<1x16xf32>
          tpu.vector_store %arg10[%swap3A_222, %swap3A_223], %swap3A_226 {add = true, strides = array<i32>} : memref<32x768xf32, #tpu.memory_space<vmem>>, vector<1x16xf32>,
          %swap3A_227 = arith.constant 19 : i32
          %swap3A_228 = arith.index_cast %swap3A_227 : i32 to index
          %swap3A_229 = arith.index_cast %mul3A_109 : i32 to index
          %swap3A_230 = tpu.vector_load %arg10[%swap3A_228, %swap3A_229] {strides = array<i32>} : memref<32x768xf32, #tpu.memory_space<vmem>>, vector<1x16xf32>,
          %swap3A_231 = vector.shape_cast %swap3A_230 : vector<1x16xf32> to vector<16xf32>
          %swap3A_232 = vector.shape_cast %get3A_113 : vector<16xf32> to vector<1x16xf32>
          tpu.vector_store %arg10[%swap3A_228, %swap3A_229], %swap3A_232 {add = true, strides = array<i32>} : memref<32x768xf32, #tpu.memory_space<vmem>>, vector<1x16xf32>,
          %swap3A_233 = arith.constant 20 : i32
          %swap3A_234 = arith.index_cast %swap3A_233 : i32 to index
          %swap3A_235 = arith.index_cast %mul3A_109 : i32 to index
          %swap3A_236 = tpu.vector_load %arg10[%swap3A_234, %swap3A_235] {strides = array<i32>} : memref<32x768xf32, #tpu.memory_space<vmem>>, vector<1x16xf32>,
          %swap3A_237 = vector.shape_cast %swap3A_236 : vector<1x16xf32> to vector<16xf32>
          %swap3A_238 = vector.shape_cast %get3A_113 : vector<16xf32> to vector<1x16xf32>
          tpu.vector_store %arg10[%swap3A_234, %swap3A_235], %swap3A_238 {add = true, strides = array<i32>} : memref<32x768xf32, #tpu.memory_space<vmem>>, vector<1x16xf32>,
          %swap3A_239 = arith.constant 21 : i32
          %swap3A_240 = arith.index_cast %swap3A_239 : i32 to index
          %swap3A_241 = arith.index_cast %mul3A_109 : i32 to index
          %swap3A_242 = tpu.vector_load %arg10[%swap3A_240, %swap3A_241] {strides = array<i32>} : memref<32x768xf32, #tpu.memory_space<vmem>>, vector<1x16xf32>,
          %swap3A_243 = vector.shape_cast %swap3A_242 : vector<1x16xf32> to vector<16xf32>
          %swap3A_244 = vector.shape_cast %get3A_113 : vector<16xf32> to vector<1x16xf32>
          tpu.vector_store %arg10[%swap3A_240, %swap3A_241], %swap3A_244 {add = true, strides = array<i32>} : memref<32x768xf32, #tpu.memory_space<vmem>>, vector<1x16xf32>,
          %swap3A_245 = arith.constant 22 : i32
          %swap3A_246 = arith.index_cast %swap3A_245 : i32 to index
          %swap3A_247 = arith.index_cast %mul3A_109 : i32 to index
          %swap3A_248 = tpu.vector_load %arg10[%swap3A_246, %swap3A_247] {strides = array<i32>} : memref<32x768xf32, #tpu.memory_space<vmem>>, vector<1x16xf32>,
          %swap3A_249 = vector.shape_cast %swap3A_248 : vector<1x16xf32> to vector<16xf32>
          %swap3A_250 = vector.shape_cast %get3A_113 : vector<16xf32> to vector<1x16xf32>
          tpu.vector_store %arg10[%swap3A_246, %swap3A_247], %swap3A_250 {add = true, strides = array<i32>} : memref<32x768xf32, #tpu.memory_space<vmem>>, vector<1x16xf32>,
          %swap3A_251 = arith.constant 23 : i32
          %swap3A_252 = arith.index_cast %swap3A_251 : i32 to index
          %swap3A_253 = arith.index_cast %mul3A_109 : i32 to index
          %swap3A_254 = tpu.vector_load %arg10[%swap3A_252, %swap3A_253] {strides = array<i32>} : memref<32x768xf32, #tpu.memory_space<vmem>>, vector<1x16xf32>,
          %swap3A_255 = vector.shape_cast %swap3A_254 : vector<1x16xf32> to vector<16xf32>
          %swap3A_256 = vector.shape_cast %get3A_113 : vector<16xf32> to vector<1x16xf32>
          tpu.vector_store %arg10[%swap3A_252, %swap3A_253], %swap3A_256 {add = true, strides = array<i32>} : memref<32x768xf32, #tpu.memory_space<vmem>>, vector<1x16xf32>,
          %swap3A_257 = arith.constant 24 : i32
          %swap3A_258 = arith.index_cast %swap3A_257 : i32 to index
          %swap3A_259 = arith.index_cast %mul3A_109 : i32 to index
          %swap3A_260 = tpu.vector_load %arg10[%swap3A_258, %swap3A_259] {strides = array<i32>} : memref<32x768xf32, #tpu.memory_space<vmem>>, vector<1x16xf32>,
          %swap3A_261 = vector.shape_cast %swap3A_260 : vector<1x16xf32> to vector<16xf32>
          %swap3A_262 = vector.shape_cast %get3A_113 : vector<16xf32> to vector<1x16xf32>
          tpu.vector_store %arg10[%swap3A_258, %swap3A_259], %swap3A_262 {add = true, strides = array<i32>} : memref<32x768xf32, #tpu.memory_space<vmem>>, vector<1x16xf32>,
          %swap3A_263 = arith.constant 25 : i32
          %swap3A_264 = arith.index_cast %swap3A_263 : i32 to index
          %swap3A_265 = arith.index_cast %mul3A_109 : i32 to index
          %swap3A_266 = tpu.vector_load %arg10[%swap3A_264, %swap3A_265] {strides = array<i32>} : memref<32x768xf32, #tpu.memory_space<vmem>>, vector<1x16xf32>,
          %swap3A_267 = vector.shape_cast %swap3A_266 : vector<1x16xf32> to vector<16xf32>
          %swap3A_268 = vector.shape_cast %get3A_113 : vector<16xf32> to vector<1x16xf32>
          tpu.vector_store %arg10[%swap3A_264, %swap3A_265], %swap3A_268 {add = true, strides = array<i32>} : memref<32x768xf32, #tpu.memory_space<vmem>>, vector<1x16xf32>,
          %swap3A_269 = arith.constant 26 : i32
          %swap3A_270 = arith.index_cast %swap3A_269 : i32 to index
          %swap3A_271 = arith.index_cast %mul3A_109 : i32 to index
          %swap3A_272 = tpu.vector_load %arg10[%swap3A_270, %swap3A_271] {strides = array<i32>} : memref<32x768xf32, #tpu.memory_space<vmem>>, vector<1x16xf32>,
          %swap3A_273 = vector.shape_cast %swap3A_272 : vector<1x16xf32> to vector<16xf32>
          %swap3A_274 = vector.shape_cast %get3A_113 : vector<16xf32> to vector<1x16xf32>
          tpu.vector_store %arg10[%swap3A_270, %swap3A_271], %swap3A_274 {add = true, strides = array<i32>} : memref<32x768xf32, #tpu.memory_space<vmem>>, vector<1x16xf32>,
          %swap3A_275 = arith.constant 27 : i32
          %swap3A_276 = arith.index_cast %swap3A_275 : i32 to index
          %swap3A_277 = arith.index_cast %mul3A_109 : i32 to index
          %swap3A_278 = tpu.vector_load %arg10[%swap3A_276, %swap3A_277] {strides = array<i32>} : memref<32x768xf32, #tpu.memory_space<vmem>>, vector<1x16xf32>,
          %swap3A_279 = vector.shape_cast %swap3A_278 : vector<1x16xf32> to vector<16xf32>
          %swap3A_280 = vector.shape_cast %get3A_113 : vector<16xf32> to vector<1x16xf32>
          tpu.vector_store %arg10[%swap3A_276, %swap3A_277], %swap3A_280 {add = true, strides = array<i32>} : memref<32x768xf32, #tpu.memory_space<vmem>>, vector<1x16xf32>,
          %swap3A_281 = arith.constant 28 : i32
          %swap3A_282 = arith.index_cast %swap3A_281 : i32 to index
          %swap3A_283 = arith.index_cast %mul3A_109 : i32 to index
          %swap3A_284 = tpu.vector_load %arg10[%swap3A_282, %swap3A_283] {strides = array<i32>} : memref<32x768xf32, #tpu.memory_space<vmem>>, vector<1x16xf32>,
          %swap3A_285 = vector.shape_cast %swap3A_284 : vector<1x16xf32> to vector<16xf32>
          %swap3A_286 = vector.shape_cast %get3A_113 : vector<16xf32> to vector<1x16xf32>
          tpu.vector_store %arg10[%swap3A_282, %swap3A_283], %swap3A_286 {add = true, strides = array<i32>} : memref<32x768xf32, #tpu.memory_space<vmem>>, vector<1x16xf32>,
          %swap3A_287 = arith.constant 29 : i32
          %swap3A_288 = arith.index_cast %swap3A_287 : i32 to index
          %swap3A_289 = arith.index_cast %mul3A_109 : i32 to index
          %swap3A_290 = tpu.vector_load %arg10[%swap3A_288, %swap3A_289] {strides = array<i32>} : memref<32x768xf32, #tpu.memory_space<vmem>>, vector<1x16xf32>,
          %swap3A_291 = vector.shape_cast %swap3A_290 : vector<1x16xf32> to vector<16xf32>
          %swap3A_292 = vector.shape_cast %get3A_113 : vector<16xf32> to vector<1x16xf32>
          tpu.vector_store %arg10[%swap3A_288, %swap3A_289], %swap3A_292 {add = true, strides = array<i32>} : memref<32x768xf32, #tpu.memory_space<vmem>>, vector<1x16xf32>,
          %swap3A_293 = arith.constant 30 : i32
          %swap3A_294 = arith.index_cast %swap3A_293 : i32 to index
          %swap3A_295 = arith.index_cast %mul3A_109 : i32 to index
          %swap3A_296 = tpu.vector_load %arg10[%swap3A_294, %swap3A_295] {strides = array<i32>} : memref<32x768xf32, #tpu.memory_space<vmem>>, vector<1x16xf32>,
          %swap3A_297 = vector.shape_cast %swap3A_296 : vector<1x16xf32> to vector<16xf32>
          %swap3A_298 = vector.shape_cast %get3A_113 : vector<16xf32> to vector<1x16xf32>
          tpu.vector_store %arg10[%swap3A_294, %swap3A_295], %swap3A_298 {add = true, strides = array<i32>} : memref<32x768xf32, #tpu.memory_space<vmem>>, vector<1x16xf32>,
          %swap3A_299 = arith.constant 31 : i32
          %swap3A_300 = arith.index_cast %swap3A_299 : i32 to index
          %swap3A_301 = arith.index_cast %mul3A_109 : i32 to index
          %swap3A_302 = tpu.vector_load %arg10[%swap3A_300, %swap3A_301] {strides = array<i32>} : memref<32x768xf32, #tpu.memory_space<vmem>>, vector<1x16xf32>,
          %swap3A_303 = vector.shape_cast %swap3A_302 : vector<1x16xf32> to vector<16xf32>
          %swap3A_304 = vector.shape_cast %get3A_113 : vector<16xf32> to vector<1x16xf32>
          tpu.vector_store %arg10[%swap3A_300, %swap3A_301], %swap3A_304 {add = true, strides = array<i32>} : memref<32x768xf32, #tpu.memory_space<vmem>>, vector<1x16xf32>,
          %scan3A_305 = arith.constant 1 : i32
          %scan3A_306 = arith.addi %scan3A_107, %scan3A_305 : i32
          %mul3A_307 = arith.constant 16 : i32
          %mul3A_308 = arith.muli %scan3A_306, %mul3A_307 : i32
          %get3A_309 = arith.constant 0 : i32
          %get3A_310 = arith.index_cast %get3A_309 : i32 to index
          %get3A_311 = arith.index_cast %mul3A_308 : i32 to index
          %get3A_312 = tpu.vector_load %arg14[%get3A_310, %get3A_311] {strides = array<i32>} : memref<1x768xf32, #tpu.memory_space<vmem>>, vector<1x16xf32>,
          %get3A_313 = vector.shape_cast %get3A_312 : vector<1x16xf32> to vector<16xf32>
          %swap3A_314 = arith.constant 0 : i32
          %swap3A_315 = arith.index_cast %swap3A_314 : i32 to index
          %swap3A_316 = arith.index_cast %mul3A_308 : i32 to index
          %swap3A_317 = tpu.vector_load %arg10[%swap3A_315, %swap3A_316] {strides = array<i32>} : memref<32x768xf32, #tpu.memory_space<vmem>>, vector<1x16xf32>,
          %swap3A_318 = vector.shape_cast %swap3A_317 : vector<1x16xf32> to vector<16xf32>
          %swap3A_319 = vector.shape_cast %get3A_313 : vector<16xf32> to vector<1x16xf32>
          tpu.vector_store %arg10[%swap3A_315, %swap3A_316], %swap3A_319 {add = true, strides = array<i32>} : memref<32x768xf32, #tpu.memory_space<vmem>>, vector<1x16xf32>,
          %swap3A_320 = arith.constant 1 : i32
          %swap3A_321 = arith.index_cast %swap3A_320 : i32 to index
          %swap3A_322 = arith.index_cast %mul3A_308 : i32 to index
          %swap3A_323 = tpu.vector_load %arg10[%swap3A_321, %swap3A_322] {strides = array<i32>} : memref<32x768xf32, #tpu.memory_space<vmem>>, vector<1x16xf32>,
          %swap3A_324 = vector.shape_cast %swap3A_323 : vector<1x16xf32> to vector<16xf32>
          %swap3A_325 = vector.shape_cast %get3A_313 : vector<16xf32> to vector<1x16xf32>
          tpu.vector_store %arg10[%swap3A_321, %swap3A_322], %swap3A_325 {add = true, strides = array<i32>} : memref<32x768xf32, #tpu.memory_space<vmem>>, vector<1x16xf32>,
          %swap3A_326 = arith.constant 2 : i32
          %swap3A_327 = arith.index_cast %swap3A_326 : i32 to index
          %swap3A_328 = arith.index_cast %mul3A_308 : i32 to index
          %swap3A_329 = tpu.vector_load %arg10[%swap3A_327, %swap3A_328] {strides = array<i32>} : memref<32x768xf32, #tpu.memory_space<vmem>>, vector<1x16xf32>,
          %swap3A_330 = vector.shape_cast %swap3A_329 : vector<1x16xf32> to vector<16xf32>
          %swap3A_331 = vector.shape_cast %get3A_313 : vector<16xf32> to vector<1x16xf32>
          tpu.vector_store %arg10[%swap3A_327, %swap3A_328], %swap3A_331 {add = true, strides = array<i32>} : memref<32x768xf32, #tpu.memory_space<vmem>>, vector<1x16xf32>,
          %swap3A_332 = arith.constant 3 : i32
          %swap3A_333 = arith.index_cast %swap3A_332 : i32 to index
          %swap3A_334 = arith.index_cast %mul3A_308 : i32 to index
          %swap3A_335 = tpu.vector_load %arg10[%swap3A_333, %swap3A_334] {strides = array<i32>} : memref<32x768xf32, #tpu.memory_space<vmem>>, vector<1x16xf32>,
          %swap3A_336 = vector.shape_cast %swap3A_335 : vector<1x16xf32> to vector<16xf32>
          %swap3A_337 = vector.shape_cast %get3A_313 : vector<16xf32> to vector<1x16xf32>
          tpu.vector_store %arg10[%swap3A_333, %swap3A_334], %swap3A_337 {add = true, strides = array<i32>} : memref<32x768xf32, #tpu.memory_space<vmem>>, vector<1x16xf32>,
          %swap3A_338 = arith.constant 4 : i32
          %swap3A_339 = arith.index_cast %swap3A_338 : i32 to index
          %swap3A_340 = arith.index_cast %mul3A_308 : i32 to index
          %swap3A_341 = tpu.vector_load %arg10[%swap3A_339, %swap3A_340] {strides = array<i32>} : memref<32x768xf32, #tpu.memory_space<vmem>>, vector<1x16xf32>,
          %swap3A_342 = vector.shape_cast %swap3A_341 : vector<1x16xf32> to vector<16xf32>
          %swap3A_343 = vector.shape_cast %get3A_313 : vector<16xf32> to vector<1x16xf32>
          tpu.vector_store %arg10[%swap3A_339, %swap3A_340], %swap3A_343 {add = true, strides = array<i32>} : memref<32x768xf32, #tpu.memory_space<vmem>>, vector<1x16xf32>,
          %swap3A_344 = arith.constant 5 : i32
          %swap3A_345 = arith.index_cast %swap3A_344 : i32 to index
          %swap3A_346 = arith.index_cast %mul3A_308 : i32 to index
          %swap3A_347 = tpu.vector_load %arg10[%swap3A_345, %swap3A_346] {strides = array<i32>} : memref<32x768xf32, #tpu.memory_space<vmem>>, vector<1x16xf32>,
          %swap3A_348 = vector.shape_cast %swap3A_347 : vector<1x16xf32> to vector<16xf32>
          %swap3A_349 = vector.shape_cast %get3A_313 : vector<16xf32> to vector<1x16xf32>
          tpu.vector_store %arg10[%swap3A_345, %swap3A_346], %swap3A_349 {add = true, strides = array<i32>} : memref<32x768xf32, #tpu.memory_space<vmem>>, vector<1x16xf32>,
          %swap3A_350 = arith.constant 6 : i32
          %swap3A_351 = arith.index_cast %swap3A_350 : i32 to index
          %swap3A_352 = arith.index_cast %mul3A_308 : i32 to index
          %swap3A_353 = tpu.vector_load %arg10[%swap3A_351, %swap3A_352] {strides = array<i32>} : memref<32x768xf32, #tpu.memory_space<vmem>>, vector<1x16xf32>,
          %swap3A_354 = vector.shape_cast %swap3A_353 : vector<1x16xf32> to vector<16xf32>
          %swap3A_355 = vector.shape_cast %get3A_313 : vector<16xf32> to vector<1x16xf32>
          tpu.vector_store %arg10[%swap3A_351, %swap3A_352], %swap3A_355 {add = true, strides = array<i32>} : memref<32x768xf32, #tpu.memory_space<vmem>>, vector<1x16xf32>,
          %swap3A_356 = arith.constant 7 : i32
          %swap3A_357 = arith.index_cast %swap3A_356 : i32 to index
          %swap3A_358 = arith.index_cast %mul3A_308 : i32 to index
          %swap3A_359 = tpu.vector_load %arg10[%swap3A_357, %swap3A_358] {strides = array<i32>} : memref<32x768xf32, #tpu.memory_space<vmem>>, vector<1x16xf32>,
          %swap3A_360 = vector.shape_cast %swap3A_359 : vector<1x16xf32> to vector<16xf32>
          %swap3A_361 = vector.shape_cast %get3A_313 : vector<16xf32> to vector<1x16xf32>
          tpu.vector_store %arg10[%swap3A_357, %swap3A_358], %swap3A_361 {add = true, strides = array<i32>} : memref<32x768xf32, #tpu.memory_space<vmem>>, vector<1x16xf32>,
          %swap3A_362 = arith.constant 8 : i32
          %swap3A_363 = arith.index_cast %swap3A_362 : i32 to index
          %swap3A_364 = arith.index_cast %mul3A_308 : i32 to index
          %swap3A_365 = tpu.vector_load %arg10[%swap3A_363, %swap3A_364] {strides = array<i32>} : memref<32x768xf32, #tpu.memory_space<vmem>>, vector<1x16xf32>,
          %swap3A_366 = vector.shape_cast %swap3A_365 : vector<1x16xf32> to vector<16xf32>
          %swap3A_367 = vector.shape_cast %get3A_313 : vector<16xf32> to vector<1x16xf32>
          tpu.vector_store %arg10[%swap3A_363, %swap3A_364], %swap3A_367 {add = true, strides = array<i32>} : memref<32x768xf32, #tpu.memory_space<vmem>>, vector<1x16xf32>,
          %swap3A_368 = arith.constant 9 : i32
          %swap3A_369 = arith.index_cast %swap3A_368 : i32 to index
          %swap3A_370 = arith.index_cast %mul3A_308 : i32 to index
          %swap3A_371 = tpu.vector_load %arg10[%swap3A_369, %swap3A_370] {strides = array<i32>} : memref<32x768xf32, #tpu.memory_space<vmem>>, vector<1x16xf32>,
          %swap3A_372 = vector.shape_cast %swap3A_371 : vector<1x16xf32> to vector<16xf32>
          %swap3A_373 = vector.shape_cast %get3A_313 : vector<16xf32> to vector<1x16xf32>
          tpu.vector_store %arg10[%swap3A_369, %swap3A_370], %swap3A_373 {add = true, strides = array<i32>} : memref<32x768xf32, #tpu.memory_space<vmem>>, vector<1x16xf32>,
          %swap3A_374 = arith.constant 10 : i32
          %swap3A_375 = arith.index_cast %swap3A_374 : i32 to index
          %swap3A_376 = arith.index_cast %mul3A_308 : i32 to index
          %swap3A_377 = tpu.vector_load %arg10[%swap3A_375, %swap3A_376] {strides = array<i32>} : memref<32x768xf32, #tpu.memory_space<vmem>>, vector<1x16xf32>,
          %swap3A_378 = vector.shape_cast %swap3A_377 : vector<1x16xf32> to vector<16xf32>
          %swap3A_379 = vector.shape_cast %get3A_313 : vector<16xf32> to vector<1x16xf32>
          tpu.vector_store %arg10[%swap3A_375, %swap3A_376], %swap3A_379 {add = true, strides = array<i32>} : memref<32x768xf32, #tpu.memory_space<vmem>>, vector<1x16xf32>,
          %swap3A_380 = arith.constant 11 : i32
          %swap3A_381 = arith.index_cast %swap3A_380 : i32 to index
          %swap3A_382 = arith.index_cast %mul3A_308 : i32 to index
          %swap3A_383 = tpu.vector_load %arg10[%swap3A_381, %swap3A_382] {strides = array<i32>} : memref<32x768xf32, #tpu.memory_space<vmem>>, vector<1x16xf32>,
          %swap3A_384 = vector.shape_cast %swap3A_383 : vector<1x16xf32> to vector<16xf32>
          %swap3A_385 = vector.shape_cast %get3A_313 : vector<16xf32> to vector<1x16xf32>
          tpu.vector_store %arg10[%swap3A_381, %swap3A_382], %swap3A_385 {add = true, strides = array<i32>} : memref<32x768xf32, #tpu.memory_space<vmem>>, vector<1x16xf32>,
          %swap3A_386 = arith.constant 12 : i32
          %swap3A_387 = arith.index_cast %swap3A_386 : i32 to index
          %swap3A_388 = arith.index_cast %mul3A_308 : i32 to index
          %swap3A_389 = tpu.vector_load %arg10[%swap3A_387, %swap3A_388] {strides = array<i32>} : memref<32x768xf32, #tpu.memory_space<vmem>>, vector<1x16xf32>,
          %swap3A_390 = vector.shape_cast %swap3A_389 : vector<1x16xf32> to vector<16xf32>
          %swap3A_391 = vector.shape_cast %get3A_313 : vector<16xf32> to vector<1x16xf32>
          tpu.vector_store %arg10[%swap3A_387, %swap3A_388], %swap3A_391 {add = true, strides = array<i32>} : memref<32x768xf32, #tpu.memory_space<vmem>>, vector<1x16xf32>,
          %swap3A_392 = arith.constant 13 : i32
          %swap3A_393 = arith.index_cast %swap3A_392 : i32 to index
          %swap3A_394 = arith.index_cast %mul3A_308 : i32 to index
          %swap3A_395 = tpu.vector_load %arg10[%swap3A_393, %swap3A_394] {strides = array<i32>} : memref<32x768xf32, #tpu.memory_space<vmem>>, vector<1x16xf32>,
          %swap3A_396 = vector.shape_cast %swap3A_395 : vector<1x16xf32> to vector<16xf32>
          %swap3A_397 = vector.shape_cast %get3A_313 : vector<16xf32> to vector<1x16xf32>
          tpu.vector_store %arg10[%swap3A_393, %swap3A_394], %swap3A_397 {add = true, strides = array<i32>} : memref<32x768xf32, #tpu.memory_space<vmem>>, vector<1x16xf32>,
          %swap3A_398 = arith.constant 14 : i32
          %swap3A_399 = arith.index_cast %swap3A_398 : i32 to index
          %swap3A_400 = arith.index_cast %mul3A_308 : i32 to index
          %swap3A_401 = tpu.vector_load %arg10[%swap3A_399, %swap3A_400] {strides = array<i32>} : memref<32x768xf32, #tpu.memory_space<vmem>>, vector<1x16xf32>,
          %swap3A_402 = vector.shape_cast %swap3A_401 : vector<1x16xf32> to vector<16xf32>
          %swap3A_403 = vector.shape_cast %get3A_313 : vector<16xf32> to vector<1x16xf32>
          tpu.vector_store %arg10[%swap3A_399, %swap3A_400], %swap3A_403 {add = true, strides = array<i32>} : memref<32x768xf32, #tpu.memory_space<vmem>>, vector<1x16xf32>,
          %swap3A_404 = arith.constant 15 : i32
          %swap3A_405 = arith.index_cast %swap3A_404 : i32 to index
          %swap3A_406 = arith.index_cast %mul3A_308 : i32 to index
          %swap3A_407 = tpu.vector_load %arg10[%swap3A_405, %swap3A_406] {strides = array<i32>} : memref<32x768xf32, #tpu.memory_space<vmem>>, vector<1x16xf32>,
          %swap3A_408 = vector.shape_cast %swap3A_407 : vector<1x16xf32> to vector<16xf32>
          %swap3A_409 = vector.shape_cast %get3A_313 : vector<16xf32> to vector<1x16xf32>
          tpu.vector_store %arg10[%swap3A_405, %swap3A_406], %swap3A_409 {add = true, strides = array<i32>} : memref<32x768xf32, #tpu.memory_space<vmem>>, vector<1x16xf32>,
          %swap3A_410 = arith.constant 16 : i32
          %swap3A_411 = arith.index_cast %swap3A_410 : i32 to index
          %swap3A_412 = arith.index_cast %mul3A_308 : i32 to index
          %swap3A_413 = tpu.vector_load %arg10[%swap3A_411, %swap3A_412] {strides = array<i32>} : memref<32x768xf32, #tpu.memory_space<vmem>>, vector<1x16xf32>,
          %swap3A_414 = vector.shape_cast %swap3A_413 : vector<1x16xf32> to vector<16xf32>
          %swap3A_415 = vector.shape_cast %get3A_313 : vector<16xf32> to vector<1x16xf32>
          tpu.vector_store %arg10[%swap3A_411, %swap3A_412], %swap3A_415 {add = true, strides = array<i32>} : memref<32x768xf32, #tpu.memory_space<vmem>>, vector<1x16xf32>,
          %swap3A_416 = arith.constant 17 : i32
          %swap3A_417 = arith.index_cast %swap3A_416 : i32 to index
          %swap3A_418 = arith.index_cast %mul3A_308 : i32 to index
          %swap3A_419 = tpu.vector_load %arg10[%swap3A_417, %swap3A_418] {strides = array<i32>} : memref<32x768xf32, #tpu.memory_space<vmem>>, vector<1x16xf32>,
          %swap3A_420 = vector.shape_cast %swap3A_419 : vector<1x16xf32> to vector<16xf32>
          %swap3A_421 = vector.shape_cast %get3A_313 : vector<16xf32> to vector<1x16xf32>
          tpu.vector_store %arg10[%swap3A_417, %swap3A_418], %swap3A_421 {add = true, strides = array<i32>} : memref<32x768xf32, #tpu.memory_space<vmem>>, vector<1x16xf32>,
          %swap3A_422 = arith.constant 18 : i32
          %swap3A_423 = arith.index_cast %swap3A_422 : i32 to index
          %swap3A_424 = arith.index_cast %mul3A_308 : i32 to index
          %swap3A_425 = tpu.vector_load %arg10[%swap3A_423, %swap3A_424] {strides = array<i32>} : memref<32x768xf32, #tpu.memory_space<vmem>>, vector<1x16xf32>,
          %swap3A_426 = vector.shape_cast %swap3A_425 : vector<1x16xf32> to vector<16xf32>
          %swap3A_427 = vector.shape_cast %get3A_313 : vector<16xf32> to vector<1x16xf32>
          tpu.vector_store %arg10[%swap3A_423, %swap3A_424], %swap3A_427 {add = true, strides = array<i32>} : memref<32x768xf32, #tpu.memory_space<vmem>>, vector<1x16xf32>,
          %swap3A_428 = arith.constant 19 : i32
          %swap3A_429 = arith.index_cast %swap3A_428 : i32 to index
          %swap3A_430 = arith.index_cast %mul3A_308 : i32 to index
          %swap3A_431 = tpu.vector_load %arg10[%swap3A_429, %swap3A_430] {strides = array<i32>} : memref<32x768xf32, #tpu.memory_space<vmem>>, vector<1x16xf32>,
          %swap3A_432 = vector.shape_cast %swap3A_431 : vector<1x16xf32> to vector<16xf32>
          %swap3A_433 = vector.shape_cast %get3A_313 : vector<16xf32> to vector<1x16xf32>
          tpu.vector_store %arg10[%swap3A_429, %swap3A_430], %swap3A_433 {add = true, strides = array<i32>} : memref<32x768xf32, #tpu.memory_space<vmem>>, vector<1x16xf32>,
          %swap3A_434 = arith.constant 20 : i32
          %swap3A_435 = arith.index_cast %swap3A_434 : i32 to index
          %swap3A_436 = arith.index_cast %mul3A_308 : i32 to index
          %swap3A_437 = tpu.vector_load %arg10[%swap3A_435, %swap3A_436] {strides = array<i32>} : memref<32x768xf32, #tpu.memory_space<vmem>>, vector<1x16xf32>,
          %swap3A_438 = vector.shape_cast %swap3A_437 : vector<1x16xf32> to vector<16xf32>
          %swap3A_439 = vector.shape_cast %get3A_313 : vector<16xf32> to vector<1x16xf32>
          tpu.vector_store %arg10[%swap3A_435, %swap3A_436], %swap3A_439 {add = true, strides = array<i32>} : memref<32x768xf32, #tpu.memory_space<vmem>>, vector<1x16xf32>,
          %swap3A_440 = arith.constant 21 : i32
          %swap3A_441 = arith.index_cast %swap3A_440 : i32 to index
          %swap3A_442 = arith.index_cast %mul3A_308 : i32 to index
          %swap3A_443 = tpu.vector_load %arg10[%swap3A_441, %swap3A_442] {strides = array<i32>} : memref<32x768xf32, #tpu.memory_space<vmem>>, vector<1x16xf32>,
          %swap3A_444 = vector.shape_cast %swap3A_443 : vector<1x16xf32> to vector<16xf32>
          %swap3A_445 = vector.shape_cast %get3A_313 : vector<16xf32> to vector<1x16xf32>
          tpu.vector_store %arg10[%swap3A_441, %swap3A_442], %swap3A_445 {add = true, strides = array<i32>} : memref<32x768xf32, #tpu.memory_space<vmem>>, vector<1x16xf32>,
          %swap3A_446 = arith.constant 22 : i32
          %swap3A_447 = arith.index_cast %swap3A_446 : i32 to index
          %swap3A_448 = arith.index_cast %mul3A_308 : i32 to index
          %swap3A_449 = tpu.vector_load %arg10[%swap3A_447, %swap3A_448] {strides = array<i32>} : memref<32x768xf32, #tpu.memory_space<vmem>>, vector<1x16xf32>,
          %swap3A_450 = vector.shape_cast %swap3A_449 : vector<1x16xf32> to vector<16xf32>
          %swap3A_451 = vector.shape_cast %get3A_313 : vector<16xf32> to vector<1x16xf32>
          tpu.vector_store %arg10[%swap3A_447, %swap3A_448], %swap3A_451 {add = true, strides = array<i32>} : memref<32x768xf32, #tpu.memory_space<vmem>>, vector<1x16xf32>,
          %swap3A_452 = arith.constant 23 : i32
          %swap3A_453 = arith.index_cast %swap3A_452 : i32 to index
          %swap3A_454 = arith.index_cast %mul3A_308 : i32 to index
          %swap3A_455 = tpu.vector_load %arg10[%swap3A_453, %swap3A_454] {strides = array<i32>} : memref<32x768xf32, #tpu.memory_space<vmem>>, vector<1x16xf32>,
          %swap3A_456 = vector.shape_cast %swap3A_455 : vector<1x16xf32> to vector<16xf32>
          %swap3A_457 = vector.shape_cast %get3A_313 : vector<16xf32> to vector<1x16xf32>
          tpu.vector_store %arg10[%swap3A_453, %swap3A_454], %swap3A_457 {add = true, strides = array<i32>} : memref<32x768xf32, #tpu.memory_space<vmem>>, vector<1x16xf32>,
          %swap3A_458 = arith.constant 24 : i32
          %swap3A_459 = arith.index_cast %swap3A_458 : i32 to index
          %swap3A_460 = arith.index_cast %mul3A_308 : i32 to index
          %swap3A_461 = tpu.vector_load %arg10[%swap3A_459, %swap3A_460] {strides = array<i32>} : memref<32x768xf32, #tpu.memory_space<vmem>>, vector<1x16xf32>,
          %swap3A_462 = vector.shape_cast %swap3A_461 : vector<1x16xf32> to vector<16xf32>
          %swap3A_463 = vector.shape_cast %get3A_313 : vector<16xf32> to vector<1x16xf32>
          tpu.vector_store %arg10[%swap3A_459, %swap3A_460], %swap3A_463 {add = true, strides = array<i32>} : memref<32x768xf32, #tpu.memory_space<vmem>>, vector<1x16xf32>,
          %swap3A_464 = arith.constant 25 : i32
          %swap3A_465 = arith.index_cast %swap3A_464 : i32 to index
          %swap3A_466 = arith.index_cast %mul3A_308 : i32 to index
          %swap3A_467 = tpu.vector_load %arg10[%swap3A_465, %swap3A_466] {strides = array<i32>} : memref<32x768xf32, #tpu.memory_space<vmem>>, vector<1x16xf32>,
          %swap3A_468 = vector.shape_cast %swap3A_467 : vector<1x16xf32> to vector<16xf32>
          %swap3A_469 = vector.shape_cast %get3A_313 : vector<16xf32> to vector<1x16xf32>
          tpu.vector_store %arg10[%swap3A_465, %swap3A_466], %swap3A_469 {add = true, strides = array<i32>} : memref<32x768xf32, #tpu.memory_space<vmem>>, vector<1x16xf32>,
          %swap3A_470 = arith.constant 26 : i32
          %swap3A_471 = arith.index_cast %swap3A_470 : i32 to index
          %swap3A_472 = arith.index_cast %mul3A_308 : i32 to index
          %swap3A_473 = tpu.vector_load %arg10[%swap3A_471, %swap3A_472] {strides = array<i32>} : memref<32x768xf32, #tpu.memory_space<vmem>>, vector<1x16xf32>,
          %swap3A_474 = vector.shape_cast %swap3A_473 : vector<1x16xf32> to vector<16xf32>
          %swap3A_475 = vector.shape_cast %get3A_313 : vector<16xf32> to vector<1x16xf32>
          tpu.vector_store %arg10[%swap3A_471, %swap3A_472], %swap3A_475 {add = true, strides = array<i32>} : memref<32x768xf32, #tpu.memory_space<vmem>>, vector<1x16xf32>,
          %swap3A_476 = arith.constant 27 : i32
          %swap3A_477 = arith.index_cast %swap3A_476 : i32 to index
          %swap3A_478 = arith.index_cast %mul3A_308 : i32 to index
          %swap3A_479 = tpu.vector_load %arg10[%swap3A_477, %swap3A_478] {strides = array<i32>} : memref<32x768xf32, #tpu.memory_space<vmem>>, vector<1x16xf32>,
          %swap3A_480 = vector.shape_cast %swap3A_479 : vector<1x16xf32> to vector<16xf32>
          %swap3A_481 = vector.shape_cast %get3A_313 : vector<16xf32> to vector<1x16xf32>
          tpu.vector_store %arg10[%swap3A_477, %swap3A_478], %swap3A_481 {add = true, strides = array<i32>} : memref<32x768xf32, #tpu.memory_space<vmem>>, vector<1x16xf32>,
          %swap3A_482 = arith.constant 28 : i32
          %swap3A_483 = arith.index_cast %swap3A_482 : i32 to index
          %swap3A_484 = arith.index_cast %mul3A_308 : i32 to index
          %swap3A_485 = tpu.vector_load %arg10[%swap3A_483, %swap3A_484] {strides = array<i32>} : memref<32x768xf32, #tpu.memory_space<vmem>>, vector<1x16xf32>,
          %swap3A_486 = vector.shape_cast %swap3A_485 : vector<1x16xf32> to vector<16xf32>
          %swap3A_487 = vector.shape_cast %get3A_313 : vector<16xf32> to vector<1x16xf32>
          tpu.vector_store %arg10[%swap3A_483, %swap3A_484], %swap3A_487 {add = true, strides = array<i32>} : memref<32x768xf32, #tpu.memory_space<vmem>>, vector<1x16xf32>,
          %swap3A_488 = arith.constant 29 : i32
          %swap3A_489 = arith.index_cast %swap3A_488 : i32 to index
          %swap3A_490 = arith.index_cast %mul3A_308 : i32 to index
          %swap3A_491 = tpu.vector_load %arg10[%swap3A_489, %swap3A_490] {strides = array<i32>} : memref<32x768xf32, #tpu.memory_space<vmem>>, vector<1x16xf32>,
          %swap3A_492 = vector.shape_cast %swap3A_491 : vector<1x16xf32> to vector<16xf32>
          %swap3A_493 = vector.shape_cast %get3A_313 : vector<16xf32> to vector<1x16xf32>
          tpu.vector_store %arg10[%swap3A_489, %swap3A_490], %swap3A_493 {add = true, strides = array<i32>} : memref<32x768xf32, #tpu.memory_space<vmem>>, vector<1x16xf32>,
          %swap3A_494 = arith.constant 30 : i32
          %swap3A_495 = arith.index_cast %swap3A_494 : i32 to index
          %swap3A_496 = arith.index_cast %mul3A_308 : i32 to index
          %swap3A_497 = tpu.vector_load %arg10[%swap3A_495, %swap3A_496] {strides = array<i32>} : memref<32x768xf32, #tpu.memory_space<vmem>>, vector<1x16xf32>,
          %swap3A_498 = vector.shape_cast %swap3A_497 : vector<1x16xf32> to vector<16xf32>
          %swap3A_499 = vector.shape_cast %get3A_313 : vector<16xf32> to vector<1x16xf32>
          tpu.vector_store %arg10[%swap3A_495, %swap3A_496], %swap3A_499 {add = true, strides = array<i32>} : memref<32x768xf32, #tpu.memory_space<vmem>>, vector<1x16xf32>,
          %swap3A_500 = arith.constant 31 : i32
          %swap3A_501 = arith.index_cast %swap3A_500 : i32 to index
          %swap3A_502 = arith.index_cast %mul3A_308 : i32 to index
          %swap3A_503 = tpu.vector_load %arg10[%swap3A_501, %swap3A_502] {strides = array<i32>} : memref<32x768xf32, #tpu.memory_space<vmem>>, vector<1x16xf32>,
          %swap3A_504 = vector.shape_cast %swap3A_503 : vector<1x16xf32> to vector<16xf32>
          %swap3A_505 = vector.shape_cast %get3A_313 : vector<16xf32> to vector<1x16xf32>
          tpu.vector_store %arg10[%swap3A_501, %swap3A_502], %swap3A_505 {add = true, strides = array<i32>} : memref<32x768xf32, #tpu.memory_space<vmem>>, vector<1x16xf32>,
        }
        %scan3A_100 = arith.constant 48 : i32
        %dma_start3A_101 = arith.constant 0 : i32
        %dma_start3A_102 = tpu.memref_slice %arg5[%scan3A_60, %mul3A_2, %dma_start3A_101] : memref<77x1024x768xf32, #tpu.memory_space<hbm>> -> memref<1x32x768xf32, #tpu.memory_space<hbm>>
        %dma_start3A_103 = tpu.memref_squeeze %dma_start3A_102 : memref<1x32x768xf32, #tpu.memory_space<hbm>> -> memref<32x768xf32, #tpu.memory_space<hbm>>
        %dma_start3A_104 = arith.constant 0 : i32
        %dma_start3A_105 = tpu.memref_slice %arg5[%scan3A_60, %mul3A_2, %dma_start3A_104] : memref<77x1024x768xf32, #tpu.memory_space<hbm>> -> memref<1x32x768xf32, #tpu.memory_space<hbm>>
        %dma_start3A_106 = tpu.memref_squeeze %dma_start3A_105 : memref<1x32x768xf32, #tpu.memory_space<hbm>> -> memref<32x768xf32, #tpu.memory_space<hbm>>
        tpu.enqueue_dma source(%arg10 : memref<32x768xf32, #tpu.memory_space<vmem>>) target(%dma_start3A_106 : memref<32x768xf32, #tpu.memory_space<hbm>>) target_semaphore(%arg22 : memref<!tpu.dma_semaphore, #tpu.memory_space<semaphore_mem>>)
      } else {
      }
    }
    %scan3A_32 = arith.constant 77 : i32
    %dma_wait3A = arith.constant 73 : i32
    %dma_wait3A_33 = arith.constant 0 : i32
    %dma_wait3A_34 = tpu.memref_slice %arg5[%dma_wait3A, %mul3A_2, %dma_wait3A_33] : memref<77x1024x768xf32, #tpu.memory_space<hbm>> -> memref<1x32x768xf32, #tpu.memory_space<hbm>>
    %dma_wait3A_35 = tpu.memref_squeeze %dma_wait3A_34 : memref<1x32x768xf32, #tpu.memory_space<hbm>> -> memref<32x768xf32, #tpu.memory_space<hbm>>
    %dma_wait3A_36 = arith.constant 0 : i32
    %dma_wait3A_37 = tpu.memref_slice %arg5[%dma_wait3A, %mul3A_2, %dma_wait3A_36] : memref<77x1024x768xf32, #tpu.memory_space<hbm>> -> memref<1x32x768xf32, #tpu.memory_space<hbm>>
    %dma_wait3A_38 = tpu.memref_squeeze %dma_wait3A_37 : memref<1x32x768xf32, #tpu.memory_space<hbm>> -> memref<32x768xf32, #tpu.memory_space<hbm>>
    tpu.wait_dma2 semaphore(%arg20 : memref<!tpu.dma_semaphore, #tpu.memory_space<semaphore_mem>>) src(%arg8 : memref<32x768xf32, #tpu.memory_space<vmem>>) dst(%dma_wait3A_38 : memref<32x768xf32, #tpu.memory_space<hbm>>)
    %dma_wait3A_39 = arith.constant 74 : i32
    %dma_wait3A_40 = arith.constant 0 : i32
    %dma_wait3A_41 = tpu.memref_slice %arg5[%dma_wait3A_39, %mul3A_2, %dma_wait3A_40] : memref<77x1024x768xf32, #tpu.memory_space<hbm>> -> memref<1x32x768xf32, #tpu.memory_space<hbm>>
    %dma_wait3A_42 = tpu.memref_squeeze %dma_wait3A_41 : memref<1x32x768xf32, #tpu.memory_space<hbm>> -> memref<32x768xf32, #tpu.memory_space<hbm>>
    %dma_wait3A_43 = arith.constant 0 : i32
    %dma_wait3A_44 = tpu.memref_slice %arg5[%dma_wait3A_39, %mul3A_2, %dma_wait3A_43] : memref<77x1024x768xf32, #tpu.memory_space<hbm>> -> memref<1x32x768xf32, #tpu.memory_space<hbm>>
    %dma_wait3A_45 = tpu.memref_squeeze %dma_wait3A_44 : memref<1x32x768xf32, #tpu.memory_space<hbm>> -> memref<32x768xf32, #tpu.memory_space<hbm>>
    tpu.wait_dma2 semaphore(%arg21 : memref<!tpu.dma_semaphore, #tpu.memory_space<semaphore_mem>>) src(%arg9 : memref<32x768xf32, #tpu.memory_space<vmem>>) dst(%dma_wait3A_45 : memref<32x768xf32, #tpu.memory_space<hbm>>)
    %dma_wait3A_46 = arith.constant 75 : i32
    %dma_wait3A_47 = arith.constant 0 : i32
    %dma_wait3A_48 = tpu.memref_slice %arg5[%dma_wait3A_46, %mul3A_2, %dma_wait3A_47] : memref<77x1024x768xf32, #tpu.memory_space<hbm>> -> memref<1x32x768xf32, #tpu.memory_space<hbm>>
    %dma_wait3A_49 = tpu.memref_squeeze %dma_wait3A_48 : memref<1x32x768xf32, #tpu.memory_space<hbm>> -> memref<32x768xf32, #tpu.memory_space<hbm>>
    %dma_wait3A_50 = arith.constant 0 : i32
    %dma_wait3A_51 = tpu.memref_slice %arg5[%dma_wait3A_46, %mul3A_2, %dma_wait3A_50] : memref<77x1024x768xf32, #tpu.memory_space<hbm>> -> memref<1x32x768xf32, #tpu.memory_space<hbm>>
    %dma_wait3A_52 = tpu.memref_squeeze %dma_wait3A_51 : memref<1x32x768xf32, #tpu.memory_space<hbm>> -> memref<32x768xf32, #tpu.memory_space<hbm>>
    tpu.wait_dma2 semaphore(%arg22 : memref<!tpu.dma_semaphore, #tpu.memory_space<semaphore_mem>>) src(%arg10 : memref<32x768xf32, #tpu.memory_space<vmem>>) dst(%dma_wait3A_52 : memref<32x768xf32, #tpu.memory_space<hbm>>)
    %dma_wait3A_53 = arith.constant 76 : i32
    %dma_wait3A_54 = arith.constant 0 : i32
    %dma_wait3A_55 = tpu.memref_slice %arg5[%dma_wait3A_53, %mul3A_2, %dma_wait3A_54] : memref<77x1024x768xf32, #tpu.memory_space<hbm>> -> memref<1x32x768xf32, #tpu.memory_space<hbm>>
    %dma_wait3A_56 = tpu.memref_squeeze %dma_wait3A_55 : memref<1x32x768xf32, #tpu.memory_space<hbm>> -> memref<32x768xf32, #tpu.memory_space<hbm>>
    %dma_wait3A_57 = arith.constant 0 : i32
    %dma_wait3A_58 = tpu.memref_slice %arg5[%dma_wait3A_53, %mul3A_2, %dma_wait3A_57] : memref<77x1024x768xf32, #tpu.memory_space<hbm>> -> memref<1x32x768xf32, #tpu.memory_space<hbm>>
    %dma_wait3A_59 = tpu.memref_squeeze %dma_wait3A_58 : memref<1x32x768xf32, #tpu.memory_space<hbm>> -> memref<32x768xf32, #tpu.memory_space<hbm>>
    tpu.wait_dma2 semaphore(%arg19 : memref<!tpu.dma_semaphore, #tpu.memory_space<semaphore_mem>>) src(%arg7 : memref<32x768xf32, #tpu.memory_space<vmem>>) dst(%dma_wait3A_59 : memref<32x768xf32, #tpu.memory_space<hbm>>)
    return
  }
}

</mosaic_0001>

<sc_bundles>
// kernel: _lookup.3.cloned.1.call-start
scs
__scs_entry_jumppad:
0x0: {  	(pc) =	sbr.rel $0x88, $3  }
0x1: {  	(tag) =	ssettag $0x0;
	lr =	simm.s32 $0x1  }
0x2: {  	[smem:$0x3F9E] =	sst lr;
	_ =	strace $0xD0000000  }
0x3: {  	_ = 	snop  }
0x4: {  	_ = 	snop  }
0x5: {  	_ = 	snop  }
0x6: {  	_ = 	snop  }
0x7: {  	_ = 	snop  }
__scs_overlays_trampoline_lowered:
0x8: {  	[smem:$0x3FAD] =	sst s0  }
0x9: {  	[smem:$0x3FAE] =	sst s1  }
0xa: {  	[smem:$0x3FAF] =	sst s2  }
0xb: {  	[smem:$0x3FB0] =	sst s3  }
0xc: {  	[smem:$0x3FB1] =	sst s4  }
0xd: {  	[smem:$0x3FB2] =	sst s5  }
0xe: {  	[smem:$0x3FB3] =	sst s6  }
0xf: {  	[smem:$0x3FB4] =	sst s7  }
0x10: {  	[smem:$0x3FB5] =	sst s8  }
0x11: {  	[smem:$0x3FB6] =	sst s9;
	s0 =	simm.s32 @!p0 $0x0  }
0x12: {  	s1 =	sld [smem:$0x3F9C];
	s0 =	simm.s32 @p0 $0x1  }
0x13: {  	[smem:$0x3FB7] =	sst s0;
	s0 =	simm.s32 @!p1 $0x0  }
0x14: {  	s2 =	sld [smem:$0x3F9B];
	s0 =	simm.s32 @p1 $0x1  }
0x15: {  	[smem:$0x3FB8] =	sst s0;
	s0 =	simm.s32 @!p2 $0x0  }
0x16: {  	s3 =	sld [smem:$0x3FDB];
	s0 =	simm.s32 @p2 $0x1  }
0x17: {  	s4 =	simm.s32 $0x1BF5;
	[smem:$0x3FBA] =	sst s0  }
0x18: {  	s0 =	sld [smem:$0x3F9D];
	_ =	swait.ge [sflag:s4], $0x0  }
0x19: {  	s7 =	sld [smem:$0x3F9E]  }
0x1a: {  	s8 =	sadd.s32 $0xFFFFE003, lr  }
0x1b: {  	s9 =	sadd.s32 $0xFFFFFEF7, lr;
	s5 =	simm.s32 $0xFFFFFFFF;
	p2 =	slt.u32 s8, $0xFFFFF086  }
0x1c: {  	p1 =	slt.u32 s9, $0xF7A;
	s5 =	simm.s32 @!p2 $0x0  }
0x1d: {  	s5 =	simm.s32 @p1 $0x1;
	p0 =	seq.s32 s7, s2  }
0x1e: {  	s7 =	smul.u32 @!p0 $0xF7A, s2;
	p2 =	seq.s32 @!p0 s5, $0x0  }
0x1f: {  	s9 =	smul.u32 $0xF7A, s1;
	s8 =	simm.s32 @!p0 $0x1BF5;
	p2 =	por !p2, p0  }
0x20: {  	[sflag:s8] =	ssyncset.s32 @!p0 $0xFFFFF086;
	s6 =	sadd.s32 @!p0 s3, s7;
	s7 =	simm.s32 @!p0 $0x108  }
0x21: {  	s3 =	sadd.s32 s3, s9;
	s6 =	sadd.s32 @!p0 $0x88, s6;
	s7 =	simm.s32 @p2 $0x1082  }
0x22: {  	[simem:s7], [sflag:s8] =	dma.local @!p0 [hbm:s6], $0xF7A  }
0x23: {  	s9 =	sor.u32 $0xD0000000, s2;
	s6 =	simm.s32 $0x108;
	_ =	swait.ge @!p0 [sflag:s8], $0x0  }
0x24: {  	s3 =	sadd.s32 $0x88, s3;
	s6 =	simm.s32 @!p1 $0x1082;
	[sflag:s4] =	ssyncset.s32 $0xFFFFF086  }
0x25: {  	[simem:s6], [sflag:s4] =	dma.local [hbm:s3], $0xF7A  }
0x26: {  	[smem:$0x3F9E] =	sst s1;
	(tag) =	ssettag s2;
	_ =	strace s9  }
0x27: {  	s1 =	sld [smem:$0x3FAE]  }
0x28: {  	s2 =	sld [smem:$0x3FAF]  }
0x29: {  	s4 =	sld [smem:$0x3FB1]  }
0x2a: {  	p0 =	seq.s32 s5, $0x0;
	s5 =	sld [smem:$0x3FB2]  }
0x2b: {  	s6 =	sld [smem:$0x3FB3]  }
0x2c: {  	s7 =	sld [smem:$0x3FB4]  }
0x2d: {  	s3 =	simm.s32 $0x108;
	s8 =	sld [smem:$0x3FB5]  }
0x2e: {  	s3 =	simm.s32 @!p0 $0x1082;
	s9 =	sld [smem:$0x3FB6]  }
0x2f: {  	lr =	sadd.s32 s0, s3;
	s0 =	sld [smem:$0x3FAD]  }
0x30: {  	s3 =	sld [smem:$0x3FB0]  }
0x31: {  	[smem:$0x3FB9] =	sst s10  }
0x32: {  	s10 =	sld [smem:$0x3FB7];
	_ =	sdelay $0x3  }
0x33: {  	p0 =	seq.s32 s10, $0x1;
	s10 =	sld [smem:$0x3FB9];
	_ =	sdelay $0x3  }
0x34: {  	[smem:$0x3FB9] =	sst s10  }
0x35: {  	s10 =	sld [smem:$0x3FB8];
	_ =	sdelay $0x3  }
0x36: {  	p1 =	seq.s32 s10, $0x1;
	s10 =	sld [smem:$0x3FB9];
	_ =	sdelay $0x3  }
0x37: {  	[smem:$0x3FB9] =	sst s10  }
0x38: {  	s10 =	sld [smem:$0x3FBA]  }
0x39: {  	_ = 	snop;
	(pc) =	sbr.ind lr, $3  }
0x3a: {  	_ = 	snop  }
0x3b: {  	_ = 	snop  }
0x3c: {  	p2 =	seq.s32 s10, $0x1;
	s10 =	sld [smem:$0x3FB9]  }
0x3d: {  	_ =	shalt  }
0x3e: {  	_ =	shalt  }
0x3f: {  	_ =	shalt  }
0x40: {  	_ =	shalt  }
0x41: {  	_ =	shalt  }
0x42: {  	_ =	shalt  }
0x43: {  	_ =	shalt  }
0x44: {  	_ =	shalt  }
0x45: {  	_ =	shalt  }
0x46: {  	_ =	shalt  }
0x47: {  	_ =	shalt  }
0x48: {  	_ =	shalt  }
0x49: {  	_ =	shalt  }
0x4a: {  	_ =	shalt  }
0x4b: {  	_ =	shalt  }
0x4c: {  	_ =	shalt  }
0x4d: {  	_ =	shalt  }
0x4e: {  	_ =	shalt  }
0x4f: {  	_ =	shalt  }
0x50: {  	_ =	shalt  }
0x51: {  	_ =	shalt  }
0x52: {  	_ =	shalt  }
0x53: {  	_ =	shalt  }
0x54: {  	_ =	shalt  }
0x55: {  	_ =	shalt  }
0x56: {  	_ =	shalt  }
0x57: {  	_ =	shalt  }
0x58: {  	_ =	shalt  }
0x59: {  	_ =	shalt  }
0x5a: {  	_ =	shalt  }
0x5b: {  	_ =	shalt  }
0x5c: {  	_ =	shalt  }
0x5d: {  	_ =	shalt  }
0x5e: {  	_ =	shalt  }
0x5f: {  	_ =	shalt  }
0x60: {  	_ =	shalt  }
0x61: {  	_ =	shalt  }
0x62: {  	_ =	shalt  }
0x63: {  	_ =	shalt  }
0x64: {  	_ =	shalt  }
0x65: {  	_ =	shalt  }
0x66: {  	_ =	shalt  }
0x67: {  	_ =	shalt  }
0x68: {  	_ =	shalt  }
0x69: {  	_ =	shalt  }
0x6a: {  	_ =	shalt  }
0x6b: {  	_ =	shalt  }
0x6c: {  	_ =	shalt  }
0x6d: {  	_ =	shalt  }
0x6e: {  	_ =	shalt  }
0x6f: {  	_ =	shalt  }
0x70: {  	_ =	shalt  }
0x71: {  	_ =	shalt  }
0x72: {  	_ =	shalt  }
0x73: {  	_ =	shalt  }
0x74: {  	_ =	shalt  }
0x75: {  	_ =	shalt  }
0x76: {  	_ =	shalt  }
0x77: {  	_ =	shalt  }
0x78: {  	_ =	shalt  }
0x79: {  	_ =	shalt  }
0x7a: {  	_ =	shalt  }
0x7b: {  	_ =	shalt  }
0x7c: {  	_ =	shalt  }
0x7d: {  	_ =	shalt  }
0x7e: {  	_ =	shalt  }
0x7f: {  	_ =	shalt  }
0x80: {  	_ =	shalt  }
0x81: {  	_ =	shalt  }
0x82: {  	_ =	shalt  }
0x83: {  	_ =	shalt  }
0x84: {  	_ =	shalt  }
0x85: {  	_ =	shalt  }
0x86: {  	_ =	shalt  }
0x87: {  	_ =	shalt  }
.Lfunc_end0:
.L_simem_size_0:
called_computation_lowered:
.L_overlay_start_0:
0x88: {  	s2 =	sld [smem:$0x3FD9]  }
0x89: {  	s3 =	sld [smem:$0x3FFE];
	_ =	sdelay $0x1  }
0x8a: {  	s1 =	srdreg.scid  }
0x8b: {  	s0 =	sand.u32 $0x1, s1  }
0x8c: {  	s17 =	sshll.u32 s0, $0xA;
	s2 =	sadd.s32 s3, s2  }
0x8d: {  	s2 =	sadd.s32 s2, s17  }
0x8e: {  	[smem:$0x3FC5] =	sst s2  }
0x8f: {  	_ = 	snop  }
0x90: {  	s2 =	sld [smem:$0x3FC9]  }
0x91: {  	s18 =	sld [smem:$0x3FC7]  }
0x92: {  	s4 =	sld [smem:$0x3FD0];
	(tm) =	ssettm $0x1  }
0x93: {  	s5 =	sld [smem:$0x3FFB];
	_ =	sdelay $0x3  }
0x94: {  	_ =	strace s5  }
0x95: {  	s5 =	sld [smem:$0x3FFC];
	_ =	sdelay $0x3  }
0x96: {  	_ =	strace s5  }
0x97: {  	s5 =	sld [smem:$0x3FFD];
	_ =	sdelay $0x3  }
0x98: {  	_ =	strace s5  }
0x99: {  	_ =	strace $0x8FFFFFFF  }
0x9a: {  	s19 =	sld [smem:$0x3FDB];
	_ =	sdelay $0x1  }
0x9b: {  	s6 =	simm.s32 $_scs_section_size  }
0x9c: {  	s7 =	simm.s32 $_size__tile_overlayer_lowered;
	s8 =	simm.s32 $_tile_overlayer_lowered  }
0x9d: {  	s22 =	simm.s32 $0x1BFF;
	s21 =	sshll.u32 s8, $0x1;
	s5 =	sadd.s32 s6, s19  }
0x9e: {  	s9 =	simm.s32 $0x0;
	s20 =	sshll.u32 s7, $0x1;
	s7 =	sadd.s32 s21, s5  }
0x9f: {  	[timem:s9], [sflag:s22] =	dma.local [hbm:s7], s20  }
0xa0: {  	_ =	swait.ge [sflag:s22], s20  }
0xa1: {  	s6 =	ssub.s32 $0x0, s20;
	[sflag:s22] =	ssyncset.done $0x0  }
0xa2: {  	[sflag:s22] =	ssyncadd.s32 s6;
	_ =	sdelay $0x1  }
0xa3: {  	s23 =	simm.s32 $0x1B8B  }
0xa4: {  	_ =	swait.ge [sflag:s23], $0x1  }
0xa5: {  	[sflag:s23] =	ssyncset.done $0x0  }
0xa6: {  	s25 =	simm.s32 $0x1B8E;
	s24 =	sld [smem:$0x3FFE];
	[sflag:s23] =	ssyncadd.s32 $0xFFFFFFFF  }
0xa7: {  	s26 =	simm.s32 $execute0_lowered;
	[smem:$0x3FD2] =	sst s25  }
0xa8: {  	s7 =	sshll.u32 s26, $0x1;
	_ =	strace $0x80000046;
	[dreg:$0x1] =	wrdreg $0xFFFFFFFF  }
0xa9: {  	s28 =	simm.s32 $_size_execute0_lowered;
	s5 =	sadd.s32 s5, s7;
	[dreg:$0x0] =	wrdreg $0x0  }
0xaa: {  	s7 =	sshll.u32 s28, $0x1;
	[dreg:$0x2] =	wrdreg s5  }
0xab: {  	[dreg:$0x3] =	wrdreg s7  }
0xac: {  	[dreg:$0x4] =	wrdreg $0xC0  }
0xad: {  	_ =	task [dreg:s9], $0x5FFFF  }
0xae: {  	[dreg:$0x1] =	wrdreg $0xFFFFFFFF  }
0xaf: {  	[dreg:$0x0] =	wrdreg $0x60  }
0xb0: {  	[dreg:$0x2] =	wrdreg s2  }
0xb1: {  	[dreg:$0x3] =	wrdreg s24  }
0xb2: {  	[dreg:$0x4] =	wrdreg s18  }
0xb3: {  	[dreg:$0x5] =	wrdreg s4  }
0xb4: {  	[dreg:$0x6] =	wrdreg $0x9  }
0xb5: {  	_ =	task.clear_ibuf [dreg:s9], $0x7FFFF;
	_ =	strace $0x90000046  }
0xb6: {  	s29 =	simm.s32 $0x9;
	_ =	strace $0x80000048  }
0xb7: {  	_ =	swait.ge [sflag:s29], $0x1  }
0xb8: {  	[sflag:s29] =	ssyncadd.s32 $0xFFFFFFFF  }
0xb9: {  	_ =	strace $0x90000048  }
0xba: {  	_ =	sfence  }
0xbb: {  	s30 =	sld [smem:$0x0];
	_ =	sdelay $0x2  }
0xbc: {  	s31 =	sshll.u32 s1, $0xD;
	s1 =	sshrl.u32 s1, $0x2  }
0xbd: {  	s3 =	sand.u32 $0x4000, s31;
	s1 =	sadd.s32 s1, s30  }
0xbe: {  	s0 =	sor.u32 s3, s0;
	s1 =	sshll.u32 s1, $0x11  }
0xbf: {  	s0 =	sor.u32 s1, s0  }
0xc0: {  	s0 =	sadd.s32 $0x8F2B, s0  }
0xc1: {  	[sflag:s0] =	ssyncadd.remote.s32 $0x1  }
0xc2: {  	_ =	sfence.sel $0xFFFF  }
0xc3: {  	[dreg:$0x0] =	wrdreg $0xFFFFFFFF;
	(pc) =	sbr.abs _section_cstart, $3  }
0xc4: {  	[dreg:$0x1] =	wrdreg $0xFFFFFFFF  }
0xc5: {  	_ =	task.clear_ibuf [dreg:s9], $0x2FFFF;
	_ =	strace $0x9FFFFFFF  }
0xc6: {  	(tm) =	ssettm $0x7FFFFFFF  }
0xc7: {  	_ =	shalt  }
tec
execute0_lowered:
.L_overlay_start_1:
0x0: {  	(tag) =	ssettag $0x1  }
0x1: {  	s4 =	rddreg [dreg:$0x0]  }
0x2: {  	s0 =	rddreg [dreg:$0x1];
	s1 =	srdreg.scid  }
0x3: {  	s2 =	stileid.u32;
	s5 =	rddreg [dreg:$0x2];
	s6 =	simm.s32 $0x0  }
0x4: {  	s1 =	sand.u32 $0x1, s1;
	s2 =	sshll.u32 s2, $0x1;
	[smem:$0x7FF] =	sst s6  }
0x5: {  	s26 =	sadd.s32 $0x100, s4;
	s28 =	sadd.s32 $0x200, s4;
	s2 =	sor.u32 s1, s2  }
0x6: {  	s29 =	sadd.s32 $0x10, s5;
	s1 =	ssub.s32 $0x2, s1;
	s3 =	smul.u32 $0x500, s2  }
0x7: {  	_ =	strace $0x80000047;
	[smem:$0x7F9] =	sst s26;
	s30 =	smul.u32 $0x6000, s2  }
.Ltmp0:
0x8: {  	[smem:$0x7FA] =	sst s28;
	s25 =	sshrl.u32 s1, $0x1;
	(pc) =	sbr.rel .LBB2_1-.Ltmp0, $4  }
0x9: {  	[smem:$0x7FB] =	sst s29;
	s1 =	ssub.s32 s1, s25  }
0xa: {  	v2 =	vlaneseq.u32;
	s0 =	sadd.s32 s3, s0;
	[smem:$0x7FC] =	sst s30;
	s31 =	smax.u32 s1, $0x1  }
0xb: {  	vm0 =	vmmov $0xffff;
	v1 =	vshrl.u32 v2, $0x3;
	s0 =	sadd.s32 $0x400, s0;
	[smem:$0x7FD] =	sst s31  }
0xc: {  	v0 =	vand.u32 $0x7, v2;
	v2 =	vor.u32 $0x8, v2;
	v1 =	vmul.u32 $0x8, v1;
	s2 =	simm.s32 $0x0;
	[smem:$0x7F8] =	sst s0  }
.LBB2_26:
0xd: {  	s0 =	simm.s32 $0x6  }
0xe: {  	_ =	swait.ge [sflag:s0], $0x6000  }
0xf: {  	[sflag:s0] =	ssyncset.done $0x0  }
0x10: {  	s29 =	simm.s32 $0x7;
	[sflag:s0] =	ssyncadd.s32 $0xFFFFA000  }
0x11: {  	_ =	swait.ge [sflag:s29], $0x6000  }
0x12: {  	[sflag:s29] =	ssyncset.done $0x0  }
0x13: {  	s30 =	simm.s32 $0x8;
	[sflag:s29] =	ssyncadd.s32 $0xFFFFA000  }
0x14: {  	_ =	swait.ge [sflag:s30], $0x6000  }
0x15: {  	[sflag:s30] =	ssyncset.done $0x0  }
0x16: {  	s1 =	simm.s32 $0x5;
	[sflag:s30] =	ssyncadd.s32 $0xFFFFA000  }
0x17: {  	_ =	swait.ge [sflag:s1], $0x6000  }
0x18: {  	s2 =	sld [smem:$0x7F7]  }
0x19: {  	s31 =	sld [smem:$0x7FD];
	_ =	sdelay $0x1  }
0x1a: {  	s2 =	sadd.s32 $0x1, s2  }
0x1b: {  	p0 =	sne.s32 s2, s31  }
.Ltmp1:
0x1c: {  	_ = 	snop;
	(pc) =	sbr.rel @!p0 .LBB2_27-.Ltmp1, $3  }
0x1d: {  	_ =	sdelay $0x1  }
0x1e: {  	[sflag:s1] =	ssyncset.done $0x0  }
0x1f: {  	[sflag:s1] =	ssyncadd.s32 $0xFFFFA000  }
.LBB2_1:
0x20: {  	s0 =	sld [smem:$0x7F8];
	_ =	sdelay $0x1  }
0x21: {  	[smem:$0x7F7] =	sst s2;
	s31 =	simm.s32 $0x0;
	s4 =	simm.s32 $0xD  }
0x22: {  	[tilespmem:s31], [sflag:$0xD] =	stream.linear.gather [hbm4b:s0+s31], $0x2680, $0x38;
	[tilespmem:$0x1B400] =	vst v63  }
0x23: {  	_ =	swait.ge [sflag:s4], $0x2680  }
0x24: {  	[sflag:s4] =	ssyncset.done $0x0  }
0x25: {  	[sflag:s4] =	ssyncadd.s32 $0xFFFFD980  }
0x26: {  	v3 =	vld [tilespmem:$0x0];
	_ =	sdelay $0x4  }
0x27: {  	v4 =	vshrl.u32 v3, $0x3  }
0x28: {  	v4 =	vmul.u32 $0x30, v4  }
0x29: {  	v3 =	vand.u32 $0x7, v3  }
0x2a: {  	v3 =	vor.u32 v3, v4  }
0x2b: {  	v4 =	vperm.xlane v3, v0;
	_ =	sdelay $0x1  }
0x2c: {  	v4 =	vadd.s32 v1, v4;
	_ =	sdelay $0x2  }
0x2d: {  	s3 =	sld [smem:$0x7F9]  }
0x2e: {  	s1 =	simm.s32 $0x2800;
	s0 =	rddreg [dreg:$0x0];
	v3 =	vperm.xlane v3, v2  }
0x2f: {  	[tilespmem:s1], [sflag:$0x1] =	stream.indirect_vreg.gather [hbm4b:s0+s31], $0x80, v4, vm0, $0xb8;
	[tilespmem:$0x1B400] =	vst v63  }
0x30: {  	s5 =	simm.s32 $0x3000;
	s4 =	sld [smem:$0x7FA];
	v3 =	vadd.s32 v1, v3  }
0x31: {  	[tilespmem:s5], [sflag:$0x1] =	stream.indirect_vreg.gather [hbm4b:s3+s31], $0x80, v4, vm0, $0xb8;
	[tilespmem:$0x1B400] =	vst v63  }
0x32: {  	s6 =	simm.s32 $0x3800  }
0x33: {  	[tilespmem:s6], [sflag:$0x1] =	stream.indirect_vreg.gather [hbm4b:s4+s31], $0x80, v4, vm0, $0xb8;
	[tilespmem:$0x1B400] =	vst v63  }
0x34: {  	s7 =	simm.s32 $0x4000  }
0x35: {  	[tilespmem:s7], [sflag:$0x1] =	stream.indirect_vreg.gather [hbm4b:s0+s31], $0x80, v3, vm0, $0xb8;
	[tilespmem:$0x1B400] =	vst v63  }
0x36: {  	s8 =	simm.s32 $0x4800  }
0x37: {  	[tilespmem:s8], [sflag:$0x1] =	stream.indirect_vreg.gather [hbm4b:s3+s31], $0x80, v3, vm0, $0xb8;
	[tilespmem:$0x1B400] =	vst v63  }
0x38: {  	s9 =	simm.s32 $0x5000  }
0x39: {  	[tilespmem:s9], [sflag:$0x1] =	stream.indirect_vreg.gather [hbm4b:s4+s31], $0x80, v3, vm0, $0xb8;
	[tilespmem:$0x1B400] =	vst v63  }
0x3a: {  	v3 =	vld [tilespmem:$0x10];
	_ =	sdelay $0x4  }
0x3b: {  	v61 =	vshrl.u32 v3, $0x3  }
0x3c: {  	v4 =	vmul.u32 $0x30, v61  }
0x3d: {  	v3 =	vand.u32 $0x7, v3  }
0x3e: {  	v3 =	vor.u32 v3, v4  }
0x3f: {  	v4 =	vperm.xlane v3, v0;
	_ =	sdelay $0x1  }
0x40: {  	v4 =	vadd.s32 v1, v4;
	_ =	sdelay $0x3  }
0x41: {  	s10 =	simm.s32 $0x5800;
	v3 =	vperm.xlane v3, v2  }
0x42: {  	[tilespmem:s10], [sflag:$0x1] =	stream.indirect_vreg.gather [hbm4b:s0+s31], $0x80, v4, vm0, $0xb8;
	[tilespmem:$0x1B400] =	vst v63  }
0x43: {  	s11 =	simm.s32 $0x6000;
	v3 =	vadd.s32 v1, v3  }
0x44: {  	[tilespmem:s11], [sflag:$0x1] =	stream.indirect_vreg.gather [hbm4b:s3+s31], $0x80, v4, vm0, $0xb8;
	[tilespmem:$0x1B400] =	vst v63  }
0x45: {  	s12 =	simm.s32 $0x6800  }
0x46: {  	[tilespmem:s12], [sflag:$0x1] =	stream.indirect_vreg.gather [hbm4b:s4+s31], $0x80, v4, vm0, $0xb8;
	[tilespmem:$0x1B400] =	vst v63  }
0x47: {  	s13 =	simm.s32 $0x7000  }
0x48: {  	[tilespmem:s13], [sflag:$0x1] =	stream.indirect_vreg.gather [hbm4b:s0+s31], $0x80, v3, vm0, $0xb8;
	[tilespmem:$0x1B400] =	vst v63  }
0x49: {  	s14 =	simm.s32 $0x7800  }
0x4a: {  	[tilespmem:s14], [sflag:$0x1] =	stream.indirect_vreg.gather [hbm4b:s3+s31], $0x80, v3, vm0, $0xb8;
	[tilespmem:$0x1B400] =	vst v63  }
0x4b: {  	s15 =	simm.s32 $0x8000;
	s16 =	rddreg [dreg:$0x2]  }
0x4c: {  	[tilespmem:s15], [sflag:$0x1] =	stream.indirect_vreg.gather [hbm4b:s4+s31], $0x80, v3, vm0, $0xb8;
	[tilespmem:$0x1B400] =	vst v63  }
0x4d: {  	s5 =	simm.s32 $0x80;
	s6 =	simm.s32 $0x400;
	s7 =	simm.s32 $0x1A800  }
0x4e: {  	[tilespmem:s7], [sflag:$0x9] =	stream.strided.gather [hbm4b:s16+s5], $0x300, s6, s5, $0x38;
	[tilespmem:$0x1B400] =	vst v63  }
0x4f: {  	v3 =	vld [tilespmem:$0x80];
	_ =	sdelay $0x4  }
0x50: {  	v62 =	vshrl.u32 v3, $0x3  }
0x51: {  	v4 =	vmul.u32 $0x30, v62  }
0x52: {  	v3 =	vand.u32 $0x7, v3  }
0x53: {  	v3 =	vor.u32 v3, v4  }
0x54: {  	v4 =	vperm.xlane v3, v0;
	_ =	sdelay $0x1  }
0x55: {  	v4 =	vadd.s32 v1, v4;
	_ =	sdelay $0x3  }
0x56: {  	s17 =	simm.s32 $0x8800;
	v3 =	vperm.xlane v3, v2  }
0x57: {  	[tilespmem:s17], [sflag:$0x2] =	stream.indirect_vreg.gather [hbm4b:s0+s31], $0x80, v4, vm0, $0xb8;
	[tilespmem:$0x1B400] =	vst v63  }
0x58: {  	s18 =	simm.s32 $0x9000;
	v3 =	vadd.s32 v1, v3  }
0x59: {  	[tilespmem:s18], [sflag:$0x2] =	stream.indirect_vreg.gather [hbm4b:s3+s31], $0x80, v4, vm0, $0xb8;
	[tilespmem:$0x1B400] =	vst v63  }
0x5a: {  	s19 =	simm.s32 $0x9800  }
0x5b: {  	[tilespmem:s19], [sflag:$0x2] =	stream.indirect_vreg.gather [hbm4b:s4+s31], $0x80, v4, vm0, $0xb8;
	[tilespmem:$0x1B400] =	vst v63  }
0x5c: {  	s20 =	simm.s32 $0xA000  }
0x5d: {  	[tilespmem:s20], [sflag:$0x2] =	stream.indirect_vreg.gather [hbm4b:s0+s31], $0x80, v3, vm0, $0xb8;
	[tilespmem:$0x1B400] =	vst v63  }
0x5e: {  	s21 =	simm.s32 $0xA800  }
0x5f: {  	[tilespmem:s21], [sflag:$0x2] =	stream.indirect_vreg.gather [hbm4b:s3+s31], $0x80, v3, vm0, $0xb8;
	[tilespmem:$0x1B400] =	vst v63  }
0x60: {  	s22 =	simm.s32 $0xB000  }
0x61: {  	[tilespmem:s22], [sflag:$0x2] =	stream.indirect_vreg.gather [hbm4b:s4+s31], $0x80, v3, vm0, $0xb8;
	[tilespmem:$0x1B400] =	vst v63  }
0x62: {  	v3 =	vld [tilespmem:$0x90];
	_ =	sdelay $0x4  }
0x63: {  	v63 =	vshrl.u32 v3, $0x3  }
0x64: {  	v4 =	vmul.u32 $0x30, v63  }
0x65: {  	v3 =	vand.u32 $0x7, v3  }
0x66: {  	v3 =	vor.u32 v3, v4  }
0x67: {  	v4 =	vperm.xlane v3, v0;
	_ =	sdelay $0x1  }
0x68: {  	v4 =	vadd.s32 v1, v4;
	_ =	sdelay $0x3  }
0x69: {  	s23 =	simm.s32 $0xB800;
	v3 =	vperm.xlane v3, v2  }
0x6a: {  	[tilespmem:s23], [sflag:$0x2] =	stream.indirect_vreg.gather [hbm4b:s0+s31], $0x80, v4, vm0, $0xb8;
	[tilespmem:$0x1B400] =	vst v63  }
0x6b: {  	s24 =	simm.s32 $0xC000;
	v3 =	vadd.s32 v1, v3  }
0x6c: {  	[tilespmem:s24], [sflag:$0x2] =	stream.indirect_vreg.gather [hbm4b:s3+s31], $0x80, v4, vm0, $0xb8;
	[tilespmem:$0x1B400] =	vst v63  }
0x6d: {  	s25 =	simm.s32 $0xC800  }
0x6e: {  	[tilespmem:s25], [sflag:$0x2] =	stream.indirect_vreg.gather [hbm4b:s4+s31], $0x80, v4, vm0, $0xb8;
	[tilespmem:$0x1B400] =	vst v63  }
0x6f: {  	s26 =	simm.s32 $0xD000  }
0x70: {  	[tilespmem:s26], [sflag:$0x2] =	stream.indirect_vreg.gather [hbm4b:s0+s31], $0x80, v3, vm0, $0xb8;
	[tilespmem:$0x1B400] =	vst v63  }
0x71: {  	s28 =	simm.s32 $0xD800  }
0x72: {  	[tilespmem:s28], [sflag:$0x2] =	stream.indirect_vreg.gather [hbm4b:s3+s31], $0x80, v3, vm0, $0xb8;
	[tilespmem:$0x1B400] =	vst v63  }
.Ltmp2:
0x73: {  	_ = 	snop;
	(pc) =	sbr.rel .LBB2_2-.Ltmp2, $4  }
0x74: {  	s29 =	simm.s32 $0xE000;
	s30 =	sld [smem:$0x7FB]  }
0x75: {  	[tilespmem:s29], [sflag:$0x2] =	stream.indirect_vreg.gather [hbm4b:s4+s31], $0x80, v3, vm0, $0xb8;
	[tilespmem:$0x1B400] =	vst v63  }
0x76: {  	s8 =	simm.s32 $0x0;
	s31 =	simm.s32 $0x1AB00  }
0x77: {  	[tilespmem:s31], [sflag:$0xA] =	stream.strided.gather [hbm4b:s30+s5], $0x300, s6, s5, $0x38;
	[tilespmem:$0x1B400] =	vst v63  }
.LBB2_24:
0x78: {  	s8 =	sld [smem:$0x7F6];
	_ =	sdelay $0x1  }
0x79: {  	s1 =	sld [smem:$0x7FC]  }
0x7a: {  	s0 =	smul.u32 $0xC0000, s8;
	_ =	sdelay $0x1  }
0x7b: {  	s0 =	sadd.s32 s1, s0  }
0x7c: {  	s30 =	rddreg [dreg:$0x3];
	s0 =	sshrl.u32 s0, $0x3  }
0x7d: {  	[tilespmem:s15+$0x0] =	vst.add.f32.msk $0xffff, v3;
	s31 =	simm.s32 $0x0;
	s2 =	simm.s32 $0x14800;
	s0 =	sadd.s32 s30, s0  }
0x7e: {  	[hbm4b:s0+s31] =	stream.linear.scatter [tilespmem:s2], [sflag:$0x8], $0x6000, $0x38;
	[tilespmem:$0x1B400] =	vst v63  }
.LBB2_25:
0x7f: {  	s8 =	sadd.s32 $0x1, s8  }
0x80: {  	p0 =	sne.s32 s8, $0x4D  }
.Ltmp3:
0x81: {  	_ = 	snop;
	(pc) =	sbr.rel @!p0 .LBB2_26-.Ltmp3, $1  }
0x82: {  	_ =	sdelay $0x3  }
.LBB2_2:
0x83: {  	s0 =	sand.u32 $0x3, s8  }
0x84: {  	p0 =	sgt.s32 s0, $0x1  }
.Ltmp4:
0x85: {  	_ = 	snop;
	(pc) =	sbr.rel @p0 .LBB2_19-.Ltmp4, $2  }
0x86: {  	_ =	sdelay $0x2  }
0x87: {  	s6 =	sadd.s32 $0x2, s8;
	[smem:$0x7F6] =	sst s8  }
0x88: {  	p0 =	seq.s32 s0, $0x0  }
.Ltmp5:
0x89: {  	_ = 	snop;
	(pc) =	sbr.rel @!p0 .LBB2_9-.Ltmp5, $1  }
0x8a: {  	_ =	sdelay $0x3  }
0x8b: {  	p0 =	sgt.u32 s8, $0x4A  }
.Ltmp6:
0x8c: {  	_ = 	snop;
	(pc) =	sbr.rel @p0 .LBB2_6-.Ltmp6, $1  }
0x8d: {  	_ =	sdelay $0x3  }
0x8e: {  	p0 =	slt.u32 s8, $0x2  }
0x8f: {  	s0 =	simm.s32 @!p0 $0x7  }
0x90: {  	_ =	swait.ge @!p0 [sflag:s0], $0x6000  }
0x91: {  	s1 =	sshll.u32 s6, $0x7;
	[sflag:s0] =	ssyncset.done @!p0 $0x0  }
0x92: {  	s14 =	sand.u32 $0x3FFFFF80, s1;
	[sflag:s0] =	ssyncadd.s32 @!p0 $0xFFFFA000  }
0x93: {  	v3 =	vld [tilespmem:s14+$0x0];
	_ =	sdelay $0x4  }
0x94: {  	v4 =	vshrl.u32 v3, $0x3  }
0x95: {  	v4 =	vmul.u32 $0x30, v4  }
0x96: {  	v3 =	vand.u32 $0x7, v3  }
0x97: {  	v3 =	vor.u32 v3, v4  }
0x98: {  	v4 =	vperm.xlane v3, v0;
	_ =	sdelay $0x1  }
0x99: {  	v4 =	vadd.s32 v1, v4;
	_ =	sdelay $0x2  }
0x9a: {  	s15 =	sld [smem:$0x7F9]  }
0x9b: {  	s3 =	simm.s32 $0x0;
	s4 =	simm.s32 $0xE800;
	s2 =	rddreg [dreg:$0x0];
	v3 =	vperm.xlane v3, v2  }
0x9c: {  	[tilespmem:s4], [sflag:$0x3] =	stream.indirect_vreg.gather [hbm4b:s2+s3], $0x80, v4, vm0, $0xb8;
	[tilespmem:$0x1B400] =	vst v63  }
0x9d: {  	s5 =	simm.s32 $0xF000;
	s16 =	sld [smem:$0x7FA];
	v3 =	vadd.s32 v1, v3  }
0x9e: {  	[tilespmem:s5], [sflag:$0x3] =	stream.indirect_vreg.gather [hbm4b:s15+s3], $0x80, v4, vm0, $0xb8;
	[tilespmem:$0x1B400] =	vst v63  }
0x9f: {  	s7 =	simm.s32 $0xF800  }
0xa0: {  	[tilespmem:s7], [sflag:$0x3] =	stream.indirect_vreg.gather [hbm4b:s16+s3], $0x80, v4, vm0, $0xb8;
	[tilespmem:$0x1B400] =	vst v63  }
0xa1: {  	s17 =	simm.s32 $0x10000  }
0xa2: {  	[tilespmem:s17], [sflag:$0x3] =	stream.indirect_vreg.gather [hbm4b:s2+s3], $0x80, v3, vm0, $0xb8;
	[tilespmem:$0x1B400] =	vst v63  }
0xa3: {  	s18 =	simm.s32 $0x10800  }
0xa4: {  	[tilespmem:s18], [sflag:$0x3] =	stream.indirect_vreg.gather [hbm4b:s15+s3], $0x80, v3, vm0, $0xb8;
	[tilespmem:$0x1B400] =	vst v63  }
0xa5: {  	s19 =	simm.s32 $0x11000  }
0xa6: {  	[tilespmem:s19], [sflag:$0x3] =	stream.indirect_vreg.gather [hbm4b:s16+s3], $0x80, v3, vm0, $0xb8;
	[tilespmem:$0x1B400] =	vst v63  }
0xa7: {  	v3 =	vld [tilespmem:s14+$0x10];
	_ =	sdelay $0x4  }
0xa8: {  	v63 =	vshrl.u32 v3, $0x3  }
0xa9: {  	v4 =	vmul.u32 $0x30, v63  }
0xaa: {  	v3 =	vand.u32 $0x7, v3  }
0xab: {  	v3 =	vor.u32 v3, v4  }
0xac: {  	v4 =	vperm.xlane v3, v0;
	_ =	sdelay $0x1  }
0xad: {  	v4 =	vadd.s32 v1, v4;
	_ =	sdelay $0x3  }
0xae: {  	s20 =	simm.s32 $0x11800;
	v3 =	vperm.xlane v3, v2  }
0xaf: {  	[tilespmem:s20], [sflag:$0x3] =	stream.indirect_vreg.gather [hbm4b:s2+s3], $0x80, v4, vm0, $0xb8;
	[tilespmem:$0x1B400] =	vst v63  }
0xb0: {  	s21 =	simm.s32 $0x12000;
	v3 =	vadd.s32 v1, v3  }
0xb1: {  	[tilespmem:s21], [sflag:$0x3] =	stream.indirect_vreg.gather [hbm4b:s15+s3], $0x80, v4, vm0, $0xb8;
	[tilespmem:$0x1B400] =	vst v63  }
0xb2: {  	s22 =	simm.s32 $0x12800;
	s26 =	sshrl.u32 s6, $0x3  }
0xb3: {  	[tilespmem:s22], [sflag:$0x3] =	stream.indirect_vreg.gather [hbm4b:s16+s3], $0x80, v4, vm0, $0xb8;
	[tilespmem:$0x1B400] =	vst v63  }
0xb4: {  	s23 =	simm.s32 $0x13000;
	s1 =	sand.u32 $0x380, s1;
	s0 =	smul.u32 $0x1800, s26  }
0xb5: {  	[tilespmem:s23], [sflag:$0x3] =	stream.indirect_vreg.gather [hbm4b:s2+s3], $0x80, v3, vm0, $0xb8;
	[tilespmem:$0x1B400] =	vst v63  }
0xb6: {  	s24 =	simm.s32 $0x13800;
	s25 =	simm.s32 $0x14000;
	s0 =	sor.u32 s1, s0  }
0xb7: {  	[tilespmem:s24], [sflag:$0x3] =	stream.indirect_vreg.gather [hbm4b:s15+s3], $0x80, v3, vm0, $0xb8;
	[tilespmem:$0x1B400] =	vst v63  }
0xb8: {  	s29 =	simm.s32 $0x80;
	s28 =	rddreg [dreg:$0x2];
	s0 =	sshrl.u32 s0, $0x3  }
0xb9: {  	[tilespmem:s25], [sflag:$0x3] =	stream.indirect_vreg.gather [hbm4b:s16+s3], $0x80, v3, vm0, $0xb8;
	[tilespmem:$0x1B400] =	vst v63  }
0xba: {  	s30 =	simm.s32 $0x400;
	s31 =	simm.s32 $0x1AE00;
	s0 =	sadd.s32 s28, s0  }
0xbb: {  	[tilespmem:s31], [sflag:$0xB] =	stream.strided.gather [hbm4b:s0+s29], $0x300, s30, s29, $0x38;
	[tilespmem:$0x1B400] =	vst v63  }
.LBB2_6:
0xbc: {  	s0 =	simm.s32 $0x1  }
0xbd: {  	_ =	swait.ge [sflag:s0], $0x6000  }
0xbe: {  	[sflag:s0] =	ssyncset.done $0x0  }
0xbf: {  	s22 =	simm.s32 $0x9;
	[sflag:s0] =	ssyncadd.s32 $0xFFFFA000  }
0xc0: {  	_ =	swait.ge [sflag:s22], $0x300  }
0xc1: {  	[sflag:s22] =	ssyncset.done $0x0  }
0xc2: {  	s23 =	simm.s32 $0x1A800;
	[sflag:s22] =	ssyncadd.s32 $0xFFFFFD00  }
0xc3: {  	v3 =	vld [tilespmem:s23+$0x0]  }
0xc4: {  	s31 =	simm.s32 $0x0  }
0xc5: {  	s17 =	sand.u32 $0x1C00, s31  }
0xc6: {  	s2 =	sand.u32 $0x60, s31;
	s9 =	sadd.s32 $0x2800, s17  }
0xc7: {  	s24 =	sor.u32 s2, s9  }
0xc8: {  	s1 =	sor.u32 $0x80, s24;
	[tilespmem:s24+$0x0] =	vst.add.f32.msk $0xffff, v3  }
0xc9: {  	s25 =	sor.u32 $0x100, s24;
	[tilespmem:s1+$0x0] =	vst.add.f32.msk $0xffff, v3  }
0xca: {  	s3 =	sand.u32 $0x3, s31;
	s26 =	sor.u32 $0x180, s24;
	[tilespmem:s25+$0x0] =	vst.add.f32.msk $0xffff, v3  }
0xcb: {  	s3 =	sshll.u32 s3, $0x5;
	s28 =	sor.u32 $0x200, s24;
	[tilespmem:s26+$0x0] =	vst.add.f32.msk $0xffff, v3  }
0xcc: {  	s14 =	sadd.s32 $0x0, s3;
	s0 =	sor.u32 $0x280, s24;
	[tilespmem:s28+$0x0] =	vst.add.f32.msk $0xffff, v3  }
0xcd: {  	s30 =	sor.u32 s31, s31;
	s29 =	sor.u32 $0x300, s14;
	[tilespmem:s0+$0x0] =	vst.add.f32.msk $0xffff, v3  }
0xce: {  	s11 =	sor.u32 $0x4000, s17;
	s3 =	sor.u32 $0x380, s30;
	[tilespmem:s29+$0x2800] =	vst.add.f32.msk $0xffff, v3  }
0xcf: {  	s12 =	sor.u32 $0x4080, s17;
	s4 =	sor.u32 s2, s11;
	[tilespmem:s3+$0x2800] =	vst.add.f32.msk $0xffff, v3  }
0xd0: {  	s13 =	sor.u32 $0x4100, s17;
	s5 =	sor.u32 s2, s12;
	[tilespmem:s4+$0x0] =	vst.add.f32.msk $0xffff, v3  }
0xd1: {  	s15 =	sor.u32 $0x4180, s17;
	s6 =	sor.u32 s2, s13;
	[tilespmem:s5+$0x0] =	vst.add.f32.msk $0xffff, v3  }
0xd2: {  	s16 =	sor.u32 $0x4200, s17;
	s7 =	sor.u32 s2, s15;
	[tilespmem:s6+$0x0] =	vst.add.f32.msk $0xffff, v3  }
0xd3: {  	s18 =	sor.u32 $0x4280, s17;
	s8 =	sor.u32 s2, s16;
	[tilespmem:s7+$0x0] =	vst.add.f32.msk $0xffff, v3  }
0xd4: {  	s21 =	sor.u32 $0x4300, s17;
	s10 =	sor.u32 s2, s18;
	[tilespmem:s8+$0x0] =	vst.add.f32.msk $0xffff, v3  }
0xd5: {  	s19 =	sor.u32 s2, s21;
	s3 =	sor.u32 $0x4380, s17;
	[tilespmem:s10+$0x0] =	vst.add.f32.msk $0xffff, v3  }
0xd6: {  	s29 =	sadd.s32 $0x5800, s17;
	s20 =	sor.u32 s2, s3;
	[tilespmem:s19+$0x0] =	vst.add.f32.msk $0xffff, v3  }
0xd7: {  	s25 =	sadd.s32 $0x5880, s17;
	s22 =	sor.u32 s2, s29;
	[tilespmem:s20+$0x0] =	vst.add.f32.msk $0xffff, v3  }
0xd8: {  	s23 =	sor.u32 s2, s25;
	s19 =	sadd.s32 $0x5900, s17;
	[tilespmem:s22+$0x0] =	vst.add.f32.msk $0xffff, v3  }
0xd9: {  	s26 =	sadd.s32 $0x5980, s17;
	s24 =	sor.u32 s2, s19;
	[tilespmem:s23+$0x0] =	vst.add.f32.msk $0xffff, v3  }
0xda: {  	s28 =	sor.u32 s2, s26;
	s20 =	sadd.s32 $0x5A00, s17;
	[tilespmem:s24+$0x0] =	vst.add.f32.msk $0xffff, v3  }
0xdb: {  	s30 =	sor.u32 s2, s20;
	s22 =	sadd.s32 $0x5A80, s17;
	[tilespmem:s28+$0x0] =	vst.add.f32.msk $0xffff, v3  }
0xdc: {  	s23 =	sadd.s32 $0x5B00, s17;
	s4 =	sor.u32 s2, s22;
	[tilespmem:s30+$0x0] =	vst.add.f32.msk $0xffff, v3  }
0xdd: {  	s5 =	sor.u32 s2, s23;
	s24 =	sadd.s32 $0x5B80, s17;
	[tilespmem:s4+$0x0] =	vst.add.f32.msk $0xffff, v3  }
0xde: {  	s6 =	sor.u32 s2, s24;
	s28 =	sadd.s32 $0x7000, s17;
	[tilespmem:s5+$0x0] =	vst.add.f32.msk $0xffff, v3  }
0xdf: {  	s30 =	sadd.s32 $0x7080, s17;
	s7 =	sor.u32 s2, s28;
	[tilespmem:s6+$0x0] =	vst.add.f32.msk $0xffff, v3  }
0xe0: {  	s8 =	sor.u32 s2, s30;
	s4 =	sadd.s32 $0x7100, s17;
	[tilespmem:s7+$0x0] =	vst.add.f32.msk $0xffff, v3  }
0xe1: {  	s1 =	sadd.s32 $0x7180, s17;
	s5 =	sor.u32 s2, s4;
	[tilespmem:s8+$0x0] =	vst.add.f32.msk $0xffff, v3  }
0xe2: {  	s10 =	sor.u32 s2, s1;
	s7 =	sadd.s32 $0x7200, s17;
	[tilespmem:s5+$0x0] =	vst.add.f32.msk $0xffff, v3  }
0xe3: {  	s8 =	sadd.s32 $0x7280, s17;
	s5 =	sor.u32 s2, s7;
	[tilespmem:s10+$0x0] =	vst.add.f32.msk $0xffff, v3  }
0xe4: {  	s6 =	sor.u32 s2, s8;
	s10 =	sadd.s32 $0x7300, s17;
	[tilespmem:s5+$0x0] =	vst.add.f32.msk $0xffff, v3  }
0xe5: {  	[tilespmem:s6+$0x0] =	vst.add.f32.msk $0xffff, v3;
	s6 =	sadd.s32 $0x7380, s17;
	s17 =	sor.u32 s2, s10  }
0xe6: {  	[tilespmem:s17+$0x0] =	vst.add.f32.msk $0xffff, v3;
	s5 =	sor.u32 s2, s6;
	s2 =	sor.u32 $0x10, s2;
	s17 =	sand.u32 $0x380, s31  }
0xe7: {  	[tilespmem:s5+$0x0] =	vst.add.f32.msk $0xffff, v3;
	s5 =	sor.u32 s2, s17  }
0xe8: {  	v3 =	vld [tilespmem:s5+$0x1A800];
	_ =	sdelay $0x3  }
0xe9: {  	s0 =	sor.u32 s2, s9  }
0xea: {  	s17 =	sor.u32 $0x80, s0;
	[tilespmem:s0+$0x0] =	vst.add.f32.msk $0xffff, v3  }
0xeb: {  	s9 =	sor.u32 $0x100, s0;
	[tilespmem:s17+$0x0] =	vst.add.f32.msk $0xffff, v3  }
0xec: {  	s17 =	sor.u32 $0x180, s0;
	[tilespmem:s9+$0x0] =	vst.add.f32.msk $0xffff, v3  }
0xed: {  	s9 =	sor.u32 $0x200, s0;
	[tilespmem:s17+$0x0] =	vst.add.f32.msk $0xffff, v3  }
0xee: {  	s14 =	sadd.s32 $0x10, s14;
	s0 =	sor.u32 $0x280, s0;
	[tilespmem:s9+$0x0] =	vst.add.f32.msk $0xffff, v3  }
0xef: {  	s17 =	sor.u32 $0x300, s14;
	[tilespmem:s0+$0x0] =	vst.add.f32.msk $0xffff, v3  }
0xf0: {  	s9 =	sor.u32 $0x380, s14;
	[tilespmem:s17+$0x2800] =	vst.add.f32.msk $0xffff, v3  }
0xf1: {  	s14 =	sor.u32 s2, s11;
	[tilespmem:s9+$0x2800] =	vst.add.f32.msk $0xffff, v3  }
0xf2: {  	s17 =	sor.u32 s2, s12;
	[tilespmem:s14+$0x0] =	vst.add.f32.msk $0xffff, v3  }
0xf3: {  	s5 =	sor.u32 s2, s13;
	[tilespmem:s17+$0x0] =	vst.add.f32.msk $0xffff, v3  }
0xf4: {  	s9 =	sor.u32 s2, s15;
	[tilespmem:s5+$0x0] =	vst.add.f32.msk $0xffff, v3  }
0xf5: {  	s11 =	sor.u32 s2, s16;
	[tilespmem:s9+$0x0] =	vst.add.f32.msk $0xffff, v3  }
0xf6: {  	s12 =	sor.u32 s2, s18;
	[tilespmem:s11+$0x0] =	vst.add.f32.msk $0xffff, v3  }
0xf7: {  	s13 =	sor.u32 s2, s21;
	[tilespmem:s12+$0x0] =	vst.add.f32.msk $0xffff, v3  }
0xf8: {  	s14 =	sor.u32 s2, s3;
	[tilespmem:s13+$0x0] =	vst.add.f32.msk $0xffff, v3  }
0xf9: {  	s15 =	sor.u32 s2, s29;
	[tilespmem:s14+$0x0] =	vst.add.f32.msk $0xffff, v3  }
0xfa: {  	s16 =	sor.u32 s2, s25;
	[tilespmem:s15+$0x0] =	vst.add.f32.msk $0xffff, v3  }
0xfb: {  	s17 =	sor.u32 s2, s19;
	[tilespmem:s16+$0x0] =	vst.add.f32.msk $0xffff, v3  }
0xfc: {  	s18 =	sor.u32 s2, s26;
	[tilespmem:s17+$0x0] =	vst.add.f32.msk $0xffff, v3  }
0xfd: {  	s19 =	sor.u32 s2, s20;
	[tilespmem:s18+$0x0] =	vst.add.f32.msk $0xffff, v3  }
0xfe: {  	s20 =	sor.u32 s2, s22;
	[tilespmem:s19+$0x0] =	vst.add.f32.msk $0xffff, v3  }
0xff: {  	s21 =	sor.u32 s2, s23;
	[tilespmem:s20+$0x0] =	vst.add.f32.msk $0xffff, v3  }
0x100: {  	s22 =	sor.u32 s2, s24;
	[tilespmem:s21+$0x0] =	vst.add.f32.msk $0xffff, v3  }
0x101: {  	s23 =	sor.u32 s2, s28;
	[tilespmem:s22+$0x0] =	vst.add.f32.msk $0xffff, v3  }
0x102: {  	s24 =	sor.u32 s2, s30;
	[tilespmem:s23+$0x0] =	vst.add.f32.msk $0xffff, v3  }
0x103: {  	s25 =	sor.u32 s2, s4;
	[tilespmem:s24+$0x0] =	vst.add.f32.msk $0xffff, v3  }
0x104: {  	s26 =	sor.u32 s2, s1;
	[tilespmem:s25+$0x0] =	vst.add.f32.msk $0xffff, v3  }
0x105: {  	s28 =	sor.u32 s2, s7;
	[tilespmem:s26+$0x0] =	vst.add.f32.msk $0xffff, v3  }
0x106: {  	s29 =	sor.u32 s2, s8;
	[tilespmem:s28+$0x0] =	vst.add.f32.msk $0xffff, v3  }
0x107: {  	s0 =	simm.s32 $0x1A820;
	s3 =	simm.s32 $0x0;
	s30 =	sor.u32 s2, s10;
	[tilespmem:s29+$0x0] =	vst.add.f32.msk $0xffff, v3  }
0x108: {  	s9 =	simm.s32 $0x20;
	s15 =	sor.u32 s2, s6;
	s2 =	simm.s32 $0x0;
	[tilespmem:s30+$0x0] =	vst.add.f32.msk $0xffff, v3  }
.LBB2_7:
0x109: {  	[dreg:$0xd] =	wrdreg s0;
	s3 =	sadd.s32 $0x2, s3  }
0x10a: {  	s31 =	sadd.s32 $0x100, s31;
	[dreg:$0x9] =	wrdreg s3  }
0x10b: {  	[tilespmem:s15+$0x0] =	vst.add.f32.msk $0xffff, v3;
	s2 =	sadd.s32 $0x1, s2;
	[dreg:$0x5] =	wrdreg s31  }
0x10c: {  	s21 =	sand.u32 $0x60, s9;
	[dreg:$0x11] =	wrdreg s2;
	v3 =	vld [tilespmem:s0+$0x0]  }
0x10d: {  	p0 =	slt.u32 s3, $0x2E;
	s13 =	sand.u32 $0x1C00, s31;
	s25 =	sand.u32 $0x3, s2  }
0x10e: {  	s19 =	sadd.s32 $0x2800, s13;
	s1 =	sor.u32 $0x4000, s13;
	s20 =	sor.u32 $0x4080, s13  }
0x10f: {  	s23 =	sor.u32 $0x4100, s13;
	s6 =	sor.u32 $0x4180, s13;
	s3 =	sshll.u32 s25, $0x5  }
0x110: {  	s29 =	sor.u32 $0x4200, s13;
	s12 =	sor.u32 $0x4300, s13;
	s0 =	sor.u32 s21, s19  }
0x111: {  	s25 =	sadd.s32 $0x5B00, s13;
	[smem:$0x7E5] =	sst s19;
	s22 =	sor.u32 $0x80, s0;
	[tilespmem:s0+$0x0] =	vst.add.f32.msk $0xffff, v3  }
0x112: {  	s18 =	sadd.s32 $0x5B80, s13;
	[smem:$0x7E6] =	sst s1;
	s24 =	sor.u32 $0x100, s0;
	[tilespmem:s22+$0x0] =	vst.add.f32.msk $0xffff, v3  }
0x113: {  	s4 =	sor.u32 s21, s1;
	[dreg:$0x18] =	wrdreg s20;
	s26 =	sor.u32 $0x180, s0;
	[tilespmem:s24+$0x0] =	vst.add.f32.msk $0xffff, v3  }
0x114: {  	s5 =	sor.u32 s21, s20;
	[dreg:$0x1c] =	wrdreg s23;
	s28 =	sor.u32 $0x200, s0;
	[tilespmem:s26+$0x0] =	vst.add.f32.msk $0xffff, v3  }
0x115: {  	s7 =	sor.u32 s21, s23;
	s30 =	sadd.s32 s3, s31;
	s0 =	sor.u32 $0x280, s0;
	[tilespmem:s28+$0x0] =	vst.add.f32.msk $0xffff, v3  }
0x116: {  	[smem:$0x7E7] =	sst s6;
	s3 =	sor.u32 s31, s9;
	s2 =	sor.u32 $0x300, s30;
	[tilespmem:s0+$0x0] =	vst.add.f32.msk $0xffff, v3  }
0x117: {  	s8 =	sor.u32 s21, s6;
	[smem:$0x7EA] =	sst s29;
	s11 =	sor.u32 $0x380, s3;
	[tilespmem:s2+$0x2800] =	vst.add.f32.msk $0xffff, v3  }
0x118: {  	s10 =	sor.u32 s21, s29;
	s6 =	sor.u32 $0x4280, s13;
	[smem:$0x7EC] =	sst s12;
	[tilespmem:s11+$0x2800] =	vst.add.f32.msk $0xffff, v3  }
0x119: {  	s1 =	sor.u32 $0x4380, s13;
	s31 =	sadd.s32 $0x5900, s13;
	s23 =	sadd.s32 $0x5A00, s13;
	[tilespmem:s4+$0x0] =	vst.add.f32.msk $0xffff, v3  }
0x11a: {  	s16 =	sor.u32 s21, s25;
	s29 =	sadd.s32 $0x7080, s13;
	[smem:$0x7E8] =	sst s30;
	[tilespmem:s5+$0x0] =	vst.add.f32.msk $0xffff, v3  }
0x11b: {  	[smem:$0x7EB] =	sst s6;
	s14 =	sor.u32 s21, s1;
	s15 =	sor.u32 s21, s23;
	[tilespmem:s7+$0x0] =	vst.add.f32.msk $0xffff, v3  }
0x11c: {  	[smem:$0x7E9] =	sst s16;
	s17 =	sor.u32 s21, s29;
	s16 =	sor.u32 $0x10, s21;
	[tilespmem:s8+$0x0] =	vst.add.f32.msk $0xffff, v3  }
0x11d: {  	[smem:$0x7ED] =	sst s17;
	s24 =	sor.u32 s21, s6;
	s28 =	sadd.s32 $0x5800, s13;
	[tilespmem:s10+$0x0] =	vst.add.f32.msk $0xffff, v3  }
0x11e: {  	s26 =	sor.u32 s21, s12;
	s30 =	sor.u32 s21, s28;
	s28 =	sor.u32 s16, s28;
	[tilespmem:s24+$0x0] =	vst.add.f32.msk $0xffff, v3  }
0x11f: {  	s17 =	sadd.s32 $0x7280, s13;
	s22 =	sadd.s32 $0x5980, s13;
	[smem:$0x7F3] =	sst s28;
	[tilespmem:s26+$0x0] =	vst.add.f32.msk $0xffff, v3  }
0x120: {  	s6 =	sadd.s32 $0x5880, s13;
	s2 =	sadd.s32 $0x7200, s13;
	s28 =	sld [smem:$0x7E9];
	[tilespmem:s14+$0x0] =	vst.add.f32.msk $0xffff, v3  }
0x121: {  	s11 =	sadd.s32 $0x7100, s13;
	s20 =	sor.u32 s21, s2;
	s5 =	sor.u32 s21, s6;
	[tilespmem:s30+$0x0] =	vst.add.f32.msk $0xffff, v3  }
0x122: {  	s19 =	sor.u32 s21, s11;
	[smem:$0x7EF] =	sst s20;
	s7 =	sor.u32 s21, s31;
	[tilespmem:s5+$0x0] =	vst.add.f32.msk $0xffff, v3  }
0x123: {  	s3 =	sor.u32 s21, s22;
	[smem:$0x7EE] =	sst s19;
	s6 =	sor.u32 s16, s6;
	[tilespmem:s7+$0x0] =	vst.add.f32.msk $0xffff, v3  }
0x124: {  	s12 =	sadd.s32 $0x7000, s13;
	s0 =	sadd.s32 $0x5A80, s13;
	[smem:$0x7F4] =	sst s6;
	[tilespmem:s3+$0x0] =	vst.add.f32.msk $0xffff, v3  }
0x125: {  	s6 =	sld [smem:$0x7EA];
	s8 =	sor.u32 s21, s17;
	s10 =	sor.u32 s21, s0;
	[tilespmem:s15+$0x0] =	vst.add.f32.msk $0xffff, v3  }
0x126: {  	s20 =	sadd.s32 $0x7380, s13;
	s19 =	sadd.s32 $0x7300, s13;
	[smem:$0x7F0] =	sst s8;
	[tilespmem:s10+$0x0] =	vst.add.f32.msk $0xffff, v3  }
0x127: {  	s24 =	sor.u32 s21, s18;
	s14 =	sadd.s32 $0x7180, s13;
	s13 =	sld [smem:$0x7E5];
	[tilespmem:s28+$0x0] =	vst.add.f32.msk $0xffff, v3  }
0x128: {  	s4 =	sor.u32 s21, s19;
	s26 =	sor.u32 s21, s12;
	s5 =	sld [smem:$0x7E7];
	[tilespmem:s24+$0x0] =	vst.add.f32.msk $0xffff, v3  }
0x129: {  	s30 =	sor.u32 s21, s14;
	s28 =	sor.u32 s16, s22;
	[tilespmem:s26+$0x0] =	vst.add.f32.msk $0xffff, v3;
	s26 =	sld [smem:$0x7ED]  }
0x12a: {  	s22 =	sor.u32 s16, s25;
	s25 =	sor.u32 s16, s29;
	s29 =	sld [smem:$0x7EE]  }
0x12b: {  	s7 =	sor.u32 s21, s20;
	s21 =	sld [smem:$0x7E6];
	s3 =	sor.u32 s16, s5  }
0x12c: {  	[smem:$0x7F1] =	sst s3;
	[tilespmem:s26+$0x0] =	vst.add.f32.msk $0xffff, v3  }
0x12d: {  	s24 =	rddreg [dreg:$0x18];
	[tilespmem:s29+$0x0] =	vst.add.f32.msk $0xffff, v3  }
0x12e: {  	s3 =	sor.u32 s16, s24;
	[tilespmem:s30+$0x0] =	vst.add.f32.msk $0xffff, v3;
	s30 =	sld [smem:$0x7EF]  }
0x12f: {  	s24 =	sor.u32 s16, s0;
	s0 =	sor.u32 s16, s17;
	s17 =	sld [smem:$0x7F0]  }
0x130: {  	s8 =	sor.u32 s16, s13;
	s13 =	sor.u32 s16, s21;
	s21 =	sor.u32 s16, s31  }
0x131: {  	[smem:$0x7F5] =	sst s21;
	[tilespmem:s30+$0x0] =	vst.add.f32.msk $0xffff, v3  }
0x132: {  	s21 =	sor.u32 s16, s6;
	s6 =	sor.u32 s16, s23;
	s23 =	sor.u32 s16, s12;
	[tilespmem:s17+$0x0] =	vst.add.f32.msk $0xffff, v3  }
0x133: {  	s12 =	sor.u32 s16, s2;
	s2 =	sor.u32 s16, s19;
	s19 =	sand.u32 $0x380, s9;
	[tilespmem:s4+$0x0] =	vst.add.f32.msk $0xffff, v3  }
0x134: {  	s1 =	sor.u32 s16, s1;
	s4 =	sor.u32 s16, s19;
	[tilespmem:s7+$0x0] =	vst.add.f32.msk $0xffff, v3  }
0x135: {  	[smem:$0x7F2] =	sst s1;
	v3 =	vld [tilespmem:s4+$0x1A800]  }
0x136: {  	s15 =	rddreg [dreg:$0x1c]  }
0x137: {  	s1 =	sor.u32 s16, s15;
	s15 =	sld [smem:$0x7EC];
	_ =	sdelay $0x1  }
0x138: {  	s10 =	sld [smem:$0x7E8]  }
0x139: {  	s31 =	sor.u32 s16, s15;
	s15 =	sor.u32 s16, s20;
	s20 =	sor.u32 $0x80, s8;
	[tilespmem:s8+$0x0] =	vst.add.f32.msk $0xffff, v3  }
0x13a: {  	s29 =	sor.u32 $0x100, s8;
	[tilespmem:s20+$0x0] =	vst.add.f32.msk $0xffff, v3  }
0x13b: {  	s30 =	sor.u32 $0x180, s8;
	[tilespmem:s29+$0x0] =	vst.add.f32.msk $0xffff, v3  }
0x13c: {  	s5 =	sadd.s32 $0x10, s10;
	s10 =	sld [smem:$0x7EB];
	s7 =	sor.u32 $0x200, s8;
	[tilespmem:s30+$0x0] =	vst.add.f32.msk $0xffff, v3  }
0x13d: {  	s8 =	sor.u32 $0x280, s8;
	[tilespmem:s7+$0x0] =	vst.add.f32.msk $0xffff, v3  }
0x13e: {  	s11 =	sor.u32 s16, s11;
	s26 =	sor.u32 s16, s14;
	s14 =	sor.u32 $0x300, s5;
	[tilespmem:s8+$0x0] =	vst.add.f32.msk $0xffff, v3  }
0x13f: {  	s18 =	sor.u32 s16, s18;
	s10 =	sor.u32 s16, s10;
	s16 =	sor.u32 $0x380, s5;
	[tilespmem:s14+$0x2800] =	vst.add.f32.msk $0xffff, v3  }
0x140: {  	[tilespmem:s16+$0x2800] =	vst.add.f32.msk $0xffff, v3  }
0x141: {  	s17 =	sld [smem:$0x7F1];
	[tilespmem:s13+$0x0] =	vst.add.f32.msk $0xffff, v3  }
0x142: {  	[tilespmem:s3+$0x0] =	vst.add.f32.msk $0xffff, v3  }
0x143: {  	[tilespmem:s1+$0x0] =	vst.add.f32.msk $0xffff, v3  }
0x144: {  	[tilespmem:s17+$0x0] =	vst.add.f32.msk $0xffff, v3  }
0x145: {  	s19 =	sld [smem:$0x7F2];
	[tilespmem:s21+$0x0] =	vst.add.f32.msk $0xffff, v3  }
0x146: {  	s20 =	sld [smem:$0x7F3];
	[tilespmem:s10+$0x0] =	vst.add.f32.msk $0xffff, v3  }
0x147: {  	s21 =	sld [smem:$0x7F4];
	[tilespmem:s31+$0x0] =	vst.add.f32.msk $0xffff, v3  }
0x148: {  	s29 =	sld [smem:$0x7F5];
	[tilespmem:s19+$0x0] =	vst.add.f32.msk $0xffff, v3  }
0x149: {  	[tilespmem:s20+$0x0] =	vst.add.f32.msk $0xffff, v3  }
0x14a: {  	[tilespmem:s21+$0x0] =	vst.add.f32.msk $0xffff, v3  }
0x14b: {  	[tilespmem:s29+$0x0] =	vst.add.f32.msk $0xffff, v3  }
0x14c: {  	[tilespmem:s28+$0x0] =	vst.add.f32.msk $0xffff, v3  }
0x14d: {  	[tilespmem:s6+$0x0] =	vst.add.f32.msk $0xffff, v3  }
0x14e: {  	[tilespmem:s24+$0x0] =	vst.add.f32.msk $0xffff, v3  }
0x14f: {  	[tilespmem:s22+$0x0] =	vst.add.f32.msk $0xffff, v3  }
0x150: {  	[tilespmem:s18+$0x0] =	vst.add.f32.msk $0xffff, v3  }
0x151: {  	[tilespmem:s23+$0x0] =	vst.add.f32.msk $0xffff, v3  }
0x152: {  	[tilespmem:s25+$0x0] =	vst.add.f32.msk $0xffff, v3  }
.Ltmp7:
0x153: {  	[tilespmem:s11+$0x0] =	vst.add.f32.msk $0xffff, v3;
	(pc) =	sbr.rel @p0 .LBB2_7-.Ltmp7, $4  }
0x154: {  	s30 =	rddreg [dreg:$0xd];
	[tilespmem:s26+$0x0] =	vst.add.f32.msk $0xffff, v3  }
0x155: {  	s3 =	rddreg [dreg:$0x9];
	[tilespmem:s12+$0x0] =	vst.add.f32.msk $0xffff, v3  }
0x156: {  	s31 =	rddreg [dreg:$0x5];
	[tilespmem:s0+$0x0] =	vst.add.f32.msk $0xffff, v3  }
0x157: {  	s9 =	sadd.s32 $0x20, s9;
	s0 =	sadd.s32 $0x20, s30;
	[tilespmem:s2+$0x0] =	vst.add.f32.msk $0xffff, v3;
	s2 =	rddreg [dreg:$0x11]  }
0x158: {  	s8 =	sld [smem:$0x7F6];
	_ =	sdelay $0x1  }
0x159: {  	s1 =	sld [smem:$0x7FC]  }
0x15a: {  	s0 =	smul.u32 $0xC0000, s8  }
.Ltmp8:
0x15b: {  	_ = 	snop;
	(pc) =	sbr.rel .LBB2_25-.Ltmp8, $4  }
0x15c: {  	s0 =	sadd.s32 s1, s0  }
0x15d: {  	s30 =	rddreg [dreg:$0x3];
	s0 =	sshrl.u32 s0, $0x3  }
0x15e: {  	[tilespmem:s15+$0x0] =	vst.add.f32.msk $0xffff, v3;
	s31 =	simm.s32 $0x0;
	s2 =	simm.s32 $0x2800;
	s0 =	sadd.s32 s30, s0  }
0x15f: {  	[hbm4b:s0+s31] =	stream.linear.scatter [tilespmem:s2], [sflag:$0x5], $0x6000, $0x38;
	[tilespmem:$0x1B400] =	vst v63  }
.LBB2_19:
0x160: {  	p1 =	seq.s32 s0, $0x2  }
.Ltmp9:
0x161: {  	_ = 	snop;
	(pc) =	sbr.rel @!p1 .LBB2_20-.Ltmp9, $2  }
0x162: {  	_ =	sdelay $0x2  }
0x163: {  	p0 =	sgt.u32 s8, $0x4A  }
.Ltmp10:
0x164: {  	(pc) =	sbr.rel @p0 .LBB2_16-.Ltmp10, $1  }
0x165: {  	_ =	sdelay $0x3  }
0x166: {  	p0 =	slt.u32 s8, $0x2  }
0x167: {  	s0 =	simm.s32 @!p0 $0x5  }
0x168: {  	_ =	swait.ge @!p0 [sflag:s0], $0x6000  }
0x169: {  	s1 =	sshll.u32 s6, $0x7;
	[sflag:s0] =	ssyncset.done @!p0 $0x0  }
0x16a: {  	s14 =	sand.u32 $0x3FFFFF80, s1;
	[sflag:s0] =	ssyncadd.s32 @!p0 $0xFFFFA000  }
0x16b: {  	v3 =	vld [tilespmem:s14+$0x0];
	_ =	sdelay $0x4  }
0x16c: {  	v4 =	vshrl.u32 v3, $0x3  }
0x16d: {  	v4 =	vmul.u32 $0x30, v4  }
0x16e: {  	v3 =	vand.u32 $0x7, v3  }
0x16f: {  	v3 =	vor.u32 v3, v4  }
0x170: {  	v4 =	vperm.xlane v3, v0;
	_ =	sdelay $0x1  }
0x171: {  	v4 =	vadd.s32 v1, v4;
	_ =	sdelay $0x2  }
0x172: {  	s15 =	sld [smem:$0x7F9]  }
0x173: {  	s3 =	simm.s32 $0x0;
	s4 =	simm.s32 $0x2800;
	s2 =	rddreg [dreg:$0x0];
	v3 =	vperm.xlane v3, v2  }
0x174: {  	[tilespmem:s4], [sflag:$0x1] =	stream.indirect_vreg.gather [hbm4b:s2+s3], $0x80, v4, vm0, $0xb8;
	[tilespmem:$0x1B400] =	vst v63  }
0x175: {  	s5 =	simm.s32 $0x3000;
	s16 =	sld [smem:$0x7FA];
	v3 =	vadd.s32 v1, v3  }
0x176: {  	[tilespmem:s5], [sflag:$0x1] =	stream.indirect_vreg.gather [hbm4b:s15+s3], $0x80, v4, vm0, $0xb8;
	[tilespmem:$0x1B400] =	vst v63  }
0x177: {  	s7 =	simm.s32 $0x3800  }
0x178: {  	[tilespmem:s7], [sflag:$0x1] =	stream.indirect_vreg.gather [hbm4b:s16+s3], $0x80, v4, vm0, $0xb8;
	[tilespmem:$0x1B400] =	vst v63  }
0x179: {  	s17 =	simm.s32 $0x4000  }
0x17a: {  	[tilespmem:s17], [sflag:$0x1] =	stream.indirect_vreg.gather [hbm4b:s2+s3], $0x80, v3, vm0, $0xb8;
	[tilespmem:$0x1B400] =	vst v63  }
0x17b: {  	s18 =	simm.s32 $0x4800  }
0x17c: {  	[tilespmem:s18], [sflag:$0x1] =	stream.indirect_vreg.gather [hbm4b:s15+s3], $0x80, v3, vm0, $0xb8;
	[tilespmem:$0x1B400] =	vst v63  }
0x17d: {  	s19 =	simm.s32 $0x5000  }
0x17e: {  	[tilespmem:s19], [sflag:$0x1] =	stream.indirect_vreg.gather [hbm4b:s16+s3], $0x80, v3, vm0, $0xb8;
	[tilespmem:$0x1B400] =	vst v63  }
0x17f: {  	v3 =	vld [tilespmem:s14+$0x10];
	_ =	sdelay $0x4  }
0x180: {  	v63 =	vshrl.u32 v3, $0x3  }
0x181: {  	v4 =	vmul.u32 $0x30, v63  }
0x182: {  	v3 =	vand.u32 $0x7, v3  }
0x183: {  	v3 =	vor.u32 v3, v4  }
0x184: {  	v4 =	vperm.xlane v3, v0;
	_ =	sdelay $0x1  }
0x185: {  	v4 =	vadd.s32 v1, v4;
	_ =	sdelay $0x3  }
0x186: {  	s20 =	simm.s32 $0x5800;
	v3 =	vperm.xlane v3, v2  }
0x187: {  	[tilespmem:s20], [sflag:$0x1] =	stream.indirect_vreg.gather [hbm4b:s2+s3], $0x80, v4, vm0, $0xb8;
	[tilespmem:$0x1B400] =	vst v63  }
0x188: {  	s21 =	simm.s32 $0x6000;
	v3 =	vadd.s32 v1, v3  }
0x189: {  	[tilespmem:s21], [sflag:$0x1] =	stream.indirect_vreg.gather [hbm4b:s15+s3], $0x80, v4, vm0, $0xb8;
	[tilespmem:$0x1B400] =	vst v63  }
0x18a: {  	s22 =	simm.s32 $0x6800;
	s26 =	sshrl.u32 s6, $0x3  }
0x18b: {  	[tilespmem:s22], [sflag:$0x1] =	stream.indirect_vreg.gather [hbm4b:s16+s3], $0x80, v4, vm0, $0xb8;
	[tilespmem:$0x1B400] =	vst v63  }
0x18c: {  	s23 =	simm.s32 $0x7000;
	s1 =	sand.u32 $0x380, s1;
	s0 =	smul.u32 $0x1800, s26  }
0x18d: {  	[tilespmem:s23], [sflag:$0x1] =	stream.indirect_vreg.gather [hbm4b:s2+s3], $0x80, v3, vm0, $0xb8;
	[tilespmem:$0x1B400] =	vst v63  }
0x18e: {  	s24 =	simm.s32 $0x7800;
	s25 =	simm.s32 $0x8000;
	s0 =	sor.u32 s1, s0  }
0x18f: {  	[tilespmem:s24], [sflag:$0x1] =	stream.indirect_vreg.gather [hbm4b:s15+s3], $0x80, v3, vm0, $0xb8;
	[tilespmem:$0x1B400] =	vst v63  }
0x190: {  	s29 =	simm.s32 $0x80;
	s28 =	rddreg [dreg:$0x2];
	s0 =	sshrl.u32 s0, $0x3  }
0x191: {  	[tilespmem:s25], [sflag:$0x1] =	stream.indirect_vreg.gather [hbm4b:s16+s3], $0x80, v3, vm0, $0xb8;
	[tilespmem:$0x1B400] =	vst v63  }
0x192: {  	s30 =	simm.s32 $0x400;
	s31 =	simm.s32 $0x1A800;
	s0 =	sadd.s32 s28, s0  }
0x193: {  	[tilespmem:s31], [sflag:$0x9] =	stream.strided.gather [hbm4b:s0+s29], $0x300, s30, s29, $0x38;
	[tilespmem:$0x1B400] =	vst v63  }
.LBB2_16:
0x194: {  	s0 =	simm.s32 $0x3  }
0x195: {  	_ =	swait.ge [sflag:s0], $0x6000  }
0x196: {  	[sflag:s0] =	ssyncset.done $0x0  }
0x197: {  	s22 =	simm.s32 $0xB;
	[sflag:s0] =	ssyncadd.s32 $0xFFFFA000  }
0x198: {  	_ =	swait.ge [sflag:s22], $0x300  }
0x199: {  	[sflag:s22] =	ssyncset.done $0x0  }
0x19a: {  	s23 =	simm.s32 $0x1AE00;
	[sflag:s22] =	ssyncadd.s32 $0xFFFFFD00  }
0x19b: {  	v3 =	vld [tilespmem:s23+$0x0]  }
0x19c: {  	s31 =	simm.s32 $0x0  }
0x19d: {  	s17 =	sand.u32 $0x1C00, s31  }
0x19e: {  	s2 =	sand.u32 $0x60, s31;
	s9 =	sadd.s32 $0xE800, s17  }
0x19f: {  	s24 =	sor.u32 s2, s9  }
0x1a0: {  	s1 =	sor.u32 $0x80, s24;
	[tilespmem:s24+$0x0] =	vst.add.f32.msk $0xffff, v3  }
0x1a1: {  	s25 =	sor.u32 $0x100, s24;
	[tilespmem:s1+$0x0] =	vst.add.f32.msk $0xffff, v3  }
0x1a2: {  	s3 =	sand.u32 $0x3, s31;
	s26 =	sor.u32 $0x180, s24;
	[tilespmem:s25+$0x0] =	vst.add.f32.msk $0xffff, v3  }
0x1a3: {  	s3 =	sshll.u32 s3, $0x5;
	s28 =	sor.u32 $0x200, s24;
	[tilespmem:s26+$0x0] =	vst.add.f32.msk $0xffff, v3  }
0x1a4: {  	s14 =	sadd.s32 $0x0, s3;
	s0 =	sor.u32 $0x280, s24;
	[tilespmem:s28+$0x0] =	vst.add.f32.msk $0xffff, v3  }
0x1a5: {  	s30 =	sor.u32 s31, s31;
	s29 =	sor.u32 $0x300, s14;
	[tilespmem:s0+$0x0] =	vst.add.f32.msk $0xffff, v3  }
0x1a6: {  	s11 =	sor.u32 $0x10000, s17;
	s3 =	sor.u32 $0x380, s30;
	[tilespmem:s29+$0xE800] =	vst.add.f32.msk $0xffff, v3  }
0x1a7: {  	s12 =	sor.u32 $0x10080, s17;
	s4 =	sor.u32 s2, s11;
	[tilespmem:s3+$0xE800] =	vst.add.f32.msk $0xffff, v3  }
0x1a8: {  	s13 =	sor.u32 $0x10100, s17;
	s5 =	sor.u32 s2, s12;
	[tilespmem:s4+$0x0] =	vst.add.f32.msk $0xffff, v3  }
0x1a9: {  	s15 =	sor.u32 $0x10180, s17;
	s6 =	sor.u32 s2, s13;
	[tilespmem:s5+$0x0] =	vst.add.f32.msk $0xffff, v3  }
0x1aa: {  	s16 =	sor.u32 $0x10200, s17;
	s7 =	sor.u32 s2, s15;
	[tilespmem:s6+$0x0] =	vst.add.f32.msk $0xffff, v3  }
0x1ab: {  	s18 =	sor.u32 $0x10280, s17;
	s8 =	sor.u32 s2, s16;
	[tilespmem:s7+$0x0] =	vst.add.f32.msk $0xffff, v3  }
0x1ac: {  	s21 =	sor.u32 $0x10300, s17;
	s10 =	sor.u32 s2, s18;
	[tilespmem:s8+$0x0] =	vst.add.f32.msk $0xffff, v3  }
0x1ad: {  	s19 =	sor.u32 s2, s21;
	s3 =	sor.u32 $0x10380, s17;
	[tilespmem:s10+$0x0] =	vst.add.f32.msk $0xffff, v3  }
0x1ae: {  	s29 =	sadd.s32 $0x11800, s17;
	s20 =	sor.u32 s2, s3;
	[tilespmem:s19+$0x0] =	vst.add.f32.msk $0xffff, v3  }
0x1af: {  	s25 =	sadd.s32 $0x11880, s17;
	s22 =	sor.u32 s2, s29;
	[tilespmem:s20+$0x0] =	vst.add.f32.msk $0xffff, v3  }
0x1b0: {  	s23 =	sor.u32 s2, s25;
	s19 =	sadd.s32 $0x11900, s17;
	[tilespmem:s22+$0x0] =	vst.add.f32.msk $0xffff, v3  }
0x1b1: {  	s26 =	sadd.s32 $0x11980, s17;
	s24 =	sor.u32 s2, s19;
	[tilespmem:s23+$0x0] =	vst.add.f32.msk $0xffff, v3  }
0x1b2: {  	s28 =	sor.u32 s2, s26;
	s20 =	sadd.s32 $0x11A00, s17;
	[tilespmem:s24+$0x0] =	vst.add.f32.msk $0xffff, v3  }
0x1b3: {  	s30 =	sor.u32 s2, s20;
	s22 =	sadd.s32 $0x11A80, s17;
	[tilespmem:s28+$0x0] =	vst.add.f32.msk $0xffff, v3  }
0x1b4: {  	s23 =	sadd.s32 $0x11B00, s17;
	s4 =	sor.u32 s2, s22;
	[tilespmem:s30+$0x0] =	vst.add.f32.msk $0xffff, v3  }
0x1b5: {  	s5 =	sor.u32 s2, s23;
	s24 =	sadd.s32 $0x11B80, s17;
	[tilespmem:s4+$0x0] =	vst.add.f32.msk $0xffff, v3  }
0x1b6: {  	s6 =	sor.u32 s2, s24;
	s28 =	sadd.s32 $0x13000, s17;
	[tilespmem:s5+$0x0] =	vst.add.f32.msk $0xffff, v3  }
0x1b7: {  	s30 =	sadd.s32 $0x13080, s17;
	s7 =	sor.u32 s2, s28;
	[tilespmem:s6+$0x0] =	vst.add.f32.msk $0xffff, v3  }
0x1b8: {  	s8 =	sor.u32 s2, s30;
	s4 =	sadd.s32 $0x13100, s17;
	[tilespmem:s7+$0x0] =	vst.add.f32.msk $0xffff, v3  }
0x1b9: {  	s1 =	sadd.s32 $0x13180, s17;
	s5 =	sor.u32 s2, s4;
	[tilespmem:s8+$0x0] =	vst.add.f32.msk $0xffff, v3  }
0x1ba: {  	s10 =	sor.u32 s2, s1;
	s7 =	sadd.s32 $0x13200, s17;
	[tilespmem:s5+$0x0] =	vst.add.f32.msk $0xffff, v3  }
0x1bb: {  	s8 =	sadd.s32 $0x13280, s17;
	s5 =	sor.u32 s2, s7;
	[tilespmem:s10+$0x0] =	vst.add.f32.msk $0xffff, v3  }
0x1bc: {  	s6 =	sor.u32 s2, s8;
	s10 =	sadd.s32 $0x13300, s17;
	[tilespmem:s5+$0x0] =	vst.add.f32.msk $0xffff, v3  }
0x1bd: {  	[tilespmem:s6+$0x0] =	vst.add.f32.msk $0xffff, v3;
	s6 =	sadd.s32 $0x13380, s17;
	s17 =	sor.u32 s2, s10  }
0x1be: {  	[tilespmem:s17+$0x0] =	vst.add.f32.msk $0xffff, v3;
	s5 =	sor.u32 s2, s6;
	s2 =	sor.u32 $0x10, s2;
	s17 =	sand.u32 $0x380, s31  }
0x1bf: {  	[tilespmem:s5+$0x0] =	vst.add.f32.msk $0xffff, v3;
	s5 =	sor.u32 s2, s17  }
0x1c0: {  	v3 =	vld [tilespmem:s5+$0x1AE00];
	_ =	sdelay $0x3  }
0x1c1: {  	s0 =	sor.u32 s2, s9  }
0x1c2: {  	s17 =	sor.u32 $0x80, s0;
	[tilespmem:s0+$0x0] =	vst.add.f32.msk $0xffff, v3  }
0x1c3: {  	s9 =	sor.u32 $0x100, s0;
	[tilespmem:s17+$0x0] =	vst.add.f32.msk $0xffff, v3  }
0x1c4: {  	s17 =	sor.u32 $0x180, s0;
	[tilespmem:s9+$0x0] =	vst.add.f32.msk $0xffff, v3  }
0x1c5: {  	s9 =	sor.u32 $0x200, s0;
	[tilespmem:s17+$0x0] =	vst.add.f32.msk $0xffff, v3  }
0x1c6: {  	s14 =	sadd.s32 $0x10, s14;
	s0 =	sor.u32 $0x280, s0;
	[tilespmem:s9+$0x0] =	vst.add.f32.msk $0xffff, v3  }
0x1c7: {  	s17 =	sor.u32 $0x300, s14;
	[tilespmem:s0+$0x0] =	vst.add.f32.msk $0xffff, v3  }
0x1c8: {  	s9 =	sor.u32 $0x380, s14;
	[tilespmem:s17+$0xE800] =	vst.add.f32.msk $0xffff, v3  }
0x1c9: {  	s14 =	sor.u32 s2, s11;
	[tilespmem:s9+$0xE800] =	vst.add.f32.msk $0xffff, v3  }
0x1ca: {  	s17 =	sor.u32 s2, s12;
	[tilespmem:s14+$0x0] =	vst.add.f32.msk $0xffff, v3  }
0x1cb: {  	s5 =	sor.u32 s2, s13;
	[tilespmem:s17+$0x0] =	vst.add.f32.msk $0xffff, v3  }
0x1cc: {  	s9 =	sor.u32 s2, s15;
	[tilespmem:s5+$0x0] =	vst.add.f32.msk $0xffff, v3  }
0x1cd: {  	s11 =	sor.u32 s2, s16;
	[tilespmem:s9+$0x0] =	vst.add.f32.msk $0xffff, v3  }
0x1ce: {  	s12 =	sor.u32 s2, s18;
	[tilespmem:s11+$0x0] =	vst.add.f32.msk $0xffff, v3  }
0x1cf: {  	s13 =	sor.u32 s2, s21;
	[tilespmem:s12+$0x0] =	vst.add.f32.msk $0xffff, v3  }
0x1d0: {  	s14 =	sor.u32 s2, s3;
	[tilespmem:s13+$0x0] =	vst.add.f32.msk $0xffff, v3  }
0x1d1: {  	s15 =	sor.u32 s2, s29;
	[tilespmem:s14+$0x0] =	vst.add.f32.msk $0xffff, v3  }
0x1d2: {  	s16 =	sor.u32 s2, s25;
	[tilespmem:s15+$0x0] =	vst.add.f32.msk $0xffff, v3  }
0x1d3: {  	s17 =	sor.u32 s2, s19;
	[tilespmem:s16+$0x0] =	vst.add.f32.msk $0xffff, v3  }
0x1d4: {  	s18 =	sor.u32 s2, s26;
	[tilespmem:s17+$0x0] =	vst.add.f32.msk $0xffff, v3  }
0x1d5: {  	s19 =	sor.u32 s2, s20;
	[tilespmem:s18+$0x0] =	vst.add.f32.msk $0xffff, v3  }
0x1d6: {  	s20 =	sor.u32 s2, s22;
	[tilespmem:s19+$0x0] =	vst.add.f32.msk $0xffff, v3  }
0x1d7: {  	s21 =	sor.u32 s2, s23;
	[tilespmem:s20+$0x0] =	vst.add.f32.msk $0xffff, v3  }
0x1d8: {  	s22 =	sor.u32 s2, s24;
	[tilespmem:s21+$0x0] =	vst.add.f32.msk $0xffff, v3  }
0x1d9: {  	s23 =	sor.u32 s2, s28;
	[tilespmem:s22+$0x0] =	vst.add.f32.msk $0xffff, v3  }
0x1da: {  	s24 =	sor.u32 s2, s30;
	[tilespmem:s23+$0x0] =	vst.add.f32.msk $0xffff, v3  }
0x1db: {  	s25 =	sor.u32 s2, s4;
	[tilespmem:s24+$0x0] =	vst.add.f32.msk $0xffff, v3  }
0x1dc: {  	s26 =	sor.u32 s2, s1;
	[tilespmem:s25+$0x0] =	vst.add.f32.msk $0xffff, v3  }
0x1dd: {  	s28 =	sor.u32 s2, s7;
	[tilespmem:s26+$0x0] =	vst.add.f32.msk $0xffff, v3  }
0x1de: {  	s29 =	sor.u32 s2, s8;
	[tilespmem:s28+$0x0] =	vst.add.f32.msk $0xffff, v3  }
0x1df: {  	s0 =	simm.s32 $0x1AE20;
	s3 =	simm.s32 $0x0;
	s30 =	sor.u32 s2, s10;
	[tilespmem:s29+$0x0] =	vst.add.f32.msk $0xffff, v3  }
0x1e0: {  	s9 =	simm.s32 $0x20;
	s15 =	sor.u32 s2, s6;
	s2 =	simm.s32 $0x0;
	[tilespmem:s30+$0x0] =	vst.add.f32.msk $0xffff, v3  }
.LBB2_17:
0x1e1: {  	[dreg:$0xf] =	wrdreg s0;
	s3 =	sadd.s32 $0x2, s3  }
0x1e2: {  	s31 =	sadd.s32 $0x100, s31;
	[dreg:$0xb] =	wrdreg s3  }
0x1e3: {  	[tilespmem:s15+$0x0] =	vst.add.f32.msk $0xffff, v3;
	s2 =	sadd.s32 $0x1, s2;
	[dreg:$0x7] =	wrdreg s31  }
0x1e4: {  	s21 =	sand.u32 $0x60, s9;
	[dreg:$0x13] =	wrdreg s2;
	v3 =	vld [tilespmem:s0+$0x0]  }
0x1e5: {  	p0 =	slt.u32 s3, $0x2E;
	s13 =	sand.u32 $0x1C00, s31;
	s25 =	sand.u32 $0x3, s2  }
0x1e6: {  	s19 =	sadd.s32 $0xE800, s13;
	s1 =	sor.u32 $0x10000, s13;
	s20 =	sor.u32 $0x10080, s13  }
0x1e7: {  	s23 =	sor.u32 $0x10100, s13;
	s6 =	sor.u32 $0x10180, s13;
	s3 =	sshll.u32 s25, $0x5  }
0x1e8: {  	s29 =	sor.u32 $0x10200, s13;
	s12 =	sor.u32 $0x10300, s13;
	s0 =	sor.u32 s21, s19  }
0x1e9: {  	s25 =	sadd.s32 $0x11B00, s13;
	[dreg:$0x1f] =	wrdreg s19;
	s22 =	sor.u32 $0x80, s0;
	[tilespmem:s0+$0x0] =	vst.add.f32.msk $0xffff, v3  }
0x1ea: {  	s18 =	sadd.s32 $0x11B80, s13;
	[smem:$0x7C4] =	sst s1;
	s24 =	sor.u32 $0x100, s0;
	[tilespmem:s22+$0x0] =	vst.add.f32.msk $0xffff, v3  }
0x1eb: {  	s4 =	sor.u32 s21, s1;
	[dreg:$0x16] =	wrdreg s20;
	s26 =	sor.u32 $0x180, s0;
	[tilespmem:s24+$0x0] =	vst.add.f32.msk $0xffff, v3  }
0x1ec: {  	s5 =	sor.u32 s21, s20;
	[dreg:$0x1a] =	wrdreg s23;
	s28 =	sor.u32 $0x200, s0;
	[tilespmem:s26+$0x0] =	vst.add.f32.msk $0xffff, v3  }
0x1ed: {  	s7 =	sor.u32 s21, s23;
	s30 =	sadd.s32 s3, s31;
	s0 =	sor.u32 $0x280, s0;
	[tilespmem:s28+$0x0] =	vst.add.f32.msk $0xffff, v3  }
0x1ee: {  	[smem:$0x7C5] =	sst s6;
	s3 =	sor.u32 s31, s9;
	s2 =	sor.u32 $0x300, s30;
	[tilespmem:s0+$0x0] =	vst.add.f32.msk $0xffff, v3  }
0x1ef: {  	s8 =	sor.u32 s21, s6;
	[smem:$0x7C8] =	sst s29;
	s11 =	sor.u32 $0x380, s3;
	[tilespmem:s2+$0xE800] =	vst.add.f32.msk $0xffff, v3  }
0x1f0: {  	s10 =	sor.u32 s21, s29;
	s6 =	sor.u32 $0x10280, s13;
	[smem:$0x7CA] =	sst s12;
	[tilespmem:s11+$0xE800] =	vst.add.f32.msk $0xffff, v3  }
0x1f1: {  	s1 =	sor.u32 $0x10380, s13;
	s31 =	sadd.s32 $0x11900, s13;
	s23 =	sadd.s32 $0x11A00, s13;
	[tilespmem:s4+$0x0] =	vst.add.f32.msk $0xffff, v3  }
0x1f2: {  	s16 =	sor.u32 s21, s25;
	s29 =	sadd.s32 $0x13080, s13;
	[smem:$0x7C6] =	sst s30;
	[tilespmem:s5+$0x0] =	vst.add.f32.msk $0xffff, v3  }
0x1f3: {  	[smem:$0x7C9] =	sst s6;
	s14 =	sor.u32 s21, s1;
	s15 =	sor.u32 s21, s23;
	[tilespmem:s7+$0x0] =	vst.add.f32.msk $0xffff, v3  }
0x1f4: {  	[smem:$0x7C7] =	sst s16;
	s17 =	sor.u32 s21, s29;
	s16 =	sor.u32 $0x10, s21;
	[tilespmem:s8+$0x0] =	vst.add.f32.msk $0xffff, v3  }
0x1f5: {  	[smem:$0x7CB] =	sst s17;
	s24 =	sor.u32 s21, s6;
	s28 =	sadd.s32 $0x11800, s13;
	[tilespmem:s10+$0x0] =	vst.add.f32.msk $0xffff, v3  }
0x1f6: {  	s26 =	sor.u32 s21, s12;
	s30 =	sor.u32 s21, s28;
	s28 =	sor.u32 s16, s28;
	[tilespmem:s24+$0x0] =	vst.add.f32.msk $0xffff, v3  }
0x1f7: {  	s17 =	sadd.s32 $0x13280, s13;
	s22 =	sadd.s32 $0x11980, s13;
	[smem:$0x7D1] =	sst s28;
	[tilespmem:s26+$0x0] =	vst.add.f32.msk $0xffff, v3  }
0x1f8: {  	s6 =	sadd.s32 $0x11880, s13;
	s2 =	sadd.s32 $0x13200, s13;
	s28 =	sld [smem:$0x7C7];
	[tilespmem:s14+$0x0] =	vst.add.f32.msk $0xffff, v3  }
0x1f9: {  	s11 =	sadd.s32 $0x13100, s13;
	s20 =	sor.u32 s21, s2;
	s5 =	sor.u32 s21, s6;
	[tilespmem:s30+$0x0] =	vst.add.f32.msk $0xffff, v3  }
0x1fa: {  	s19 =	sor.u32 s21, s11;
	[smem:$0x7CD] =	sst s20;
	s7 =	sor.u32 s21, s31;
	[tilespmem:s5+$0x0] =	vst.add.f32.msk $0xffff, v3  }
0x1fb: {  	s3 =	sor.u32 s21, s22;
	[smem:$0x7CC] =	sst s19;
	s6 =	sor.u32 s16, s6;
	[tilespmem:s7+$0x0] =	vst.add.f32.msk $0xffff, v3  }
0x1fc: {  	s12 =	sadd.s32 $0x13000, s13;
	s0 =	sadd.s32 $0x11A80, s13;
	[smem:$0x7D2] =	sst s6;
	[tilespmem:s3+$0x0] =	vst.add.f32.msk $0xffff, v3  }
0x1fd: {  	s6 =	sld [smem:$0x7C8];
	s8 =	sor.u32 s21, s17;
	s10 =	sor.u32 s21, s0;
	[tilespmem:s15+$0x0] =	vst.add.f32.msk $0xffff, v3  }
0x1fe: {  	s20 =	sadd.s32 $0x13380, s13;
	s19 =	sadd.s32 $0x13300, s13;
	[smem:$0x7CE] =	sst s8;
	[tilespmem:s10+$0x0] =	vst.add.f32.msk $0xffff, v3  }
0x1ff: {  	s24 =	sor.u32 s21, s18;
	s14 =	sadd.s32 $0x13180, s13;
	s13 =	rddreg [dreg:$0x1f];
	[tilespmem:s28+$0x0] =	vst.add.f32.msk $0xffff, v3  }
0x200: {  	s4 =	sor.u32 s21, s19;
	s26 =	sor.u32 s21, s12;
	s5 =	sld [smem:$0x7C5];
	[tilespmem:s24+$0x0] =	vst.add.f32.msk $0xffff, v3  }
0x201: {  	s30 =	sor.u32 s21, s14;
	s28 =	sor.u32 s16, s22;
	[tilespmem:s26+$0x0] =	vst.add.f32.msk $0xffff, v3;
	s26 =	sld [smem:$0x7CB]  }
0x202: {  	s22 =	sor.u32 s16, s25;
	s25 =	sor.u32 s16, s29;
	s29 =	sld [smem:$0x7CC]  }
0x203: {  	s7 =	sor.u32 s21, s20;
	s21 =	sld [smem:$0x7C4];
	s3 =	sor.u32 s16, s5  }
0x204: {  	[smem:$0x7CF] =	sst s3;
	[tilespmem:s26+$0x0] =	vst.add.f32.msk $0xffff, v3  }
0x205: {  	s24 =	rddreg [dreg:$0x16];
	[tilespmem:s29+$0x0] =	vst.add.f32.msk $0xffff, v3  }
0x206: {  	s3 =	sor.u32 s16, s24;
	[tilespmem:s30+$0x0] =	vst.add.f32.msk $0xffff, v3;
	s30 =	sld [smem:$0x7CD]  }
0x207: {  	s24 =	sor.u32 s16, s0;
	s0 =	sor.u32 s16, s17;
	s17 =	sld [smem:$0x7CE]  }
0x208: {  	s8 =	sor.u32 s16, s13;
	s13 =	sor.u32 s16, s21;
	s21 =	sor.u32 s16, s31  }
0x209: {  	[smem:$0x7D3] =	sst s21;
	[tilespmem:s30+$0x0] =	vst.add.f32.msk $0xffff, v3  }
0x20a: {  	s21 =	sor.u32 s16, s6;
	s6 =	sor.u32 s16, s23;
	s23 =	sor.u32 s16, s12;
	[tilespmem:s17+$0x0] =	vst.add.f32.msk $0xffff, v3  }
0x20b: {  	s12 =	sor.u32 s16, s2;
	s2 =	sor.u32 s16, s19;
	s19 =	sand.u32 $0x380, s9;
	[tilespmem:s4+$0x0] =	vst.add.f32.msk $0xffff, v3  }
0x20c: {  	s1 =	sor.u32 s16, s1;
	s4 =	sor.u32 s16, s19;
	[tilespmem:s7+$0x0] =	vst.add.f32.msk $0xffff, v3  }
0x20d: {  	[smem:$0x7D0] =	sst s1;
	v3 =	vld [tilespmem:s4+$0x1AE00]  }
0x20e: {  	s15 =	rddreg [dreg:$0x1a]  }
0x20f: {  	s1 =	sor.u32 s16, s15;
	s15 =	sld [smem:$0x7CA];
	_ =	sdelay $0x1  }
0x210: {  	s10 =	sld [smem:$0x7C6]  }
0x211: {  	s31 =	sor.u32 s16, s15;
	s15 =	sor.u32 s16, s20;
	s20 =	sor.u32 $0x80, s8;
	[tilespmem:s8+$0x0] =	vst.add.f32.msk $0xffff, v3  }
0x212: {  	s29 =	sor.u32 $0x100, s8;
	[tilespmem:s20+$0x0] =	vst.add.f32.msk $0xffff, v3  }
0x213: {  	s30 =	sor.u32 $0x180, s8;
	[tilespmem:s29+$0x0] =	vst.add.f32.msk $0xffff, v3  }
0x214: {  	s5 =	sadd.s32 $0x10, s10;
	s10 =	sld [smem:$0x7C9];
	s7 =	sor.u32 $0x200, s8;
	[tilespmem:s30+$0x0] =	vst.add.f32.msk $0xffff, v3  }
0x215: {  	s8 =	sor.u32 $0x280, s8;
	[tilespmem:s7+$0x0] =	vst.add.f32.msk $0xffff, v3  }
0x216: {  	s11 =	sor.u32 s16, s11;
	s26 =	sor.u32 s16, s14;
	s14 =	sor.u32 $0x300, s5;
	[tilespmem:s8+$0x0] =	vst.add.f32.msk $0xffff, v3  }
0x217: {  	s18 =	sor.u32 s16, s18;
	s10 =	sor.u32 s16, s10;
	s16 =	sor.u32 $0x380, s5;
	[tilespmem:s14+$0xE800] =	vst.add.f32.msk $0xffff, v3  }
0x218: {  	[tilespmem:s16+$0xE800] =	vst.add.f32.msk $0xffff, v3  }
0x219: {  	s17 =	sld [smem:$0x7CF];
	[tilespmem:s13+$0x0] =	vst.add.f32.msk $0xffff, v3  }
0x21a: {  	[tilespmem:s3+$0x0] =	vst.add.f32.msk $0xffff, v3  }
0x21b: {  	[tilespmem:s1+$0x0] =	vst.add.f32.msk $0xffff, v3  }
0x21c: {  	[tilespmem:s17+$0x0] =	vst.add.f32.msk $0xffff, v3  }
0x21d: {  	s19 =	sld [smem:$0x7D0];
	[tilespmem:s21+$0x0] =	vst.add.f32.msk $0xffff, v3  }
0x21e: {  	s20 =	sld [smem:$0x7D1];
	[tilespmem:s10+$0x0] =	vst.add.f32.msk $0xffff, v3  }
0x21f: {  	s21 =	sld [smem:$0x7D2];
	[tilespmem:s31+$0x0] =	vst.add.f32.msk $0xffff, v3  }
0x220: {  	s29 =	sld [smem:$0x7D3];
	[tilespmem:s19+$0x0] =	vst.add.f32.msk $0xffff, v3  }
0x221: {  	[tilespmem:s20+$0x0] =	vst.add.f32.msk $0xffff, v3  }
0x222: {  	[tilespmem:s21+$0x0] =	vst.add.f32.msk $0xffff, v3  }
0x223: {  	[tilespmem:s29+$0x0] =	vst.add.f32.msk $0xffff, v3  }
0x224: {  	[tilespmem:s28+$0x0] =	vst.add.f32.msk $0xffff, v3  }
0x225: {  	[tilespmem:s6+$0x0] =	vst.add.f32.msk $0xffff, v3  }
0x226: {  	[tilespmem:s24+$0x0] =	vst.add.f32.msk $0xffff, v3  }
0x227: {  	[tilespmem:s22+$0x0] =	vst.add.f32.msk $0xffff, v3  }
0x228: {  	[tilespmem:s18+$0x0] =	vst.add.f32.msk $0xffff, v3  }
0x229: {  	[tilespmem:s23+$0x0] =	vst.add.f32.msk $0xffff, v3  }
0x22a: {  	[tilespmem:s25+$0x0] =	vst.add.f32.msk $0xffff, v3  }
.Ltmp11:
0x22b: {  	[tilespmem:s11+$0x0] =	vst.add.f32.msk $0xffff, v3;
	(pc) =	sbr.rel @p0 .LBB2_17-.Ltmp11, $4  }
0x22c: {  	s30 =	rddreg [dreg:$0xf];
	[tilespmem:s26+$0x0] =	vst.add.f32.msk $0xffff, v3  }
0x22d: {  	s3 =	rddreg [dreg:$0xb];
	[tilespmem:s12+$0x0] =	vst.add.f32.msk $0xffff, v3  }
0x22e: {  	s31 =	rddreg [dreg:$0x7];
	[tilespmem:s0+$0x0] =	vst.add.f32.msk $0xffff, v3  }
0x22f: {  	s9 =	sadd.s32 $0x20, s9;
	s0 =	sadd.s32 $0x20, s30;
	[tilespmem:s2+$0x0] =	vst.add.f32.msk $0xffff, v3;
	s2 =	rddreg [dreg:$0x13]  }
0x230: {  	s8 =	sld [smem:$0x7F6];
	_ =	sdelay $0x1  }
0x231: {  	s1 =	sld [smem:$0x7FC]  }
0x232: {  	s0 =	smul.u32 $0xC0000, s8  }
.Ltmp12:
0x233: {  	_ = 	snop;
	(pc) =	sbr.rel .LBB2_25-.Ltmp12, $4  }
0x234: {  	s0 =	sadd.s32 s1, s0  }
0x235: {  	s30 =	rddreg [dreg:$0x3];
	s0 =	sshrl.u32 s0, $0x3  }
0x236: {  	[tilespmem:s15+$0x0] =	vst.add.f32.msk $0xffff, v3;
	s31 =	simm.s32 $0x0;
	s2 =	simm.s32 $0xE800;
	s0 =	sadd.s32 s30, s0  }
0x237: {  	[hbm4b:s0+s31] =	stream.linear.scatter [tilespmem:s2], [sflag:$0x7], $0x6000, $0x38;
	[tilespmem:$0x1B400] =	vst v63  }
.LBB2_9:
0x238: {  	p0 =	sgt.u32 s8, $0x4A  }
.Ltmp13:
0x239: {  	_ = 	snop;
	(pc) =	sbr.rel @p0 .LBB2_11-.Ltmp13, $1  }
0x23a: {  	_ =	sdelay $0x3  }
0x23b: {  	p0 =	slt.u32 s8, $0x2  }
0x23c: {  	s0 =	simm.s32 @!p0 $0x8  }
0x23d: {  	_ =	swait.ge @!p0 [sflag:s0], $0x6000  }
0x23e: {  	s1 =	sshll.u32 s6, $0x7;
	[sflag:s0] =	ssyncset.done @!p0 $0x0  }
0x23f: {  	s14 =	sand.u32 $0x3FFFFF80, s1;
	[sflag:s0] =	ssyncadd.s32 @!p0 $0xFFFFA000  }
0x240: {  	v3 =	vld [tilespmem:s14+$0x0];
	_ =	sdelay $0x4  }
0x241: {  	v4 =	vshrl.u32 v3, $0x3  }
0x242: {  	v4 =	vmul.u32 $0x30, v4  }
0x243: {  	v3 =	vand.u32 $0x7, v3  }
0x244: {  	v3 =	vor.u32 v3, v4  }
0x245: {  	v4 =	vperm.xlane v3, v0;
	_ =	sdelay $0x1  }
0x246: {  	v4 =	vadd.s32 v1, v4;
	_ =	sdelay $0x2  }
0x247: {  	s15 =	sld [smem:$0x7F9]  }
0x248: {  	s3 =	simm.s32 $0x0;
	s4 =	simm.s32 $0x14800;
	s2 =	rddreg [dreg:$0x0];
	v3 =	vperm.xlane v3, v2  }
0x249: {  	[tilespmem:s4], [sflag:$0x4] =	stream.indirect_vreg.gather [hbm4b:s2+s3], $0x80, v4, vm0, $0xb8;
	[tilespmem:$0x1B400] =	vst v63  }
0x24a: {  	s5 =	simm.s32 $0x15000;
	s16 =	sld [smem:$0x7FA];
	v3 =	vadd.s32 v1, v3  }
0x24b: {  	[tilespmem:s5], [sflag:$0x4] =	stream.indirect_vreg.gather [hbm4b:s15+s3], $0x80, v4, vm0, $0xb8;
	[tilespmem:$0x1B400] =	vst v63  }
0x24c: {  	s7 =	simm.s32 $0x15800  }
0x24d: {  	[tilespmem:s7], [sflag:$0x4] =	stream.indirect_vreg.gather [hbm4b:s16+s3], $0x80, v4, vm0, $0xb8;
	[tilespmem:$0x1B400] =	vst v63  }
0x24e: {  	s17 =	simm.s32 $0x16000  }
0x24f: {  	[tilespmem:s17], [sflag:$0x4] =	stream.indirect_vreg.gather [hbm4b:s2+s3], $0x80, v3, vm0, $0xb8;
	[tilespmem:$0x1B400] =	vst v63  }
0x250: {  	s18 =	simm.s32 $0x16800  }
0x251: {  	[tilespmem:s18], [sflag:$0x4] =	stream.indirect_vreg.gather [hbm4b:s15+s3], $0x80, v3, vm0, $0xb8;
	[tilespmem:$0x1B400] =	vst v63  }
0x252: {  	s19 =	simm.s32 $0x17000  }
0x253: {  	[tilespmem:s19], [sflag:$0x4] =	stream.indirect_vreg.gather [hbm4b:s16+s3], $0x80, v3, vm0, $0xb8;
	[tilespmem:$0x1B400] =	vst v63  }
0x254: {  	v3 =	vld [tilespmem:s14+$0x10];
	_ =	sdelay $0x4  }
0x255: {  	v63 =	vshrl.u32 v3, $0x3  }
0x256: {  	v4 =	vmul.u32 $0x30, v63  }
0x257: {  	v3 =	vand.u32 $0x7, v3  }
0x258: {  	v3 =	vor.u32 v3, v4  }
0x259: {  	v4 =	vperm.xlane v3, v0;
	_ =	sdelay $0x1  }
0x25a: {  	v4 =	vadd.s32 v1, v4;
	_ =	sdelay $0x3  }
0x25b: {  	s20 =	simm.s32 $0x17800;
	v3 =	vperm.xlane v3, v2  }
0x25c: {  	[tilespmem:s20], [sflag:$0x4] =	stream.indirect_vreg.gather [hbm4b:s2+s3], $0x80, v4, vm0, $0xb8;
	[tilespmem:$0x1B400] =	vst v63  }
0x25d: {  	s21 =	simm.s32 $0x18000;
	v3 =	vadd.s32 v1, v3  }
0x25e: {  	[tilespmem:s21], [sflag:$0x4] =	stream.indirect_vreg.gather [hbm4b:s15+s3], $0x80, v4, vm0, $0xb8;
	[tilespmem:$0x1B400] =	vst v63  }
0x25f: {  	s22 =	simm.s32 $0x18800;
	s26 =	sshrl.u32 s6, $0x3  }
0x260: {  	[tilespmem:s22], [sflag:$0x4] =	stream.indirect_vreg.gather [hbm4b:s16+s3], $0x80, v4, vm0, $0xb8;
	[tilespmem:$0x1B400] =	vst v63  }
0x261: {  	s23 =	simm.s32 $0x19000;
	s1 =	sand.u32 $0x380, s1;
	s0 =	smul.u32 $0x1800, s26  }
0x262: {  	[tilespmem:s23], [sflag:$0x4] =	stream.indirect_vreg.gather [hbm4b:s2+s3], $0x80, v3, vm0, $0xb8;
	[tilespmem:$0x1B400] =	vst v63  }
0x263: {  	s24 =	simm.s32 $0x19800;
	s25 =	simm.s32 $0x1A000;
	s0 =	sor.u32 s1, s0  }
0x264: {  	[tilespmem:s24], [sflag:$0x4] =	stream.indirect_vreg.gather [hbm4b:s15+s3], $0x80, v3, vm0, $0xb8;
	[tilespmem:$0x1B400] =	vst v63  }
0x265: {  	s29 =	simm.s32 $0x80;
	s28 =	rddreg [dreg:$0x2];
	s0 =	sshrl.u32 s0, $0x3  }
0x266: {  	[tilespmem:s25], [sflag:$0x4] =	stream.indirect_vreg.gather [hbm4b:s16+s3], $0x80, v3, vm0, $0xb8;
	[tilespmem:$0x1B400] =	vst v63  }
0x267: {  	s30 =	simm.s32 $0x400;
	s31 =	simm.s32 $0x1B100;
	s0 =	sadd.s32 s28, s0  }
0x268: {  	[tilespmem:s31], [sflag:$0xC] =	stream.strided.gather [hbm4b:s0+s29], $0x300, s30, s29, $0x38;
	[tilespmem:$0x1B400] =	vst v63  }
.LBB2_11:
0x269: {  	s0 =	simm.s32 $0x2  }
0x26a: {  	_ =	swait.ge [sflag:s0], $0x6000  }
0x26b: {  	[sflag:s0] =	ssyncset.done $0x0  }
0x26c: {  	s22 =	simm.s32 $0xA;
	[sflag:s0] =	ssyncadd.s32 $0xFFFFA000  }
0x26d: {  	_ =	swait.ge [sflag:s22], $0x300  }
0x26e: {  	[sflag:s22] =	ssyncset.done $0x0  }
0x26f: {  	s23 =	simm.s32 $0x1AB00;
	[sflag:s22] =	ssyncadd.s32 $0xFFFFFD00  }
0x270: {  	v3 =	vld [tilespmem:s23+$0x0]  }
0x271: {  	s31 =	simm.s32 $0x0  }
0x272: {  	s17 =	sand.u32 $0x1C00, s31  }
0x273: {  	s2 =	sand.u32 $0x60, s31;
	s9 =	sadd.s32 $0x8800, s17  }
0x274: {  	s24 =	sor.u32 s2, s9  }
0x275: {  	s1 =	sor.u32 $0x80, s24;
	[tilespmem:s24+$0x0] =	vst.add.f32.msk $0xffff, v3  }
0x276: {  	s25 =	sor.u32 $0x100, s24;
	[tilespmem:s1+$0x0] =	vst.add.f32.msk $0xffff, v3  }
0x277: {  	s3 =	sand.u32 $0x3, s31;
	s26 =	sor.u32 $0x180, s24;
	[tilespmem:s25+$0x0] =	vst.add.f32.msk $0xffff, v3  }
0x278: {  	s3 =	sshll.u32 s3, $0x5;
	s28 =	sor.u32 $0x200, s24;
	[tilespmem:s26+$0x0] =	vst.add.f32.msk $0xffff, v3  }
0x279: {  	s14 =	sadd.s32 $0x0, s3;
	s0 =	sor.u32 $0x280, s24;
	[tilespmem:s28+$0x0] =	vst.add.f32.msk $0xffff, v3  }
0x27a: {  	s30 =	sor.u32 s31, s31;
	s29 =	sor.u32 $0x300, s14;
	[tilespmem:s0+$0x0] =	vst.add.f32.msk $0xffff, v3  }
0x27b: {  	s11 =	sor.u32 $0xA000, s17;
	s3 =	sor.u32 $0x380, s30;
	[tilespmem:s29+$0x8800] =	vst.add.f32.msk $0xffff, v3  }
0x27c: {  	s12 =	sor.u32 $0xA080, s17;
	s4 =	sor.u32 s2, s11;
	[tilespmem:s3+$0x8800] =	vst.add.f32.msk $0xffff, v3  }
0x27d: {  	s13 =	sor.u32 $0xA100, s17;
	s5 =	sor.u32 s2, s12;
	[tilespmem:s4+$0x0] =	vst.add.f32.msk $0xffff, v3  }
0x27e: {  	s15 =	sor.u32 $0xA180, s17;
	s6 =	sor.u32 s2, s13;
	[tilespmem:s5+$0x0] =	vst.add.f32.msk $0xffff, v3  }
0x27f: {  	s16 =	sor.u32 $0xA200, s17;
	s7 =	sor.u32 s2, s15;
	[tilespmem:s6+$0x0] =	vst.add.f32.msk $0xffff, v3  }
0x280: {  	s18 =	sor.u32 $0xA280, s17;
	s8 =	sor.u32 s2, s16;
	[tilespmem:s7+$0x0] =	vst.add.f32.msk $0xffff, v3  }
0x281: {  	s21 =	sor.u32 $0xA300, s17;
	s10 =	sor.u32 s2, s18;
	[tilespmem:s8+$0x0] =	vst.add.f32.msk $0xffff, v3  }
0x282: {  	s19 =	sor.u32 s2, s21;
	s3 =	sor.u32 $0xA380, s17;
	[tilespmem:s10+$0x0] =	vst.add.f32.msk $0xffff, v3  }
0x283: {  	s29 =	sadd.s32 $0xB800, s17;
	s20 =	sor.u32 s2, s3;
	[tilespmem:s19+$0x0] =	vst.add.f32.msk $0xffff, v3  }
0x284: {  	s25 =	sadd.s32 $0xB880, s17;
	s22 =	sor.u32 s2, s29;
	[tilespmem:s20+$0x0] =	vst.add.f32.msk $0xffff, v3  }
0x285: {  	s23 =	sor.u32 s2, s25;
	s19 =	sadd.s32 $0xB900, s17;
	[tilespmem:s22+$0x0] =	vst.add.f32.msk $0xffff, v3  }
0x286: {  	s26 =	sadd.s32 $0xB980, s17;
	s24 =	sor.u32 s2, s19;
	[tilespmem:s23+$0x0] =	vst.add.f32.msk $0xffff, v3  }
0x287: {  	s28 =	sor.u32 s2, s26;
	s20 =	sadd.s32 $0xBA00, s17;
	[tilespmem:s24+$0x0] =	vst.add.f32.msk $0xffff, v3  }
0x288: {  	s30 =	sor.u32 s2, s20;
	s22 =	sadd.s32 $0xBA80, s17;
	[tilespmem:s28+$0x0] =	vst.add.f32.msk $0xffff, v3  }
0x289: {  	s23 =	sadd.s32 $0xBB00, s17;
	s4 =	sor.u32 s2, s22;
	[tilespmem:s30+$0x0] =	vst.add.f32.msk $0xffff, v3  }
0x28a: {  	s5 =	sor.u32 s2, s23;
	s24 =	sadd.s32 $0xBB80, s17;
	[tilespmem:s4+$0x0] =	vst.add.f32.msk $0xffff, v3  }
0x28b: {  	s6 =	sor.u32 s2, s24;
	s28 =	sadd.s32 $0xD000, s17;
	[tilespmem:s5+$0x0] =	vst.add.f32.msk $0xffff, v3  }
0x28c: {  	s30 =	sadd.s32 $0xD080, s17;
	s7 =	sor.u32 s2, s28;
	[tilespmem:s6+$0x0] =	vst.add.f32.msk $0xffff, v3  }
0x28d: {  	s8 =	sor.u32 s2, s30;
	s4 =	sadd.s32 $0xD100, s17;
	[tilespmem:s7+$0x0] =	vst.add.f32.msk $0xffff, v3  }
0x28e: {  	s1 =	sadd.s32 $0xD180, s17;
	s5 =	sor.u32 s2, s4;
	[tilespmem:s8+$0x0] =	vst.add.f32.msk $0xffff, v3  }
0x28f: {  	s10 =	sor.u32 s2, s1;
	s7 =	sadd.s32 $0xD200, s17;
	[tilespmem:s5+$0x0] =	vst.add.f32.msk $0xffff, v3  }
0x290: {  	s8 =	sadd.s32 $0xD280, s17;
	s5 =	sor.u32 s2, s7;
	[tilespmem:s10+$0x0] =	vst.add.f32.msk $0xffff, v3  }
0x291: {  	s6 =	sor.u32 s2, s8;
	s10 =	sadd.s32 $0xD300, s17;
	[tilespmem:s5+$0x0] =	vst.add.f32.msk $0xffff, v3  }
0x292: {  	[tilespmem:s6+$0x0] =	vst.add.f32.msk $0xffff, v3;
	s6 =	sadd.s32 $0xD380, s17;
	s17 =	sor.u32 s2, s10  }
0x293: {  	[tilespmem:s17+$0x0] =	vst.add.f32.msk $0xffff, v3;
	s5 =	sor.u32 s2, s6;
	s2 =	sor.u32 $0x10, s2;
	s17 =	sand.u32 $0x380, s31  }
0x294: {  	[tilespmem:s5+$0x0] =	vst.add.f32.msk $0xffff, v3;
	s5 =	sor.u32 s2, s17  }
0x295: {  	v3 =	vld [tilespmem:s5+$0x1AB00];
	_ =	sdelay $0x3  }
0x296: {  	s0 =	sor.u32 s2, s9  }
0x297: {  	s17 =	sor.u32 $0x80, s0;
	[tilespmem:s0+$0x0] =	vst.add.f32.msk $0xffff, v3  }
0x298: {  	s9 =	sor.u32 $0x100, s0;
	[tilespmem:s17+$0x0] =	vst.add.f32.msk $0xffff, v3  }
0x299: {  	s17 =	sor.u32 $0x180, s0;
	[tilespmem:s9+$0x0] =	vst.add.f32.msk $0xffff, v3  }
0x29a: {  	s9 =	sor.u32 $0x200, s0;
	[tilespmem:s17+$0x0] =	vst.add.f32.msk $0xffff, v3  }
0x29b: {  	s14 =	sadd.s32 $0x10, s14;
	s0 =	sor.u32 $0x280, s0;
	[tilespmem:s9+$0x0] =	vst.add.f32.msk $0xffff, v3  }
0x29c: {  	s17 =	sor.u32 $0x300, s14;
	[tilespmem:s0+$0x0] =	vst.add.f32.msk $0xffff, v3  }
0x29d: {  	s9 =	sor.u32 $0x380, s14;
	[tilespmem:s17+$0x8800] =	vst.add.f32.msk $0xffff, v3  }
0x29e: {  	s14 =	sor.u32 s2, s11;
	[tilespmem:s9+$0x8800] =	vst.add.f32.msk $0xffff, v3  }
0x29f: {  	s17 =	sor.u32 s2, s12;
	[tilespmem:s14+$0x0] =	vst.add.f32.msk $0xffff, v3  }
0x2a0: {  	s5 =	sor.u32 s2, s13;
	[tilespmem:s17+$0x0] =	vst.add.f32.msk $0xffff, v3  }
0x2a1: {  	s9 =	sor.u32 s2, s15;
	[tilespmem:s5+$0x0] =	vst.add.f32.msk $0xffff, v3  }
0x2a2: {  	s11 =	sor.u32 s2, s16;
	[tilespmem:s9+$0x0] =	vst.add.f32.msk $0xffff, v3  }
0x2a3: {  	s12 =	sor.u32 s2, s18;
	[tilespmem:s11+$0x0] =	vst.add.f32.msk $0xffff, v3  }
0x2a4: {  	s13 =	sor.u32 s2, s21;
	[tilespmem:s12+$0x0] =	vst.add.f32.msk $0xffff, v3  }
0x2a5: {  	s14 =	sor.u32 s2, s3;
	[tilespmem:s13+$0x0] =	vst.add.f32.msk $0xffff, v3  }
0x2a6: {  	s15 =	sor.u32 s2, s29;
	[tilespmem:s14+$0x0] =	vst.add.f32.msk $0xffff, v3  }
0x2a7: {  	s16 =	sor.u32 s2, s25;
	[tilespmem:s15+$0x0] =	vst.add.f32.msk $0xffff, v3  }
0x2a8: {  	s17 =	sor.u32 s2, s19;
	[tilespmem:s16+$0x0] =	vst.add.f32.msk $0xffff, v3  }
0x2a9: {  	s18 =	sor.u32 s2, s26;
	[tilespmem:s17+$0x0] =	vst.add.f32.msk $0xffff, v3  }
0x2aa: {  	s19 =	sor.u32 s2, s20;
	[tilespmem:s18+$0x0] =	vst.add.f32.msk $0xffff, v3  }
0x2ab: {  	s20 =	sor.u32 s2, s22;
	[tilespmem:s19+$0x0] =	vst.add.f32.msk $0xffff, v3  }
0x2ac: {  	s21 =	sor.u32 s2, s23;
	[tilespmem:s20+$0x0] =	vst.add.f32.msk $0xffff, v3  }
0x2ad: {  	s22 =	sor.u32 s2, s24;
	[tilespmem:s21+$0x0] =	vst.add.f32.msk $0xffff, v3  }
0x2ae: {  	s23 =	sor.u32 s2, s28;
	[tilespmem:s22+$0x0] =	vst.add.f32.msk $0xffff, v3  }
0x2af: {  	s24 =	sor.u32 s2, s30;
	[tilespmem:s23+$0x0] =	vst.add.f32.msk $0xffff, v3  }
0x2b0: {  	s25 =	sor.u32 s2, s4;
	[tilespmem:s24+$0x0] =	vst.add.f32.msk $0xffff, v3  }
0x2b1: {  	s26 =	sor.u32 s2, s1;
	[tilespmem:s25+$0x0] =	vst.add.f32.msk $0xffff, v3  }
0x2b2: {  	s28 =	sor.u32 s2, s7;
	[tilespmem:s26+$0x0] =	vst.add.f32.msk $0xffff, v3  }
0x2b3: {  	s29 =	sor.u32 s2, s8;
	[tilespmem:s28+$0x0] =	vst.add.f32.msk $0xffff, v3  }
0x2b4: {  	s0 =	simm.s32 $0x1AB20;
	s3 =	simm.s32 $0x0;
	s30 =	sor.u32 s2, s10;
	[tilespmem:s29+$0x0] =	vst.add.f32.msk $0xffff, v3  }
0x2b5: {  	s9 =	simm.s32 $0x20;
	s15 =	sor.u32 s2, s6;
	s2 =	simm.s32 $0x0;
	[tilespmem:s30+$0x0] =	vst.add.f32.msk $0xffff, v3  }
.LBB2_12:
0x2b6: {  	[dreg:$0xe] =	wrdreg s0;
	s3 =	sadd.s32 $0x2, s3  }
0x2b7: {  	s31 =	sadd.s32 $0x100, s31;
	[dreg:$0xa] =	wrdreg s3  }
0x2b8: {  	[tilespmem:s15+$0x0] =	vst.add.f32.msk $0xffff, v3;
	s2 =	sadd.s32 $0x1, s2;
	[dreg:$0x6] =	wrdreg s31  }
0x2b9: {  	s21 =	sand.u32 $0x60, s9;
	[dreg:$0x12] =	wrdreg s2;
	v3 =	vld [tilespmem:s0+$0x0]  }
0x2ba: {  	p0 =	slt.u32 s3, $0x2E;
	s13 =	sand.u32 $0x1C00, s31;
	s25 =	sand.u32 $0x3, s2  }
0x2bb: {  	s19 =	sadd.s32 $0x8800, s13;
	s1 =	sor.u32 $0xA000, s13;
	s20 =	sor.u32 $0xA080, s13  }
0x2bc: {  	s23 =	sor.u32 $0xA100, s13;
	s6 =	sor.u32 $0xA180, s13;
	s3 =	sshll.u32 s25, $0x5  }
0x2bd: {  	s29 =	sor.u32 $0xA200, s13;
	s12 =	sor.u32 $0xA300, s13;
	s0 =	sor.u32 s21, s19  }
0x2be: {  	s25 =	sadd.s32 $0xBB00, s13;
	[smem:$0x7D4] =	sst s19;
	s22 =	sor.u32 $0x80, s0;
	[tilespmem:s0+$0x0] =	vst.add.f32.msk $0xffff, v3  }
0x2bf: {  	s18 =	sadd.s32 $0xBB80, s13;
	[smem:$0x7D5] =	sst s1;
	s24 =	sor.u32 $0x100, s0;
	[tilespmem:s22+$0x0] =	vst.add.f32.msk $0xffff, v3  }
0x2c0: {  	s4 =	sor.u32 s21, s1;
	[dreg:$0x17] =	wrdreg s20;
	s26 =	sor.u32 $0x180, s0;
	[tilespmem:s24+$0x0] =	vst.add.f32.msk $0xffff, v3  }
0x2c1: {  	s5 =	sor.u32 s21, s20;
	[dreg:$0x1b] =	wrdreg s23;
	s28 =	sor.u32 $0x200, s0;
	[tilespmem:s26+$0x0] =	vst.add.f32.msk $0xffff, v3  }
0x2c2: {  	s7 =	sor.u32 s21, s23;
	s30 =	sadd.s32 s3, s31;
	s0 =	sor.u32 $0x280, s0;
	[tilespmem:s28+$0x0] =	vst.add.f32.msk $0xffff, v3  }
0x2c3: {  	[smem:$0x7D6] =	sst s6;
	s3 =	sor.u32 s31, s9;
	s2 =	sor.u32 $0x300, s30;
	[tilespmem:s0+$0x0] =	vst.add.f32.msk $0xffff, v3  }
0x2c4: {  	s8 =	sor.u32 s21, s6;
	[smem:$0x7D9] =	sst s29;
	s11 =	sor.u32 $0x380, s3;
	[tilespmem:s2+$0x8800] =	vst.add.f32.msk $0xffff, v3  }
0x2c5: {  	s10 =	sor.u32 s21, s29;
	s6 =	sor.u32 $0xA280, s13;
	[smem:$0x7DB] =	sst s12;
	[tilespmem:s11+$0x8800] =	vst.add.f32.msk $0xffff, v3  }
0x2c6: {  	s1 =	sor.u32 $0xA380, s13;
	s31 =	sadd.s32 $0xB900, s13;
	s23 =	sadd.s32 $0xBA00, s13;
	[tilespmem:s4+$0x0] =	vst.add.f32.msk $0xffff, v3  }
0x2c7: {  	s16 =	sor.u32 s21, s25;
	s29 =	sadd.s32 $0xD080, s13;
	[smem:$0x7D7] =	sst s30;
	[tilespmem:s5+$0x0] =	vst.add.f32.msk $0xffff, v3  }
0x2c8: {  	[smem:$0x7DA] =	sst s6;
	s14 =	sor.u32 s21, s1;
	s15 =	sor.u32 s21, s23;
	[tilespmem:s7+$0x0] =	vst.add.f32.msk $0xffff, v3  }
0x2c9: {  	[smem:$0x7D8] =	sst s16;
	s17 =	sor.u32 s21, s29;
	s16 =	sor.u32 $0x10, s21;
	[tilespmem:s8+$0x0] =	vst.add.f32.msk $0xffff, v3  }
0x2ca: {  	[smem:$0x7DC] =	sst s17;
	s24 =	sor.u32 s21, s6;
	s28 =	sadd.s32 $0xB800, s13;
	[tilespmem:s10+$0x0] =	vst.add.f32.msk $0xffff, v3  }
0x2cb: {  	s26 =	sor.u32 s21, s12;
	s30 =	sor.u32 s21, s28;
	s28 =	sor.u32 s16, s28;
	[tilespmem:s24+$0x0] =	vst.add.f32.msk $0xffff, v3  }
0x2cc: {  	s17 =	sadd.s32 $0xD280, s13;
	s22 =	sadd.s32 $0xB980, s13;
	[smem:$0x7E2] =	sst s28;
	[tilespmem:s26+$0x0] =	vst.add.f32.msk $0xffff, v3  }
0x2cd: {  	s6 =	sadd.s32 $0xB880, s13;
	s2 =	sadd.s32 $0xD200, s13;
	s28 =	sld [smem:$0x7D8];
	[tilespmem:s14+$0x0] =	vst.add.f32.msk $0xffff, v3  }
0x2ce: {  	s11 =	sadd.s32 $0xD100, s13;
	s20 =	sor.u32 s21, s2;
	s5 =	sor.u32 s21, s6;
	[tilespmem:s30+$0x0] =	vst.add.f32.msk $0xffff, v3  }
0x2cf: {  	s19 =	sor.u32 s21, s11;
	[smem:$0x7DE] =	sst s20;
	s7 =	sor.u32 s21, s31;
	[tilespmem:s5+$0x0] =	vst.add.f32.msk $0xffff, v3  }
0x2d0: {  	s3 =	sor.u32 s21, s22;
	[smem:$0x7DD] =	sst s19;
	s6 =	sor.u32 s16, s6;
	[tilespmem:s7+$0x0] =	vst.add.f32.msk $0xffff, v3  }
0x2d1: {  	s12 =	sadd.s32 $0xD000, s13;
	s0 =	sadd.s32 $0xBA80, s13;
	[smem:$0x7E3] =	sst s6;
	[tilespmem:s3+$0x0] =	vst.add.f32.msk $0xffff, v3  }
0x2d2: {  	s6 =	sld [smem:$0x7D9];
	s8 =	sor.u32 s21, s17;
	s10 =	sor.u32 s21, s0;
	[tilespmem:s15+$0x0] =	vst.add.f32.msk $0xffff, v3  }
0x2d3: {  	s20 =	sadd.s32 $0xD380, s13;
	s19 =	sadd.s32 $0xD300, s13;
	[smem:$0x7DF] =	sst s8;
	[tilespmem:s10+$0x0] =	vst.add.f32.msk $0xffff, v3  }
0x2d4: {  	s24 =	sor.u32 s21, s18;
	s14 =	sadd.s32 $0xD180, s13;
	s13 =	sld [smem:$0x7D4];
	[tilespmem:s28+$0x0] =	vst.add.f32.msk $0xffff, v3  }
0x2d5: {  	s4 =	sor.u32 s21, s19;
	s26 =	sor.u32 s21, s12;
	s5 =	sld [smem:$0x7D6];
	[tilespmem:s24+$0x0] =	vst.add.f32.msk $0xffff, v3  }
0x2d6: {  	s30 =	sor.u32 s21, s14;
	s28 =	sor.u32 s16, s22;
	[tilespmem:s26+$0x0] =	vst.add.f32.msk $0xffff, v3;
	s26 =	sld [smem:$0x7DC]  }
0x2d7: {  	s22 =	sor.u32 s16, s25;
	s25 =	sor.u32 s16, s29;
	s29 =	sld [smem:$0x7DD]  }
0x2d8: {  	s7 =	sor.u32 s21, s20;
	s21 =	sld [smem:$0x7D5];
	s3 =	sor.u32 s16, s5  }
0x2d9: {  	[smem:$0x7E0] =	sst s3;
	[tilespmem:s26+$0x0] =	vst.add.f32.msk $0xffff, v3  }
0x2da: {  	s24 =	rddreg [dreg:$0x17];
	[tilespmem:s29+$0x0] =	vst.add.f32.msk $0xffff, v3  }
0x2db: {  	s3 =	sor.u32 s16, s24;
	[tilespmem:s30+$0x0] =	vst.add.f32.msk $0xffff, v3;
	s30 =	sld [smem:$0x7DE]  }
0x2dc: {  	s24 =	sor.u32 s16, s0;
	s0 =	sor.u32 s16, s17;
	s17 =	sld [smem:$0x7DF]  }
0x2dd: {  	s8 =	sor.u32 s16, s13;
	s13 =	sor.u32 s16, s21;
	s21 =	sor.u32 s16, s31  }
0x2de: {  	[smem:$0x7E4] =	sst s21;
	[tilespmem:s30+$0x0] =	vst.add.f32.msk $0xffff, v3  }
0x2df: {  	s21 =	sor.u32 s16, s6;
	s6 =	sor.u32 s16, s23;
	s23 =	sor.u32 s16, s12;
	[tilespmem:s17+$0x0] =	vst.add.f32.msk $0xffff, v3  }
0x2e0: {  	s12 =	sor.u32 s16, s2;
	s2 =	sor.u32 s16, s19;
	s19 =	sand.u32 $0x380, s9;
	[tilespmem:s4+$0x0] =	vst.add.f32.msk $0xffff, v3  }
0x2e1: {  	s1 =	sor.u32 s16, s1;
	s4 =	sor.u32 s16, s19;
	[tilespmem:s7+$0x0] =	vst.add.f32.msk $0xffff, v3  }
0x2e2: {  	[smem:$0x7E1] =	sst s1;
	v3 =	vld [tilespmem:s4+$0x1AB00]  }
0x2e3: {  	s15 =	rddreg [dreg:$0x1b]  }
0x2e4: {  	s1 =	sor.u32 s16, s15;
	s15 =	sld [smem:$0x7DB];
	_ =	sdelay $0x1  }
0x2e5: {  	s10 =	sld [smem:$0x7D7]  }
0x2e6: {  	s31 =	sor.u32 s16, s15;
	s15 =	sor.u32 s16, s20;
	s20 =	sor.u32 $0x80, s8;
	[tilespmem:s8+$0x0] =	vst.add.f32.msk $0xffff, v3  }
0x2e7: {  	s29 =	sor.u32 $0x100, s8;
	[tilespmem:s20+$0x0] =	vst.add.f32.msk $0xffff, v3  }
0x2e8: {  	s30 =	sor.u32 $0x180, s8;
	[tilespmem:s29+$0x0] =	vst.add.f32.msk $0xffff, v3  }
0x2e9: {  	s5 =	sadd.s32 $0x10, s10;
	s10 =	sld [smem:$0x7DA];
	s7 =	sor.u32 $0x200, s8;
	[tilespmem:s30+$0x0] =	vst.add.f32.msk $0xffff, v3  }
0x2ea: {  	s8 =	sor.u32 $0x280, s8;
	[tilespmem:s7+$0x0] =	vst.add.f32.msk $0xffff, v3  }
0x2eb: {  	s11 =	sor.u32 s16, s11;
	s26 =	sor.u32 s16, s14;
	s14 =	sor.u32 $0x300, s5;
	[tilespmem:s8+$0x0] =	vst.add.f32.msk $0xffff, v3  }
0x2ec: {  	s18 =	sor.u32 s16, s18;
	s10 =	sor.u32 s16, s10;
	s16 =	sor.u32 $0x380, s5;
	[tilespmem:s14+$0x8800] =	vst.add.f32.msk $0xffff, v3  }
0x2ed: {  	[tilespmem:s16+$0x8800] =	vst.add.f32.msk $0xffff, v3  }
0x2ee: {  	s17 =	sld [smem:$0x7E0];
	[tilespmem:s13+$0x0] =	vst.add.f32.msk $0xffff, v3  }
0x2ef: {  	[tilespmem:s3+$0x0] =	vst.add.f32.msk $0xffff, v3  }
0x2f0: {  	[tilespmem:s1+$0x0] =	vst.add.f32.msk $0xffff, v3  }
0x2f1: {  	[tilespmem:s17+$0x0] =	vst.add.f32.msk $0xffff, v3  }
0x2f2: {  	s19 =	sld [smem:$0x7E1];
	[tilespmem:s21+$0x0] =	vst.add.f32.msk $0xffff, v3  }
0x2f3: {  	s20 =	sld [smem:$0x7E2];
	[tilespmem:s10+$0x0] =	vst.add.f32.msk $0xffff, v3  }
0x2f4: {  	s21 =	sld [smem:$0x7E3];
	[tilespmem:s31+$0x0] =	vst.add.f32.msk $0xffff, v3  }
0x2f5: {  	s29 =	sld [smem:$0x7E4];
	[tilespmem:s19+$0x0] =	vst.add.f32.msk $0xffff, v3  }
0x2f6: {  	[tilespmem:s20+$0x0] =	vst.add.f32.msk $0xffff, v3  }
0x2f7: {  	[tilespmem:s21+$0x0] =	vst.add.f32.msk $0xffff, v3  }
0x2f8: {  	[tilespmem:s29+$0x0] =	vst.add.f32.msk $0xffff, v3  }
0x2f9: {  	[tilespmem:s28+$0x0] =	vst.add.f32.msk $0xffff, v3  }
0x2fa: {  	[tilespmem:s6+$0x0] =	vst.add.f32.msk $0xffff, v3  }
0x2fb: {  	[tilespmem:s24+$0x0] =	vst.add.f32.msk $0xffff, v3  }
0x2fc: {  	[tilespmem:s22+$0x0] =	vst.add.f32.msk $0xffff, v3  }
0x2fd: {  	[tilespmem:s18+$0x0] =	vst.add.f32.msk $0xffff, v3  }
0x2fe: {  	[tilespmem:s23+$0x0] =	vst.add.f32.msk $0xffff, v3  }
0x2ff: {  	[tilespmem:s25+$0x0] =	vst.add.f32.msk $0xffff, v3  }
.Ltmp14:
0x300: {  	[tilespmem:s11+$0x0] =	vst.add.f32.msk $0xffff, v3;
	(pc) =	sbr.rel @p0 .LBB2_12-.Ltmp14, $4  }
0x301: {  	s30 =	rddreg [dreg:$0xe];
	[tilespmem:s26+$0x0] =	vst.add.f32.msk $0xffff, v3  }
0x302: {  	s3 =	rddreg [dreg:$0xa];
	[tilespmem:s12+$0x0] =	vst.add.f32.msk $0xffff, v3  }
0x303: {  	s31 =	rddreg [dreg:$0x6];
	[tilespmem:s0+$0x0] =	vst.add.f32.msk $0xffff, v3  }
0x304: {  	s9 =	sadd.s32 $0x20, s9;
	s0 =	sadd.s32 $0x20, s30;
	[tilespmem:s2+$0x0] =	vst.add.f32.msk $0xffff, v3;
	s2 =	rddreg [dreg:$0x12]  }
0x305: {  	s8 =	sld [smem:$0x7F6];
	_ =	sdelay $0x1  }
0x306: {  	s1 =	sld [smem:$0x7FC]  }
0x307: {  	s0 =	smul.u32 $0xC0000, s8  }
.Ltmp15:
0x308: {  	_ = 	snop;
	(pc) =	sbr.rel .LBB2_25-.Ltmp15, $4  }
0x309: {  	s0 =	sadd.s32 s1, s0  }
0x30a: {  	s30 =	rddreg [dreg:$0x3];
	s0 =	sshrl.u32 s0, $0x3  }
0x30b: {  	[tilespmem:s15+$0x0] =	vst.add.f32.msk $0xffff, v3;
	s31 =	simm.s32 $0x0;
	s2 =	simm.s32 $0x8800;
	s0 =	sadd.s32 s30, s0  }
0x30c: {  	[hbm4b:s0+s31] =	stream.linear.scatter [tilespmem:s2], [sflag:$0x6], $0x6000, $0x38;
	[tilespmem:$0x1B400] =	vst v63  }
.LBB2_20:
.Ltmp16:
0x30d: {  	(pc) =	sbr.rel @p0 .LBB2_22-.Ltmp16, $1  }
0x30e: {  	_ =	sdelay $0x3  }
0x30f: {  	p0 =	slt.u32 s8, $0x2  }
0x310: {  	s0 =	simm.s32 @!p0 $0x6  }
0x311: {  	_ =	swait.ge @!p0 [sflag:s0], $0x6000  }
0x312: {  	s1 =	sshll.u32 s6, $0x7;
	[sflag:s0] =	ssyncset.done @!p0 $0x0  }
0x313: {  	s14 =	sand.u32 $0x3FFFFF80, s1;
	[sflag:s0] =	ssyncadd.s32 @!p0 $0xFFFFA000  }
0x314: {  	v3 =	vld [tilespmem:s14+$0x0];
	_ =	sdelay $0x4  }
0x315: {  	v4 =	vshrl.u32 v3, $0x3  }
0x316: {  	v4 =	vmul.u32 $0x30, v4  }
0x317: {  	v3 =	vand.u32 $0x7, v3  }
0x318: {  	v3 =	vor.u32 v3, v4  }
0x319: {  	v4 =	vperm.xlane v3, v0;
	_ =	sdelay $0x1  }
0x31a: {  	v4 =	vadd.s32 v1, v4;
	_ =	sdelay $0x2  }
0x31b: {  	s15 =	sld [smem:$0x7F9]  }
0x31c: {  	s3 =	simm.s32 $0x0;
	s4 =	simm.s32 $0x8800;
	s2 =	rddreg [dreg:$0x0];
	v3 =	vperm.xlane v3, v2  }
0x31d: {  	[tilespmem:s4], [sflag:$0x2] =	stream.indirect_vreg.gather [hbm4b:s2+s3], $0x80, v4, vm0, $0xb8;
	[tilespmem:$0x1B400] =	vst v63  }
0x31e: {  	s5 =	simm.s32 $0x9000;
	s16 =	sld [smem:$0x7FA];
	v3 =	vadd.s32 v1, v3  }
0x31f: {  	[tilespmem:s5], [sflag:$0x2] =	stream.indirect_vreg.gather [hbm4b:s15+s3], $0x80, v4, vm0, $0xb8;
	[tilespmem:$0x1B400] =	vst v63  }
0x320: {  	s7 =	simm.s32 $0x9800  }
0x321: {  	[tilespmem:s7], [sflag:$0x2] =	stream.indirect_vreg.gather [hbm4b:s16+s3], $0x80, v4, vm0, $0xb8;
	[tilespmem:$0x1B400] =	vst v63  }
0x322: {  	s17 =	simm.s32 $0xA000  }
0x323: {  	[tilespmem:s17], [sflag:$0x2] =	stream.indirect_vreg.gather [hbm4b:s2+s3], $0x80, v3, vm0, $0xb8;
	[tilespmem:$0x1B400] =	vst v63  }
0x324: {  	s18 =	simm.s32 $0xA800  }
0x325: {  	[tilespmem:s18], [sflag:$0x2] =	stream.indirect_vreg.gather [hbm4b:s15+s3], $0x80, v3, vm0, $0xb8;
	[tilespmem:$0x1B400] =	vst v63  }
0x326: {  	s19 =	simm.s32 $0xB000  }
0x327: {  	[tilespmem:s19], [sflag:$0x2] =	stream.indirect_vreg.gather [hbm4b:s16+s3], $0x80, v3, vm0, $0xb8;
	[tilespmem:$0x1B400] =	vst v63  }
0x328: {  	v3 =	vld [tilespmem:s14+$0x10];
	_ =	sdelay $0x4  }
0x329: {  	v63 =	vshrl.u32 v3, $0x3  }
0x32a: {  	v4 =	vmul.u32 $0x30, v63  }
0x32b: {  	v3 =	vand.u32 $0x7, v3  }
0x32c: {  	v3 =	vor.u32 v3, v4  }
0x32d: {  	v4 =	vperm.xlane v3, v0;
	_ =	sdelay $0x1  }
0x32e: {  	v4 =	vadd.s32 v1, v4;
	_ =	sdelay $0x3  }
0x32f: {  	s20 =	simm.s32 $0xB800;
	v3 =	vperm.xlane v3, v2  }
0x330: {  	[tilespmem:s20], [sflag:$0x2] =	stream.indirect_vreg.gather [hbm4b:s2+s3], $0x80, v4, vm0, $0xb8;
	[tilespmem:$0x1B400] =	vst v63  }
0x331: {  	s21 =	simm.s32 $0xC000;
	v3 =	vadd.s32 v1, v3  }
0x332: {  	[tilespmem:s21], [sflag:$0x2] =	stream.indirect_vreg.gather [hbm4b:s15+s3], $0x80, v4, vm0, $0xb8;
	[tilespmem:$0x1B400] =	vst v63  }
0x333: {  	s22 =	simm.s32 $0xC800;
	s26 =	sshrl.u32 s6, $0x3  }
0x334: {  	[tilespmem:s22], [sflag:$0x2] =	stream.indirect_vreg.gather [hbm4b:s16+s3], $0x80, v4, vm0, $0xb8;
	[tilespmem:$0x1B400] =	vst v63  }
0x335: {  	s23 =	simm.s32 $0xD000;
	s1 =	sand.u32 $0x380, s1;
	s0 =	smul.u32 $0x1800, s26  }
0x336: {  	[tilespmem:s23], [sflag:$0x2] =	stream.indirect_vreg.gather [hbm4b:s2+s3], $0x80, v3, vm0, $0xb8;
	[tilespmem:$0x1B400] =	vst v63  }
0x337: {  	s24 =	simm.s32 $0xD800;
	s25 =	simm.s32 $0xE000;
	s0 =	sor.u32 s1, s0  }
0x338: {  	[tilespmem:s24], [sflag:$0x2] =	stream.indirect_vreg.gather [hbm4b:s15+s3], $0x80, v3, vm0, $0xb8;
	[tilespmem:$0x1B400] =	vst v63  }
0x339: {  	s29 =	simm.s32 $0x80;
	s28 =	rddreg [dreg:$0x2];
	s0 =	sshrl.u32 s0, $0x3  }
0x33a: {  	[tilespmem:s25], [sflag:$0x2] =	stream.indirect_vreg.gather [hbm4b:s16+s3], $0x80, v3, vm0, $0xb8;
	[tilespmem:$0x1B400] =	vst v63  }
0x33b: {  	s30 =	simm.s32 $0x400;
	s31 =	simm.s32 $0x1AB00;
	s0 =	sadd.s32 s28, s0  }
0x33c: {  	[tilespmem:s31], [sflag:$0xA] =	stream.strided.gather [hbm4b:s0+s29], $0x300, s30, s29, $0x38;
	[tilespmem:$0x1B400] =	vst v63  }
.LBB2_22:
0x33d: {  	s0 =	simm.s32 $0x4  }
0x33e: {  	_ =	swait.ge [sflag:s0], $0x6000  }
0x33f: {  	[sflag:s0] =	ssyncset.done $0x0  }
0x340: {  	s22 =	simm.s32 $0xC;
	[sflag:s0] =	ssyncadd.s32 $0xFFFFA000  }
0x341: {  	_ =	swait.ge [sflag:s22], $0x300  }
0x342: {  	[sflag:s22] =	ssyncset.done $0x0  }
0x343: {  	s23 =	simm.s32 $0x1B100;
	[sflag:s22] =	ssyncadd.s32 $0xFFFFFD00  }
0x344: {  	v3 =	vld [tilespmem:s23+$0x0]  }
0x345: {  	s31 =	simm.s32 $0x0  }
0x346: {  	s17 =	sand.u32 $0x1C00, s31  }
0x347: {  	s2 =	sand.u32 $0x60, s31;
	s9 =	sadd.s32 $0x14800, s17  }
0x348: {  	s24 =	sor.u32 s2, s9  }
0x349: {  	s1 =	sor.u32 $0x80, s24;
	[tilespmem:s24+$0x0] =	vst.add.f32.msk $0xffff, v3  }
0x34a: {  	s25 =	sor.u32 $0x100, s24;
	[tilespmem:s1+$0x0] =	vst.add.f32.msk $0xffff, v3  }
0x34b: {  	s3 =	sand.u32 $0x3, s31;
	s26 =	sor.u32 $0x180, s24;
	[tilespmem:s25+$0x0] =	vst.add.f32.msk $0xffff, v3  }
0x34c: {  	s3 =	sshll.u32 s3, $0x5;
	s28 =	sor.u32 $0x200, s24;
	[tilespmem:s26+$0x0] =	vst.add.f32.msk $0xffff, v3  }
0x34d: {  	s14 =	sadd.s32 $0x0, s3;
	s0 =	sor.u32 $0x280, s24;
	[tilespmem:s28+$0x0] =	vst.add.f32.msk $0xffff, v3  }
0x34e: {  	s30 =	sor.u32 s31, s31;
	s29 =	sor.u32 $0x300, s14;
	[tilespmem:s0+$0x0] =	vst.add.f32.msk $0xffff, v3  }
0x34f: {  	s11 =	sor.u32 $0x16000, s17;
	s3 =	sor.u32 $0x380, s30;
	[tilespmem:s29+$0x14800] =	vst.add.f32.msk $0xffff, v3  }
0x350: {  	s12 =	sor.u32 $0x16080, s17;
	s4 =	sor.u32 s2, s11;
	[tilespmem:s3+$0x14800] =	vst.add.f32.msk $0xffff, v3  }
0x351: {  	s13 =	sor.u32 $0x16100, s17;
	s5 =	sor.u32 s2, s12;
	[tilespmem:s4+$0x0] =	vst.add.f32.msk $0xffff, v3  }
0x352: {  	s15 =	sor.u32 $0x16180, s17;
	s6 =	sor.u32 s2, s13;
	[tilespmem:s5+$0x0] =	vst.add.f32.msk $0xffff, v3  }
0x353: {  	s16 =	sor.u32 $0x16200, s17;
	s7 =	sor.u32 s2, s15;
	[tilespmem:s6+$0x0] =	vst.add.f32.msk $0xffff, v3  }
0x354: {  	s18 =	sor.u32 $0x16280, s17;
	s8 =	sor.u32 s2, s16;
	[tilespmem:s7+$0x0] =	vst.add.f32.msk $0xffff, v3  }
0x355: {  	s21 =	sor.u32 $0x16300, s17;
	s10 =	sor.u32 s2, s18;
	[tilespmem:s8+$0x0] =	vst.add.f32.msk $0xffff, v3  }
0x356: {  	s19 =	sor.u32 s2, s21;
	s29 =	sor.u32 $0x16380, s17;
	[tilespmem:s10+$0x0] =	vst.add.f32.msk $0xffff, v3  }
0x357: {  	s3 =	sadd.s32 $0x17800, s17;
	s20 =	sor.u32 s2, s29;
	[tilespmem:s19+$0x0] =	vst.add.f32.msk $0xffff, v3  }
0x358: {  	s25 =	sadd.s32 $0x17880, s17;
	s22 =	sor.u32 s2, s3;
	[tilespmem:s20+$0x0] =	vst.add.f32.msk $0xffff, v3  }
0x359: {  	s23 =	sor.u32 s2, s25;
	s19 =	sadd.s32 $0x17900, s17;
	[tilespmem:s22+$0x0] =	vst.add.f32.msk $0xffff, v3  }
0x35a: {  	s26 =	sadd.s32 $0x17980, s17;
	s24 =	sor.u32 s2, s19;
	[tilespmem:s23+$0x0] =	vst.add.f32.msk $0xffff, v3  }
0x35b: {  	s28 =	sor.u32 s2, s26;
	s20 =	sadd.s32 $0x17A00, s17;
	[tilespmem:s24+$0x0] =	vst.add.f32.msk $0xffff, v3  }
0x35c: {  	s30 =	sor.u32 s2, s20;
	s22 =	sadd.s32 $0x17A80, s17;
	[tilespmem:s28+$0x0] =	vst.add.f32.msk $0xffff, v3  }
0x35d: {  	s23 =	sadd.s32 $0x17B00, s17;
	s4 =	sor.u32 s2, s22;
	[tilespmem:s30+$0x0] =	vst.add.f32.msk $0xffff, v3  }
0x35e: {  	s5 =	sor.u32 s2, s23;
	s24 =	sadd.s32 $0x17B80, s17;
	[tilespmem:s4+$0x0] =	vst.add.f32.msk $0xffff, v3  }
0x35f: {  	s6 =	sor.u32 s2, s24;
	s28 =	sadd.s32 $0x19000, s17;
	[tilespmem:s5+$0x0] =	vst.add.f32.msk $0xffff, v3  }
0x360: {  	s30 =	sadd.s32 $0x19080, s17;
	s7 =	sor.u32 s2, s28;
	[tilespmem:s6+$0x0] =	vst.add.f32.msk $0xffff, v3  }
0x361: {  	s8 =	sor.u32 s2, s30;
	s4 =	sadd.s32 $0x19100, s17;
	[tilespmem:s7+$0x0] =	vst.add.f32.msk $0xffff, v3  }
0x362: {  	s1 =	sadd.s32 $0x19180, s17;
	s5 =	sor.u32 s2, s4;
	[tilespmem:s8+$0x0] =	vst.add.f32.msk $0xffff, v3  }
0x363: {  	s10 =	sor.u32 s2, s1;
	s7 =	sadd.s32 $0x19200, s17;
	[tilespmem:s5+$0x0] =	vst.add.f32.msk $0xffff, v3  }
0x364: {  	s8 =	sadd.s32 $0x19280, s17;
	s5 =	sor.u32 s2, s7;
	[tilespmem:s10+$0x0] =	vst.add.f32.msk $0xffff, v3  }
0x365: {  	s6 =	sor.u32 s2, s8;
	s10 =	sadd.s32 $0x19300, s17;
	[tilespmem:s5+$0x0] =	vst.add.f32.msk $0xffff, v3  }
0x366: {  	[tilespmem:s6+$0x0] =	vst.add.f32.msk $0xffff, v3;
	s6 =	sadd.s32 $0x19380, s17;
	s17 =	sor.u32 s2, s10  }
0x367: {  	[tilespmem:s17+$0x0] =	vst.add.f32.msk $0xffff, v3;
	s5 =	sor.u32 s2, s6;
	s2 =	sor.u32 $0x10, s2;
	s17 =	sand.u32 $0x380, s31  }
0x368: {  	[tilespmem:s5+$0x0] =	vst.add.f32.msk $0xffff, v3;
	s5 =	sor.u32 s2, s17  }
0x369: {  	v3 =	vld [tilespmem:s5+$0x1B100];
	_ =	sdelay $0x3  }
0x36a: {  	s0 =	sor.u32 s2, s9  }
0x36b: {  	s17 =	sor.u32 $0x80, s0;
	[tilespmem:s0+$0x0] =	vst.add.f32.msk $0xffff, v3  }
0x36c: {  	s9 =	sor.u32 $0x100, s0;
	[tilespmem:s17+$0x0] =	vst.add.f32.msk $0xffff, v3  }
0x36d: {  	s17 =	sor.u32 $0x180, s0;
	[tilespmem:s9+$0x0] =	vst.add.f32.msk $0xffff, v3  }
0x36e: {  	s9 =	sor.u32 $0x200, s0;
	[tilespmem:s17+$0x0] =	vst.add.f32.msk $0xffff, v3  }
0x36f: {  	s14 =	sadd.s32 $0x10, s14;
	s0 =	sor.u32 $0x280, s0;
	[tilespmem:s9+$0x0] =	vst.add.f32.msk $0xffff, v3  }
0x370: {  	s17 =	sor.u32 $0x300, s14;
	[tilespmem:s0+$0x0] =	vst.add.f32.msk $0xffff, v3  }
0x371: {  	s9 =	sor.u32 $0x380, s14;
	[tilespmem:s17+$0x14800] =	vst.add.f32.msk $0xffff, v3  }
0x372: {  	s14 =	sor.u32 s2, s11;
	[tilespmem:s9+$0x14800] =	vst.add.f32.msk $0xffff, v3  }
0x373: {  	s17 =	sor.u32 s2, s12;
	[tilespmem:s14+$0x0] =	vst.add.f32.msk $0xffff, v3  }
0x374: {  	s5 =	sor.u32 s2, s13;
	[tilespmem:s17+$0x0] =	vst.add.f32.msk $0xffff, v3  }
0x375: {  	s9 =	sor.u32 s2, s15;
	[tilespmem:s5+$0x0] =	vst.add.f32.msk $0xffff, v3  }
0x376: {  	s11 =	sor.u32 s2, s16;
	[tilespmem:s9+$0x0] =	vst.add.f32.msk $0xffff, v3  }
0x377: {  	s12 =	sor.u32 s2, s18;
	[tilespmem:s11+$0x0] =	vst.add.f32.msk $0xffff, v3  }
0x378: {  	s13 =	sor.u32 s2, s21;
	[tilespmem:s12+$0x0] =	vst.add.f32.msk $0xffff, v3  }
0x379: {  	s14 =	sor.u32 s2, s29;
	[tilespmem:s13+$0x0] =	vst.add.f32.msk $0xffff, v3  }
0x37a: {  	s15 =	sor.u32 s2, s3;
	[tilespmem:s14+$0x0] =	vst.add.f32.msk $0xffff, v3  }
0x37b: {  	s16 =	sor.u32 s2, s25;
	[tilespmem:s15+$0x0] =	vst.add.f32.msk $0xffff, v3  }
0x37c: {  	s17 =	sor.u32 s2, s19;
	[tilespmem:s16+$0x0] =	vst.add.f32.msk $0xffff, v3  }
0x37d: {  	s18 =	sor.u32 s2, s26;
	[tilespmem:s17+$0x0] =	vst.add.f32.msk $0xffff, v3  }
0x37e: {  	s19 =	sor.u32 s2, s20;
	[tilespmem:s18+$0x0] =	vst.add.f32.msk $0xffff, v3  }
0x37f: {  	s20 =	sor.u32 s2, s22;
	[tilespmem:s19+$0x0] =	vst.add.f32.msk $0xffff, v3  }
0x380: {  	s21 =	sor.u32 s2, s23;
	[tilespmem:s20+$0x0] =	vst.add.f32.msk $0xffff, v3  }
0x381: {  	s22 =	sor.u32 s2, s24;
	[tilespmem:s21+$0x0] =	vst.add.f32.msk $0xffff, v3  }
0x382: {  	s23 =	sor.u32 s2, s28;
	[tilespmem:s22+$0x0] =	vst.add.f32.msk $0xffff, v3  }
0x383: {  	s24 =	sor.u32 s2, s30;
	[tilespmem:s23+$0x0] =	vst.add.f32.msk $0xffff, v3  }
0x384: {  	s25 =	sor.u32 s2, s4;
	[tilespmem:s24+$0x0] =	vst.add.f32.msk $0xffff, v3  }
0x385: {  	s26 =	sor.u32 s2, s1;
	[tilespmem:s25+$0x0] =	vst.add.f32.msk $0xffff, v3  }
0x386: {  	s28 =	sor.u32 s2, s7;
	[tilespmem:s26+$0x0] =	vst.add.f32.msk $0xffff, v3  }
0x387: {  	s29 =	sor.u32 s2, s8;
	[tilespmem:s28+$0x0] =	vst.add.f32.msk $0xffff, v3  }
0x388: {  	s0 =	simm.s32 $0x1B120;
	s3 =	simm.s32 $0x0;
	s30 =	sor.u32 s2, s10;
	[tilespmem:s29+$0x0] =	vst.add.f32.msk $0xffff, v3  }
0x389: {  	s15 =	sor.u32 s2, s6;
	s2 =	simm.s32 $0x0;
	s16 =	simm.s32 $0x20;
	[tilespmem:s30+$0x0] =	vst.add.f32.msk $0xffff, v3  }
.LBB2_23:
0x38a: {  	[dreg:$0x10] =	wrdreg s0;
	s3 =	sadd.s32 $0x2, s3  }
0x38b: {  	s31 =	sadd.s32 $0x100, s31;
	[dreg:$0xc] =	wrdreg s3  }
0x38c: {  	s2 =	sadd.s32 $0x1, s2;
	[dreg:$0x8] =	wrdreg s31  }
0x38d: {  	s21 =	sand.u32 $0x60, s16;
	[dreg:$0x14] =	wrdreg s2;
	s13 =	sand.u32 $0x1C00, s31  }
0x38e: {  	[tilespmem:s15+$0x0] =	vst.add.f32.msk $0xffff, v3;
	p0 =	slt.u32 s3, $0x2E;
	s18 =	sor.u32 s31, s16;
	s28 =	sadd.s32 $0x14800, s13  }
0x38f: {  	v3 =	vld [tilespmem:s0+$0x0];
	s1 =	sor.u32 $0x16000, s13;
	s29 =	sor.u32 $0x16080, s13;
	s3 =	sor.u32 $0x16100, s13  }
0x390: {  	s8 =	sor.u32 $0x16180, s13;
	s9 =	rddreg [dreg:$0x14];
	s14 =	sor.u32 $0x16200, s13  }
0x391: {  	s19 =	sor.u32 $0x380, s18;
	s22 =	sadd.s32 $0x17980, s13;
	s23 =	sadd.s32 $0x17A00, s13  }
0x392: {  	s25 =	sadd.s32 $0x17A80, s13;
	s26 =	sadd.s32 $0x17B00, s13;
	[dreg:$0x1d] =	wrdreg s28  }
0x393: {  	s18 =	sadd.s32 $0x17B80, s13;
	[dreg:$0x1e] =	wrdreg s1;
	s0 =	sor.u32 s21, s28  }
0x394: {  	s4 =	sor.u32 s21, s1;
	[dreg:$0x15] =	wrdreg s29;
	s30 =	sor.u32 $0x80, s0;
	[tilespmem:s0+$0x0] =	vst.add.f32.msk $0xffff, v3  }
0x395: {  	s5 =	sor.u32 s21, s29;
	[dreg:$0x19] =	wrdreg s3;
	s6 =	sor.u32 $0x100, s0;
	[tilespmem:s30+$0x0] =	vst.add.f32.msk $0xffff, v3  }
0x396: {  	s7 =	sor.u32 s21, s3;
	s2 =	sand.u32 $0x3, s9;
	s10 =	sor.u32 $0x180, s0;
	[tilespmem:s6+$0x0] =	vst.add.f32.msk $0xffff, v3  }
0x397: {  	[smem:$0x7B7] =	sst s8;
	s11 =	sshll.u32 s2, $0x5;
	s12 =	sor.u32 $0x200, s0;
	[tilespmem:s10+$0x0] =	vst.add.f32.msk $0xffff, v3  }
0x398: {  	s8 =	sor.u32 s21, s8;
	s15 =	sadd.s32 s11, s31;
	s0 =	sor.u32 $0x280, s0;
	[tilespmem:s12+$0x0] =	vst.add.f32.msk $0xffff, v3  }
0x399: {  	[smem:$0x7BA] =	sst s14;
	s3 =	sor.u32 $0x16300, s13;
	s17 =	sor.u32 $0x300, s15;
	[tilespmem:s0+$0x0] =	vst.add.f32.msk $0xffff, v3  }
0x39a: {  	s1 =	sor.u32 $0x16380, s13;
	s28 =	sadd.s32 $0x17800, s13;
	s9 =	sor.u32 s21, s22;
	[tilespmem:s17+$0x14800] =	vst.add.f32.msk $0xffff, v3  }
0x39b: {  	s29 =	sadd.s32 $0x19080, s13;
	s20 =	sor.u32 s21, s3;
	s2 =	sor.u32 s21, s23;
	[tilespmem:s19+$0x14800] =	vst.add.f32.msk $0xffff, v3  }
0x39c: {  	s11 =	sor.u32 s21, s1;
	[smem:$0x7B8] =	sst s15;
	s15 =	sor.u32 $0x16280, s13;
	[tilespmem:s4+$0x0] =	vst.add.f32.msk $0xffff, v3  }
0x39d: {  	s31 =	sadd.s32 $0x17900, s13;
	s24 =	sor.u32 s21, s15;
	s12 =	sor.u32 s21, s26;
	[tilespmem:s5+$0x0] =	vst.add.f32.msk $0xffff, v3  }
0x39e: {  	s30 =	sor.u32 s21, s28;
	[smem:$0x7B9] =	sst s12;
	s12 =	sadd.s32 $0x19000, s13;
	[tilespmem:s7+$0x0] =	vst.add.f32.msk $0xffff, v3  }
0x39f: {  	s6 =	sadd.s32 $0x17880, s13;
	s10 =	sor.u32 s21, s14;
	s14 =	sor.u32 s21, s12;
	[tilespmem:s8+$0x0] =	vst.add.f32.msk $0xffff, v3  }
0x3a0: {  	s0 =	sadd.s32 $0x19100, s13;
	s17 =	sor.u32 s21, s29;
	[smem:$0x7BB] =	sst s14;
	[tilespmem:s10+$0x0] =	vst.add.f32.msk $0xffff, v3  }
0x3a1: {  	[smem:$0x7BC] =	sst s17;
	s19 =	sor.u32 s21, s0;
	s14 =	sadd.s32 $0x19200, s13;
	[tilespmem:s24+$0x0] =	vst.add.f32.msk $0xffff, v3  }
0x3a2: {  	s17 =	sadd.s32 $0x19280, s13;
	[smem:$0x7BD] =	sst s19;
	s19 =	sadd.s32 $0x19300, s13;
	[tilespmem:s20+$0x0] =	vst.add.f32.msk $0xffff, v3  }
0x3a3: {  	s5 =	sor.u32 s21, s6;
	s4 =	sor.u32 s21, s19;
	s8 =	sor.u32 s21, s17;
	[tilespmem:s11+$0x0] =	vst.add.f32.msk $0xffff, v3  }
0x3a4: {  	s7 =	sor.u32 s21, s31;
	s10 =	sor.u32 s21, s25;
	[smem:$0x7BF] =	sst s8;
	[tilespmem:s30+$0x0] =	vst.add.f32.msk $0xffff, v3  }
0x3a5: {  	s24 =	sor.u32 s21, s18;
	s20 =	sor.u32 s21, s14;
	s11 =	sadd.s32 $0x19180, s13;
	[tilespmem:s5+$0x0] =	vst.add.f32.msk $0xffff, v3  }
0x3a6: {  	[smem:$0x7BE] =	sst s20;
	s20 =	sadd.s32 $0x19380, s13;
	s30 =	sor.u32 s21, s11;
	[tilespmem:s7+$0x0] =	vst.add.f32.msk $0xffff, v3  }
0x3a7: {  	s7 =	sor.u32 s21, s20;
	s21 =	sor.u32 $0x10, s21;
	[tilespmem:s9+$0x0] =	vst.add.f32.msk $0xffff, v3;
	s9 =	rddreg [dreg:$0x1d]  }
0x3a8: {  	s1 =	sor.u32 s21, s1;
	s5 =	sor.u32 s21, s6;
	s6 =	sld [smem:$0x7B8]  }
0x3a9: {  	s8 =	sor.u32 s21, s9;
	s9 =	sor.u32 s21, s28;
	s28 =	sld [smem:$0x7B7]  }
0x3aa: {  	[smem:$0x7C0] =	sst s1  }
0x3ab: {  	[smem:$0x7C2] =	sst s5  }
0x3ac: {  	[tilespmem:s2+$0x0] =	vst.add.f32.msk $0xffff, v3;
	[smem:$0x7C1] =	sst s9  }
0x3ad: {  	[tilespmem:s10+$0x0] =	vst.add.f32.msk $0xffff, v3;
	s10 =	rddreg [dreg:$0x19]  }
0x3ae: {  	s5 =	sadd.s32 $0x10, s6;
	s1 =	sor.u32 s21, s10;
	s6 =	sld [smem:$0x7B9]  }
0x3af: {  	s10 =	sld [smem:$0x7BA];
	s9 =	sor.u32 s21, s28;
	s28 =	sor.u32 s21, s31  }
0x3b0: {  	[smem:$0x7C3] =	sst s28  }
0x3b1: {  	s28 =	sor.u32 s21, s22;
	s22 =	sor.u32 s21, s26;
	s26 =	sld [smem:$0x7BC];
	[tilespmem:s6+$0x0] =	vst.add.f32.msk $0xffff, v3  }
0x3b2: {  	[tilespmem:s24+$0x0] =	vst.add.f32.msk $0xffff, v3;
	s24 =	sld [smem:$0x7BB]  }
0x3b3: {  	s6 =	sor.u32 s21, s10;
	s10 =	sor.u32 s21, s15;
	s15 =	rddreg [dreg:$0x15]  }
0x3b4: {  	s2 =	sor.u32 s21, s15;
	s15 =	sld [smem:$0x7BD]  }
0x3b5: {  	[tilespmem:s24+$0x0] =	vst.add.f32.msk $0xffff, v3  }
0x3b6: {  	[tilespmem:s26+$0x0] =	vst.add.f32.msk $0xffff, v3  }
0x3b7: {  	s26 =	sor.u32 s21, s29;
	s29 =	sld [smem:$0x7BE];
	[tilespmem:s15+$0x0] =	vst.add.f32.msk $0xffff, v3  }
0x3b8: {  	[tilespmem:s30+$0x0] =	vst.add.f32.msk $0xffff, v3;
	s30 =	sld [smem:$0x7BF];
	_ =	sdelay $0x1  }
0x3b9: {  	[tilespmem:s29+$0x0] =	vst.add.f32.msk $0xffff, v3  }
0x3ba: {  	s31 =	sor.u32 s21, s3;
	s3 =	sor.u32 s21, s23;
	[tilespmem:s30+$0x0] =	vst.add.f32.msk $0xffff, v3  }
0x3bb: {  	s23 =	sor.u32 s21, s12;
	s12 =	sor.u32 s21, s19;
	s19 =	sand.u32 $0x380, s16;
	[tilespmem:s4+$0x0] =	vst.add.f32.msk $0xffff, v3  }
0x3bc: {  	s4 =	sor.u32 s21, s19;
	[tilespmem:s7+$0x0] =	vst.add.f32.msk $0xffff, v3  }
0x3bd: {  	v3 =	vld [tilespmem:s4+$0x1B100];
	_ =	sdelay $0x1  }
0x3be: {  	s13 =	rddreg [dreg:$0x1e]  }
0x3bf: {  	s13 =	sor.u32 s21, s13  }
0x3c0: {  	s11 =	sor.u32 s21, s11;
	s14 =	sor.u32 s21, s14;
	s24 =	sor.u32 s21, s25  }
0x3c1: {  	s25 =	sor.u32 s21, s18;
	s15 =	sor.u32 s21, s20;
	s20 =	sor.u32 $0x80, s8;
	[tilespmem:s8+$0x0] =	vst.add.f32.msk $0xffff, v3  }
0x3c2: {  	s18 =	sor.u32 s21, s0;
	s0 =	sor.u32 s21, s17;
	s21 =	sor.u32 $0x100, s8;
	[tilespmem:s20+$0x0] =	vst.add.f32.msk $0xffff, v3  }
0x3c3: {  	s29 =	sor.u32 $0x180, s8;
	[tilespmem:s21+$0x0] =	vst.add.f32.msk $0xffff, v3  }
0x3c4: {  	s30 =	sor.u32 $0x200, s8;
	[tilespmem:s29+$0x0] =	vst.add.f32.msk $0xffff, v3  }
0x3c5: {  	s7 =	sor.u32 $0x280, s8;
	[tilespmem:s30+$0x0] =	vst.add.f32.msk $0xffff, v3  }
0x3c6: {  	s8 =	sor.u32 $0x300, s5;
	[tilespmem:s7+$0x0] =	vst.add.f32.msk $0xffff, v3  }
0x3c7: {  	s17 =	sor.u32 $0x380, s5;
	[tilespmem:s8+$0x14800] =	vst.add.f32.msk $0xffff, v3  }
0x3c8: {  	[tilespmem:s17+$0x14800] =	vst.add.f32.msk $0xffff, v3  }
0x3c9: {  	[tilespmem:s13+$0x0] =	vst.add.f32.msk $0xffff, v3  }
0x3ca: {  	[tilespmem:s2+$0x0] =	vst.add.f32.msk $0xffff, v3  }
0x3cb: {  	[tilespmem:s1+$0x0] =	vst.add.f32.msk $0xffff, v3  }
0x3cc: {  	[tilespmem:s9+$0x0] =	vst.add.f32.msk $0xffff, v3  }
0x3cd: {  	s19 =	sld [smem:$0x7C0];
	[tilespmem:s6+$0x0] =	vst.add.f32.msk $0xffff, v3  }
0x3ce: {  	s20 =	sld [smem:$0x7C1];
	[tilespmem:s10+$0x0] =	vst.add.f32.msk $0xffff, v3  }
0x3cf: {  	s21 =	sld [smem:$0x7C2];
	[tilespmem:s31+$0x0] =	vst.add.f32.msk $0xffff, v3  }
0x3d0: {  	s29 =	sld [smem:$0x7C3];
	[tilespmem:s19+$0x0] =	vst.add.f32.msk $0xffff, v3  }
0x3d1: {  	[tilespmem:s20+$0x0] =	vst.add.f32.msk $0xffff, v3  }
0x3d2: {  	[tilespmem:s21+$0x0] =	vst.add.f32.msk $0xffff, v3  }
0x3d3: {  	[tilespmem:s29+$0x0] =	vst.add.f32.msk $0xffff, v3  }
0x3d4: {  	[tilespmem:s28+$0x0] =	vst.add.f32.msk $0xffff, v3  }
0x3d5: {  	[tilespmem:s3+$0x0] =	vst.add.f32.msk $0xffff, v3  }
0x3d6: {  	[tilespmem:s24+$0x0] =	vst.add.f32.msk $0xffff, v3  }
0x3d7: {  	[tilespmem:s22+$0x0] =	vst.add.f32.msk $0xffff, v3  }
0x3d8: {  	[tilespmem:s25+$0x0] =	vst.add.f32.msk $0xffff, v3  }
0x3d9: {  	[tilespmem:s23+$0x0] =	vst.add.f32.msk $0xffff, v3  }
0x3da: {  	[tilespmem:s26+$0x0] =	vst.add.f32.msk $0xffff, v3  }
.Ltmp17:
0x3db: {  	[tilespmem:s18+$0x0] =	vst.add.f32.msk $0xffff, v3;
	(pc) =	sbr.rel @p0 .LBB2_23-.Ltmp17, $4  }
0x3dc: {  	s30 =	rddreg [dreg:$0x10];
	[tilespmem:s11+$0x0] =	vst.add.f32.msk $0xffff, v3  }
0x3dd: {  	s2 =	rddreg [dreg:$0x14];
	[tilespmem:s14+$0x0] =	vst.add.f32.msk $0xffff, v3  }
0x3de: {  	s31 =	rddreg [dreg:$0x8];
	[tilespmem:s0+$0x0] =	vst.add.f32.msk $0xffff, v3  }
0x3df: {  	s16 =	sadd.s32 $0x20, s16;
	s3 =	rddreg [dreg:$0xc];
	s0 =	sadd.s32 $0x20, s30;
	[tilespmem:s12+$0x0] =	vst.add.f32.msk $0xffff, v3  }
.Ltmp18:
0x3e0: {  	_ = 	snop;
	(pc) =	sbr.rel .LBB2_24-.Ltmp18, $1  }
0x3e1: {  	_ =	sdelay $0x3  }
.LBB2_27:
0x3e2: {  	_ =	sfence.sel $0x180000  }
0x3e3: {  	[bflag:$0x0] =	sbarrier.arrive $0xFFFF  }
0x3e4: {  	_ =	strace $0x90000047  }
0x3e5: {  	s0 =	stileid.u32;
	[bflag:$0x2] =	sbarrier.arrive $0xFFFF  }
0x3e6: {  	p0 =	sne.s32 s0, $0x0;
	s0 =	rddreg [dreg:$0x4]  }
0x3e7: {  	s0 =	sadd.s32 @!p0 $0x100000, s0  }
0x3e8: {  	[sflag:s0] =	ssyncadd.tile.s32 @!p0 $0x1;
	_ =	shalt  }
.Lfunc_end2:
_tile_overlayer_lowered:
.L_overlay_start_2:
0x3e9: {  	(tag) =	ssettag $0x2  }
0x3ea: {  	s0 =	rddreg [dreg:$0x0];
	s2 =	stileid.u32  }
0x3eb: {  	s1 =	rddreg [dreg:$0x1];
	p0 =	sne.s32 s2, $0x0  }
0x3ec: {  	s3 =	rddreg [dreg:$0x2];
	[bflag:$0x3] =	sbarrier.arrive $0xFFFF;
	s2 =	simm.s32 @!p0 $0x1C0D  }
0x3ed: {  	[timem:s3], [sflag:s2] =	dma.local @!p0 [hbm:s0], s1  }
0x3ee: {  	s0 =	simm.s32 @!p0 $0xD  }
0x3ef: {  	_ =	swait.ge @!p0 [sflag:s0], s1  }
0x3f0: {  	s1 =	ssub.s32 @!p0 $0x0, s1;
	[sflag:s0] =	ssyncset.done @!p0 $0x0  }
0x3f1: {  	[sflag:s0] =	ssyncadd.s32 @!p0 s1  }
0x3f2: {  	[bflag:$0x3] =	sbarrier.arrive $0xFFFF  }
0x3f3: {  	_ =	shalt  }

</sc_bundles>
